<compile_context>
chip_gen: v7x
topology: tpu7x:2x2x1
jax: 0.10.2.dev20260603
libtpu: 0.0.44.dev20260713+nightly
codegen_flags: <defaults>
</compile_context>

<pallas_src>
import functools

import jax
import jax.numpy as jnp
from jax import lax
from jax.experimental import pallas as pl
from jax.experimental.pallas import tpu as pltpu
from jax.experimental.pallas import tpu_sc as plsc

N_TOK = 32768
D_MODEL = 768
NUM_EXPERTS = 8
HID = 384
TOP_K = 2

BLK = 1024
NTILES = 2 * N_TOK // BLK + NUM_EXPERTS
MAXROWS = NTILES * BLK
GATE_TILE = 256
NGATE = N_TOK // GATE_TILE
PACKW = D_MODEL // 2

NC, NS = 2, 16
NW = NC * NS
TPW = N_TOK // NW
SUB = 32
NSUB = TPW // SUB

_SQRT1_2 = 0.7071067811865476


def _gate_kernel(x_ref, wg_ref, e1_ref, e2_ref, r0_ref, r1_ref, ws_ref,
                 x16_ref, poff_ref, te_ref, counts):
    i = pl.program_id(0)

    @pl.when(i == 0)
    def _():
        counts[...] = jnp.zeros_like(counts)

    xb = x_ref[...]
    wg = wg_ref[...]
    logits = lax.dot_general(xb, wg, (((1,), (0,)), ((), ())),
                             precision=lax.Precision.DEFAULT)
    lt = logits.T
    iota_e = lax.broadcasted_iota(jnp.int32, (NUM_EXPERTS, GATE_TILE), 0)
    m = jnp.max(lt, axis=0, keepdims=True)
    Z = jnp.sum(jnp.exp(lt - m), axis=0, keepdims=True)
    v1 = m
    e1 = jnp.min(jnp.where(lt == v1, iota_e, NUM_EXPERTS), axis=0,
                 keepdims=True)
    l2 = jnp.where(iota_e == e1, -jnp.inf, lt)
    v2 = jnp.max(l2, axis=0, keepdims=True)
    e2 = jnp.min(jnp.where(l2 == v2, iota_e, NUM_EXPERTS), axis=0,
                 keepdims=True)
    ws = (jnp.exp(v1 - m) + jnp.exp(v2 - m)) / Z

    oh1 = (iota_e == e1).astype(jnp.float32)
    oh2 = (iota_e == e2).astype(jnp.float32)
    oh = oh1 + oh2
    ri = lax.broadcasted_iota(jnp.int32, (GATE_TILE, GATE_TILE), 0)
    ci = lax.broadcasted_iota(jnp.int32, (GATE_TILE, GATE_TILE), 1)
    striu = (ri < ci).astype(jnp.float32)
    cex = lax.dot_general(oh, striu, (((1,), (0,)), ((), ())),
                          precision=lax.Precision.DEFAULT)
    cexc = cex + counts[:, :1]
    r0 = jnp.sum(oh1 * cexc, axis=0, keepdims=True)
    r1 = jnp.sum(oh2 * cexc, axis=0, keepdims=True)
    counts[...] = counts[...] + jnp.sum(oh, axis=1, keepdims=True)

    e1_ref[...] = e1[None]
    e2_ref[...] = e2[None]
    r0_ref[...] = r0.astype(jnp.int32)[None]
    r1_ref[...] = r1.astype(jnp.int32)[None]
    ws_ref[...] = ws[None]
    xlo = xb[:, :PACKW].astype(jnp.bfloat16).astype(jnp.float32)
    xhi = xb[:, PACKW:].astype(jnp.bfloat16).astype(jnp.float32)
    lo = lax.shift_right_logical(
        lax.bitcast_convert_type(xlo, jnp.int32), 16)
    hi = lax.bitcast_convert_type(xhi, jnp.int32) & jnp.int32(-65536)
    x16_ref[...] = lo | hi

    @pl.when(i == NGATE - 1)
    def _():
        cnt = counts[...][:, :1]
        padded = jnp.floor((cnt + (BLK - 1)) / BLK) * BLK
        fi = lax.broadcasted_iota(jnp.int32, (NUM_EXPERTS, 128), 0)
        li = lax.broadcasted_iota(jnp.int32, (NUM_EXPERTS, 128), 1)
        strict = (fi < li).astype(jnp.float32)
        poff = lax.dot_general(padded, strict, (((0,), (0,)), ((), ())),
                               precision=lax.Precision.DEFAULT)
        poffi = poff.astype(jnp.int32)
        poff_ref[...] = poffi
        bt = poffi // BLK
        lane = lax.broadcasted_iota(jnp.int32, (1, 128), 1)
        i512 = lax.broadcasted_iota(jnp.int32, (1, 512), 1)
        s = jnp.zeros((1, 512), jnp.int32)
        for e in range(NUM_EXPERTS):
            be = jnp.sum(jnp.where(lane == e, bt, 0))
            s = s + (i512 >= be).astype(jnp.int32)
        te_ref[...] = jnp.clip(s - 1, 0, NUM_EXPERTS - 1)


def _gating(x, Wg):
    shp = jax.ShapeDtypeStruct
    outs = pl.pallas_call(
        _gate_kernel,
        grid=(NGATE,),
        in_specs=[
            pl.BlockSpec((GATE_TILE, D_MODEL), lambda i: (i, 0)),
            pl.BlockSpec((D_MODEL, NUM_EXPERTS), lambda i: (0, 0)),
        ],
        out_specs=[
            pl.BlockSpec((1, 1, GATE_TILE), lambda i: (i, 0, 0)),
            pl.BlockSpec((1, 1, GATE_TILE), lambda i: (i, 0, 0)),
            pl.BlockSpec((1, 1, GATE_TILE), lambda i: (i, 0, 0)),
            pl.BlockSpec((1, 1, GATE_TILE), lambda i: (i, 0, 0)),
            pl.BlockSpec((1, 1, GATE_TILE), lambda i: (i, 0, 0)),
            pl.BlockSpec((GATE_TILE, PACKW), lambda i: (i, 0)),
            pl.BlockSpec((1, 128), lambda i: (0, 0)),
            pl.BlockSpec((1, 512), lambda i: (0, 0)),
        ],
        out_shape=[
            shp((NGATE, 1, GATE_TILE), jnp.int32),
            shp((NGATE, 1, GATE_TILE), jnp.int32),
            shp((NGATE, 1, GATE_TILE), jnp.int32),
            shp((NGATE, 1, GATE_TILE), jnp.int32),
            shp((NGATE, 1, GATE_TILE), jnp.float32),
            shp((N_TOK, PACKW), jnp.int32),
            shp((1, 128), jnp.int32),
            shp((1, 512), jnp.int32),
        ],
        scratch_shapes=[pltpu.VMEM((NUM_EXPERTS, 128), jnp.float32)],
    )(x, Wg)
    return outs


def _disp_body(x16_hbm, e1_hbm, e2_hbm, r0_hbm, r1_hbm, poff_hbm, ws_hbm,
               xs_hbm, wss_hbm, d0_hbm, d1_hbm,
               poff_v, e1_v, e2_v, r0_v, r1_v, ws_v, idx0_sub, idx1_sub,
               wsub, rows2, semL, sem0, sem1, semw0, semw1):
    wid = lax.axis_index("s") * NC + lax.axis_index("c")
    base = wid * TPW
    pltpu.sync_copy(poff_hbm, poff_v)
    pltpu.sync_copy(e1_hbm.at[pl.ds(base, TPW)], e1_v)
    pltpu.sync_copy(e2_hbm.at[pl.ds(base, TPW)], e2_v)
    pltpu.sync_copy(r0_hbm.at[pl.ds(base, TPW)], r0_v)
    pltpu.sync_copy(r1_hbm.at[pl.ds(base, TPW)], r1_v)
    pltpu.sync_copy(ws_hbm.at[pl.ds(base, TPW)], ws_v)
    pltpu.async_copy(x16_hbm.at[pl.ds(base, SUB)], rows2.at[0], semL)

    def sub(j, carry):
        for k in range(SUB // 16):
            sl = pl.ds(j * SUB + k * 16, 16)
            ko = pl.ds(k * 16, 16)
            idx0_sub[ko] = plsc.load_gather(poff_v, [e1_v[sl]]) + r0_v[sl]
            idx1_sub[ko] = plsc.load_gather(poff_v, [e2_v[sl]]) + r1_v[sl]
        pltpu.sync_copy(idx0_sub, d0_hbm.at[wid, j])
        pltpu.sync_copy(idx1_sub, d1_hbm.at[wid, j])
        for k in range(SUB):
            t16 = jnp.full((16,), j * SUB + k, jnp.int32)
            wsub[k, pl.ds(0, 16)] = plsc.load_gather(ws_v, [t16])
        pltpu.make_async_copy(x16_hbm.at[pl.ds(base + j * SUB, SUB)],
                              rows2.at[j % 2], semL).wait()
        jn = (j + 1) % NSUB
        pltpu.async_copy(x16_hbm.at[pl.ds(base + jn * SUB, SUB)],
                         rows2.at[(j + 1) % 2], semL)
        cp0 = pltpu.async_copy(rows2.at[j % 2], xs_hbm.at[idx0_sub], sem0)
        cp1 = pltpu.async_copy(rows2.at[j % 2], xs_hbm.at[idx1_sub], sem1)
        cpw0 = pltpu.async_copy(wsub, wss_hbm.at[idx0_sub], semw0)
        cpw1 = pltpu.async_copy(wsub, wss_hbm.at[idx1_sub], semw1)
        cp0.wait()
        cp1.wait()
        cpw0.wait()
        cpw1.wait()
        return carry

    lax.fori_loop(0, NSUB, sub, 0)
    pltpu.make_async_copy(x16_hbm.at[pl.ds(base, SUB)], rows2.at[0],
                          semL).wait()


def _dispatch(x16, e1, e2, r0, r1, poff, ws):
    shp = jax.ShapeDtypeStruct
    mesh = plsc.VectorSubcoreMesh(core_axis_name="c", subcore_axis_name="s")
    f = pl.kernel(
        _disp_body,
        out_type=(
            shp((MAXROWS, PACKW), jnp.int32),
            shp((MAXROWS, 128), jnp.float32),
            shp((NW, NSUB, SUB), jnp.int32),
            shp((NW, NSUB, SUB), jnp.int32),
        ),
        mesh=mesh,
        scratch_types=[
            pltpu.VMEM((128,), jnp.int32),
            pltpu.VMEM((TPW,), jnp.int32),
            pltpu.VMEM((TPW,), jnp.int32),
            pltpu.VMEM((TPW,), jnp.int32),
            pltpu.VMEM((TPW,), jnp.int32),
            pltpu.VMEM((TPW,), jnp.float32),
            pltpu.VMEM((SUB,), jnp.int32),
            pltpu.VMEM((SUB,), jnp.int32),
            pltpu.VMEM((SUB, 128), jnp.float32),
            pltpu.VMEM((2, SUB, PACKW), jnp.int32),
            pltpu.SemaphoreType.DMA,
            pltpu.SemaphoreType.DMA,
            pltpu.SemaphoreType.DMA,
            pltpu.SemaphoreType.DMA,
            pltpu.SemaphoreType.DMA,
        ],
        compiler_params=pltpu.CompilerParams(needs_layout_passes=False),
    )
    return f(x16, e1, e2, r0, r1, poff, ws)


def _ffn_kernel(te_ref, xs_ref, w1_ref, b1_ref, w2_ref, b2_ref, ws_ref,
                o_ref):
    v = xs_ref[...]
    xlo = lax.bitcast_convert_type(
        lax.shift_left(v, 16), jnp.float32).astype(jnp.bfloat16)
    xhi = lax.bitcast_convert_type(
        v & jnp.int32(-65536), jnp.float32).astype(jnp.bfloat16)
    w1 = w1_ref[0].astype(jnp.bfloat16)
    h = lax.dot_general(xlo, w1[:PACKW], (((1,), (0,)), ((), ())),
                        preferred_element_type=jnp.float32)
    h = h + lax.dot_general(xhi, w1[PACKW:], (((1,), (0,)), ((), ())),
                            preferred_element_type=jnp.float32)
    h = h + b1_ref[0]
    h = 0.5 * h * (1.0 + lax.erf(h * _SQRT1_2))
    hb = h.astype(jnp.bfloat16)
    w2 = w2_ref[0].astype(jnp.bfloat16)
    o = lax.dot_general(hb, w2, (((1,), (0,)), ((), ())),
                        preferred_element_type=jnp.float32)
    of = (o + b2_ref[0]) * ws_ref[:, :1]
    flo = of[:, :PACKW].astype(jnp.bfloat16).astype(jnp.float32)
    fhi = of[:, PACKW:].astype(jnp.bfloat16).astype(jnp.float32)
    lo = lax.shift_right_logical(lax.bitcast_convert_type(flo, jnp.int32), 16)
    hi = lax.bitcast_convert_type(fhi, jnp.int32) & jnp.int32(-65536)
    o_ref[...] = lo | hi


def _grouped_ffn(te, xs, W1, b1, W2, b2, wss):
    grid_spec = pltpu.PrefetchScalarGridSpec(
        num_scalar_prefetch=1,
        grid=(NTILES,),
        in_specs=[
            pl.BlockSpec((BLK, PACKW), lambda i, te: (i, 0)),
            pl.BlockSpec((1, D_MODEL, HID), lambda i, te: (te[i], 0, 0)),
            pl.BlockSpec((1, 1, HID), lambda i, te: (te[i], 0, 0)),
            pl.BlockSpec((1, HID, D_MODEL), lambda i, te: (te[i], 0, 0)),
            pl.BlockSpec((1, 1, D_MODEL), lambda i, te: (te[i], 0, 0)),
            pl.BlockSpec((BLK, 128), lambda i, te: (i, 0)),
        ],
        out_specs=pl.BlockSpec((BLK, PACKW), lambda i, te: (i, 0)),
    )
    return pl.pallas_call(
        _ffn_kernel,
        grid_spec=grid_spec,
        out_shape=jax.ShapeDtypeStruct((MAXROWS, PACKW), jnp.int32),
        compiler_params=pltpu.CompilerParams(
            dimension_semantics=("arbitrary",)),
    )(te, xs, W1.reshape(NUM_EXPERTS, D_MODEL, HID),
      b1.reshape(NUM_EXPERTS, 1, HID),
      W2.reshape(NUM_EXPERTS, HID, D_MODEL),
      b2.reshape(NUM_EXPERTS, 1, D_MODEL),
      wss)


def _comb_body(osr_hbm, d0_hbm, d1_hbm, out_hbm,
               d0_v, d1_v, g0x, g1x, osub, sem0, sem1):
    wid = lax.axis_index("s") * NC + lax.axis_index("c")
    base = wid * TPW
    pltpu.sync_copy(d0_hbm.at[wid], d0_v)
    pltpu.sync_copy(d1_hbm.at[wid], d1_v)
    pltpu.async_copy(osr_hbm.at[d0_v.at[0]], g0x.at[0], sem0)
    pltpu.async_copy(osr_hbm.at[d1_v.at[0]], g1x.at[0], sem1)

    def sub(j, carry):
        s = j % 2
        g0 = g0x.at[s]
        g1 = g1x.at[s]
        pltpu.make_async_copy(osr_hbm.at[d0_v.at[j]], g0, sem0).wait()
        pltpu.make_async_copy(osr_hbm.at[d1_v.at[j]], g1, sem1).wait()
        jn = (j + 1) % NSUB
        sn = (j + 1) % 2
        pltpu.async_copy(osr_hbm.at[d0_v.at[jn]], g0x.at[sn], sem0)
        pltpu.async_copy(osr_hbm.at[d1_v.at[jn]], g1x.at[sn], sem1)

        def body(t, _):
            for q in range(PACKW // 16):
                cs = pl.ds(q * 16, 16)
                a = g0[t, cs]
                b = g1[t, cs]
                osub[t, cs] = (
                    lax.bitcast_convert_type(lax.shift_left(a, 16),
                                             jnp.float32)
                    + lax.bitcast_convert_type(lax.shift_left(b, 16),
                                               jnp.float32))
                osub[t, pl.ds(PACKW + q * 16, 16)] = (
                    lax.bitcast_convert_type(a & jnp.int32(-65536),
                                             jnp.float32)
                    + lax.bitcast_convert_type(b & jnp.int32(-65536),
                                               jnp.float32))
            return 0

        lax.fori_loop(0, SUB, body, 0)
        pltpu.sync_copy(osub, out_hbm.at[pl.ds(base + j * SUB, SUB)])
        return carry

    lax.fori_loop(0, NSUB, sub, 0)
    pltpu.make_async_copy(osr_hbm.at[d0_v.at[0]], g0x.at[0], sem0).wait()
    pltpu.make_async_copy(osr_hbm.at[d1_v.at[0]], g1x.at[0], sem1).wait()


def _combine(osr, d0, d1):
    mesh = plsc.VectorSubcoreMesh(core_axis_name="c", subcore_axis_name="s")
    f = pl.kernel(
        _comb_body,
        out_type=jax.ShapeDtypeStruct((N_TOK, D_MODEL), jnp.float32),
        mesh=mesh,
        scratch_types=[
            pltpu.VMEM((NSUB, SUB), jnp.int32),
            pltpu.VMEM((NSUB, SUB), jnp.int32),
            pltpu.VMEM((2, SUB, PACKW), jnp.int32),
            pltpu.VMEM((2, SUB, PACKW), jnp.int32),
            pltpu.VMEM((SUB, D_MODEL), jnp.float32),
            pltpu.SemaphoreType.DMA,
            pltpu.SemaphoreType.DMA,
        ],
        compiler_params=pltpu.CompilerParams(needs_layout_passes=False),
    )
    return f(osr, d0, d1)


def kernel(x, Wg, W1, b1, W2, b2):
    e1o, e2o, r0o, r1o, wso, x16, poffo, teo = _gating(x, Wg)
    e1 = e1o.reshape(N_TOK)
    e2 = e2o.reshape(N_TOK)
    r0 = r0o.reshape(N_TOK)
    r1 = r1o.reshape(N_TOK)
    ws = wso.reshape(N_TOK)
    poff = poffo.reshape(128)
    te = teo.reshape(512)
    xs, wss, d0, d1 = _dispatch(x16, e1, e2, r0, r1, poff, ws)
    osr = _grouped_ffn(te, xs, W1, b1, W2, b2, wss)
    return _combine(osr, d0, d1)

# --- scband reference (transcript-rebuilt; emitter-appended) ---
"""Pipeline reference for scband-enterprise-ffn-26353919328794 (READ-ONLY COPY).

The authoritative reference and input builder live on the scoring server;
editing this copy changes nothing except your own understanding.
"""

import jax, jax.numpy as jnp
import numpy as np

N_TOK = 32768
D_MODEL = 768
NUM_EXPERTS = 8
TOP_K = 2
EXPERT_CAP = 3072 // NUM_EXPERTS  # 384

def setup_inputs(seed: int = 0) -> dict:
    key = jax.random.key(seed)
    ks = jax.random.split(key, 6)
    x = jax.random.normal(ks[0], (N_TOK, D_MODEL), dtype=jnp.float32)
    Wg = jax.random.normal(ks[1], (D_MODEL, NUM_EXPERTS), dtype=jnp.float32) * 0.02
    W1 = jax.random.normal(ks[2], (NUM_EXPERTS, D_MODEL, EXPERT_CAP), dtype=jnp.float32) * 0.02
    b1 = jnp.zeros((NUM_EXPERTS, EXPERT_CAP), dtype=jnp.float32)
    W2 = jax.random.normal(ks[3], (NUM_EXPERTS, EXPERT_CAP, D_MODEL), dtype=jnp.float32) * 0.02
    b2 = jnp.zeros((NUM_EXPERTS, D_MODEL), dtype=jnp.float32)
    return {"x": x, "Wg": Wg, "W1": W1, "b1": b1, "W2": W2, "b2": b2}

def reference(x, Wg, W1, b1, W2, b2):
    # gate: Linear(d_model, num_experts, bias=False) + softmax
    gates = jax.nn.softmax(x @ Wg, axis=-1)  # [N, E]
    topk_gates, topk_indices = jax.lax.top_k(gates, TOP_K)  # [N, k]
    # NOTE: original torch code weights each selected expert's output by the SUM
    # of all top-k gate values for that token (faithful reproduction).
    wsum = jnp.sum(topk_gates, axis=-1, keepdims=True)  # [N, 1]
    out = jnp.zeros_like(x)
    for i in range(NUM_EXPERTS):
        mask = jnp.any(topk_indices == i, axis=-1)  # [N] bool
        h = jax.nn.gelu(x @ W1[i] + b1[i], approximate=False)  # torch nn.GELU = exact
        eo = h @ W2[i] + b2[i]  # [N, d]
        out = out + jnp.where(mask[:, None], eo * wsum, 0.0)
    # dropout is identity in eval mode
    return out

if __name__ == "__main__":
    import jax
    _d = setup_inputs()
    print(jax.jit(kernel)(*tuple(_d.values())))

</pallas_src>

<mosaic_0001>
#map = affine_map<(d0, d1) -> (0, 0)>
#map1 = affine_map<(d0, d1) -> (0, 0, 0)>
module attributes {stable_mosaic.version = 14 : i64} {
  func.func @_comb_body(%arg0: i32, %arg1: i32, %arg2: memref<73728x384xi32, #tpu.memory_space<hbm>>, %arg3: memref<32x32x32xi32, #tpu.memory_space<hbm>>, %arg4: memref<32x32x32xi32, #tpu.memory_space<hbm>>, %arg5: memref<32768x768xf32, #tpu.memory_space<hbm>>, %arg6: memref<32x32xi32, #tpu.memory_space<vmem>>, %arg7: memref<32x32xi32, #tpu.memory_space<vmem>>, %arg8: memref<2x32x384xi32, #tpu.memory_space<vmem>>, %arg9: memref<2x32x384xi32, #tpu.memory_space<vmem>>, %arg10: memref<32x768xf32, #tpu.memory_space<vmem>>, %arg11: memref<!tpu.dma_semaphore, #tpu.memory_space<semaphore_mem>>, %arg12: memref<!tpu.dma_semaphore, #tpu.memory_space<semaphore_mem>>) attributes {dimension_semantics = [#tpu.dimension_semantics<core_parallel>, #tpu.dimension_semantics<subcore_parallel>], iteration_bounds = array<i64: 2, 16>, scalar_prefetch = 0 : i64, scratch_operands = 7 : i64, tpu.core_type = #tpu.core_type<sc_vector_subcore>, window_params = [{transform_indices = #map}, {transform_indices = #map1}, {transform_indices = #map1}, {transform_indices = #map}]} {
    %mul3A = arith.constant 2 : i32
    %mul3A_0 = arith.muli %arg1, %mul3A : i32
    %add3A = arith.addi %mul3A_0, %arg0 : i32
    %mul3A_1 = arith.constant 1024 : i32
    %mul3A_2 = arith.muli %add3A, %mul3A_1 : i32
    "tpu.region"() ({
      %run_scoped3A = tpu.sem_alloc : memref<!tpu.dma_semaphore, #tpu.memory_space<semaphore_mem>>
      %dma_start3A_54 = arith.constant 0 : i32
      %dma_start3A_55 = arith.constant 0 : i32
      %dma_start3A_56 = tpu.memref_slice %arg3[%add3A, %dma_start3A_54, %dma_start3A_55] : memref<32x32x32xi32, #tpu.memory_space<hbm>> -> memref<1x32x32xi32, #tpu.memory_space<hbm>>
      %dma_start3A_57 = tpu.memref_squeeze %dma_start3A_56 : memref<1x32x32xi32, #tpu.memory_space<hbm>> -> memref<32x32xi32, #tpu.memory_space<hbm>>
      %dma_start3A_58 = arith.constant 0 : i32
      %dma_start3A_59 = arith.constant 0 : i32
      %dma_start3A_60 = tpu.memref_slice %arg3[%add3A, %dma_start3A_58, %dma_start3A_59] : memref<32x32x32xi32, #tpu.memory_space<hbm>> -> memref<1x32x32xi32, #tpu.memory_space<hbm>>
      %dma_start3A_61 = tpu.memref_squeeze %dma_start3A_60 : memref<1x32x32xi32, #tpu.memory_space<hbm>> -> memref<32x32xi32, #tpu.memory_space<hbm>>
      tpu.enqueue_dma source(%dma_start3A_61 : memref<32x32xi32, #tpu.memory_space<hbm>>) target(%arg6 : memref<32x32xi32, #tpu.memory_space<vmem>>) target_semaphore(%run_scoped3A : memref<!tpu.dma_semaphore, #tpu.memory_space<semaphore_mem>>)
      %dma_wait3A_62 = arith.constant 0 : i32
      %dma_wait3A_63 = arith.constant 0 : i32
      %dma_wait3A_64 = tpu.memref_slice %arg3[%add3A, %dma_wait3A_62, %dma_wait3A_63] : memref<32x32x32xi32, #tpu.memory_space<hbm>> -> memref<1x32x32xi32, #tpu.memory_space<hbm>>
      %dma_wait3A_65 = tpu.memref_squeeze %dma_wait3A_64 : memref<1x32x32xi32, #tpu.memory_space<hbm>> -> memref<32x32xi32, #tpu.memory_space<hbm>>
      %dma_wait3A_66 = arith.constant 0 : i32
      %dma_wait3A_67 = arith.constant 0 : i32
      %dma_wait3A_68 = tpu.memref_slice %arg3[%add3A, %dma_wait3A_66, %dma_wait3A_67] : memref<32x32x32xi32, #tpu.memory_space<hbm>> -> memref<1x32x32xi32, #tpu.memory_space<hbm>>
      %dma_wait3A_69 = tpu.memref_squeeze %dma_wait3A_68 : memref<1x32x32xi32, #tpu.memory_space<hbm>> -> memref<32x32xi32, #tpu.memory_space<hbm>>
      tpu.wait_dma2 semaphore(%run_scoped3A : memref<!tpu.dma_semaphore, #tpu.memory_space<semaphore_mem>>) src(%dma_wait3A_69 : memref<32x32xi32, #tpu.memory_space<hbm>>) dst(%arg6 : memref<32x32xi32, #tpu.memory_space<vmem>>)
      tpu.yield
    }) : () -> ()
    "tpu.region"() ({
      %run_scoped3A = tpu.sem_alloc : memref<!tpu.dma_semaphore, #tpu.memory_space<semaphore_mem>>
      %dma_start3A_54 = arith.constant 0 : i32
      %dma_start3A_55 = arith.constant 0 : i32
      %dma_start3A_56 = tpu.memref_slice %arg4[%add3A, %dma_start3A_54, %dma_start3A_55] : memref<32x32x32xi32, #tpu.memory_space<hbm>> -> memref<1x32x32xi32, #tpu.memory_space<hbm>>
      %dma_start3A_57 = tpu.memref_squeeze %dma_start3A_56 : memref<1x32x32xi32, #tpu.memory_space<hbm>> -> memref<32x32xi32, #tpu.memory_space<hbm>>
      %dma_start3A_58 = arith.constant 0 : i32
      %dma_start3A_59 = arith.constant 0 : i32
      %dma_start3A_60 = tpu.memref_slice %arg4[%add3A, %dma_start3A_58, %dma_start3A_59] : memref<32x32x32xi32, #tpu.memory_space<hbm>> -> memref<1x32x32xi32, #tpu.memory_space<hbm>>
      %dma_start3A_61 = tpu.memref_squeeze %dma_start3A_60 : memref<1x32x32xi32, #tpu.memory_space<hbm>> -> memref<32x32xi32, #tpu.memory_space<hbm>>
      tpu.enqueue_dma source(%dma_start3A_61 : memref<32x32xi32, #tpu.memory_space<hbm>>) target(%arg7 : memref<32x32xi32, #tpu.memory_space<vmem>>) target_semaphore(%run_scoped3A : memref<!tpu.dma_semaphore, #tpu.memory_space<semaphore_mem>>)
      %dma_wait3A_62 = arith.constant 0 : i32
      %dma_wait3A_63 = arith.constant 0 : i32
      %dma_wait3A_64 = tpu.memref_slice %arg4[%add3A, %dma_wait3A_62, %dma_wait3A_63] : memref<32x32x32xi32, #tpu.memory_space<hbm>> -> memref<1x32x32xi32, #tpu.memory_space<hbm>>
      %dma_wait3A_65 = tpu.memref_squeeze %dma_wait3A_64 : memref<1x32x32xi32, #tpu.memory_space<hbm>> -> memref<32x32xi32, #tpu.memory_space<hbm>>
      %dma_wait3A_66 = arith.constant 0 : i32
      %dma_wait3A_67 = arith.constant 0 : i32
      %dma_wait3A_68 = tpu.memref_slice %arg4[%add3A, %dma_wait3A_66, %dma_wait3A_67] : memref<32x32x32xi32, #tpu.memory_space<hbm>> -> memref<1x32x32xi32, #tpu.memory_space<hbm>>
      %dma_wait3A_69 = tpu.memref_squeeze %dma_wait3A_68 : memref<1x32x32xi32, #tpu.memory_space<hbm>> -> memref<32x32xi32, #tpu.memory_space<hbm>>
      tpu.wait_dma2 semaphore(%run_scoped3A : memref<!tpu.dma_semaphore, #tpu.memory_space<semaphore_mem>>) src(%dma_wait3A_69 : memref<32x32xi32, #tpu.memory_space<hbm>>) dst(%arg7 : memref<32x32xi32, #tpu.memory_space<vmem>>)
      tpu.yield
    }) : () -> ()
    %dma_start3A = arith.constant 0 : i32
    %dma_start3A_3 = arith.constant 0 : i32
    %dma_start3A_4 = arith.constant 0 : i32
    %dma_start3A_5 = arith.constant 0 : i32
    %dma_start3A_6 = tpu.memref_slice %arg8[%dma_start3A_3, %dma_start3A_4, %dma_start3A_5] : memref<2x32x384xi32, #tpu.memory_space<vmem>> -> memref<1x32x384xi32, #tpu.memory_space<vmem>>
    %dma_start3A_7 = tpu.memref_squeeze %dma_start3A_6 : memref<1x32x384xi32, #tpu.memory_space<vmem>> -> memref<32x384xi32, #tpu.memory_space<vmem>>
    %dma_start3A_8 = arith.constant 0 : i32
    %dma_start3A_9 = tpu.memref_slice %arg6[%dma_start3A, %dma_start3A_8] : memref<32x32xi32, #tpu.memory_space<vmem>> -> memref<1x32xi32, #tpu.memory_space<vmem>>
    %dma_start3A_10 = tpu.memref_squeeze %dma_start3A_9 : memref<1x32xi32, #tpu.memory_space<vmem>> -> memref<32xi32, #tpu.memory_space<vmem>>
    %dma_start3A_11 = arith.constant 0 : i32
    %dma_start3A_12 = arith.constant 0 : i32
    %dma_start3A_13 = tpu.memref_slice %arg2[%dma_start3A_11, %dma_start3A_12] : memref<73728x384xi32, #tpu.memory_space<hbm>> -> memref<73728x384xi32, #tpu.memory_space<hbm>>
    tpu.enqueue_indirect_dma source(%dma_start3A_13 : memref<73728x384xi32, #tpu.memory_space<hbm>>) target(%dma_start3A_7 : memref<32x384xi32, #tpu.memory_space<vmem>>) offsets(%dma_start3A_10 : memref<32xi32, #tpu.memory_space<vmem>>) semaphore(%arg11 : memref<!tpu.dma_semaphore, #tpu.memory_space<semaphore_mem>>)
    %dma_start3A_14 = arith.constant 0 : i32
    %dma_start3A_15 = arith.constant 0 : i32
    %dma_start3A_16 = arith.constant 0 : i32
    %dma_start3A_17 = arith.constant 0 : i32
    %dma_start3A_18 = tpu.memref_slice %arg9[%dma_start3A_15, %dma_start3A_16, %dma_start3A_17] : memref<2x32x384xi32, #tpu.memory_space<vmem>> -> memref<1x32x384xi32, #tpu.memory_space<vmem>>
    %dma_start3A_19 = tpu.memref_squeeze %dma_start3A_18 : memref<1x32x384xi32, #tpu.memory_space<vmem>> -> memref<32x384xi32, #tpu.memory_space<vmem>>
    %dma_start3A_20 = arith.constant 0 : i32
    %dma_start3A_21 = tpu.memref_slice %arg7[%dma_start3A_14, %dma_start3A_20] : memref<32x32xi32, #tpu.memory_space<vmem>> -> memref<1x32xi32, #tpu.memory_space<vmem>>
    %dma_start3A_22 = tpu.memref_squeeze %dma_start3A_21 : memref<1x32xi32, #tpu.memory_space<vmem>> -> memref<32xi32, #tpu.memory_space<vmem>>
    %dma_start3A_23 = arith.constant 0 : i32
    %dma_start3A_24 = arith.constant 0 : i32
    %dma_start3A_25 = tpu.memref_slice %arg2[%dma_start3A_23, %dma_start3A_24] : memref<73728x384xi32, #tpu.memory_space<hbm>> -> memref<73728x384xi32, #tpu.memory_space<hbm>>
    tpu.enqueue_indirect_dma source(%dma_start3A_25 : memref<73728x384xi32, #tpu.memory_space<hbm>>) target(%dma_start3A_19 : memref<32x384xi32, #tpu.memory_space<vmem>>) offsets(%dma_start3A_22 : memref<32xi32, #tpu.memory_space<vmem>>) semaphore(%arg12 : memref<!tpu.dma_semaphore, #tpu.memory_space<semaphore_mem>>)
    %scan3A = arith.constant 0 : i32
    %scan3A_26 = arith.constant 0 : i32
    %scan3A_27 = arith.constant 32 : i32
    %scan3A_28 = arith.addi %scan3A_26, %scan3A_27 : i32
    %scan3A_29 = arith.constant 1 : i32
    scf.for %scan3A_54 = %scan3A_26 to %scan3A_28 step %scan3A_29  : i32 {
      %jit3A = arith.constant 2 : i32
      %eq3A = arith.constant 0 : i32
      %eq3A_55 = arith.cmpi eq, %jit3A, %eq3A : i32
      %jit3A_56 = arith.constant 1 : i32
      %select_n3A = arith.select %eq3A_55, %jit3A_56, %jit3A : i32
      %rem3A = arith.remsi %scan3A_54, %select_n3A : i32
      %ne3A = arith.constant 0 : i32
      %ne3A_57 = arith.cmpi ne, %rem3A, %ne3A : i32
      %lt3A = arith.constant 0 : i32
      %lt3A_58 = arith.cmpi slt, %rem3A, %lt3A : i32
      %lt3A_59 = arith.constant 0 : i32
      %lt3A_60 = arith.cmpi slt, %select_n3A, %lt3A_59 : i32
      %ne3A_61 = arith.xori %lt3A_58, %lt3A_60 : i1
      %and3A = arith.andi %ne3A_61, %ne3A_57 : i1
      %add3A_62 = arith.addi %rem3A, %select_n3A : i32
      %select_n3A_63 = arith.select %and3A, %add3A_62, %rem3A : i32
      %dma_wait3A_64 = arith.constant 0 : i32
      %dma_wait3A_65 = arith.constant 0 : i32
      %dma_wait3A_66 = tpu.memref_slice %arg8[%select_n3A_63, %dma_wait3A_64, %dma_wait3A_65] : memref<2x32x384xi32, #tpu.memory_space<vmem>> -> memref<1x32x384xi32, #tpu.memory_space<vmem>>
      %dma_wait3A_67 = tpu.memref_squeeze %dma_wait3A_66 : memref<1x32x384xi32, #tpu.memory_space<vmem>> -> memref<32x384xi32, #tpu.memory_space<vmem>>
      %dma_wait3A_68 = arith.constant 0 : i32
      %dma_wait3A_69 = tpu.memref_slice %arg6[%scan3A_54, %dma_wait3A_68] : memref<32x32xi32, #tpu.memory_space<vmem>> -> memref<1x32xi32, #tpu.memory_space<vmem>>
      %dma_wait3A_70 = tpu.memref_squeeze %dma_wait3A_69 : memref<1x32xi32, #tpu.memory_space<vmem>> -> memref<32xi32, #tpu.memory_space<vmem>>
      %dma_wait3A_71 = arith.constant 0 : i32
      %dma_wait3A_72 = arith.constant 0 : i32
      %dma_wait3A_73 = tpu.memref_slice %arg2[%dma_wait3A_71, %dma_wait3A_72] : memref<73728x384xi32, #tpu.memory_space<hbm>> -> memref<73728x384xi32, #tpu.memory_space<hbm>>
      tpu.wait_indirect_dma semaphore(%arg11 : memref<!tpu.dma_semaphore, #tpu.memory_space<semaphore_mem>>) src(%dma_wait3A_73 : memref<73728x384xi32, #tpu.memory_space<hbm>>) dst(%dma_wait3A_67 : memref<32x384xi32, #tpu.memory_space<vmem>>)
      %dma_wait3A_74 = arith.constant 0 : i32
      %dma_wait3A_75 = arith.constant 0 : i32
      %dma_wait3A_76 = tpu.memref_slice %arg9[%select_n3A_63, %dma_wait3A_74, %dma_wait3A_75] : memref<2x32x384xi32, #tpu.memory_space<vmem>> -> memref<1x32x384xi32, #tpu.memory_space<vmem>>
      %dma_wait3A_77 = tpu.memref_squeeze %dma_wait3A_76 : memref<1x32x384xi32, #tpu.memory_space<vmem>> -> memref<32x384xi32, #tpu.memory_space<vmem>>
      %dma_wait3A_78 = arith.constant 0 : i32
      %dma_wait3A_79 = tpu.memref_slice %arg7[%scan3A_54, %dma_wait3A_78] : memref<32x32xi32, #tpu.memory_space<vmem>> -> memref<1x32xi32, #tpu.memory_space<vmem>>
      %dma_wait3A_80 = tpu.memref_squeeze %dma_wait3A_79 : memref<1x32xi32, #tpu.memory_space<vmem>> -> memref<32xi32, #tpu.memory_space<vmem>>
      %dma_wait3A_81 = arith.constant 0 : i32
      %dma_wait3A_82 = arith.constant 0 : i32
      %dma_wait3A_83 = tpu.memref_slice %arg2[%dma_wait3A_81, %dma_wait3A_82] : memref<73728x384xi32, #tpu.memory_space<hbm>> -> memref<73728x384xi32, #tpu.memory_space<hbm>>
      tpu.wait_indirect_dma semaphore(%arg12 : memref<!tpu.dma_semaphore, #tpu.memory_space<semaphore_mem>>) src(%dma_wait3A_83 : memref<73728x384xi32, #tpu.memory_space<hbm>>) dst(%dma_wait3A_77 : memref<32x384xi32, #tpu.memory_space<vmem>>)
      %add3A_84 = arith.constant 1 : i32
      %add3A_85 = arith.addi %scan3A_54, %add3A_84 : i32
      %jit3A_86 = arith.constant 32 : i32
      %eq3A_87 = arith.constant 0 : i32
      %eq3A_88 = arith.cmpi eq, %jit3A_86, %eq3A_87 : i32
      %jit3A_89 = arith.constant 1 : i32
      %select_n3A_90 = arith.select %eq3A_88, %jit3A_89, %jit3A_86 : i32
      %rem3A_91 = arith.remsi %add3A_85, %select_n3A_90 : i32
      %ne3A_92 = arith.constant 0 : i32
      %ne3A_93 = arith.cmpi ne, %rem3A_91, %ne3A_92 : i32
      %lt3A_94 = arith.constant 0 : i32
      %lt3A_95 = arith.cmpi slt, %rem3A_91, %lt3A_94 : i32
      %lt3A_96 = arith.constant 0 : i32
      %lt3A_97 = arith.cmpi slt, %select_n3A_90, %lt3A_96 : i32
      %ne3A_98 = arith.xori %lt3A_95, %lt3A_97 : i1
      %and3A_99 = arith.andi %ne3A_98, %ne3A_93 : i1
      %add3A_100 = arith.addi %rem3A_91, %select_n3A_90 : i32
      %select_n3A_101 = arith.select %and3A_99, %add3A_100, %rem3A_91 : i32
      %add3A_102 = arith.constant 1 : i32
      %add3A_103 = arith.addi %scan3A_54, %add3A_102 : i32
      %jit3A_104 = arith.constant 2 : i32
      %eq3A_105 = arith.constant 0 : i32
      %eq3A_106 = arith.cmpi eq, %jit3A_104, %eq3A_105 : i32
      %jit3A_107 = arith.constant 1 : i32
      %select_n3A_108 = arith.select %eq3A_106, %jit3A_107, %jit3A_104 : i32
      %rem3A_109 = arith.remsi %add3A_103, %select_n3A_108 : i32
      %ne3A_110 = arith.constant 0 : i32
      %ne3A_111 = arith.cmpi ne, %rem3A_109, %ne3A_110 : i32
      %lt3A_112 = arith.constant 0 : i32
      %lt3A_113 = arith.cmpi slt, %rem3A_109, %lt3A_112 : i32
      %lt3A_114 = arith.constant 0 : i32
      %lt3A_115 = arith.cmpi slt, %select_n3A_108, %lt3A_114 : i32
      %ne3A_116 = arith.xori %lt3A_113, %lt3A_115 : i1
      %and3A_117 = arith.andi %ne3A_116, %ne3A_111 : i1
      %add3A_118 = arith.addi %rem3A_109, %select_n3A_108 : i32
      %select_n3A_119 = arith.select %and3A_117, %add3A_118, %rem3A_109 : i32
      %dma_start3A_120 = arith.constant 0 : i32
      %dma_start3A_121 = arith.constant 0 : i32
      %dma_start3A_122 = tpu.memref_slice %arg8[%select_n3A_119, %dma_start3A_120, %dma_start3A_121] : memref<2x32x384xi32, #tpu.memory_space<vmem>> -> memref<1x32x384xi32, #tpu.memory_space<vmem>>
      %dma_start3A_123 = tpu.memref_squeeze %dma_start3A_122 : memref<1x32x384xi32, #tpu.memory_space<vmem>> -> memref<32x384xi32, #tpu.memory_space<vmem>>
      %dma_start3A_124 = arith.constant 0 : i32
      %dma_start3A_125 = tpu.memref_slice %arg6[%select_n3A_101, %dma_start3A_124] : memref<32x32xi32, #tpu.memory_space<vmem>> -> memref<1x32xi32, #tpu.memory_space<vmem>>
      %dma_start3A_126 = tpu.memref_squeeze %dma_start3A_125 : memref<1x32xi32, #tpu.memory_space<vmem>> -> memref<32xi32, #tpu.memory_space<vmem>>
      %dma_start3A_127 = arith.constant 0 : i32
      %dma_start3A_128 = arith.constant 0 : i32
      %dma_start3A_129 = tpu.memref_slice %arg2[%dma_start3A_127, %dma_start3A_128] : memref<73728x384xi32, #tpu.memory_space<hbm>> -> memref<73728x384xi32, #tpu.memory_space<hbm>>
      tpu.enqueue_indirect_dma source(%dma_start3A_129 : memref<73728x384xi32, #tpu.memory_space<hbm>>) target(%dma_start3A_123 : memref<32x384xi32, #tpu.memory_space<vmem>>) offsets(%dma_start3A_126 : memref<32xi32, #tpu.memory_space<vmem>>) semaphore(%arg11 : memref<!tpu.dma_semaphore, #tpu.memory_space<semaphore_mem>>)
      %dma_start3A_130 = arith.constant 0 : i32
      %dma_start3A_131 = arith.constant 0 : i32
      %dma_start3A_132 = tpu.memref_slice %arg9[%select_n3A_119, %dma_start3A_130, %dma_start3A_131] : memref<2x32x384xi32, #tpu.memory_space<vmem>> -> memref<1x32x384xi32, #tpu.memory_space<vmem>>
      %dma_start3A_133 = tpu.memref_squeeze %dma_start3A_132 : memref<1x32x384xi32, #tpu.memory_space<vmem>> -> memref<32x384xi32, #tpu.memory_space<vmem>>
      %dma_start3A_134 = arith.constant 0 : i32
      %dma_start3A_135 = tpu.memref_slice %arg7[%select_n3A_101, %dma_start3A_134] : memref<32x32xi32, #tpu.memory_space<vmem>> -> memref<1x32xi32, #tpu.memory_space<vmem>>
      %dma_start3A_136 = tpu.memref_squeeze %dma_start3A_135 : memref<1x32xi32, #tpu.memory_space<vmem>> -> memref<32xi32, #tpu.memory_space<vmem>>
      %dma_start3A_137 = arith.constant 0 : i32
      %dma_start3A_138 = arith.constant 0 : i32
      %dma_start3A_139 = tpu.memref_slice %arg2[%dma_start3A_137, %dma_start3A_138] : memref<73728x384xi32, #tpu.memory_space<hbm>> -> memref<73728x384xi32, #tpu.memory_space<hbm>>
      tpu.enqueue_indirect_dma source(%dma_start3A_139 : memref<73728x384xi32, #tpu.memory_space<hbm>>) target(%dma_start3A_133 : memref<32x384xi32, #tpu.memory_space<vmem>>) offsets(%dma_start3A_136 : memref<32xi32, #tpu.memory_space<vmem>>) semaphore(%arg12 : memref<!tpu.dma_semaphore, #tpu.memory_space<semaphore_mem>>)
      %scan3A_140 = arith.constant 0 : i32
      %scan3A_141 = arith.constant 0 : i32
      %scan3A_142 = arith.constant 32 : i32
      %scan3A_143 = arith.addi %scan3A_141, %scan3A_142 : i32
      %scan3A_144 = arith.constant 1 : i32
      %scan3A_145 = scf.for %scan3A_150 = %scan3A_141 to %scan3A_143 step %scan3A_144 iter_args(%scan3A_151 = %scan3A_140) -> (i32)  : i32 {
        %get3A = arith.constant 0 : i32
        %get3A_152 = arith.constant 0 : i32
        %get3A_153 = tpu.memref_slice %arg8[%select_n3A_63, %get3A, %get3A_152] : memref<2x32x384xi32, #tpu.memory_space<vmem>> -> memref<1x32x384xi32, #tpu.memory_space<vmem>>
        %get3A_154 = tpu.memref_squeeze %get3A_153 : memref<1x32x384xi32, #tpu.memory_space<vmem>> -> memref<32x384xi32, #tpu.memory_space<vmem>>
        %get3A_155 = arith.index_cast %scan3A_150 : i32 to index
        %get3A_156 = arith.constant 0 : index
        %get3A_157 = tpu.vector_load %get3A_154[%get3A_155, %get3A_156] {strides = array<i32>} : memref<32x384xi32, #tpu.memory_space<vmem>>, vector<16xi32>,
        %get3A_158 = arith.constant 0 : i32
        %get3A_159 = arith.constant 0 : i32
        %get3A_160 = tpu.memref_slice %arg9[%select_n3A_63, %get3A_158, %get3A_159] : memref<2x32x384xi32, #tpu.memory_space<vmem>> -> memref<1x32x384xi32, #tpu.memory_space<vmem>>
        %get3A_161 = tpu.memref_squeeze %get3A_160 : memref<1x32x384xi32, #tpu.memory_space<vmem>> -> memref<32x384xi32, #tpu.memory_space<vmem>>
        %get3A_162 = arith.index_cast %scan3A_150 : i32 to index
        %get3A_163 = arith.constant 0 : index
        %get3A_164 = tpu.vector_load %get3A_161[%get3A_162, %get3A_163] {strides = array<i32>} : memref<32x384xi32, #tpu.memory_space<vmem>>, vector<16xi32>,
        %shift_left3A = arith.constant 16 : i32
        %shift_left3A_165 = vector.broadcast %shift_left3A : i32 to vector<16xi32>
        %shift_left3A_166 = arith.shli %get3A_157, %shift_left3A_165 : vector<16xi32>
        %bitcast_convert_type3A = tpu.bitcast %shift_left3A_166 : vector<16xi32> -> vector<16xf32>
        %shift_left3A_167 = arith.constant 16 : i32
        %shift_left3A_168 = vector.broadcast %shift_left3A_167 : i32 to vector<16xi32>
        %shift_left3A_169 = arith.shli %get3A_164, %shift_left3A_168 : vector<16xi32>
        %bitcast_convert_type3A_170 = tpu.bitcast %shift_left3A_169 : vector<16xi32> -> vector<16xf32>
        %add3A_171 = arith.addf %bitcast_convert_type3A, %bitcast_convert_type3A_170 : vector<16xf32>
        %swap3A = arith.index_cast %scan3A_150 : i32 to index
        %swap3A_172 = arith.constant 0 : index
        %swap3A_173 = tpu.vector_load %arg10[%swap3A, %swap3A_172] {strides = array<i32>} : memref<32x768xf32, #tpu.memory_space<vmem>>, vector<16xf32>,
        tpu.vector_store %arg10[%swap3A, %swap3A_172], %add3A_171 {strides = array<i32>} : memref<32x768xf32, #tpu.memory_space<vmem>>, vector<16xf32>,
        %and3A_174 = arith.constant -65536 : i32
        %and3A_175 = vector.broadcast %and3A_174 : i32 to vector<16xi32>
        %and3A_176 = arith.andi %get3A_157, %and3A_175 : vector<16xi32>
        %bitcast_convert_type3A_177 = tpu.bitcast %and3A_176 : vector<16xi32> -> vector<16xf32>
        %and3A_178 = arith.constant -65536 : i32
        %and3A_179 = vector.broadcast %and3A_178 : i32 to vector<16xi32>
        %and3A_180 = arith.andi %get3A_164, %and3A_179 : vector<16xi32>
        %bitcast_convert_type3A_181 = tpu.bitcast %and3A_180 : vector<16xi32> -> vector<16xf32>
        %add3A_182 = arith.addf %bitcast_convert_type3A_177, %bitcast_convert_type3A_181 : vector<16xf32>
        %swap3A_183 = arith.index_cast %scan3A_150 : i32 to index
        %swap3A_184 = arith.constant 384 : index
        %swap3A_185 = tpu.vector_load %arg10[%swap3A_183, %swap3A_184] {strides = array<i32>} : memref<32x768xf32, #tpu.memory_space<vmem>>, vector<16xf32>,
        tpu.vector_store %arg10[%swap3A_183, %swap3A_184], %add3A_182 {strides = array<i32>} : memref<32x768xf32, #tpu.memory_space<vmem>>, vector<16xf32>,
        %get3A_186 = arith.constant 0 : i32
        %get3A_187 = arith.constant 0 : i32
        %get3A_188 = tpu.memref_slice %arg8[%select_n3A_63, %get3A_186, %get3A_187] : memref<2x32x384xi32, #tpu.memory_space<vmem>> -> memref<1x32x384xi32, #tpu.memory_space<vmem>>
        %get3A_189 = tpu.memref_squeeze %get3A_188 : memref<1x32x384xi32, #tpu.memory_space<vmem>> -> memref<32x384xi32, #tpu.memory_space<vmem>>
        %get3A_190 = arith.index_cast %scan3A_150 : i32 to index
        %get3A_191 = arith.constant 16 : index
        %get3A_192 = tpu.vector_load %get3A_189[%get3A_190, %get3A_191] {strides = array<i32>} : memref<32x384xi32, #tpu.memory_space<vmem>>, vector<16xi32>,
        %get3A_193 = arith.constant 0 : i32
        %get3A_194 = arith.constant 0 : i32
        %get3A_195 = tpu.memref_slice %arg9[%select_n3A_63, %get3A_193, %get3A_194] : memref<2x32x384xi32, #tpu.memory_space<vmem>> -> memref<1x32x384xi32, #tpu.memory_space<vmem>>
        %get3A_196 = tpu.memref_squeeze %get3A_195 : memref<1x32x384xi32, #tpu.memory_space<vmem>> -> memref<32x384xi32, #tpu.memory_space<vmem>>
        %get3A_197 = arith.index_cast %scan3A_150 : i32 to index
        %get3A_198 = arith.constant 16 : index
        %get3A_199 = tpu.vector_load %get3A_196[%get3A_197, %get3A_198] {strides = array<i32>} : memref<32x384xi32, #tpu.memory_space<vmem>>, vector<16xi32>,
        %shift_left3A_200 = arith.constant 16 : i32
        %shift_left3A_201 = vector.broadcast %shift_left3A_200 : i32 to vector<16xi32>
        %shift_left3A_202 = arith.shli %get3A_192, %shift_left3A_201 : vector<16xi32>
        %bitcast_convert_type3A_203 = tpu.bitcast %shift_left3A_202 : vector<16xi32> -> vector<16xf32>
        %shift_left3A_204 = arith.constant 16 : i32
        %shift_left3A_205 = vector.broadcast %shift_left3A_204 : i32 to vector<16xi32>
        %shift_left3A_206 = arith.shli %get3A_199, %shift_left3A_205 : vector<16xi32>
        %bitcast_convert_type3A_207 = tpu.bitcast %shift_left3A_206 : vector<16xi32> -> vector<16xf32>
        %add3A_208 = arith.addf %bitcast_convert_type3A_203, %bitcast_convert_type3A_207 : vector<16xf32>
        %swap3A_209 = arith.index_cast %scan3A_150 : i32 to index
        %swap3A_210 = arith.constant 16 : index
        %swap3A_211 = tpu.vector_load %arg10[%swap3A_209, %swap3A_210] {strides = array<i32>} : memref<32x768xf32, #tpu.memory_space<vmem>>, vector<16xf32>,
        tpu.vector_store %arg10[%swap3A_209, %swap3A_210], %add3A_208 {strides = array<i32>} : memref<32x768xf32, #tpu.memory_space<vmem>>, vector<16xf32>,
        %and3A_212 = arith.constant -65536 : i32
        %and3A_213 = vector.broadcast %and3A_212 : i32 to vector<16xi32>
        %and3A_214 = arith.andi %get3A_192, %and3A_213 : vector<16xi32>
        %bitcast_convert_type3A_215 = tpu.bitcast %and3A_214 : vector<16xi32> -> vector<16xf32>
        %and3A_216 = arith.constant -65536 : i32
        %and3A_217 = vector.broadcast %and3A_216 : i32 to vector<16xi32>
        %and3A_218 = arith.andi %get3A_199, %and3A_217 : vector<16xi32>
        %bitcast_convert_type3A_219 = tpu.bitcast %and3A_218 : vector<16xi32> -> vector<16xf32>
        %add3A_220 = arith.addf %bitcast_convert_type3A_215, %bitcast_convert_type3A_219 : vector<16xf32>
        %swap3A_221 = arith.index_cast %scan3A_150 : i32 to index
        %swap3A_222 = arith.constant 400 : index
        %swap3A_223 = tpu.vector_load %arg10[%swap3A_221, %swap3A_222] {strides = array<i32>} : memref<32x768xf32, #tpu.memory_space<vmem>>, vector<16xf32>,
        tpu.vector_store %arg10[%swap3A_221, %swap3A_222], %add3A_220 {strides = array<i32>} : memref<32x768xf32, #tpu.memory_space<vmem>>, vector<16xf32>,
        %get3A_224 = arith.constant 0 : i32
        %get3A_225 = arith.constant 0 : i32
        %get3A_226 = tpu.memref_slice %arg8[%select_n3A_63, %get3A_224, %get3A_225] : memref<2x32x384xi32, #tpu.memory_space<vmem>> -> memref<1x32x384xi32, #tpu.memory_space<vmem>>
        %get3A_227 = tpu.memref_squeeze %get3A_226 : memref<1x32x384xi32, #tpu.memory_space<vmem>> -> memref<32x384xi32, #tpu.memory_space<vmem>>
        %get3A_228 = arith.index_cast %scan3A_150 : i32 to index
        %get3A_229 = arith.constant 32 : index
        %get3A_230 = tpu.vector_load %get3A_227[%get3A_228, %get3A_229] {strides = array<i32>} : memref<32x384xi32, #tpu.memory_space<vmem>>, vector<16xi32>,
        %get3A_231 = arith.constant 0 : i32
        %get3A_232 = arith.constant 0 : i32
        %get3A_233 = tpu.memref_slice %arg9[%select_n3A_63, %get3A_231, %get3A_232] : memref<2x32x384xi32, #tpu.memory_space<vmem>> -> memref<1x32x384xi32, #tpu.memory_space<vmem>>
        %get3A_234 = tpu.memref_squeeze %get3A_233 : memref<1x32x384xi32, #tpu.memory_space<vmem>> -> memref<32x384xi32, #tpu.memory_space<vmem>>
        %get3A_235 = arith.index_cast %scan3A_150 : i32 to index
        %get3A_236 = arith.constant 32 : index
        %get3A_237 = tpu.vector_load %get3A_234[%get3A_235, %get3A_236] {strides = array<i32>} : memref<32x384xi32, #tpu.memory_space<vmem>>, vector<16xi32>,
        %shift_left3A_238 = arith.constant 16 : i32
        %shift_left3A_239 = vector.broadcast %shift_left3A_238 : i32 to vector<16xi32>
        %shift_left3A_240 = arith.shli %get3A_230, %shift_left3A_239 : vector<16xi32>
        %bitcast_convert_type3A_241 = tpu.bitcast %shift_left3A_240 : vector<16xi32> -> vector<16xf32>
        %shift_left3A_242 = arith.constant 16 : i32
        %shift_left3A_243 = vector.broadcast %shift_left3A_242 : i32 to vector<16xi32>
        %shift_left3A_244 = arith.shli %get3A_237, %shift_left3A_243 : vector<16xi32>
        %bitcast_convert_type3A_245 = tpu.bitcast %shift_left3A_244 : vector<16xi32> -> vector<16xf32>
        %add3A_246 = arith.addf %bitcast_convert_type3A_241, %bitcast_convert_type3A_245 : vector<16xf32>
        %swap3A_247 = arith.index_cast %scan3A_150 : i32 to index
        %swap3A_248 = arith.constant 32 : index
        %swap3A_249 = tpu.vector_load %arg10[%swap3A_247, %swap3A_248] {strides = array<i32>} : memref<32x768xf32, #tpu.memory_space<vmem>>, vector<16xf32>,
        tpu.vector_store %arg10[%swap3A_247, %swap3A_248], %add3A_246 {strides = array<i32>} : memref<32x768xf32, #tpu.memory_space<vmem>>, vector<16xf32>,
        %and3A_250 = arith.constant -65536 : i32
        %and3A_251 = vector.broadcast %and3A_250 : i32 to vector<16xi32>
        %and3A_252 = arith.andi %get3A_230, %and3A_251 : vector<16xi32>
        %bitcast_convert_type3A_253 = tpu.bitcast %and3A_252 : vector<16xi32> -> vector<16xf32>
        %and3A_254 = arith.constant -65536 : i32
        %and3A_255 = vector.broadcast %and3A_254 : i32 to vector<16xi32>
        %and3A_256 = arith.andi %get3A_237, %and3A_255 : vector<16xi32>
        %bitcast_convert_type3A_257 = tpu.bitcast %and3A_256 : vector<16xi32> -> vector<16xf32>
        %add3A_258 = arith.addf %bitcast_convert_type3A_253, %bitcast_convert_type3A_257 : vector<16xf32>
        %swap3A_259 = arith.index_cast %scan3A_150 : i32 to index
        %swap3A_260 = arith.constant 416 : index
        %swap3A_261 = tpu.vector_load %arg10[%swap3A_259, %swap3A_260] {strides = array<i32>} : memref<32x768xf32, #tpu.memory_space<vmem>>, vector<16xf32>,
        tpu.vector_store %arg10[%swap3A_259, %swap3A_260], %add3A_258 {strides = array<i32>} : memref<32x768xf32, #tpu.memory_space<vmem>>, vector<16xf32>,
        %get3A_262 = arith.constant 0 : i32
        %get3A_263 = arith.constant 0 : i32
        %get3A_264 = tpu.memref_slice %arg8[%select_n3A_63, %get3A_262, %get3A_263] : memref<2x32x384xi32, #tpu.memory_space<vmem>> -> memref<1x32x384xi32, #tpu.memory_space<vmem>>
        %get3A_265 = tpu.memref_squeeze %get3A_264 : memref<1x32x384xi32, #tpu.memory_space<vmem>> -> memref<32x384xi32, #tpu.memory_space<vmem>>
        %get3A_266 = arith.index_cast %scan3A_150 : i32 to index
        %get3A_267 = arith.constant 48 : index
        %get3A_268 = tpu.vector_load %get3A_265[%get3A_266, %get3A_267] {strides = array<i32>} : memref<32x384xi32, #tpu.memory_space<vmem>>, vector<16xi32>,
        %get3A_269 = arith.constant 0 : i32
        %get3A_270 = arith.constant 0 : i32
        %get3A_271 = tpu.memref_slice %arg9[%select_n3A_63, %get3A_269, %get3A_270] : memref<2x32x384xi32, #tpu.memory_space<vmem>> -> memref<1x32x384xi32, #tpu.memory_space<vmem>>
        %get3A_272 = tpu.memref_squeeze %get3A_271 : memref<1x32x384xi32, #tpu.memory_space<vmem>> -> memref<32x384xi32, #tpu.memory_space<vmem>>
        %get3A_273 = arith.index_cast %scan3A_150 : i32 to index
        %get3A_274 = arith.constant 48 : index
        %get3A_275 = tpu.vector_load %get3A_272[%get3A_273, %get3A_274] {strides = array<i32>} : memref<32x384xi32, #tpu.memory_space<vmem>>, vector<16xi32>,
        %shift_left3A_276 = arith.constant 16 : i32
        %shift_left3A_277 = vector.broadcast %shift_left3A_276 : i32 to vector<16xi32>
        %shift_left3A_278 = arith.shli %get3A_268, %shift_left3A_277 : vector<16xi32>
        %bitcast_convert_type3A_279 = tpu.bitcast %shift_left3A_278 : vector<16xi32> -> vector<16xf32>
        %shift_left3A_280 = arith.constant 16 : i32
        %shift_left3A_281 = vector.broadcast %shift_left3A_280 : i32 to vector<16xi32>
        %shift_left3A_282 = arith.shli %get3A_275, %shift_left3A_281 : vector<16xi32>
        %bitcast_convert_type3A_283 = tpu.bitcast %shift_left3A_282 : vector<16xi32> -> vector<16xf32>
        %add3A_284 = arith.addf %bitcast_convert_type3A_279, %bitcast_convert_type3A_283 : vector<16xf32>
        %swap3A_285 = arith.index_cast %scan3A_150 : i32 to index
        %swap3A_286 = arith.constant 48 : index
        %swap3A_287 = tpu.vector_load %arg10[%swap3A_285, %swap3A_286] {strides = array<i32>} : memref<32x768xf32, #tpu.memory_space<vmem>>, vector<16xf32>,
        tpu.vector_store %arg10[%swap3A_285, %swap3A_286], %add3A_284 {strides = array<i32>} : memref<32x768xf32, #tpu.memory_space<vmem>>, vector<16xf32>,
        %and3A_288 = arith.constant -65536 : i32
        %and3A_289 = vector.broadcast %and3A_288 : i32 to vector<16xi32>
        %and3A_290 = arith.andi %get3A_268, %and3A_289 : vector<16xi32>
        %bitcast_convert_type3A_291 = tpu.bitcast %and3A_290 : vector<16xi32> -> vector<16xf32>
        %and3A_292 = arith.constant -65536 : i32
        %and3A_293 = vector.broadcast %and3A_292 : i32 to vector<16xi32>
        %and3A_294 = arith.andi %get3A_275, %and3A_293 : vector<16xi32>
        %bitcast_convert_type3A_295 = tpu.bitcast %and3A_294 : vector<16xi32> -> vector<16xf32>
        %add3A_296 = arith.addf %bitcast_convert_type3A_291, %bitcast_convert_type3A_295 : vector<16xf32>
        %swap3A_297 = arith.index_cast %scan3A_150 : i32 to index
        %swap3A_298 = arith.constant 432 : index
        %swap3A_299 = tpu.vector_load %arg10[%swap3A_297, %swap3A_298] {strides = array<i32>} : memref<32x768xf32, #tpu.memory_space<vmem>>, vector<16xf32>,
        tpu.vector_store %arg10[%swap3A_297, %swap3A_298], %add3A_296 {strides = array<i32>} : memref<32x768xf32, #tpu.memory_space<vmem>>, vector<16xf32>,
        %get3A_300 = arith.constant 0 : i32
        %get3A_301 = arith.constant 0 : i32
        %get3A_302 = tpu.memref_slice %arg8[%select_n3A_63, %get3A_300, %get3A_301] : memref<2x32x384xi32, #tpu.memory_space<vmem>> -> memref<1x32x384xi32, #tpu.memory_space<vmem>>
        %get3A_303 = tpu.memref_squeeze %get3A_302 : memref<1x32x384xi32, #tpu.memory_space<vmem>> -> memref<32x384xi32, #tpu.memory_space<vmem>>
        %get3A_304 = arith.index_cast %scan3A_150 : i32 to index
        %get3A_305 = arith.constant 64 : index
        %get3A_306 = tpu.vector_load %get3A_303[%get3A_304, %get3A_305] {strides = array<i32>} : memref<32x384xi32, #tpu.memory_space<vmem>>, vector<16xi32>,
        %get3A_307 = arith.constant 0 : i32
        %get3A_308 = arith.constant 0 : i32
        %get3A_309 = tpu.memref_slice %arg9[%select_n3A_63, %get3A_307, %get3A_308] : memref<2x32x384xi32, #tpu.memory_space<vmem>> -> memref<1x32x384xi32, #tpu.memory_space<vmem>>
        %get3A_310 = tpu.memref_squeeze %get3A_309 : memref<1x32x384xi32, #tpu.memory_space<vmem>> -> memref<32x384xi32, #tpu.memory_space<vmem>>
        %get3A_311 = arith.index_cast %scan3A_150 : i32 to index
        %get3A_312 = arith.constant 64 : index
        %get3A_313 = tpu.vector_load %get3A_310[%get3A_311, %get3A_312] {strides = array<i32>} : memref<32x384xi32, #tpu.memory_space<vmem>>, vector<16xi32>,
        %shift_left3A_314 = arith.constant 16 : i32
        %shift_left3A_315 = vector.broadcast %shift_left3A_314 : i32 to vector<16xi32>
        %shift_left3A_316 = arith.shli %get3A_306, %shift_left3A_315 : vector<16xi32>
        %bitcast_convert_type3A_317 = tpu.bitcast %shift_left3A_316 : vector<16xi32> -> vector<16xf32>
        %shift_left3A_318 = arith.constant 16 : i32
        %shift_left3A_319 = vector.broadcast %shift_left3A_318 : i32 to vector<16xi32>
        %shift_left3A_320 = arith.shli %get3A_313, %shift_left3A_319 : vector<16xi32>
        %bitcast_convert_type3A_321 = tpu.bitcast %shift_left3A_320 : vector<16xi32> -> vector<16xf32>
        %add3A_322 = arith.addf %bitcast_convert_type3A_317, %bitcast_convert_type3A_321 : vector<16xf32>
        %swap3A_323 = arith.index_cast %scan3A_150 : i32 to index
        %swap3A_324 = arith.constant 64 : index
        %swap3A_325 = tpu.vector_load %arg10[%swap3A_323, %swap3A_324] {strides = array<i32>} : memref<32x768xf32, #tpu.memory_space<vmem>>, vector<16xf32>,
        tpu.vector_store %arg10[%swap3A_323, %swap3A_324], %add3A_322 {strides = array<i32>} : memref<32x768xf32, #tpu.memory_space<vmem>>, vector<16xf32>,
        %and3A_326 = arith.constant -65536 : i32
        %and3A_327 = vector.broadcast %and3A_326 : i32 to vector<16xi32>
        %and3A_328 = arith.andi %get3A_306, %and3A_327 : vector<16xi32>
        %bitcast_convert_type3A_329 = tpu.bitcast %and3A_328 : vector<16xi32> -> vector<16xf32>
        %and3A_330 = arith.constant -65536 : i32
        %and3A_331 = vector.broadcast %and3A_330 : i32 to vector<16xi32>
        %and3A_332 = arith.andi %get3A_313, %and3A_331 : vector<16xi32>
        %bitcast_convert_type3A_333 = tpu.bitcast %and3A_332 : vector<16xi32> -> vector<16xf32>
        %add3A_334 = arith.addf %bitcast_convert_type3A_329, %bitcast_convert_type3A_333 : vector<16xf32>
        %swap3A_335 = arith.index_cast %scan3A_150 : i32 to index
        %swap3A_336 = arith.constant 448 : index
        %swap3A_337 = tpu.vector_load %arg10[%swap3A_335, %swap3A_336] {strides = array<i32>} : memref<32x768xf32, #tpu.memory_space<vmem>>, vector<16xf32>,
        tpu.vector_store %arg10[%swap3A_335, %swap3A_336], %add3A_334 {strides = array<i32>} : memref<32x768xf32, #tpu.memory_space<vmem>>, vector<16xf32>,
        %get3A_338 = arith.constant 0 : i32
        %get3A_339 = arith.constant 0 : i32
        %get3A_340 = tpu.memref_slice %arg8[%select_n3A_63, %get3A_338, %get3A_339] : memref<2x32x384xi32, #tpu.memory_space<vmem>> -> memref<1x32x384xi32, #tpu.memory_space<vmem>>
        %get3A_341 = tpu.memref_squeeze %get3A_340 : memref<1x32x384xi32, #tpu.memory_space<vmem>> -> memref<32x384xi32, #tpu.memory_space<vmem>>
        %get3A_342 = arith.index_cast %scan3A_150 : i32 to index
        %get3A_343 = arith.constant 80 : index
        %get3A_344 = tpu.vector_load %get3A_341[%get3A_342, %get3A_343] {strides = array<i32>} : memref<32x384xi32, #tpu.memory_space<vmem>>, vector<16xi32>,
        %get3A_345 = arith.constant 0 : i32
        %get3A_346 = arith.constant 0 : i32
        %get3A_347 = tpu.memref_slice %arg9[%select_n3A_63, %get3A_345, %get3A_346] : memref<2x32x384xi32, #tpu.memory_space<vmem>> -> memref<1x32x384xi32, #tpu.memory_space<vmem>>
        %get3A_348 = tpu.memref_squeeze %get3A_347 : memref<1x32x384xi32, #tpu.memory_space<vmem>> -> memref<32x384xi32, #tpu.memory_space<vmem>>
        %get3A_349 = arith.index_cast %scan3A_150 : i32 to index
        %get3A_350 = arith.constant 80 : index
        %get3A_351 = tpu.vector_load %get3A_348[%get3A_349, %get3A_350] {strides = array<i32>} : memref<32x384xi32, #tpu.memory_space<vmem>>, vector<16xi32>,
        %shift_left3A_352 = arith.constant 16 : i32
        %shift_left3A_353 = vector.broadcast %shift_left3A_352 : i32 to vector<16xi32>
        %shift_left3A_354 = arith.shli %get3A_344, %shift_left3A_353 : vector<16xi32>
        %bitcast_convert_type3A_355 = tpu.bitcast %shift_left3A_354 : vector<16xi32> -> vector<16xf32>
        %shift_left3A_356 = arith.constant 16 : i32
        %shift_left3A_357 = vector.broadcast %shift_left3A_356 : i32 to vector<16xi32>
        %shift_left3A_358 = arith.shli %get3A_351, %shift_left3A_357 : vector<16xi32>
        %bitcast_convert_type3A_359 = tpu.bitcast %shift_left3A_358 : vector<16xi32> -> vector<16xf32>
        %add3A_360 = arith.addf %bitcast_convert_type3A_355, %bitcast_convert_type3A_359 : vector<16xf32>
        %swap3A_361 = arith.index_cast %scan3A_150 : i32 to index
        %swap3A_362 = arith.constant 80 : index
        %swap3A_363 = tpu.vector_load %arg10[%swap3A_361, %swap3A_362] {strides = array<i32>} : memref<32x768xf32, #tpu.memory_space<vmem>>, vector<16xf32>,
        tpu.vector_store %arg10[%swap3A_361, %swap3A_362], %add3A_360 {strides = array<i32>} : memref<32x768xf32, #tpu.memory_space<vmem>>, vector<16xf32>,
        %and3A_364 = arith.constant -65536 : i32
        %and3A_365 = vector.broadcast %and3A_364 : i32 to vector<16xi32>
        %and3A_366 = arith.andi %get3A_344, %and3A_365 : vector<16xi32>
        %bitcast_convert_type3A_367 = tpu.bitcast %and3A_366 : vector<16xi32> -> vector<16xf32>
        %and3A_368 = arith.constant -65536 : i32
        %and3A_369 = vector.broadcast %and3A_368 : i32 to vector<16xi32>
        %and3A_370 = arith.andi %get3A_351, %and3A_369 : vector<16xi32>
        %bitcast_convert_type3A_371 = tpu.bitcast %and3A_370 : vector<16xi32> -> vector<16xf32>
        %add3A_372 = arith.addf %bitcast_convert_type3A_367, %bitcast_convert_type3A_371 : vector<16xf32>
        %swap3A_373 = arith.index_cast %scan3A_150 : i32 to index
        %swap3A_374 = arith.constant 464 : index
        %swap3A_375 = tpu.vector_load %arg10[%swap3A_373, %swap3A_374] {strides = array<i32>} : memref<32x768xf32, #tpu.memory_space<vmem>>, vector<16xf32>,
        tpu.vector_store %arg10[%swap3A_373, %swap3A_374], %add3A_372 {strides = array<i32>} : memref<32x768xf32, #tpu.memory_space<vmem>>, vector<16xf32>,
        %get3A_376 = arith.constant 0 : i32
        %get3A_377 = arith.constant 0 : i32
        %get3A_378 = tpu.memref_slice %arg8[%select_n3A_63, %get3A_376, %get3A_377] : memref<2x32x384xi32, #tpu.memory_space<vmem>> -> memref<1x32x384xi32, #tpu.memory_space<vmem>>
        %get3A_379 = tpu.memref_squeeze %get3A_378 : memref<1x32x384xi32, #tpu.memory_space<vmem>> -> memref<32x384xi32, #tpu.memory_space<vmem>>
        %get3A_380 = arith.index_cast %scan3A_150 : i32 to index
        %get3A_381 = arith.constant 96 : index
        %get3A_382 = tpu.vector_load %get3A_379[%get3A_380, %get3A_381] {strides = array<i32>} : memref<32x384xi32, #tpu.memory_space<vmem>>, vector<16xi32>,
        %get3A_383 = arith.constant 0 : i32
        %get3A_384 = arith.constant 0 : i32
        %get3A_385 = tpu.memref_slice %arg9[%select_n3A_63, %get3A_383, %get3A_384] : memref<2x32x384xi32, #tpu.memory_space<vmem>> -> memref<1x32x384xi32, #tpu.memory_space<vmem>>
        %get3A_386 = tpu.memref_squeeze %get3A_385 : memref<1x32x384xi32, #tpu.memory_space<vmem>> -> memref<32x384xi32, #tpu.memory_space<vmem>>
        %get3A_387 = arith.index_cast %scan3A_150 : i32 to index
        %get3A_388 = arith.constant 96 : index
        %get3A_389 = tpu.vector_load %get3A_386[%get3A_387, %get3A_388] {strides = array<i32>} : memref<32x384xi32, #tpu.memory_space<vmem>>, vector<16xi32>,
        %shift_left3A_390 = arith.constant 16 : i32
        %shift_left3A_391 = vector.broadcast %shift_left3A_390 : i32 to vector<16xi32>
        %shift_left3A_392 = arith.shli %get3A_382, %shift_left3A_391 : vector<16xi32>
        %bitcast_convert_type3A_393 = tpu.bitcast %shift_left3A_392 : vector<16xi32> -> vector<16xf32>
        %shift_left3A_394 = arith.constant 16 : i32
        %shift_left3A_395 = vector.broadcast %shift_left3A_394 : i32 to vector<16xi32>
        %shift_left3A_396 = arith.shli %get3A_389, %shift_left3A_395 : vector<16xi32>
        %bitcast_convert_type3A_397 = tpu.bitcast %shift_left3A_396 : vector<16xi32> -> vector<16xf32>
        %add3A_398 = arith.addf %bitcast_convert_type3A_393, %bitcast_convert_type3A_397 : vector<16xf32>
        %swap3A_399 = arith.index_cast %scan3A_150 : i32 to index
        %swap3A_400 = arith.constant 96 : index
        %swap3A_401 = tpu.vector_load %arg10[%swap3A_399, %swap3A_400] {strides = array<i32>} : memref<32x768xf32, #tpu.memory_space<vmem>>, vector<16xf32>,
        tpu.vector_store %arg10[%swap3A_399, %swap3A_400], %add3A_398 {strides = array<i32>} : memref<32x768xf32, #tpu.memory_space<vmem>>, vector<16xf32>,
        %and3A_402 = arith.constant -65536 : i32
        %and3A_403 = vector.broadcast %and3A_402 : i32 to vector<16xi32>
        %and3A_404 = arith.andi %get3A_382, %and3A_403 : vector<16xi32>
        %bitcast_convert_type3A_405 = tpu.bitcast %and3A_404 : vector<16xi32> -> vector<16xf32>
        %and3A_406 = arith.constant -65536 : i32
        %and3A_407 = vector.broadcast %and3A_406 : i32 to vector<16xi32>
        %and3A_408 = arith.andi %get3A_389, %and3A_407 : vector<16xi32>
        %bitcast_convert_type3A_409 = tpu.bitcast %and3A_408 : vector<16xi32> -> vector<16xf32>
        %add3A_410 = arith.addf %bitcast_convert_type3A_405, %bitcast_convert_type3A_409 : vector<16xf32>
        %swap3A_411 = arith.index_cast %scan3A_150 : i32 to index
        %swap3A_412 = arith.constant 480 : index
        %swap3A_413 = tpu.vector_load %arg10[%swap3A_411, %swap3A_412] {strides = array<i32>} : memref<32x768xf32, #tpu.memory_space<vmem>>, vector<16xf32>,
        tpu.vector_store %arg10[%swap3A_411, %swap3A_412], %add3A_410 {strides = array<i32>} : memref<32x768xf32, #tpu.memory_space<vmem>>, vector<16xf32>,
        %get3A_414 = arith.constant 0 : i32
        %get3A_415 = arith.constant 0 : i32
        %get3A_416 = tpu.memref_slice %arg8[%select_n3A_63, %get3A_414, %get3A_415] : memref<2x32x384xi32, #tpu.memory_space<vmem>> -> memref<1x32x384xi32, #tpu.memory_space<vmem>>
        %get3A_417 = tpu.memref_squeeze %get3A_416 : memref<1x32x384xi32, #tpu.memory_space<vmem>> -> memref<32x384xi32, #tpu.memory_space<vmem>>
        %get3A_418 = arith.index_cast %scan3A_150 : i32 to index
        %get3A_419 = arith.constant 112 : index
        %get3A_420 = tpu.vector_load %get3A_417[%get3A_418, %get3A_419] {strides = array<i32>} : memref<32x384xi32, #tpu.memory_space<vmem>>, vector<16xi32>,
        %get3A_421 = arith.constant 0 : i32
        %get3A_422 = arith.constant 0 : i32
        %get3A_423 = tpu.memref_slice %arg9[%select_n3A_63, %get3A_421, %get3A_422] : memref<2x32x384xi32, #tpu.memory_space<vmem>> -> memref<1x32x384xi32, #tpu.memory_space<vmem>>
        %get3A_424 = tpu.memref_squeeze %get3A_423 : memref<1x32x384xi32, #tpu.memory_space<vmem>> -> memref<32x384xi32, #tpu.memory_space<vmem>>
        %get3A_425 = arith.index_cast %scan3A_150 : i32 to index
        %get3A_426 = arith.constant 112 : index
        %get3A_427 = tpu.vector_load %get3A_424[%get3A_425, %get3A_426] {strides = array<i32>} : memref<32x384xi32, #tpu.memory_space<vmem>>, vector<16xi32>,
        %shift_left3A_428 = arith.constant 16 : i32
        %shift_left3A_429 = vector.broadcast %shift_left3A_428 : i32 to vector<16xi32>
        %shift_left3A_430 = arith.shli %get3A_420, %shift_left3A_429 : vector<16xi32>
        %bitcast_convert_type3A_431 = tpu.bitcast %shift_left3A_430 : vector<16xi32> -> vector<16xf32>
        %shift_left3A_432 = arith.constant 16 : i32
        %shift_left3A_433 = vector.broadcast %shift_left3A_432 : i32 to vector<16xi32>
        %shift_left3A_434 = arith.shli %get3A_427, %shift_left3A_433 : vector<16xi32>
        %bitcast_convert_type3A_435 = tpu.bitcast %shift_left3A_434 : vector<16xi32> -> vector<16xf32>
        %add3A_436 = arith.addf %bitcast_convert_type3A_431, %bitcast_convert_type3A_435 : vector<16xf32>
        %swap3A_437 = arith.index_cast %scan3A_150 : i32 to index
        %swap3A_438 = arith.constant 112 : index
        %swap3A_439 = tpu.vector_load %arg10[%swap3A_437, %swap3A_438] {strides = array<i32>} : memref<32x768xf32, #tpu.memory_space<vmem>>, vector<16xf32>,
        tpu.vector_store %arg10[%swap3A_437, %swap3A_438], %add3A_436 {strides = array<i32>} : memref<32x768xf32, #tpu.memory_space<vmem>>, vector<16xf32>,
        %and3A_440 = arith.constant -65536 : i32
        %and3A_441 = vector.broadcast %and3A_440 : i32 to vector<16xi32>
        %and3A_442 = arith.andi %get3A_420, %and3A_441 : vector<16xi32>
        %bitcast_convert_type3A_443 = tpu.bitcast %and3A_442 : vector<16xi32> -> vector<16xf32>
        %and3A_444 = arith.constant -65536 : i32
        %and3A_445 = vector.broadcast %and3A_444 : i32 to vector<16xi32>
        %and3A_446 = arith.andi %get3A_427, %and3A_445 : vector<16xi32>
        %bitcast_convert_type3A_447 = tpu.bitcast %and3A_446 : vector<16xi32> -> vector<16xf32>
        %add3A_448 = arith.addf %bitcast_convert_type3A_443, %bitcast_convert_type3A_447 : vector<16xf32>
        %swap3A_449 = arith.index_cast %scan3A_150 : i32 to index
        %swap3A_450 = arith.constant 496 : index
        %swap3A_451 = tpu.vector_load %arg10[%swap3A_449, %swap3A_450] {strides = array<i32>} : memref<32x768xf32, #tpu.memory_space<vmem>>, vector<16xf32>,
        tpu.vector_store %arg10[%swap3A_449, %swap3A_450], %add3A_448 {strides = array<i32>} : memref<32x768xf32, #tpu.memory_space<vmem>>, vector<16xf32>,
        %get3A_452 = arith.constant 0 : i32
        %get3A_453 = arith.constant 0 : i32
        %get3A_454 = tpu.memref_slice %arg8[%select_n3A_63, %get3A_452, %get3A_453] : memref<2x32x384xi32, #tpu.memory_space<vmem>> -> memref<1x32x384xi32, #tpu.memory_space<vmem>>
        %get3A_455 = tpu.memref_squeeze %get3A_454 : memref<1x32x384xi32, #tpu.memory_space<vmem>> -> memref<32x384xi32, #tpu.memory_space<vmem>>
        %get3A_456 = arith.index_cast %scan3A_150 : i32 to index
        %get3A_457 = arith.constant 128 : index
        %get3A_458 = tpu.vector_load %get3A_455[%get3A_456, %get3A_457] {strides = array<i32>} : memref<32x384xi32, #tpu.memory_space<vmem>>, vector<16xi32>,
        %get3A_459 = arith.constant 0 : i32
        %get3A_460 = arith.constant 0 : i32
        %get3A_461 = tpu.memref_slice %arg9[%select_n3A_63, %get3A_459, %get3A_460] : memref<2x32x384xi32, #tpu.memory_space<vmem>> -> memref<1x32x384xi32, #tpu.memory_space<vmem>>
        %get3A_462 = tpu.memref_squeeze %get3A_461 : memref<1x32x384xi32, #tpu.memory_space<vmem>> -> memref<32x384xi32, #tpu.memory_space<vmem>>
        %get3A_463 = arith.index_cast %scan3A_150 : i32 to index
        %get3A_464 = arith.constant 128 : index
        %get3A_465 = tpu.vector_load %get3A_462[%get3A_463, %get3A_464] {strides = array<i32>} : memref<32x384xi32, #tpu.memory_space<vmem>>, vector<16xi32>,
        %shift_left3A_466 = arith.constant 16 : i32
        %shift_left3A_467 = vector.broadcast %shift_left3A_466 : i32 to vector<16xi32>
        %shift_left3A_468 = arith.shli %get3A_458, %shift_left3A_467 : vector<16xi32>
        %bitcast_convert_type3A_469 = tpu.bitcast %shift_left3A_468 : vector<16xi32> -> vector<16xf32>
        %shift_left3A_470 = arith.constant 16 : i32
        %shift_left3A_471 = vector.broadcast %shift_left3A_470 : i32 to vector<16xi32>
        %shift_left3A_472 = arith.shli %get3A_465, %shift_left3A_471 : vector<16xi32>
        %bitcast_convert_type3A_473 = tpu.bitcast %shift_left3A_472 : vector<16xi32> -> vector<16xf32>
        %add3A_474 = arith.addf %bitcast_convert_type3A_469, %bitcast_convert_type3A_473 : vector<16xf32>
        %swap3A_475 = arith.index_cast %scan3A_150 : i32 to index
        %swap3A_476 = arith.constant 128 : index
        %swap3A_477 = tpu.vector_load %arg10[%swap3A_475, %swap3A_476] {strides = array<i32>} : memref<32x768xf32, #tpu.memory_space<vmem>>, vector<16xf32>,
        tpu.vector_store %arg10[%swap3A_475, %swap3A_476], %add3A_474 {strides = array<i32>} : memref<32x768xf32, #tpu.memory_space<vmem>>, vector<16xf32>,
        %and3A_478 = arith.constant -65536 : i32
        %and3A_479 = vector.broadcast %and3A_478 : i32 to vector<16xi32>
        %and3A_480 = arith.andi %get3A_458, %and3A_479 : vector<16xi32>
        %bitcast_convert_type3A_481 = tpu.bitcast %and3A_480 : vector<16xi32> -> vector<16xf32>
        %and3A_482 = arith.constant -65536 : i32
        %and3A_483 = vector.broadcast %and3A_482 : i32 to vector<16xi32>
        %and3A_484 = arith.andi %get3A_465, %and3A_483 : vector<16xi32>
        %bitcast_convert_type3A_485 = tpu.bitcast %and3A_484 : vector<16xi32> -> vector<16xf32>
        %add3A_486 = arith.addf %bitcast_convert_type3A_481, %bitcast_convert_type3A_485 : vector<16xf32>
        %swap3A_487 = arith.index_cast %scan3A_150 : i32 to index
        %swap3A_488 = arith.constant 512 : index
        %swap3A_489 = tpu.vector_load %arg10[%swap3A_487, %swap3A_488] {strides = array<i32>} : memref<32x768xf32, #tpu.memory_space<vmem>>, vector<16xf32>,
        tpu.vector_store %arg10[%swap3A_487, %swap3A_488], %add3A_486 {strides = array<i32>} : memref<32x768xf32, #tpu.memory_space<vmem>>, vector<16xf32>,
        %get3A_490 = arith.constant 0 : i32
        %get3A_491 = arith.constant 0 : i32
        %get3A_492 = tpu.memref_slice %arg8[%select_n3A_63, %get3A_490, %get3A_491] : memref<2x32x384xi32, #tpu.memory_space<vmem>> -> memref<1x32x384xi32, #tpu.memory_space<vmem>>
        %get3A_493 = tpu.memref_squeeze %get3A_492 : memref<1x32x384xi32, #tpu.memory_space<vmem>> -> memref<32x384xi32, #tpu.memory_space<vmem>>
        %get3A_494 = arith.index_cast %scan3A_150 : i32 to index
        %get3A_495 = arith.constant 144 : index
        %get3A_496 = tpu.vector_load %get3A_493[%get3A_494, %get3A_495] {strides = array<i32>} : memref<32x384xi32, #tpu.memory_space<vmem>>, vector<16xi32>,
        %get3A_497 = arith.constant 0 : i32
        %get3A_498 = arith.constant 0 : i32
        %get3A_499 = tpu.memref_slice %arg9[%select_n3A_63, %get3A_497, %get3A_498] : memref<2x32x384xi32, #tpu.memory_space<vmem>> -> memref<1x32x384xi32, #tpu.memory_space<vmem>>
        %get3A_500 = tpu.memref_squeeze %get3A_499 : memref<1x32x384xi32, #tpu.memory_space<vmem>> -> memref<32x384xi32, #tpu.memory_space<vmem>>
        %get3A_501 = arith.index_cast %scan3A_150 : i32 to index
        %get3A_502 = arith.constant 144 : index
        %get3A_503 = tpu.vector_load %get3A_500[%get3A_501, %get3A_502] {strides = array<i32>} : memref<32x384xi32, #tpu.memory_space<vmem>>, vector<16xi32>,
        %shift_left3A_504 = arith.constant 16 : i32
        %shift_left3A_505 = vector.broadcast %shift_left3A_504 : i32 to vector<16xi32>
        %shift_left3A_506 = arith.shli %get3A_496, %shift_left3A_505 : vector<16xi32>
        %bitcast_convert_type3A_507 = tpu.bitcast %shift_left3A_506 : vector<16xi32> -> vector<16xf32>
        %shift_left3A_508 = arith.constant 16 : i32
        %shift_left3A_509 = vector.broadcast %shift_left3A_508 : i32 to vector<16xi32>
        %shift_left3A_510 = arith.shli %get3A_503, %shift_left3A_509 : vector<16xi32>
        %bitcast_convert_type3A_511 = tpu.bitcast %shift_left3A_510 : vector<16xi32> -> vector<16xf32>
        %add3A_512 = arith.addf %bitcast_convert_type3A_507, %bitcast_convert_type3A_511 : vector<16xf32>
        %swap3A_513 = arith.index_cast %scan3A_150 : i32 to index
        %swap3A_514 = arith.constant 144 : index
        %swap3A_515 = tpu.vector_load %arg10[%swap3A_513, %swap3A_514] {strides = array<i32>} : memref<32x768xf32, #tpu.memory_space<vmem>>, vector<16xf32>,
        tpu.vector_store %arg10[%swap3A_513, %swap3A_514], %add3A_512 {strides = array<i32>} : memref<32x768xf32, #tpu.memory_space<vmem>>, vector<16xf32>,
        %and3A_516 = arith.constant -65536 : i32
        %and3A_517 = vector.broadcast %and3A_516 : i32 to vector<16xi32>
        %and3A_518 = arith.andi %get3A_496, %and3A_517 : vector<16xi32>
        %bitcast_convert_type3A_519 = tpu.bitcast %and3A_518 : vector<16xi32> -> vector<16xf32>
        %and3A_520 = arith.constant -65536 : i32
        %and3A_521 = vector.broadcast %and3A_520 : i32 to vector<16xi32>
        %and3A_522 = arith.andi %get3A_503, %and3A_521 : vector<16xi32>
        %bitcast_convert_type3A_523 = tpu.bitcast %and3A_522 : vector<16xi32> -> vector<16xf32>
        %add3A_524 = arith.addf %bitcast_convert_type3A_519, %bitcast_convert_type3A_523 : vector<16xf32>
        %swap3A_525 = arith.index_cast %scan3A_150 : i32 to index
        %swap3A_526 = arith.constant 528 : index
        %swap3A_527 = tpu.vector_load %arg10[%swap3A_525, %swap3A_526] {strides = array<i32>} : memref<32x768xf32, #tpu.memory_space<vmem>>, vector<16xf32>,
        tpu.vector_store %arg10[%swap3A_525, %swap3A_526], %add3A_524 {strides = array<i32>} : memref<32x768xf32, #tpu.memory_space<vmem>>, vector<16xf32>,
        %get3A_528 = arith.constant 0 : i32
        %get3A_529 = arith.constant 0 : i32
        %get3A_530 = tpu.memref_slice %arg8[%select_n3A_63, %get3A_528, %get3A_529] : memref<2x32x384xi32, #tpu.memory_space<vmem>> -> memref<1x32x384xi32, #tpu.memory_space<vmem>>
        %get3A_531 = tpu.memref_squeeze %get3A_530 : memref<1x32x384xi32, #tpu.memory_space<vmem>> -> memref<32x384xi32, #tpu.memory_space<vmem>>
        %get3A_532 = arith.index_cast %scan3A_150 : i32 to index
        %get3A_533 = arith.constant 160 : index
        %get3A_534 = tpu.vector_load %get3A_531[%get3A_532, %get3A_533] {strides = array<i32>} : memref<32x384xi32, #tpu.memory_space<vmem>>, vector<16xi32>,
        %get3A_535 = arith.constant 0 : i32
        %get3A_536 = arith.constant 0 : i32
        %get3A_537 = tpu.memref_slice %arg9[%select_n3A_63, %get3A_535, %get3A_536] : memref<2x32x384xi32, #tpu.memory_space<vmem>> -> memref<1x32x384xi32, #tpu.memory_space<vmem>>
        %get3A_538 = tpu.memref_squeeze %get3A_537 : memref<1x32x384xi32, #tpu.memory_space<vmem>> -> memref<32x384xi32, #tpu.memory_space<vmem>>
        %get3A_539 = arith.index_cast %scan3A_150 : i32 to index
        %get3A_540 = arith.constant 160 : index
        %get3A_541 = tpu.vector_load %get3A_538[%get3A_539, %get3A_540] {strides = array<i32>} : memref<32x384xi32, #tpu.memory_space<vmem>>, vector<16xi32>,
        %shift_left3A_542 = arith.constant 16 : i32
        %shift_left3A_543 = vector.broadcast %shift_left3A_542 : i32 to vector<16xi32>
        %shift_left3A_544 = arith.shli %get3A_534, %shift_left3A_543 : vector<16xi32>
        %bitcast_convert_type3A_545 = tpu.bitcast %shift_left3A_544 : vector<16xi32> -> vector<16xf32>
        %shift_left3A_546 = arith.constant 16 : i32
        %shift_left3A_547 = vector.broadcast %shift_left3A_546 : i32 to vector<16xi32>
        %shift_left3A_548 = arith.shli %get3A_541, %shift_left3A_547 : vector<16xi32>
        %bitcast_convert_type3A_549 = tpu.bitcast %shift_left3A_548 : vector<16xi32> -> vector<16xf32>
        %add3A_550 = arith.addf %bitcast_convert_type3A_545, %bitcast_convert_type3A_549 : vector<16xf32>
        %swap3A_551 = arith.index_cast %scan3A_150 : i32 to index
        %swap3A_552 = arith.constant 160 : index
        %swap3A_553 = tpu.vector_load %arg10[%swap3A_551, %swap3A_552] {strides = array<i32>} : memref<32x768xf32, #tpu.memory_space<vmem>>, vector<16xf32>,
        tpu.vector_store %arg10[%swap3A_551, %swap3A_552], %add3A_550 {strides = array<i32>} : memref<32x768xf32, #tpu.memory_space<vmem>>, vector<16xf32>,
        %and3A_554 = arith.constant -65536 : i32
        %and3A_555 = vector.broadcast %and3A_554 : i32 to vector<16xi32>
        %and3A_556 = arith.andi %get3A_534, %and3A_555 : vector<16xi32>
        %bitcast_convert_type3A_557 = tpu.bitcast %and3A_556 : vector<16xi32> -> vector<16xf32>
        %and3A_558 = arith.constant -65536 : i32
        %and3A_559 = vector.broadcast %and3A_558 : i32 to vector<16xi32>
        %and3A_560 = arith.andi %get3A_541, %and3A_559 : vector<16xi32>
        %bitcast_convert_type3A_561 = tpu.bitcast %and3A_560 : vector<16xi32> -> vector<16xf32>
        %add3A_562 = arith.addf %bitcast_convert_type3A_557, %bitcast_convert_type3A_561 : vector<16xf32>
        %swap3A_563 = arith.index_cast %scan3A_150 : i32 to index
        %swap3A_564 = arith.constant 544 : index
        %swap3A_565 = tpu.vector_load %arg10[%swap3A_563, %swap3A_564] {strides = array<i32>} : memref<32x768xf32, #tpu.memory_space<vmem>>, vector<16xf32>,
        tpu.vector_store %arg10[%swap3A_563, %swap3A_564], %add3A_562 {strides = array<i32>} : memref<32x768xf32, #tpu.memory_space<vmem>>, vector<16xf32>,
        %get3A_566 = arith.constant 0 : i32
        %get3A_567 = arith.constant 0 : i32
        %get3A_568 = tpu.memref_slice %arg8[%select_n3A_63, %get3A_566, %get3A_567] : memref<2x32x384xi32, #tpu.memory_space<vmem>> -> memref<1x32x384xi32, #tpu.memory_space<vmem>>
        %get3A_569 = tpu.memref_squeeze %get3A_568 : memref<1x32x384xi32, #tpu.memory_space<vmem>> -> memref<32x384xi32, #tpu.memory_space<vmem>>
        %get3A_570 = arith.index_cast %scan3A_150 : i32 to index
        %get3A_571 = arith.constant 176 : index
        %get3A_572 = tpu.vector_load %get3A_569[%get3A_570, %get3A_571] {strides = array<i32>} : memref<32x384xi32, #tpu.memory_space<vmem>>, vector<16xi32>,
        %get3A_573 = arith.constant 0 : i32
        %get3A_574 = arith.constant 0 : i32
        %get3A_575 = tpu.memref_slice %arg9[%select_n3A_63, %get3A_573, %get3A_574] : memref<2x32x384xi32, #tpu.memory_space<vmem>> -> memref<1x32x384xi32, #tpu.memory_space<vmem>>
        %get3A_576 = tpu.memref_squeeze %get3A_575 : memref<1x32x384xi32, #tpu.memory_space<vmem>> -> memref<32x384xi32, #tpu.memory_space<vmem>>
        %get3A_577 = arith.index_cast %scan3A_150 : i32 to index
        %get3A_578 = arith.constant 176 : index
        %get3A_579 = tpu.vector_load %get3A_576[%get3A_577, %get3A_578] {strides = array<i32>} : memref<32x384xi32, #tpu.memory_space<vmem>>, vector<16xi32>,
        %shift_left3A_580 = arith.constant 16 : i32
        %shift_left3A_581 = vector.broadcast %shift_left3A_580 : i32 to vector<16xi32>
        %shift_left3A_582 = arith.shli %get3A_572, %shift_left3A_581 : vector<16xi32>
        %bitcast_convert_type3A_583 = tpu.bitcast %shift_left3A_582 : vector<16xi32> -> vector<16xf32>
        %shift_left3A_584 = arith.constant 16 : i32
        %shift_left3A_585 = vector.broadcast %shift_left3A_584 : i32 to vector<16xi32>
        %shift_left3A_586 = arith.shli %get3A_579, %shift_left3A_585 : vector<16xi32>
        %bitcast_convert_type3A_587 = tpu.bitcast %shift_left3A_586 : vector<16xi32> -> vector<16xf32>
        %add3A_588 = arith.addf %bitcast_convert_type3A_583, %bitcast_convert_type3A_587 : vector<16xf32>
        %swap3A_589 = arith.index_cast %scan3A_150 : i32 to index
        %swap3A_590 = arith.constant 176 : index
        %swap3A_591 = tpu.vector_load %arg10[%swap3A_589, %swap3A_590] {strides = array<i32>} : memref<32x768xf32, #tpu.memory_space<vmem>>, vector<16xf32>,
        tpu.vector_store %arg10[%swap3A_589, %swap3A_590], %add3A_588 {strides = array<i32>} : memref<32x768xf32, #tpu.memory_space<vmem>>, vector<16xf32>,
        %and3A_592 = arith.constant -65536 : i32
        %and3A_593 = vector.broadcast %and3A_592 : i32 to vector<16xi32>
        %and3A_594 = arith.andi %get3A_572, %and3A_593 : vector<16xi32>
        %bitcast_convert_type3A_595 = tpu.bitcast %and3A_594 : vector<16xi32> -> vector<16xf32>
        %and3A_596 = arith.constant -65536 : i32
        %and3A_597 = vector.broadcast %and3A_596 : i32 to vector<16xi32>
        %and3A_598 = arith.andi %get3A_579, %and3A_597 : vector<16xi32>
        %bitcast_convert_type3A_599 = tpu.bitcast %and3A_598 : vector<16xi32> -> vector<16xf32>
        %add3A_600 = arith.addf %bitcast_convert_type3A_595, %bitcast_convert_type3A_599 : vector<16xf32>
        %swap3A_601 = arith.index_cast %scan3A_150 : i32 to index
        %swap3A_602 = arith.constant 560 : index
        %swap3A_603 = tpu.vector_load %arg10[%swap3A_601, %swap3A_602] {strides = array<i32>} : memref<32x768xf32, #tpu.memory_space<vmem>>, vector<16xf32>,
        tpu.vector_store %arg10[%swap3A_601, %swap3A_602], %add3A_600 {strides = array<i32>} : memref<32x768xf32, #tpu.memory_space<vmem>>, vector<16xf32>,
        %get3A_604 = arith.constant 0 : i32
        %get3A_605 = arith.constant 0 : i32
        %get3A_606 = tpu.memref_slice %arg8[%select_n3A_63, %get3A_604, %get3A_605] : memref<2x32x384xi32, #tpu.memory_space<vmem>> -> memref<1x32x384xi32, #tpu.memory_space<vmem>>
        %get3A_607 = tpu.memref_squeeze %get3A_606 : memref<1x32x384xi32, #tpu.memory_space<vmem>> -> memref<32x384xi32, #tpu.memory_space<vmem>>
        %get3A_608 = arith.index_cast %scan3A_150 : i32 to index
        %get3A_609 = arith.constant 192 : index
        %get3A_610 = tpu.vector_load %get3A_607[%get3A_608, %get3A_609] {strides = array<i32>} : memref<32x384xi32, #tpu.memory_space<vmem>>, vector<16xi32>,
        %get3A_611 = arith.constant 0 : i32
        %get3A_612 = arith.constant 0 : i32
        %get3A_613 = tpu.memref_slice %arg9[%select_n3A_63, %get3A_611, %get3A_612] : memref<2x32x384xi32, #tpu.memory_space<vmem>> -> memref<1x32x384xi32, #tpu.memory_space<vmem>>
        %get3A_614 = tpu.memref_squeeze %get3A_613 : memref<1x32x384xi32, #tpu.memory_space<vmem>> -> memref<32x384xi32, #tpu.memory_space<vmem>>
        %get3A_615 = arith.index_cast %scan3A_150 : i32 to index
        %get3A_616 = arith.constant 192 : index
        %get3A_617 = tpu.vector_load %get3A_614[%get3A_615, %get3A_616] {strides = array<i32>} : memref<32x384xi32, #tpu.memory_space<vmem>>, vector<16xi32>,
        %shift_left3A_618 = arith.constant 16 : i32
        %shift_left3A_619 = vector.broadcast %shift_left3A_618 : i32 to vector<16xi32>
        %shift_left3A_620 = arith.shli %get3A_610, %shift_left3A_619 : vector<16xi32>
        %bitcast_convert_type3A_621 = tpu.bitcast %shift_left3A_620 : vector<16xi32> -> vector<16xf32>
        %shift_left3A_622 = arith.constant 16 : i32
        %shift_left3A_623 = vector.broadcast %shift_left3A_622 : i32 to vector<16xi32>
        %shift_left3A_624 = arith.shli %get3A_617, %shift_left3A_623 : vector<16xi32>
        %bitcast_convert_type3A_625 = tpu.bitcast %shift_left3A_624 : vector<16xi32> -> vector<16xf32>
        %add3A_626 = arith.addf %bitcast_convert_type3A_621, %bitcast_convert_type3A_625 : vector<16xf32>
        %swap3A_627 = arith.index_cast %scan3A_150 : i32 to index
        %swap3A_628 = arith.constant 192 : index
        %swap3A_629 = tpu.vector_load %arg10[%swap3A_627, %swap3A_628] {strides = array<i32>} : memref<32x768xf32, #tpu.memory_space<vmem>>, vector<16xf32>,
        tpu.vector_store %arg10[%swap3A_627, %swap3A_628], %add3A_626 {strides = array<i32>} : memref<32x768xf32, #tpu.memory_space<vmem>>, vector<16xf32>,
        %and3A_630 = arith.constant -65536 : i32
        %and3A_631 = vector.broadcast %and3A_630 : i32 to vector<16xi32>
        %and3A_632 = arith.andi %get3A_610, %and3A_631 : vector<16xi32>
        %bitcast_convert_type3A_633 = tpu.bitcast %and3A_632 : vector<16xi32> -> vector<16xf32>
        %and3A_634 = arith.constant -65536 : i32
        %and3A_635 = vector.broadcast %and3A_634 : i32 to vector<16xi32>
        %and3A_636 = arith.andi %get3A_617, %and3A_635 : vector<16xi32>
        %bitcast_convert_type3A_637 = tpu.bitcast %and3A_636 : vector<16xi32> -> vector<16xf32>
        %add3A_638 = arith.addf %bitcast_convert_type3A_633, %bitcast_convert_type3A_637 : vector<16xf32>
        %swap3A_639 = arith.index_cast %scan3A_150 : i32 to index
        %swap3A_640 = arith.constant 576 : index
        %swap3A_641 = tpu.vector_load %arg10[%swap3A_639, %swap3A_640] {strides = array<i32>} : memref<32x768xf32, #tpu.memory_space<vmem>>, vector<16xf32>,
        tpu.vector_store %arg10[%swap3A_639, %swap3A_640], %add3A_638 {strides = array<i32>} : memref<32x768xf32, #tpu.memory_space<vmem>>, vector<16xf32>,
        %get3A_642 = arith.constant 0 : i32
        %get3A_643 = arith.constant 0 : i32
        %get3A_644 = tpu.memref_slice %arg8[%select_n3A_63, %get3A_642, %get3A_643] : memref<2x32x384xi32, #tpu.memory_space<vmem>> -> memref<1x32x384xi32, #tpu.memory_space<vmem>>
        %get3A_645 = tpu.memref_squeeze %get3A_644 : memref<1x32x384xi32, #tpu.memory_space<vmem>> -> memref<32x384xi32, #tpu.memory_space<vmem>>
        %get3A_646 = arith.index_cast %scan3A_150 : i32 to index
        %get3A_647 = arith.constant 208 : index
        %get3A_648 = tpu.vector_load %get3A_645[%get3A_646, %get3A_647] {strides = array<i32>} : memref<32x384xi32, #tpu.memory_space<vmem>>, vector<16xi32>,
        %get3A_649 = arith.constant 0 : i32
        %get3A_650 = arith.constant 0 : i32
        %get3A_651 = tpu.memref_slice %arg9[%select_n3A_63, %get3A_649, %get3A_650] : memref<2x32x384xi32, #tpu.memory_space<vmem>> -> memref<1x32x384xi32, #tpu.memory_space<vmem>>
        %get3A_652 = tpu.memref_squeeze %get3A_651 : memref<1x32x384xi32, #tpu.memory_space<vmem>> -> memref<32x384xi32, #tpu.memory_space<vmem>>
        %get3A_653 = arith.index_cast %scan3A_150 : i32 to index
        %get3A_654 = arith.constant 208 : index
        %get3A_655 = tpu.vector_load %get3A_652[%get3A_653, %get3A_654] {strides = array<i32>} : memref<32x384xi32, #tpu.memory_space<vmem>>, vector<16xi32>,
        %shift_left3A_656 = arith.constant 16 : i32
        %shift_left3A_657 = vector.broadcast %shift_left3A_656 : i32 to vector<16xi32>
        %shift_left3A_658 = arith.shli %get3A_648, %shift_left3A_657 : vector<16xi32>
        %bitcast_convert_type3A_659 = tpu.bitcast %shift_left3A_658 : vector<16xi32> -> vector<16xf32>
        %shift_left3A_660 = arith.constant 16 : i32
        %shift_left3A_661 = vector.broadcast %shift_left3A_660 : i32 to vector<16xi32>
        %shift_left3A_662 = arith.shli %get3A_655, %shift_left3A_661 : vector<16xi32>
        %bitcast_convert_type3A_663 = tpu.bitcast %shift_left3A_662 : vector<16xi32> -> vector<16xf32>
        %add3A_664 = arith.addf %bitcast_convert_type3A_659, %bitcast_convert_type3A_663 : vector<16xf32>
        %swap3A_665 = arith.index_cast %scan3A_150 : i32 to index
        %swap3A_666 = arith.constant 208 : index
        %swap3A_667 = tpu.vector_load %arg10[%swap3A_665, %swap3A_666] {strides = array<i32>} : memref<32x768xf32, #tpu.memory_space<vmem>>, vector<16xf32>,
        tpu.vector_store %arg10[%swap3A_665, %swap3A_666], %add3A_664 {strides = array<i32>} : memref<32x768xf32, #tpu.memory_space<vmem>>, vector<16xf32>,
        %and3A_668 = arith.constant -65536 : i32
        %and3A_669 = vector.broadcast %and3A_668 : i32 to vector<16xi32>
        %and3A_670 = arith.andi %get3A_648, %and3A_669 : vector<16xi32>
        %bitcast_convert_type3A_671 = tpu.bitcast %and3A_670 : vector<16xi32> -> vector<16xf32>
        %and3A_672 = arith.constant -65536 : i32
        %and3A_673 = vector.broadcast %and3A_672 : i32 to vector<16xi32>
        %and3A_674 = arith.andi %get3A_655, %and3A_673 : vector<16xi32>
        %bitcast_convert_type3A_675 = tpu.bitcast %and3A_674 : vector<16xi32> -> vector<16xf32>
        %add3A_676 = arith.addf %bitcast_convert_type3A_671, %bitcast_convert_type3A_675 : vector<16xf32>
        %swap3A_677 = arith.index_cast %scan3A_150 : i32 to index
        %swap3A_678 = arith.constant 592 : index
        %swap3A_679 = tpu.vector_load %arg10[%swap3A_677, %swap3A_678] {strides = array<i32>} : memref<32x768xf32, #tpu.memory_space<vmem>>, vector<16xf32>,
        tpu.vector_store %arg10[%swap3A_677, %swap3A_678], %add3A_676 {strides = array<i32>} : memref<32x768xf32, #tpu.memory_space<vmem>>, vector<16xf32>,
        %get3A_680 = arith.constant 0 : i32
        %get3A_681 = arith.constant 0 : i32
        %get3A_682 = tpu.memref_slice %arg8[%select_n3A_63, %get3A_680, %get3A_681] : memref<2x32x384xi32, #tpu.memory_space<vmem>> -> memref<1x32x384xi32, #tpu.memory_space<vmem>>
        %get3A_683 = tpu.memref_squeeze %get3A_682 : memref<1x32x384xi32, #tpu.memory_space<vmem>> -> memref<32x384xi32, #tpu.memory_space<vmem>>
        %get3A_684 = arith.index_cast %scan3A_150 : i32 to index
        %get3A_685 = arith.constant 224 : index
        %get3A_686 = tpu.vector_load %get3A_683[%get3A_684, %get3A_685] {strides = array<i32>} : memref<32x384xi32, #tpu.memory_space<vmem>>, vector<16xi32>,
        %get3A_687 = arith.constant 0 : i32
        %get3A_688 = arith.constant 0 : i32
        %get3A_689 = tpu.memref_slice %arg9[%select_n3A_63, %get3A_687, %get3A_688] : memref<2x32x384xi32, #tpu.memory_space<vmem>> -> memref<1x32x384xi32, #tpu.memory_space<vmem>>
        %get3A_690 = tpu.memref_squeeze %get3A_689 : memref<1x32x384xi32, #tpu.memory_space<vmem>> -> memref<32x384xi32, #tpu.memory_space<vmem>>
        %get3A_691 = arith.index_cast %scan3A_150 : i32 to index
        %get3A_692 = arith.constant 224 : index
        %get3A_693 = tpu.vector_load %get3A_690[%get3A_691, %get3A_692] {strides = array<i32>} : memref<32x384xi32, #tpu.memory_space<vmem>>, vector<16xi32>,
        %shift_left3A_694 = arith.constant 16 : i32
        %shift_left3A_695 = vector.broadcast %shift_left3A_694 : i32 to vector<16xi32>
        %shift_left3A_696 = arith.shli %get3A_686, %shift_left3A_695 : vector<16xi32>
        %bitcast_convert_type3A_697 = tpu.bitcast %shift_left3A_696 : vector<16xi32> -> vector<16xf32>
        %shift_left3A_698 = arith.constant 16 : i32
        %shift_left3A_699 = vector.broadcast %shift_left3A_698 : i32 to vector<16xi32>
        %shift_left3A_700 = arith.shli %get3A_693, %shift_left3A_699 : vector<16xi32>
        %bitcast_convert_type3A_701 = tpu.bitcast %shift_left3A_700 : vector<16xi32> -> vector<16xf32>
        %add3A_702 = arith.addf %bitcast_convert_type3A_697, %bitcast_convert_type3A_701 : vector<16xf32>
        %swap3A_703 = arith.index_cast %scan3A_150 : i32 to index
        %swap3A_704 = arith.constant 224 : index
        %swap3A_705 = tpu.vector_load %arg10[%swap3A_703, %swap3A_704] {strides = array<i32>} : memref<32x768xf32, #tpu.memory_space<vmem>>, vector<16xf32>,
        tpu.vector_store %arg10[%swap3A_703, %swap3A_704], %add3A_702 {strides = array<i32>} : memref<32x768xf32, #tpu.memory_space<vmem>>, vector<16xf32>,
        %and3A_706 = arith.constant -65536 : i32
        %and3A_707 = vector.broadcast %and3A_706 : i32 to vector<16xi32>
        %and3A_708 = arith.andi %get3A_686, %and3A_707 : vector<16xi32>
        %bitcast_convert_type3A_709 = tpu.bitcast %and3A_708 : vector<16xi32> -> vector<16xf32>
        %and3A_710 = arith.constant -65536 : i32
        %and3A_711 = vector.broadcast %and3A_710 : i32 to vector<16xi32>
        %and3A_712 = arith.andi %get3A_693, %and3A_711 : vector<16xi32>
        %bitcast_convert_type3A_713 = tpu.bitcast %and3A_712 : vector<16xi32> -> vector<16xf32>
        %add3A_714 = arith.addf %bitcast_convert_type3A_709, %bitcast_convert_type3A_713 : vector<16xf32>
        %swap3A_715 = arith.index_cast %scan3A_150 : i32 to index
        %swap3A_716 = arith.constant 608 : index
        %swap3A_717 = tpu.vector_load %arg10[%swap3A_715, %swap3A_716] {strides = array<i32>} : memref<32x768xf32, #tpu.memory_space<vmem>>, vector<16xf32>,
        tpu.vector_store %arg10[%swap3A_715, %swap3A_716], %add3A_714 {strides = array<i32>} : memref<32x768xf32, #tpu.memory_space<vmem>>, vector<16xf32>,
        %get3A_718 = arith.constant 0 : i32
        %get3A_719 = arith.constant 0 : i32
        %get3A_720 = tpu.memref_slice %arg8[%select_n3A_63, %get3A_718, %get3A_719] : memref<2x32x384xi32, #tpu.memory_space<vmem>> -> memref<1x32x384xi32, #tpu.memory_space<vmem>>
        %get3A_721 = tpu.memref_squeeze %get3A_720 : memref<1x32x384xi32, #tpu.memory_space<vmem>> -> memref<32x384xi32, #tpu.memory_space<vmem>>
        %get3A_722 = arith.index_cast %scan3A_150 : i32 to index
        %get3A_723 = arith.constant 240 : index
        %get3A_724 = tpu.vector_load %get3A_721[%get3A_722, %get3A_723] {strides = array<i32>} : memref<32x384xi32, #tpu.memory_space<vmem>>, vector<16xi32>,
        %get3A_725 = arith.constant 0 : i32
        %get3A_726 = arith.constant 0 : i32
        %get3A_727 = tpu.memref_slice %arg9[%select_n3A_63, %get3A_725, %get3A_726] : memref<2x32x384xi32, #tpu.memory_space<vmem>> -> memref<1x32x384xi32, #tpu.memory_space<vmem>>
        %get3A_728 = tpu.memref_squeeze %get3A_727 : memref<1x32x384xi32, #tpu.memory_space<vmem>> -> memref<32x384xi32, #tpu.memory_space<vmem>>
        %get3A_729 = arith.index_cast %scan3A_150 : i32 to index
        %get3A_730 = arith.constant 240 : index
        %get3A_731 = tpu.vector_load %get3A_728[%get3A_729, %get3A_730] {strides = array<i32>} : memref<32x384xi32, #tpu.memory_space<vmem>>, vector<16xi32>,
        %shift_left3A_732 = arith.constant 16 : i32
        %shift_left3A_733 = vector.broadcast %shift_left3A_732 : i32 to vector<16xi32>
        %shift_left3A_734 = arith.shli %get3A_724, %shift_left3A_733 : vector<16xi32>
        %bitcast_convert_type3A_735 = tpu.bitcast %shift_left3A_734 : vector<16xi32> -> vector<16xf32>
        %shift_left3A_736 = arith.constant 16 : i32
        %shift_left3A_737 = vector.broadcast %shift_left3A_736 : i32 to vector<16xi32>
        %shift_left3A_738 = arith.shli %get3A_731, %shift_left3A_737 : vector<16xi32>
        %bitcast_convert_type3A_739 = tpu.bitcast %shift_left3A_738 : vector<16xi32> -> vector<16xf32>
        %add3A_740 = arith.addf %bitcast_convert_type3A_735, %bitcast_convert_type3A_739 : vector<16xf32>
        %swap3A_741 = arith.index_cast %scan3A_150 : i32 to index
        %swap3A_742 = arith.constant 240 : index
        %swap3A_743 = tpu.vector_load %arg10[%swap3A_741, %swap3A_742] {strides = array<i32>} : memref<32x768xf32, #tpu.memory_space<vmem>>, vector<16xf32>,
        tpu.vector_store %arg10[%swap3A_741, %swap3A_742], %add3A_740 {strides = array<i32>} : memref<32x768xf32, #tpu.memory_space<vmem>>, vector<16xf32>,
        %and3A_744 = arith.constant -65536 : i32
        %and3A_745 = vector.broadcast %and3A_744 : i32 to vector<16xi32>
        %and3A_746 = arith.andi %get3A_724, %and3A_745 : vector<16xi32>
        %bitcast_convert_type3A_747 = tpu.bitcast %and3A_746 : vector<16xi32> -> vector<16xf32>
        %and3A_748 = arith.constant -65536 : i32
        %and3A_749 = vector.broadcast %and3A_748 : i32 to vector<16xi32>
        %and3A_750 = arith.andi %get3A_731, %and3A_749 : vector<16xi32>
        %bitcast_convert_type3A_751 = tpu.bitcast %and3A_750 : vector<16xi32> -> vector<16xf32>
        %add3A_752 = arith.addf %bitcast_convert_type3A_747, %bitcast_convert_type3A_751 : vector<16xf32>
        %swap3A_753 = arith.index_cast %scan3A_150 : i32 to index
        %swap3A_754 = arith.constant 624 : index
        %swap3A_755 = tpu.vector_load %arg10[%swap3A_753, %swap3A_754] {strides = array<i32>} : memref<32x768xf32, #tpu.memory_space<vmem>>, vector<16xf32>,
        tpu.vector_store %arg10[%swap3A_753, %swap3A_754], %add3A_752 {strides = array<i32>} : memref<32x768xf32, #tpu.memory_space<vmem>>, vector<16xf32>,
        %get3A_756 = arith.constant 0 : i32
        %get3A_757 = arith.constant 0 : i32
        %get3A_758 = tpu.memref_slice %arg8[%select_n3A_63, %get3A_756, %get3A_757] : memref<2x32x384xi32, #tpu.memory_space<vmem>> -> memref<1x32x384xi32, #tpu.memory_space<vmem>>
        %get3A_759 = tpu.memref_squeeze %get3A_758 : memref<1x32x384xi32, #tpu.memory_space<vmem>> -> memref<32x384xi32, #tpu.memory_space<vmem>>
        %get3A_760 = arith.index_cast %scan3A_150 : i32 to index
        %get3A_761 = arith.constant 256 : index
        %get3A_762 = tpu.vector_load %get3A_759[%get3A_760, %get3A_761] {strides = array<i32>} : memref<32x384xi32, #tpu.memory_space<vmem>>, vector<16xi32>,
        %get3A_763 = arith.constant 0 : i32
        %get3A_764 = arith.constant 0 : i32
        %get3A_765 = tpu.memref_slice %arg9[%select_n3A_63, %get3A_763, %get3A_764] : memref<2x32x384xi32, #tpu.memory_space<vmem>> -> memref<1x32x384xi32, #tpu.memory_space<vmem>>
        %get3A_766 = tpu.memref_squeeze %get3A_765 : memref<1x32x384xi32, #tpu.memory_space<vmem>> -> memref<32x384xi32, #tpu.memory_space<vmem>>
        %get3A_767 = arith.index_cast %scan3A_150 : i32 to index
        %get3A_768 = arith.constant 256 : index
        %get3A_769 = tpu.vector_load %get3A_766[%get3A_767, %get3A_768] {strides = array<i32>} : memref<32x384xi32, #tpu.memory_space<vmem>>, vector<16xi32>,
        %shift_left3A_770 = arith.constant 16 : i32
        %shift_left3A_771 = vector.broadcast %shift_left3A_770 : i32 to vector<16xi32>
        %shift_left3A_772 = arith.shli %get3A_762, %shift_left3A_771 : vector<16xi32>
        %bitcast_convert_type3A_773 = tpu.bitcast %shift_left3A_772 : vector<16xi32> -> vector<16xf32>
        %shift_left3A_774 = arith.constant 16 : i32
        %shift_left3A_775 = vector.broadcast %shift_left3A_774 : i32 to vector<16xi32>
        %shift_left3A_776 = arith.shli %get3A_769, %shift_left3A_775 : vector<16xi32>
        %bitcast_convert_type3A_777 = tpu.bitcast %shift_left3A_776 : vector<16xi32> -> vector<16xf32>
        %add3A_778 = arith.addf %bitcast_convert_type3A_773, %bitcast_convert_type3A_777 : vector<16xf32>
        %swap3A_779 = arith.index_cast %scan3A_150 : i32 to index
        %swap3A_780 = arith.constant 256 : index
        %swap3A_781 = tpu.vector_load %arg10[%swap3A_779, %swap3A_780] {strides = array<i32>} : memref<32x768xf32, #tpu.memory_space<vmem>>, vector<16xf32>,
        tpu.vector_store %arg10[%swap3A_779, %swap3A_780], %add3A_778 {strides = array<i32>} : memref<32x768xf32, #tpu.memory_space<vmem>>, vector<16xf32>,
        %and3A_782 = arith.constant -65536 : i32
        %and3A_783 = vector.broadcast %and3A_782 : i32 to vector<16xi32>
        %and3A_784 = arith.andi %get3A_762, %and3A_783 : vector<16xi32>
        %bitcast_convert_type3A_785 = tpu.bitcast %and3A_784 : vector<16xi32> -> vector<16xf32>
        %and3A_786 = arith.constant -65536 : i32
        %and3A_787 = vector.broadcast %and3A_786 : i32 to vector<16xi32>
        %and3A_788 = arith.andi %get3A_769, %and3A_787 : vector<16xi32>
        %bitcast_convert_type3A_789 = tpu.bitcast %and3A_788 : vector<16xi32> -> vector<16xf32>
        %add3A_790 = arith.addf %bitcast_convert_type3A_785, %bitcast_convert_type3A_789 : vector<16xf32>
        %swap3A_791 = arith.index_cast %scan3A_150 : i32 to index
        %swap3A_792 = arith.constant 640 : index
        %swap3A_793 = tpu.vector_load %arg10[%swap3A_791, %swap3A_792] {strides = array<i32>} : memref<32x768xf32, #tpu.memory_space<vmem>>, vector<16xf32>,
        tpu.vector_store %arg10[%swap3A_791, %swap3A_792], %add3A_790 {strides = array<i32>} : memref<32x768xf32, #tpu.memory_space<vmem>>, vector<16xf32>,
        %get3A_794 = arith.constant 0 : i32
        %get3A_795 = arith.constant 0 : i32
        %get3A_796 = tpu.memref_slice %arg8[%select_n3A_63, %get3A_794, %get3A_795] : memref<2x32x384xi32, #tpu.memory_space<vmem>> -> memref<1x32x384xi32, #tpu.memory_space<vmem>>
        %get3A_797 = tpu.memref_squeeze %get3A_796 : memref<1x32x384xi32, #tpu.memory_space<vmem>> -> memref<32x384xi32, #tpu.memory_space<vmem>>
        %get3A_798 = arith.index_cast %scan3A_150 : i32 to index
        %get3A_799 = arith.constant 272 : index
        %get3A_800 = tpu.vector_load %get3A_797[%get3A_798, %get3A_799] {strides = array<i32>} : memref<32x384xi32, #tpu.memory_space<vmem>>, vector<16xi32>,
        %get3A_801 = arith.constant 0 : i32
        %get3A_802 = arith.constant 0 : i32
        %get3A_803 = tpu.memref_slice %arg9[%select_n3A_63, %get3A_801, %get3A_802] : memref<2x32x384xi32, #tpu.memory_space<vmem>> -> memref<1x32x384xi32, #tpu.memory_space<vmem>>
        %get3A_804 = tpu.memref_squeeze %get3A_803 : memref<1x32x384xi32, #tpu.memory_space<vmem>> -> memref<32x384xi32, #tpu.memory_space<vmem>>
        %get3A_805 = arith.index_cast %scan3A_150 : i32 to index
        %get3A_806 = arith.constant 272 : index
        %get3A_807 = tpu.vector_load %get3A_804[%get3A_805, %get3A_806] {strides = array<i32>} : memref<32x384xi32, #tpu.memory_space<vmem>>, vector<16xi32>,
        %shift_left3A_808 = arith.constant 16 : i32
        %shift_left3A_809 = vector.broadcast %shift_left3A_808 : i32 to vector<16xi32>
        %shift_left3A_810 = arith.shli %get3A_800, %shift_left3A_809 : vector<16xi32>
        %bitcast_convert_type3A_811 = tpu.bitcast %shift_left3A_810 : vector<16xi32> -> vector<16xf32>
        %shift_left3A_812 = arith.constant 16 : i32
        %shift_left3A_813 = vector.broadcast %shift_left3A_812 : i32 to vector<16xi32>
        %shift_left3A_814 = arith.shli %get3A_807, %shift_left3A_813 : vector<16xi32>
        %bitcast_convert_type3A_815 = tpu.bitcast %shift_left3A_814 : vector<16xi32> -> vector<16xf32>
        %add3A_816 = arith.addf %bitcast_convert_type3A_811, %bitcast_convert_type3A_815 : vector<16xf32>
        %swap3A_817 = arith.index_cast %scan3A_150 : i32 to index
        %swap3A_818 = arith.constant 272 : index
        %swap3A_819 = tpu.vector_load %arg10[%swap3A_817, %swap3A_818] {strides = array<i32>} : memref<32x768xf32, #tpu.memory_space<vmem>>, vector<16xf32>,
        tpu.vector_store %arg10[%swap3A_817, %swap3A_818], %add3A_816 {strides = array<i32>} : memref<32x768xf32, #tpu.memory_space<vmem>>, vector<16xf32>,
        %and3A_820 = arith.constant -65536 : i32
        %and3A_821 = vector.broadcast %and3A_820 : i32 to vector<16xi32>
        %and3A_822 = arith.andi %get3A_800, %and3A_821 : vector<16xi32>
        %bitcast_convert_type3A_823 = tpu.bitcast %and3A_822 : vector<16xi32> -> vector<16xf32>
        %and3A_824 = arith.constant -65536 : i32
        %and3A_825 = vector.broadcast %and3A_824 : i32 to vector<16xi32>
        %and3A_826 = arith.andi %get3A_807, %and3A_825 : vector<16xi32>
        %bitcast_convert_type3A_827 = tpu.bitcast %and3A_826 : vector<16xi32> -> vector<16xf32>
        %add3A_828 = arith.addf %bitcast_convert_type3A_823, %bitcast_convert_type3A_827 : vector<16xf32>
        %swap3A_829 = arith.index_cast %scan3A_150 : i32 to index
        %swap3A_830 = arith.constant 656 : index
        %swap3A_831 = tpu.vector_load %arg10[%swap3A_829, %swap3A_830] {strides = array<i32>} : memref<32x768xf32, #tpu.memory_space<vmem>>, vector<16xf32>,
        tpu.vector_store %arg10[%swap3A_829, %swap3A_830], %add3A_828 {strides = array<i32>} : memref<32x768xf32, #tpu.memory_space<vmem>>, vector<16xf32>,
        %get3A_832 = arith.constant 0 : i32
        %get3A_833 = arith.constant 0 : i32
        %get3A_834 = tpu.memref_slice %arg8[%select_n3A_63, %get3A_832, %get3A_833] : memref<2x32x384xi32, #tpu.memory_space<vmem>> -> memref<1x32x384xi32, #tpu.memory_space<vmem>>
        %get3A_835 = tpu.memref_squeeze %get3A_834 : memref<1x32x384xi32, #tpu.memory_space<vmem>> -> memref<32x384xi32, #tpu.memory_space<vmem>>
        %get3A_836 = arith.index_cast %scan3A_150 : i32 to index
        %get3A_837 = arith.constant 288 : index
        %get3A_838 = tpu.vector_load %get3A_835[%get3A_836, %get3A_837] {strides = array<i32>} : memref<32x384xi32, #tpu.memory_space<vmem>>, vector<16xi32>,
        %get3A_839 = arith.constant 0 : i32
        %get3A_840 = arith.constant 0 : i32
        %get3A_841 = tpu.memref_slice %arg9[%select_n3A_63, %get3A_839, %get3A_840] : memref<2x32x384xi32, #tpu.memory_space<vmem>> -> memref<1x32x384xi32, #tpu.memory_space<vmem>>
        %get3A_842 = tpu.memref_squeeze %get3A_841 : memref<1x32x384xi32, #tpu.memory_space<vmem>> -> memref<32x384xi32, #tpu.memory_space<vmem>>
        %get3A_843 = arith.index_cast %scan3A_150 : i32 to index
        %get3A_844 = arith.constant 288 : index
        %get3A_845 = tpu.vector_load %get3A_842[%get3A_843, %get3A_844] {strides = array<i32>} : memref<32x384xi32, #tpu.memory_space<vmem>>, vector<16xi32>,
        %shift_left3A_846 = arith.constant 16 : i32
        %shift_left3A_847 = vector.broadcast %shift_left3A_846 : i32 to vector<16xi32>
        %shift_left3A_848 = arith.shli %get3A_838, %shift_left3A_847 : vector<16xi32>
        %bitcast_convert_type3A_849 = tpu.bitcast %shift_left3A_848 : vector<16xi32> -> vector<16xf32>
        %shift_left3A_850 = arith.constant 16 : i32
        %shift_left3A_851 = vector.broadcast %shift_left3A_850 : i32 to vector<16xi32>
        %shift_left3A_852 = arith.shli %get3A_845, %shift_left3A_851 : vector<16xi32>
        %bitcast_convert_type3A_853 = tpu.bitcast %shift_left3A_852 : vector<16xi32> -> vector<16xf32>
        %add3A_854 = arith.addf %bitcast_convert_type3A_849, %bitcast_convert_type3A_853 : vector<16xf32>
        %swap3A_855 = arith.index_cast %scan3A_150 : i32 to index
        %swap3A_856 = arith.constant 288 : index
        %swap3A_857 = tpu.vector_load %arg10[%swap3A_855, %swap3A_856] {strides = array<i32>} : memref<32x768xf32, #tpu.memory_space<vmem>>, vector<16xf32>,
        tpu.vector_store %arg10[%swap3A_855, %swap3A_856], %add3A_854 {strides = array<i32>} : memref<32x768xf32, #tpu.memory_space<vmem>>, vector<16xf32>,
        %and3A_858 = arith.constant -65536 : i32
        %and3A_859 = vector.broadcast %and3A_858 : i32 to vector<16xi32>
        %and3A_860 = arith.andi %get3A_838, %and3A_859 : vector<16xi32>
        %bitcast_convert_type3A_861 = tpu.bitcast %and3A_860 : vector<16xi32> -> vector<16xf32>
        %and3A_862 = arith.constant -65536 : i32
        %and3A_863 = vector.broadcast %and3A_862 : i32 to vector<16xi32>
        %and3A_864 = arith.andi %get3A_845, %and3A_863 : vector<16xi32>
        %bitcast_convert_type3A_865 = tpu.bitcast %and3A_864 : vector<16xi32> -> vector<16xf32>
        %add3A_866 = arith.addf %bitcast_convert_type3A_861, %bitcast_convert_type3A_865 : vector<16xf32>
        %swap3A_867 = arith.index_cast %scan3A_150 : i32 to index
        %swap3A_868 = arith.constant 672 : index
        %swap3A_869 = tpu.vector_load %arg10[%swap3A_867, %swap3A_868] {strides = array<i32>} : memref<32x768xf32, #tpu.memory_space<vmem>>, vector<16xf32>,
        tpu.vector_store %arg10[%swap3A_867, %swap3A_868], %add3A_866 {strides = array<i32>} : memref<32x768xf32, #tpu.memory_space<vmem>>, vector<16xf32>,
        %get3A_870 = arith.constant 0 : i32
        %get3A_871 = arith.constant 0 : i32
        %get3A_872 = tpu.memref_slice %arg8[%select_n3A_63, %get3A_870, %get3A_871] : memref<2x32x384xi32, #tpu.memory_space<vmem>> -> memref<1x32x384xi32, #tpu.memory_space<vmem>>
        %get3A_873 = tpu.memref_squeeze %get3A_872 : memref<1x32x384xi32, #tpu.memory_space<vmem>> -> memref<32x384xi32, #tpu.memory_space<vmem>>
        %get3A_874 = arith.index_cast %scan3A_150 : i32 to index
        %get3A_875 = arith.constant 304 : index
        %get3A_876 = tpu.vector_load %get3A_873[%get3A_874, %get3A_875] {strides = array<i32>} : memref<32x384xi32, #tpu.memory_space<vmem>>, vector<16xi32>,
        %get3A_877 = arith.constant 0 : i32
        %get3A_878 = arith.constant 0 : i32
        %get3A_879 = tpu.memref_slice %arg9[%select_n3A_63, %get3A_877, %get3A_878] : memref<2x32x384xi32, #tpu.memory_space<vmem>> -> memref<1x32x384xi32, #tpu.memory_space<vmem>>
        %get3A_880 = tpu.memref_squeeze %get3A_879 : memref<1x32x384xi32, #tpu.memory_space<vmem>> -> memref<32x384xi32, #tpu.memory_space<vmem>>
        %get3A_881 = arith.index_cast %scan3A_150 : i32 to index
        %get3A_882 = arith.constant 304 : index
        %get3A_883 = tpu.vector_load %get3A_880[%get3A_881, %get3A_882] {strides = array<i32>} : memref<32x384xi32, #tpu.memory_space<vmem>>, vector<16xi32>,
        %shift_left3A_884 = arith.constant 16 : i32
        %shift_left3A_885 = vector.broadcast %shift_left3A_884 : i32 to vector<16xi32>
        %shift_left3A_886 = arith.shli %get3A_876, %shift_left3A_885 : vector<16xi32>
        %bitcast_convert_type3A_887 = tpu.bitcast %shift_left3A_886 : vector<16xi32> -> vector<16xf32>
        %shift_left3A_888 = arith.constant 16 : i32
        %shift_left3A_889 = vector.broadcast %shift_left3A_888 : i32 to vector<16xi32>
        %shift_left3A_890 = arith.shli %get3A_883, %shift_left3A_889 : vector<16xi32>
        %bitcast_convert_type3A_891 = tpu.bitcast %shift_left3A_890 : vector<16xi32> -> vector<16xf32>
        %add3A_892 = arith.addf %bitcast_convert_type3A_887, %bitcast_convert_type3A_891 : vector<16xf32>
        %swap3A_893 = arith.index_cast %scan3A_150 : i32 to index
        %swap3A_894 = arith.constant 304 : index
        %swap3A_895 = tpu.vector_load %arg10[%swap3A_893, %swap3A_894] {strides = array<i32>} : memref<32x768xf32, #tpu.memory_space<vmem>>, vector<16xf32>,
        tpu.vector_store %arg10[%swap3A_893, %swap3A_894], %add3A_892 {strides = array<i32>} : memref<32x768xf32, #tpu.memory_space<vmem>>, vector<16xf32>,
        %and3A_896 = arith.constant -65536 : i32
        %and3A_897 = vector.broadcast %and3A_896 : i32 to vector<16xi32>
        %and3A_898 = arith.andi %get3A_876, %and3A_897 : vector<16xi32>
        %bitcast_convert_type3A_899 = tpu.bitcast %and3A_898 : vector<16xi32> -> vector<16xf32>
        %and3A_900 = arith.constant -65536 : i32
        %and3A_901 = vector.broadcast %and3A_900 : i32 to vector<16xi32>
        %and3A_902 = arith.andi %get3A_883, %and3A_901 : vector<16xi32>
        %bitcast_convert_type3A_903 = tpu.bitcast %and3A_902 : vector<16xi32> -> vector<16xf32>
        %add3A_904 = arith.addf %bitcast_convert_type3A_899, %bitcast_convert_type3A_903 : vector<16xf32>
        %swap3A_905 = arith.index_cast %scan3A_150 : i32 to index
        %swap3A_906 = arith.constant 688 : index
        %swap3A_907 = tpu.vector_load %arg10[%swap3A_905, %swap3A_906] {strides = array<i32>} : memref<32x768xf32, #tpu.memory_space<vmem>>, vector<16xf32>,
        tpu.vector_store %arg10[%swap3A_905, %swap3A_906], %add3A_904 {strides = array<i32>} : memref<32x768xf32, #tpu.memory_space<vmem>>, vector<16xf32>,
        %get3A_908 = arith.constant 0 : i32
        %get3A_909 = arith.constant 0 : i32
        %get3A_910 = tpu.memref_slice %arg8[%select_n3A_63, %get3A_908, %get3A_909] : memref<2x32x384xi32, #tpu.memory_space<vmem>> -> memref<1x32x384xi32, #tpu.memory_space<vmem>>
        %get3A_911 = tpu.memref_squeeze %get3A_910 : memref<1x32x384xi32, #tpu.memory_space<vmem>> -> memref<32x384xi32, #tpu.memory_space<vmem>>
        %get3A_912 = arith.index_cast %scan3A_150 : i32 to index
        %get3A_913 = arith.constant 320 : index
        %get3A_914 = tpu.vector_load %get3A_911[%get3A_912, %get3A_913] {strides = array<i32>} : memref<32x384xi32, #tpu.memory_space<vmem>>, vector<16xi32>,
        %get3A_915 = arith.constant 0 : i32
        %get3A_916 = arith.constant 0 : i32
        %get3A_917 = tpu.memref_slice %arg9[%select_n3A_63, %get3A_915, %get3A_916] : memref<2x32x384xi32, #tpu.memory_space<vmem>> -> memref<1x32x384xi32, #tpu.memory_space<vmem>>
        %get3A_918 = tpu.memref_squeeze %get3A_917 : memref<1x32x384xi32, #tpu.memory_space<vmem>> -> memref<32x384xi32, #tpu.memory_space<vmem>>
        %get3A_919 = arith.index_cast %scan3A_150 : i32 to index
        %get3A_920 = arith.constant 320 : index
        %get3A_921 = tpu.vector_load %get3A_918[%get3A_919, %get3A_920] {strides = array<i32>} : memref<32x384xi32, #tpu.memory_space<vmem>>, vector<16xi32>,
        %shift_left3A_922 = arith.constant 16 : i32
        %shift_left3A_923 = vector.broadcast %shift_left3A_922 : i32 to vector<16xi32>
        %shift_left3A_924 = arith.shli %get3A_914, %shift_left3A_923 : vector<16xi32>
        %bitcast_convert_type3A_925 = tpu.bitcast %shift_left3A_924 : vector<16xi32> -> vector<16xf32>
        %shift_left3A_926 = arith.constant 16 : i32
        %shift_left3A_927 = vector.broadcast %shift_left3A_926 : i32 to vector<16xi32>
        %shift_left3A_928 = arith.shli %get3A_921, %shift_left3A_927 : vector<16xi32>
        %bitcast_convert_type3A_929 = tpu.bitcast %shift_left3A_928 : vector<16xi32> -> vector<16xf32>
        %add3A_930 = arith.addf %bitcast_convert_type3A_925, %bitcast_convert_type3A_929 : vector<16xf32>
        %swap3A_931 = arith.index_cast %scan3A_150 : i32 to index
        %swap3A_932 = arith.constant 320 : index
        %swap3A_933 = tpu.vector_load %arg10[%swap3A_931, %swap3A_932] {strides = array<i32>} : memref<32x768xf32, #tpu.memory_space<vmem>>, vector<16xf32>,
        tpu.vector_store %arg10[%swap3A_931, %swap3A_932], %add3A_930 {strides = array<i32>} : memref<32x768xf32, #tpu.memory_space<vmem>>, vector<16xf32>,
        %and3A_934 = arith.constant -65536 : i32
        %and3A_935 = vector.broadcast %and3A_934 : i32 to vector<16xi32>
        %and3A_936 = arith.andi %get3A_914, %and3A_935 : vector<16xi32>
        %bitcast_convert_type3A_937 = tpu.bitcast %and3A_936 : vector<16xi32> -> vector<16xf32>
        %and3A_938 = arith.constant -65536 : i32
        %and3A_939 = vector.broadcast %and3A_938 : i32 to vector<16xi32>
        %and3A_940 = arith.andi %get3A_921, %and3A_939 : vector<16xi32>
        %bitcast_convert_type3A_941 = tpu.bitcast %and3A_940 : vector<16xi32> -> vector<16xf32>
        %add3A_942 = arith.addf %bitcast_convert_type3A_937, %bitcast_convert_type3A_941 : vector<16xf32>
        %swap3A_943 = arith.index_cast %scan3A_150 : i32 to index
        %swap3A_944 = arith.constant 704 : index
        %swap3A_945 = tpu.vector_load %arg10[%swap3A_943, %swap3A_944] {strides = array<i32>} : memref<32x768xf32, #tpu.memory_space<vmem>>, vector<16xf32>,
        tpu.vector_store %arg10[%swap3A_943, %swap3A_944], %add3A_942 {strides = array<i32>} : memref<32x768xf32, #tpu.memory_space<vmem>>, vector<16xf32>,
        %get3A_946 = arith.constant 0 : i32
        %get3A_947 = arith.constant 0 : i32
        %get3A_948 = tpu.memref_slice %arg8[%select_n3A_63, %get3A_946, %get3A_947] : memref<2x32x384xi32, #tpu.memory_space<vmem>> -> memref<1x32x384xi32, #tpu.memory_space<vmem>>
        %get3A_949 = tpu.memref_squeeze %get3A_948 : memref<1x32x384xi32, #tpu.memory_space<vmem>> -> memref<32x384xi32, #tpu.memory_space<vmem>>
        %get3A_950 = arith.index_cast %scan3A_150 : i32 to index
        %get3A_951 = arith.constant 336 : index
        %get3A_952 = tpu.vector_load %get3A_949[%get3A_950, %get3A_951] {strides = array<i32>} : memref<32x384xi32, #tpu.memory_space<vmem>>, vector<16xi32>,
        %get3A_953 = arith.constant 0 : i32
        %get3A_954 = arith.constant 0 : i32
        %get3A_955 = tpu.memref_slice %arg9[%select_n3A_63, %get3A_953, %get3A_954] : memref<2x32x384xi32, #tpu.memory_space<vmem>> -> memref<1x32x384xi32, #tpu.memory_space<vmem>>
        %get3A_956 = tpu.memref_squeeze %get3A_955 : memref<1x32x384xi32, #tpu.memory_space<vmem>> -> memref<32x384xi32, #tpu.memory_space<vmem>>
        %get3A_957 = arith.index_cast %scan3A_150 : i32 to index
        %get3A_958 = arith.constant 336 : index
        %get3A_959 = tpu.vector_load %get3A_956[%get3A_957, %get3A_958] {strides = array<i32>} : memref<32x384xi32, #tpu.memory_space<vmem>>, vector<16xi32>,
        %shift_left3A_960 = arith.constant 16 : i32
        %shift_left3A_961 = vector.broadcast %shift_left3A_960 : i32 to vector<16xi32>
        %shift_left3A_962 = arith.shli %get3A_952, %shift_left3A_961 : vector<16xi32>
        %bitcast_convert_type3A_963 = tpu.bitcast %shift_left3A_962 : vector<16xi32> -> vector<16xf32>
        %shift_left3A_964 = arith.constant 16 : i32
        %shift_left3A_965 = vector.broadcast %shift_left3A_964 : i32 to vector<16xi32>
        %shift_left3A_966 = arith.shli %get3A_959, %shift_left3A_965 : vector<16xi32>
        %bitcast_convert_type3A_967 = tpu.bitcast %shift_left3A_966 : vector<16xi32> -> vector<16xf32>
        %add3A_968 = arith.addf %bitcast_convert_type3A_963, %bitcast_convert_type3A_967 : vector<16xf32>
        %swap3A_969 = arith.index_cast %scan3A_150 : i32 to index
        %swap3A_970 = arith.constant 336 : index
        %swap3A_971 = tpu.vector_load %arg10[%swap3A_969, %swap3A_970] {strides = array<i32>} : memref<32x768xf32, #tpu.memory_space<vmem>>, vector<16xf32>,
        tpu.vector_store %arg10[%swap3A_969, %swap3A_970], %add3A_968 {strides = array<i32>} : memref<32x768xf32, #tpu.memory_space<vmem>>, vector<16xf32>,
        %and3A_972 = arith.constant -65536 : i32
        %and3A_973 = vector.broadcast %and3A_972 : i32 to vector<16xi32>
        %and3A_974 = arith.andi %get3A_952, %and3A_973 : vector<16xi32>
        %bitcast_convert_type3A_975 = tpu.bitcast %and3A_974 : vector<16xi32> -> vector<16xf32>
        %and3A_976 = arith.constant -65536 : i32
        %and3A_977 = vector.broadcast %and3A_976 : i32 to vector<16xi32>
        %and3A_978 = arith.andi %get3A_959, %and3A_977 : vector<16xi32>
        %bitcast_convert_type3A_979 = tpu.bitcast %and3A_978 : vector<16xi32> -> vector<16xf32>
        %add3A_980 = arith.addf %bitcast_convert_type3A_975, %bitcast_convert_type3A_979 : vector<16xf32>
        %swap3A_981 = arith.index_cast %scan3A_150 : i32 to index
        %swap3A_982 = arith.constant 720 : index
        %swap3A_983 = tpu.vector_load %arg10[%swap3A_981, %swap3A_982] {strides = array<i32>} : memref<32x768xf32, #tpu.memory_space<vmem>>, vector<16xf32>,
        tpu.vector_store %arg10[%swap3A_981, %swap3A_982], %add3A_980 {strides = array<i32>} : memref<32x768xf32, #tpu.memory_space<vmem>>, vector<16xf32>,
        %get3A_984 = arith.constant 0 : i32
        %get3A_985 = arith.constant 0 : i32
        %get3A_986 = tpu.memref_slice %arg8[%select_n3A_63, %get3A_984, %get3A_985] : memref<2x32x384xi32, #tpu.memory_space<vmem>> -> memref<1x32x384xi32, #tpu.memory_space<vmem>>
        %get3A_987 = tpu.memref_squeeze %get3A_986 : memref<1x32x384xi32, #tpu.memory_space<vmem>> -> memref<32x384xi32, #tpu.memory_space<vmem>>
        %get3A_988 = arith.index_cast %scan3A_150 : i32 to index
        %get3A_989 = arith.constant 352 : index
        %get3A_990 = tpu.vector_load %get3A_987[%get3A_988, %get3A_989] {strides = array<i32>} : memref<32x384xi32, #tpu.memory_space<vmem>>, vector<16xi32>,
        %get3A_991 = arith.constant 0 : i32
        %get3A_992 = arith.constant 0 : i32
        %get3A_993 = tpu.memref_slice %arg9[%select_n3A_63, %get3A_991, %get3A_992] : memref<2x32x384xi32, #tpu.memory_space<vmem>> -> memref<1x32x384xi32, #tpu.memory_space<vmem>>
        %get3A_994 = tpu.memref_squeeze %get3A_993 : memref<1x32x384xi32, #tpu.memory_space<vmem>> -> memref<32x384xi32, #tpu.memory_space<vmem>>
        %get3A_995 = arith.index_cast %scan3A_150 : i32 to index
        %get3A_996 = arith.constant 352 : index
        %get3A_997 = tpu.vector_load %get3A_994[%get3A_995, %get3A_996] {strides = array<i32>} : memref<32x384xi32, #tpu.memory_space<vmem>>, vector<16xi32>,
        %shift_left3A_998 = arith.constant 16 : i32
        %shift_left3A_999 = vector.broadcast %shift_left3A_998 : i32 to vector<16xi32>
        %shift_left3A_1000 = arith.shli %get3A_990, %shift_left3A_999 : vector<16xi32>
        %bitcast_convert_type3A_1001 = tpu.bitcast %shift_left3A_1000 : vector<16xi32> -> vector<16xf32>
        %shift_left3A_1002 = arith.constant 16 : i32
        %shift_left3A_1003 = vector.broadcast %shift_left3A_1002 : i32 to vector<16xi32>
        %shift_left3A_1004 = arith.shli %get3A_997, %shift_left3A_1003 : vector<16xi32>
        %bitcast_convert_type3A_1005 = tpu.bitcast %shift_left3A_1004 : vector<16xi32> -> vector<16xf32>
        %add3A_1006 = arith.addf %bitcast_convert_type3A_1001, %bitcast_convert_type3A_1005 : vector<16xf32>
        %swap3A_1007 = arith.index_cast %scan3A_150 : i32 to index
        %swap3A_1008 = arith.constant 352 : index
        %swap3A_1009 = tpu.vector_load %arg10[%swap3A_1007, %swap3A_1008] {strides = array<i32>} : memref<32x768xf32, #tpu.memory_space<vmem>>, vector<16xf32>,
        tpu.vector_store %arg10[%swap3A_1007, %swap3A_1008], %add3A_1006 {strides = array<i32>} : memref<32x768xf32, #tpu.memory_space<vmem>>, vector<16xf32>,
        %and3A_1010 = arith.constant -65536 : i32
        %and3A_1011 = vector.broadcast %and3A_1010 : i32 to vector<16xi32>
        %and3A_1012 = arith.andi %get3A_990, %and3A_1011 : vector<16xi32>
        %bitcast_convert_type3A_1013 = tpu.bitcast %and3A_1012 : vector<16xi32> -> vector<16xf32>
        %and3A_1014 = arith.constant -65536 : i32
        %and3A_1015 = vector.broadcast %and3A_1014 : i32 to vector<16xi32>
        %and3A_1016 = arith.andi %get3A_997, %and3A_1015 : vector<16xi32>
        %bitcast_convert_type3A_1017 = tpu.bitcast %and3A_1016 : vector<16xi32> -> vector<16xf32>
        %add3A_1018 = arith.addf %bitcast_convert_type3A_1013, %bitcast_convert_type3A_1017 : vector<16xf32>
        %swap3A_1019 = arith.index_cast %scan3A_150 : i32 to index
        %swap3A_1020 = arith.constant 736 : index
        %swap3A_1021 = tpu.vector_load %arg10[%swap3A_1019, %swap3A_1020] {strides = array<i32>} : memref<32x768xf32, #tpu.memory_space<vmem>>, vector<16xf32>,
        tpu.vector_store %arg10[%swap3A_1019, %swap3A_1020], %add3A_1018 {strides = array<i32>} : memref<32x768xf32, #tpu.memory_space<vmem>>, vector<16xf32>,
        %get3A_1022 = arith.constant 0 : i32
        %get3A_1023 = arith.constant 0 : i32
        %get3A_1024 = tpu.memref_slice %arg8[%select_n3A_63, %get3A_1022, %get3A_1023] : memref<2x32x384xi32, #tpu.memory_space<vmem>> -> memref<1x32x384xi32, #tpu.memory_space<vmem>>
        %get3A_1025 = tpu.memref_squeeze %get3A_1024 : memref<1x32x384xi32, #tpu.memory_space<vmem>> -> memref<32x384xi32, #tpu.memory_space<vmem>>
        %get3A_1026 = arith.index_cast %scan3A_150 : i32 to index
        %get3A_1027 = arith.constant 368 : index
        %get3A_1028 = tpu.vector_load %get3A_1025[%get3A_1026, %get3A_1027] {strides = array<i32>} : memref<32x384xi32, #tpu.memory_space<vmem>>, vector<16xi32>,
        %get3A_1029 = arith.constant 0 : i32
        %get3A_1030 = arith.constant 0 : i32
        %get3A_1031 = tpu.memref_slice %arg9[%select_n3A_63, %get3A_1029, %get3A_1030] : memref<2x32x384xi32, #tpu.memory_space<vmem>> -> memref<1x32x384xi32, #tpu.memory_space<vmem>>
        %get3A_1032 = tpu.memref_squeeze %get3A_1031 : memref<1x32x384xi32, #tpu.memory_space<vmem>> -> memref<32x384xi32, #tpu.memory_space<vmem>>
        %get3A_1033 = arith.index_cast %scan3A_150 : i32 to index
        %get3A_1034 = arith.constant 368 : index
        %get3A_1035 = tpu.vector_load %get3A_1032[%get3A_1033, %get3A_1034] {strides = array<i32>} : memref<32x384xi32, #tpu.memory_space<vmem>>, vector<16xi32>,
        %shift_left3A_1036 = arith.constant 16 : i32
        %shift_left3A_1037 = vector.broadcast %shift_left3A_1036 : i32 to vector<16xi32>
        %shift_left3A_1038 = arith.shli %get3A_1028, %shift_left3A_1037 : vector<16xi32>
        %bitcast_convert_type3A_1039 = tpu.bitcast %shift_left3A_1038 : vector<16xi32> -> vector<16xf32>
        %shift_left3A_1040 = arith.constant 16 : i32
        %shift_left3A_1041 = vector.broadcast %shift_left3A_1040 : i32 to vector<16xi32>
        %shift_left3A_1042 = arith.shli %get3A_1035, %shift_left3A_1041 : vector<16xi32>
        %bitcast_convert_type3A_1043 = tpu.bitcast %shift_left3A_1042 : vector<16xi32> -> vector<16xf32>
        %add3A_1044 = arith.addf %bitcast_convert_type3A_1039, %bitcast_convert_type3A_1043 : vector<16xf32>
        %swap3A_1045 = arith.index_cast %scan3A_150 : i32 to index
        %swap3A_1046 = arith.constant 368 : index
        %swap3A_1047 = tpu.vector_load %arg10[%swap3A_1045, %swap3A_1046] {strides = array<i32>} : memref<32x768xf32, #tpu.memory_space<vmem>>, vector<16xf32>,
        tpu.vector_store %arg10[%swap3A_1045, %swap3A_1046], %add3A_1044 {strides = array<i32>} : memref<32x768xf32, #tpu.memory_space<vmem>>, vector<16xf32>,
        %and3A_1048 = arith.constant -65536 : i32
        %and3A_1049 = vector.broadcast %and3A_1048 : i32 to vector<16xi32>
        %and3A_1050 = arith.andi %get3A_1028, %and3A_1049 : vector<16xi32>
        %bitcast_convert_type3A_1051 = tpu.bitcast %and3A_1050 : vector<16xi32> -> vector<16xf32>
        %and3A_1052 = arith.constant -65536 : i32
        %and3A_1053 = vector.broadcast %and3A_1052 : i32 to vector<16xi32>
        %and3A_1054 = arith.andi %get3A_1035, %and3A_1053 : vector<16xi32>
        %bitcast_convert_type3A_1055 = tpu.bitcast %and3A_1054 : vector<16xi32> -> vector<16xf32>
        %add3A_1056 = arith.addf %bitcast_convert_type3A_1051, %bitcast_convert_type3A_1055 : vector<16xf32>
        %swap3A_1057 = arith.index_cast %scan3A_150 : i32 to index
        %swap3A_1058 = arith.constant 752 : index
        %swap3A_1059 = tpu.vector_load %arg10[%swap3A_1057, %swap3A_1058] {strides = array<i32>} : memref<32x768xf32, #tpu.memory_space<vmem>>, vector<16xf32>,
        tpu.vector_store %arg10[%swap3A_1057, %swap3A_1058], %add3A_1056 {strides = array<i32>} : memref<32x768xf32, #tpu.memory_space<vmem>>, vector<16xf32>,
        %scan3A_1060 = arith.constant 0 : i32
        scf.yield %scan3A_1060 : i32
      }
      %scan3A_146 = arith.constant 32 : i32
      %mul3A_147 = arith.constant 32 : i32
      %mul3A_148 = arith.muli %scan3A_54, %mul3A_147 : i32
      %add3A_149 = arith.addi %mul3A_2, %mul3A_148 : i32
      "tpu.region"() ({
        %run_scoped3A = tpu.sem_alloc : memref<!tpu.dma_semaphore, #tpu.memory_space<semaphore_mem>>
        %dma_start3A_150 = arith.constant 0 : i32
        %dma_start3A_151 = tpu.memref_slice %arg5[%add3A_149, %dma_start3A_150] : memref<32768x768xf32, #tpu.memory_space<hbm>> -> memref<32x768xf32, #tpu.memory_space<hbm>>
        %dma_start3A_152 = arith.constant 0 : i32
        %dma_start3A_153 = tpu.memref_slice %arg5[%add3A_149, %dma_start3A_152] : memref<32768x768xf32, #tpu.memory_space<hbm>> -> memref<32x768xf32, #tpu.memory_space<hbm>>
        tpu.enqueue_dma source(%arg10 : memref<32x768xf32, #tpu.memory_space<vmem>>) target(%dma_start3A_153 : memref<32x768xf32, #tpu.memory_space<hbm>>) target_semaphore(%run_scoped3A : memref<!tpu.dma_semaphore, #tpu.memory_space<semaphore_mem>>)
        %dma_wait3A_154 = arith.constant 0 : i32
        %dma_wait3A_155 = tpu.memref_slice %arg5[%add3A_149, %dma_wait3A_154] : memref<32768x768xf32, #tpu.memory_space<hbm>> -> memref<32x768xf32, #tpu.memory_space<hbm>>
        %dma_wait3A_156 = arith.constant 0 : i32
        %dma_wait3A_157 = tpu.memref_slice %arg5[%add3A_149, %dma_wait3A_156] : memref<32768x768xf32, #tpu.memory_space<hbm>> -> memref<32x768xf32, #tpu.memory_space<hbm>>
        tpu.wait_dma2 semaphore(%run_scoped3A : memref<!tpu.dma_semaphore, #tpu.memory_space<semaphore_mem>>) src(%arg10 : memref<32x768xf32, #tpu.memory_space<vmem>>) dst(%dma_wait3A_157 : memref<32x768xf32, #tpu.memory_space<hbm>>)
        tpu.yield
      }) : () -> ()
    }
    %scan3A_30 = arith.constant 32 : i32
    %dma_wait3A = arith.constant 0 : i32
    %dma_wait3A_31 = arith.constant 0 : i32
    %dma_wait3A_32 = arith.constant 0 : i32
    %dma_wait3A_33 = arith.constant 0 : i32
    %dma_wait3A_34 = tpu.memref_slice %arg8[%dma_wait3A_31, %dma_wait3A_32, %dma_wait3A_33] : memref<2x32x384xi32, #tpu.memory_space<vmem>> -> memref<1x32x384xi32, #tpu.memory_space<vmem>>
    %dma_wait3A_35 = tpu.memref_squeeze %dma_wait3A_34 : memref<1x32x384xi32, #tpu.memory_space<vmem>> -> memref<32x384xi32, #tpu.memory_space<vmem>>
    %dma_wait3A_36 = arith.constant 0 : i32
    %dma_wait3A_37 = tpu.memref_slice %arg6[%dma_wait3A, %dma_wait3A_36] : memref<32x32xi32, #tpu.memory_space<vmem>> -> memref<1x32xi32, #tpu.memory_space<vmem>>
    %dma_wait3A_38 = tpu.memref_squeeze %dma_wait3A_37 : memref<1x32xi32, #tpu.memory_space<vmem>> -> memref<32xi32, #tpu.memory_space<vmem>>
    %dma_wait3A_39 = arith.constant 0 : i32
    %dma_wait3A_40 = arith.constant 0 : i32
    %dma_wait3A_41 = tpu.memref_slice %arg2[%dma_wait3A_39, %dma_wait3A_40] : memref<73728x384xi32, #tpu.memory_space<hbm>> -> memref<73728x384xi32, #tpu.memory_space<hbm>>
    tpu.wait_indirect_dma semaphore(%arg11 : memref<!tpu.dma_semaphore, #tpu.memory_space<semaphore_mem>>) src(%dma_wait3A_41 : memref<73728x384xi32, #tpu.memory_space<hbm>>) dst(%dma_wait3A_35 : memref<32x384xi32, #tpu.memory_space<vmem>>)
    %dma_wait3A_42 = arith.constant 0 : i32
    %dma_wait3A_43 = arith.constant 0 : i32
    %dma_wait3A_44 = arith.constant 0 : i32
    %dma_wait3A_45 = arith.constant 0 : i32
    %dma_wait3A_46 = tpu.memref_slice %arg9[%dma_wait3A_43, %dma_wait3A_44, %dma_wait3A_45] : memref<2x32x384xi32, #tpu.memory_space<vmem>> -> memref<1x32x384xi32, #tpu.memory_space<vmem>>
    %dma_wait3A_47 = tpu.memref_squeeze %dma_wait3A_46 : memref<1x32x384xi32, #tpu.memory_space<vmem>> -> memref<32x384xi32, #tpu.memory_space<vmem>>
    %dma_wait3A_48 = arith.constant 0 : i32
    %dma_wait3A_49 = tpu.memref_slice %arg7[%dma_wait3A_42, %dma_wait3A_48] : memref<32x32xi32, #tpu.memory_space<vmem>> -> memref<1x32xi32, #tpu.memory_space<vmem>>
    %dma_wait3A_50 = tpu.memref_squeeze %dma_wait3A_49 : memref<1x32xi32, #tpu.memory_space<vmem>> -> memref<32xi32, #tpu.memory_space<vmem>>
    %dma_wait3A_51 = arith.constant 0 : i32
    %dma_wait3A_52 = arith.constant 0 : i32
    %dma_wait3A_53 = tpu.memref_slice %arg2[%dma_wait3A_51, %dma_wait3A_52] : memref<73728x384xi32, #tpu.memory_space<hbm>> -> memref<73728x384xi32, #tpu.memory_space<hbm>>
    tpu.wait_indirect_dma semaphore(%arg12 : memref<!tpu.dma_semaphore, #tpu.memory_space<semaphore_mem>>) src(%dma_wait3A_53 : memref<73728x384xi32, #tpu.memory_space<hbm>>) dst(%dma_wait3A_47 : memref<32x384xi32, #tpu.memory_space<vmem>>)
    return
  }
}

#map = affine_map<(d0, d1) -> (0, 0)>
#map1 = affine_map<(d0, d1) -> (0)>
#map2 = affine_map<(d0, d1) -> (0, 0, 0)>
module attributes {stable_mosaic.version = 14 : i64} {
  func.func @_disp_body(%arg0: i32, %arg1: i32, %arg2: memref<32768x384xi32, #tpu.memory_space<hbm>>, %arg3: memref<32768xi32, #tpu.memory_space<hbm>>, %arg4: memref<32768xi32, #tpu.memory_space<hbm>>, %arg5: memref<32768xi32, #tpu.memory_space<hbm>>, %arg6: memref<32768xi32, #tpu.memory_space<hbm>>, %arg7: memref<128xi32, #tpu.memory_space<hbm>>, %arg8: memref<32768xf32, #tpu.memory_space<hbm>>, %arg9: memref<73728x384xi32, #tpu.memory_space<hbm>>, %arg10: memref<73728x128xf32, #tpu.memory_space<hbm>>, %arg11: memref<32x32x32xi32, #tpu.memory_space<hbm>>, %arg12: memref<32x32x32xi32, #tpu.memory_space<hbm>>, %arg13: memref<128xi32, #tpu.memory_space<vmem>>, %arg14: memref<1024xi32, #tpu.memory_space<vmem>>, %arg15: memref<1024xi32, #tpu.memory_space<vmem>>, %arg16: memref<1024xi32, #tpu.memory_space<vmem>>, %arg17: memref<1024xi32, #tpu.memory_space<vmem>>, %arg18: memref<1024xf32, #tpu.memory_space<vmem>>, %arg19: memref<32xi32, #tpu.memory_space<vmem>>, %arg20: memref<32xi32, #tpu.memory_space<vmem>>, %arg21: memref<32x128xf32, #tpu.memory_space<vmem>>, %arg22: memref<2x32x384xi32, #tpu.memory_space<vmem>>, %arg23: memref<!tpu.dma_semaphore, #tpu.memory_space<semaphore_mem>>, %arg24: memref<!tpu.dma_semaphore, #tpu.memory_space<semaphore_mem>>, %arg25: memref<!tpu.dma_semaphore, #tpu.memory_space<semaphore_mem>>, %arg26: memref<!tpu.dma_semaphore, #tpu.memory_space<semaphore_mem>>, %arg27: memref<!tpu.dma_semaphore, #tpu.memory_space<semaphore_mem>>) attributes {dimension_semantics = [#tpu.dimension_semantics<core_parallel>, #tpu.dimension_semantics<subcore_parallel>], iteration_bounds = array<i64: 2, 16>, scalar_prefetch = 0 : i64, scratch_operands = 15 : i64, tpu.core_type = #tpu.core_type<sc_vector_subcore>, window_params = [{transform_indices = #map}, {transform_indices = #map1}, {transform_indices = #map1}, {transform_indices = #map1}, {transform_indices = #map1}, {transform_indices = #map1}, {transform_indices = #map1}, {transform_indices = #map}, {transform_indices = #map}, {transform_indices = #map2}, {transform_indices = #map2}]} {
    %mul3A = arith.constant 2 : i32
    %mul3A_0 = arith.muli %arg1, %mul3A : i32
    %add3A = arith.addi %mul3A_0, %arg0 : i32
    %mul3A_1 = arith.constant 1024 : i32
    %mul3A_2 = arith.muli %add3A, %mul3A_1 : i32
    "tpu.region"() ({
      %run_scoped3A = tpu.sem_alloc : memref<!tpu.dma_semaphore, #tpu.memory_space<semaphore_mem>>
      tpu.enqueue_dma source(%arg7 : memref<128xi32, #tpu.memory_space<hbm>>) target(%arg13 : memref<128xi32, #tpu.memory_space<vmem>>) target_semaphore(%run_scoped3A : memref<!tpu.dma_semaphore, #tpu.memory_space<semaphore_mem>>)
      tpu.wait_dma2 semaphore(%run_scoped3A : memref<!tpu.dma_semaphore, #tpu.memory_space<semaphore_mem>>) src(%arg7 : memref<128xi32, #tpu.memory_space<hbm>>) dst(%arg13 : memref<128xi32, #tpu.memory_space<vmem>>)
      tpu.yield
    }) : () -> ()
    "tpu.region"() ({
      %run_scoped3A = tpu.sem_alloc : memref<!tpu.dma_semaphore, #tpu.memory_space<semaphore_mem>>
      %dma_start3A_32 = tpu.memref_slice %arg3[%mul3A_2] : memref<32768xi32, #tpu.memory_space<hbm>> -> memref<1024xi32, #tpu.memory_space<hbm>>
      %dma_start3A_33 = tpu.memref_slice %arg3[%mul3A_2] : memref<32768xi32, #tpu.memory_space<hbm>> -> memref<1024xi32, #tpu.memory_space<hbm>>
      tpu.enqueue_dma source(%dma_start3A_33 : memref<1024xi32, #tpu.memory_space<hbm>>) target(%arg14 : memref<1024xi32, #tpu.memory_space<vmem>>) target_semaphore(%run_scoped3A : memref<!tpu.dma_semaphore, #tpu.memory_space<semaphore_mem>>)
      %dma_wait3A_34 = tpu.memref_slice %arg3[%mul3A_2] : memref<32768xi32, #tpu.memory_space<hbm>> -> memref<1024xi32, #tpu.memory_space<hbm>>
      %dma_wait3A_35 = tpu.memref_slice %arg3[%mul3A_2] : memref<32768xi32, #tpu.memory_space<hbm>> -> memref<1024xi32, #tpu.memory_space<hbm>>
      tpu.wait_dma2 semaphore(%run_scoped3A : memref<!tpu.dma_semaphore, #tpu.memory_space<semaphore_mem>>) src(%dma_wait3A_35 : memref<1024xi32, #tpu.memory_space<hbm>>) dst(%arg14 : memref<1024xi32, #tpu.memory_space<vmem>>)
      tpu.yield
    }) : () -> ()
    "tpu.region"() ({
      %run_scoped3A = tpu.sem_alloc : memref<!tpu.dma_semaphore, #tpu.memory_space<semaphore_mem>>
      %dma_start3A_32 = tpu.memref_slice %arg4[%mul3A_2] : memref<32768xi32, #tpu.memory_space<hbm>> -> memref<1024xi32, #tpu.memory_space<hbm>>
      %dma_start3A_33 = tpu.memref_slice %arg4[%mul3A_2] : memref<32768xi32, #tpu.memory_space<hbm>> -> memref<1024xi32, #tpu.memory_space<hbm>>
      tpu.enqueue_dma source(%dma_start3A_33 : memref<1024xi32, #tpu.memory_space<hbm>>) target(%arg15 : memref<1024xi32, #tpu.memory_space<vmem>>) target_semaphore(%run_scoped3A : memref<!tpu.dma_semaphore, #tpu.memory_space<semaphore_mem>>)
      %dma_wait3A_34 = tpu.memref_slice %arg4[%mul3A_2] : memref<32768xi32, #tpu.memory_space<hbm>> -> memref<1024xi32, #tpu.memory_space<hbm>>
      %dma_wait3A_35 = tpu.memref_slice %arg4[%mul3A_2] : memref<32768xi32, #tpu.memory_space<hbm>> -> memref<1024xi32, #tpu.memory_space<hbm>>
      tpu.wait_dma2 semaphore(%run_scoped3A : memref<!tpu.dma_semaphore, #tpu.memory_space<semaphore_mem>>) src(%dma_wait3A_35 : memref<1024xi32, #tpu.memory_space<hbm>>) dst(%arg15 : memref<1024xi32, #tpu.memory_space<vmem>>)
      tpu.yield
    }) : () -> ()
    "tpu.region"() ({
      %run_scoped3A = tpu.sem_alloc : memref<!tpu.dma_semaphore, #tpu.memory_space<semaphore_mem>>
      %dma_start3A_32 = tpu.memref_slice %arg5[%mul3A_2] : memref<32768xi32, #tpu.memory_space<hbm>> -> memref<1024xi32, #tpu.memory_space<hbm>>
      %dma_start3A_33 = tpu.memref_slice %arg5[%mul3A_2] : memref<32768xi32, #tpu.memory_space<hbm>> -> memref<1024xi32, #tpu.memory_space<hbm>>
      tpu.enqueue_dma source(%dma_start3A_33 : memref<1024xi32, #tpu.memory_space<hbm>>) target(%arg16 : memref<1024xi32, #tpu.memory_space<vmem>>) target_semaphore(%run_scoped3A : memref<!tpu.dma_semaphore, #tpu.memory_space<semaphore_mem>>)
      %dma_wait3A_34 = tpu.memref_slice %arg5[%mul3A_2] : memref<32768xi32, #tpu.memory_space<hbm>> -> memref<1024xi32, #tpu.memory_space<hbm>>
      %dma_wait3A_35 = tpu.memref_slice %arg5[%mul3A_2] : memref<32768xi32, #tpu.memory_space<hbm>> -> memref<1024xi32, #tpu.memory_space<hbm>>
      tpu.wait_dma2 semaphore(%run_scoped3A : memref<!tpu.dma_semaphore, #tpu.memory_space<semaphore_mem>>) src(%dma_wait3A_35 : memref<1024xi32, #tpu.memory_space<hbm>>) dst(%arg16 : memref<1024xi32, #tpu.memory_space<vmem>>)
      tpu.yield
    }) : () -> ()
    "tpu.region"() ({
      %run_scoped3A = tpu.sem_alloc : memref<!tpu.dma_semaphore, #tpu.memory_space<semaphore_mem>>
      %dma_start3A_32 = tpu.memref_slice %arg6[%mul3A_2] : memref<32768xi32, #tpu.memory_space<hbm>> -> memref<1024xi32, #tpu.memory_space<hbm>>
      %dma_start3A_33 = tpu.memref_slice %arg6[%mul3A_2] : memref<32768xi32, #tpu.memory_space<hbm>> -> memref<1024xi32, #tpu.memory_space<hbm>>
      tpu.enqueue_dma source(%dma_start3A_33 : memref<1024xi32, #tpu.memory_space<hbm>>) target(%arg17 : memref<1024xi32, #tpu.memory_space<vmem>>) target_semaphore(%run_scoped3A : memref<!tpu.dma_semaphore, #tpu.memory_space<semaphore_mem>>)
      %dma_wait3A_34 = tpu.memref_slice %arg6[%mul3A_2] : memref<32768xi32, #tpu.memory_space<hbm>> -> memref<1024xi32, #tpu.memory_space<hbm>>
      %dma_wait3A_35 = tpu.memref_slice %arg6[%mul3A_2] : memref<32768xi32, #tpu.memory_space<hbm>> -> memref<1024xi32, #tpu.memory_space<hbm>>
      tpu.wait_dma2 semaphore(%run_scoped3A : memref<!tpu.dma_semaphore, #tpu.memory_space<semaphore_mem>>) src(%dma_wait3A_35 : memref<1024xi32, #tpu.memory_space<hbm>>) dst(%arg17 : memref<1024xi32, #tpu.memory_space<vmem>>)
      tpu.yield
    }) : () -> ()
    "tpu.region"() ({
      %run_scoped3A = tpu.sem_alloc : memref<!tpu.dma_semaphore, #tpu.memory_space<semaphore_mem>>
      %dma_start3A_32 = tpu.memref_slice %arg8[%mul3A_2] : memref<32768xf32, #tpu.memory_space<hbm>> -> memref<1024xf32, #tpu.memory_space<hbm>>
      %dma_start3A_33 = tpu.memref_slice %arg8[%mul3A_2] : memref<32768xf32, #tpu.memory_space<hbm>> -> memref<1024xf32, #tpu.memory_space<hbm>>
      tpu.enqueue_dma source(%dma_start3A_33 : memref<1024xf32, #tpu.memory_space<hbm>>) target(%arg18 : memref<1024xf32, #tpu.memory_space<vmem>>) target_semaphore(%run_scoped3A : memref<!tpu.dma_semaphore, #tpu.memory_space<semaphore_mem>>)
      %dma_wait3A_34 = tpu.memref_slice %arg8[%mul3A_2] : memref<32768xf32, #tpu.memory_space<hbm>> -> memref<1024xf32, #tpu.memory_space<hbm>>
      %dma_wait3A_35 = tpu.memref_slice %arg8[%mul3A_2] : memref<32768xf32, #tpu.memory_space<hbm>> -> memref<1024xf32, #tpu.memory_space<hbm>>
      tpu.wait_dma2 semaphore(%run_scoped3A : memref<!tpu.dma_semaphore, #tpu.memory_space<semaphore_mem>>) src(%dma_wait3A_35 : memref<1024xf32, #tpu.memory_space<hbm>>) dst(%arg18 : memref<1024xf32, #tpu.memory_space<vmem>>)
      tpu.yield
    }) : () -> ()
    %dma_start3A = arith.constant 0 : i32
    %dma_start3A_3 = arith.constant 0 : i32
    %dma_start3A_4 = arith.constant 0 : i32
    %dma_start3A_5 = tpu.memref_slice %arg22[%dma_start3A, %dma_start3A_3, %dma_start3A_4] : memref<2x32x384xi32, #tpu.memory_space<vmem>> -> memref<1x32x384xi32, #tpu.memory_space<vmem>>
    %dma_start3A_6 = tpu.memref_squeeze %dma_start3A_5 : memref<1x32x384xi32, #tpu.memory_space<vmem>> -> memref<32x384xi32, #tpu.memory_space<vmem>>
    %dma_start3A_7 = arith.constant 0 : i32
    %dma_start3A_8 = tpu.memref_slice %arg2[%mul3A_2, %dma_start3A_7] : memref<32768x384xi32, #tpu.memory_space<hbm>> -> memref<32x384xi32, #tpu.memory_space<hbm>>
    %dma_start3A_9 = arith.constant 0 : i32
    %dma_start3A_10 = arith.constant 0 : i32
    %dma_start3A_11 = tpu.memref_slice %arg22[%dma_start3A, %dma_start3A_9, %dma_start3A_10] : memref<2x32x384xi32, #tpu.memory_space<vmem>> -> memref<1x32x384xi32, #tpu.memory_space<vmem>>
    %dma_start3A_12 = tpu.memref_squeeze %dma_start3A_11 : memref<1x32x384xi32, #tpu.memory_space<vmem>> -> memref<32x384xi32, #tpu.memory_space<vmem>>
    %dma_start3A_13 = arith.constant 0 : i32
    %dma_start3A_14 = tpu.memref_slice %arg2[%mul3A_2, %dma_start3A_13] : memref<32768x384xi32, #tpu.memory_space<hbm>> -> memref<32x384xi32, #tpu.memory_space<hbm>>
    tpu.enqueue_dma source(%dma_start3A_14 : memref<32x384xi32, #tpu.memory_space<hbm>>) target(%dma_start3A_12 : memref<32x384xi32, #tpu.memory_space<vmem>>) target_semaphore(%arg23 : memref<!tpu.dma_semaphore, #tpu.memory_space<semaphore_mem>>)
    %scan3A = arith.constant 0 : i32
    %scan3A_15 = arith.constant 0 : i32
    %scan3A_16 = arith.constant 32 : i32
    %scan3A_17 = arith.addi %scan3A_15, %scan3A_16 : i32
    %scan3A_18 = arith.constant 1 : i32
    scf.for %scan3A_32 = %scan3A_15 to %scan3A_17 step %scan3A_18  : i32 {
      %mul3A_33 = arith.constant 32 : i32
      %mul3A_34 = arith.muli %scan3A_32, %mul3A_33 : i32
      %add3A_35 = arith.constant 0 : i32
      %add3A_36 = arith.addi %mul3A_34, %add3A_35 : i32
      %get3A = arith.index_cast %add3A_36 : i32 to index
      %get3A_37 = tpu.vector_load %arg14[%get3A] {strides = array<i32>} : memref<1024xi32, #tpu.memory_space<vmem>>, vector<16xi32>,
      %gather3A = tpu.vector_load_idx %arg13[%get3A_37] : memref<128xi32, #tpu.memory_space<vmem>>[vector<16xi32>], vector<16xi32>,
      %get3A_38 = arith.index_cast %add3A_36 : i32 to index
      %get3A_39 = tpu.vector_load %arg16[%get3A_38] {strides = array<i32>} : memref<1024xi32, #tpu.memory_space<vmem>>, vector<16xi32>,
      %add3A_40 = arith.addi %gather3A, %get3A_39 : vector<16xi32>
      %swap3A = arith.constant 0 : index
      %swap3A_41 = tpu.vector_load %arg19[%swap3A] {strides = array<i32>} : memref<32xi32, #tpu.memory_space<vmem>>, vector<16xi32>,
      tpu.vector_store %arg19[%swap3A], %add3A_40 {strides = array<i32>} : memref<32xi32, #tpu.memory_space<vmem>>, vector<16xi32>,
      %get3A_42 = arith.index_cast %add3A_36 : i32 to index
      %get3A_43 = tpu.vector_load %arg15[%get3A_42] {strides = array<i32>} : memref<1024xi32, #tpu.memory_space<vmem>>, vector<16xi32>,
      %gather3A_44 = tpu.vector_load_idx %arg13[%get3A_43] : memref<128xi32, #tpu.memory_space<vmem>>[vector<16xi32>], vector<16xi32>,
      %get3A_45 = arith.index_cast %add3A_36 : i32 to index
      %get3A_46 = tpu.vector_load %arg17[%get3A_45] {strides = array<i32>} : memref<1024xi32, #tpu.memory_space<vmem>>, vector<16xi32>,
      %add3A_47 = arith.addi %gather3A_44, %get3A_46 : vector<16xi32>
      %swap3A_48 = arith.constant 0 : index
      %swap3A_49 = tpu.vector_load %arg20[%swap3A_48] {strides = array<i32>} : memref<32xi32, #tpu.memory_space<vmem>>, vector<16xi32>,
      tpu.vector_store %arg20[%swap3A_48], %add3A_47 {strides = array<i32>} : memref<32xi32, #tpu.memory_space<vmem>>, vector<16xi32>,
      %mul3A_50 = arith.constant 32 : i32
      %mul3A_51 = arith.muli %scan3A_32, %mul3A_50 : i32
      %add3A_52 = arith.constant 16 : i32
      %add3A_53 = arith.addi %mul3A_51, %add3A_52 : i32
      %get3A_54 = arith.index_cast %add3A_53 : i32 to index
      %get3A_55 = tpu.vector_load %arg14[%get3A_54] {strides = array<i32>} : memref<1024xi32, #tpu.memory_space<vmem>>, vector<16xi32>,
      %gather3A_56 = tpu.vector_load_idx %arg13[%get3A_55] : memref<128xi32, #tpu.memory_space<vmem>>[vector<16xi32>], vector<16xi32>,
      %get3A_57 = arith.index_cast %add3A_53 : i32 to index
      %get3A_58 = tpu.vector_load %arg16[%get3A_57] {strides = array<i32>} : memref<1024xi32, #tpu.memory_space<vmem>>, vector<16xi32>,
      %add3A_59 = arith.addi %gather3A_56, %get3A_58 : vector<16xi32>
      %swap3A_60 = arith.constant 16 : index
      %swap3A_61 = tpu.vector_load %arg19[%swap3A_60] {strides = array<i32>} : memref<32xi32, #tpu.memory_space<vmem>>, vector<16xi32>,
      tpu.vector_store %arg19[%swap3A_60], %add3A_59 {strides = array<i32>} : memref<32xi32, #tpu.memory_space<vmem>>, vector<16xi32>,
      %get3A_62 = arith.index_cast %add3A_53 : i32 to index
      %get3A_63 = tpu.vector_load %arg15[%get3A_62] {strides = array<i32>} : memref<1024xi32, #tpu.memory_space<vmem>>, vector<16xi32>,
      %gather3A_64 = tpu.vector_load_idx %arg13[%get3A_63] : memref<128xi32, #tpu.memory_space<vmem>>[vector<16xi32>], vector<16xi32>,
      %get3A_65 = arith.index_cast %add3A_53 : i32 to index
      %get3A_66 = tpu.vector_load %arg17[%get3A_65] {strides = array<i32>} : memref<1024xi32, #tpu.memory_space<vmem>>, vector<16xi32>,
      %add3A_67 = arith.addi %gather3A_64, %get3A_66 : vector<16xi32>
      %swap3A_68 = arith.constant 16 : index
      %swap3A_69 = tpu.vector_load %arg20[%swap3A_68] {strides = array<i32>} : memref<32xi32, #tpu.memory_space<vmem>>, vector<16xi32>,
      tpu.vector_store %arg20[%swap3A_68], %add3A_67 {strides = array<i32>} : memref<32xi32, #tpu.memory_space<vmem>>, vector<16xi32>,
      "tpu.region"() ({
        %run_scoped3A = tpu.sem_alloc : memref<!tpu.dma_semaphore, #tpu.memory_space<semaphore_mem>>
        %dma_start3A_536 = arith.constant 0 : i32
        %dma_start3A_537 = tpu.memref_slice %arg11[%add3A, %scan3A_32, %dma_start3A_536] : memref<32x32x32xi32, #tpu.memory_space<hbm>> -> memref<1x1x32xi32, #tpu.memory_space<hbm>>
        %dma_start3A_538 = tpu.memref_squeeze %dma_start3A_537 : memref<1x1x32xi32, #tpu.memory_space<hbm>> -> memref<32xi32, #tpu.memory_space<hbm>>
        %dma_start3A_539 = arith.constant 0 : i32
        %dma_start3A_540 = tpu.memref_slice %arg11[%add3A, %scan3A_32, %dma_start3A_539] : memref<32x32x32xi32, #tpu.memory_space<hbm>> -> memref<1x1x32xi32, #tpu.memory_space<hbm>>
        %dma_start3A_541 = tpu.memref_squeeze %dma_start3A_540 : memref<1x1x32xi32, #tpu.memory_space<hbm>> -> memref<32xi32, #tpu.memory_space<hbm>>
        tpu.enqueue_dma source(%arg19 : memref<32xi32, #tpu.memory_space<vmem>>) target(%dma_start3A_541 : memref<32xi32, #tpu.memory_space<hbm>>) target_semaphore(%run_scoped3A : memref<!tpu.dma_semaphore, #tpu.memory_space<semaphore_mem>>)
        %dma_wait3A_542 = arith.constant 0 : i32
        %dma_wait3A_543 = tpu.memref_slice %arg11[%add3A, %scan3A_32, %dma_wait3A_542] : memref<32x32x32xi32, #tpu.memory_space<hbm>> -> memref<1x1x32xi32, #tpu.memory_space<hbm>>
        %dma_wait3A_544 = tpu.memref_squeeze %dma_wait3A_543 : memref<1x1x32xi32, #tpu.memory_space<hbm>> -> memref<32xi32, #tpu.memory_space<hbm>>
        %dma_wait3A_545 = arith.constant 0 : i32
        %dma_wait3A_546 = tpu.memref_slice %arg11[%add3A, %scan3A_32, %dma_wait3A_545] : memref<32x32x32xi32, #tpu.memory_space<hbm>> -> memref<1x1x32xi32, #tpu.memory_space<hbm>>
        %dma_wait3A_547 = tpu.memref_squeeze %dma_wait3A_546 : memref<1x1x32xi32, #tpu.memory_space<hbm>> -> memref<32xi32, #tpu.memory_space<hbm>>
        tpu.wait_dma2 semaphore(%run_scoped3A : memref<!tpu.dma_semaphore, #tpu.memory_space<semaphore_mem>>) src(%arg19 : memref<32xi32, #tpu.memory_space<vmem>>) dst(%dma_wait3A_547 : memref<32xi32, #tpu.memory_space<hbm>>)
        tpu.yield
      }) : () -> ()
      "tpu.region"() ({
        %run_scoped3A = tpu.sem_alloc : memref<!tpu.dma_semaphore, #tpu.memory_space<semaphore_mem>>
        %dma_start3A_536 = arith.constant 0 : i32
        %dma_start3A_537 = tpu.memref_slice %arg12[%add3A, %scan3A_32, %dma_start3A_536] : memref<32x32x32xi32, #tpu.memory_space<hbm>> -> memref<1x1x32xi32, #tpu.memory_space<hbm>>
        %dma_start3A_538 = tpu.memref_squeeze %dma_start3A_537 : memref<1x1x32xi32, #tpu.memory_space<hbm>> -> memref<32xi32, #tpu.memory_space<hbm>>
        %dma_start3A_539 = arith.constant 0 : i32
        %dma_start3A_540 = tpu.memref_slice %arg12[%add3A, %scan3A_32, %dma_start3A_539] : memref<32x32x32xi32, #tpu.memory_space<hbm>> -> memref<1x1x32xi32, #tpu.memory_space<hbm>>
        %dma_start3A_541 = tpu.memref_squeeze %dma_start3A_540 : memref<1x1x32xi32, #tpu.memory_space<hbm>> -> memref<32xi32, #tpu.memory_space<hbm>>
        tpu.enqueue_dma source(%arg20 : memref<32xi32, #tpu.memory_space<vmem>>) target(%dma_start3A_541 : memref<32xi32, #tpu.memory_space<hbm>>) target_semaphore(%run_scoped3A : memref<!tpu.dma_semaphore, #tpu.memory_space<semaphore_mem>>)
        %dma_wait3A_542 = arith.constant 0 : i32
        %dma_wait3A_543 = tpu.memref_slice %arg12[%add3A, %scan3A_32, %dma_wait3A_542] : memref<32x32x32xi32, #tpu.memory_space<hbm>> -> memref<1x1x32xi32, #tpu.memory_space<hbm>>
        %dma_wait3A_544 = tpu.memref_squeeze %dma_wait3A_543 : memref<1x1x32xi32, #tpu.memory_space<hbm>> -> memref<32xi32, #tpu.memory_space<hbm>>
        %dma_wait3A_545 = arith.constant 0 : i32
        %dma_wait3A_546 = tpu.memref_slice %arg12[%add3A, %scan3A_32, %dma_wait3A_545] : memref<32x32x32xi32, #tpu.memory_space<hbm>> -> memref<1x1x32xi32, #tpu.memory_space<hbm>>
        %dma_wait3A_547 = tpu.memref_squeeze %dma_wait3A_546 : memref<1x1x32xi32, #tpu.memory_space<hbm>> -> memref<32xi32, #tpu.memory_space<hbm>>
        tpu.wait_dma2 semaphore(%run_scoped3A : memref<!tpu.dma_semaphore, #tpu.memory_space<semaphore_mem>>) src(%arg20 : memref<32xi32, #tpu.memory_space<vmem>>) dst(%dma_wait3A_547 : memref<32xi32, #tpu.memory_space<hbm>>)
        tpu.yield
      }) : () -> ()
      %mul3A_70 = arith.constant 32 : i32
      %mul3A_71 = arith.muli %scan3A_32, %mul3A_70 : i32
      %add3A_72 = arith.constant 0 : i32
      %add3A_73 = arith.addi %mul3A_71, %add3A_72 : i32
      %broadcast_in_dim3A = vector.broadcast %add3A_73 : i32 to vector<16xi32>
      %gather3A_74 = tpu.vector_load_idx %arg18[%broadcast_in_dim3A] : memref<1024xf32, #tpu.memory_space<vmem>>[vector<16xi32>], vector<16xf32>,
      %swap3A_75 = arith.constant 0 : i32
      %swap3A_76 = arith.index_cast %swap3A_75 : i32 to index
      %swap3A_77 = arith.constant 0 : index
      %swap3A_78 = tpu.vector_load %arg21[%swap3A_76, %swap3A_77] {strides = array<i32>} : memref<32x128xf32, #tpu.memory_space<vmem>>, vector<16xf32>,
      tpu.vector_store %arg21[%swap3A_76, %swap3A_77], %gather3A_74 {strides = array<i32>} : memref<32x128xf32, #tpu.memory_space<vmem>>, vector<16xf32>,
      %mul3A_79 = arith.constant 32 : i32
      %mul3A_80 = arith.muli %scan3A_32, %mul3A_79 : i32
      %add3A_81 = arith.constant 1 : i32
      %add3A_82 = arith.addi %mul3A_80, %add3A_81 : i32
      %broadcast_in_dim3A_83 = vector.broadcast %add3A_82 : i32 to vector<16xi32>
      %gather3A_84 = tpu.vector_load_idx %arg18[%broadcast_in_dim3A_83] : memref<1024xf32, #tpu.memory_space<vmem>>[vector<16xi32>], vector<16xf32>,
      %swap3A_85 = arith.constant 1 : i32
      %swap3A_86 = arith.index_cast %swap3A_85 : i32 to index
      %swap3A_87 = arith.constant 0 : index
      %swap3A_88 = tpu.vector_load %arg21[%swap3A_86, %swap3A_87] {strides = array<i32>} : memref<32x128xf32, #tpu.memory_space<vmem>>, vector<16xf32>,
      tpu.vector_store %arg21[%swap3A_86, %swap3A_87], %gather3A_84 {strides = array<i32>} : memref<32x128xf32, #tpu.memory_space<vmem>>, vector<16xf32>,
      %mul3A_89 = arith.constant 32 : i32
      %mul3A_90 = arith.muli %scan3A_32, %mul3A_89 : i32
      %add3A_91 = arith.constant 2 : i32
      %add3A_92 = arith.addi %mul3A_90, %add3A_91 : i32
      %broadcast_in_dim3A_93 = vector.broadcast %add3A_92 : i32 to vector<16xi32>
      %gather3A_94 = tpu.vector_load_idx %arg18[%broadcast_in_dim3A_93] : memref<1024xf32, #tpu.memory_space<vmem>>[vector<16xi32>], vector<16xf32>,
      %swap3A_95 = arith.constant 2 : i32
      %swap3A_96 = arith.index_cast %swap3A_95 : i32 to index
      %swap3A_97 = arith.constant 0 : index
      %swap3A_98 = tpu.vector_load %arg21[%swap3A_96, %swap3A_97] {strides = array<i32>} : memref<32x128xf32, #tpu.memory_space<vmem>>, vector<16xf32>,
      tpu.vector_store %arg21[%swap3A_96, %swap3A_97], %gather3A_94 {strides = array<i32>} : memref<32x128xf32, #tpu.memory_space<vmem>>, vector<16xf32>,
      %mul3A_99 = arith.constant 32 : i32
      %mul3A_100 = arith.muli %scan3A_32, %mul3A_99 : i32
      %add3A_101 = arith.constant 3 : i32
      %add3A_102 = arith.addi %mul3A_100, %add3A_101 : i32
      %broadcast_in_dim3A_103 = vector.broadcast %add3A_102 : i32 to vector<16xi32>
      %gather3A_104 = tpu.vector_load_idx %arg18[%broadcast_in_dim3A_103] : memref<1024xf32, #tpu.memory_space<vmem>>[vector<16xi32>], vector<16xf32>,
      %swap3A_105 = arith.constant 3 : i32
      %swap3A_106 = arith.index_cast %swap3A_105 : i32 to index
      %swap3A_107 = arith.constant 0 : index
      %swap3A_108 = tpu.vector_load %arg21[%swap3A_106, %swap3A_107] {strides = array<i32>} : memref<32x128xf32, #tpu.memory_space<vmem>>, vector<16xf32>,
      tpu.vector_store %arg21[%swap3A_106, %swap3A_107], %gather3A_104 {strides = array<i32>} : memref<32x128xf32, #tpu.memory_space<vmem>>, vector<16xf32>,
      %mul3A_109 = arith.constant 32 : i32
      %mul3A_110 = arith.muli %scan3A_32, %mul3A_109 : i32
      %add3A_111 = arith.constant 4 : i32
      %add3A_112 = arith.addi %mul3A_110, %add3A_111 : i32
      %broadcast_in_dim3A_113 = vector.broadcast %add3A_112 : i32 to vector<16xi32>
      %gather3A_114 = tpu.vector_load_idx %arg18[%broadcast_in_dim3A_113] : memref<1024xf32, #tpu.memory_space<vmem>>[vector<16xi32>], vector<16xf32>,
      %swap3A_115 = arith.constant 4 : i32
      %swap3A_116 = arith.index_cast %swap3A_115 : i32 to index
      %swap3A_117 = arith.constant 0 : index
      %swap3A_118 = tpu.vector_load %arg21[%swap3A_116, %swap3A_117] {strides = array<i32>} : memref<32x128xf32, #tpu.memory_space<vmem>>, vector<16xf32>,
      tpu.vector_store %arg21[%swap3A_116, %swap3A_117], %gather3A_114 {strides = array<i32>} : memref<32x128xf32, #tpu.memory_space<vmem>>, vector<16xf32>,
      %mul3A_119 = arith.constant 32 : i32
      %mul3A_120 = arith.muli %scan3A_32, %mul3A_119 : i32
      %add3A_121 = arith.constant 5 : i32
      %add3A_122 = arith.addi %mul3A_120, %add3A_121 : i32
      %broadcast_in_dim3A_123 = vector.broadcast %add3A_122 : i32 to vector<16xi32>
      %gather3A_124 = tpu.vector_load_idx %arg18[%broadcast_in_dim3A_123] : memref<1024xf32, #tpu.memory_space<vmem>>[vector<16xi32>], vector<16xf32>,
      %swap3A_125 = arith.constant 5 : i32
      %swap3A_126 = arith.index_cast %swap3A_125 : i32 to index
      %swap3A_127 = arith.constant 0 : index
      %swap3A_128 = tpu.vector_load %arg21[%swap3A_126, %swap3A_127] {strides = array<i32>} : memref<32x128xf32, #tpu.memory_space<vmem>>, vector<16xf32>,
      tpu.vector_store %arg21[%swap3A_126, %swap3A_127], %gather3A_124 {strides = array<i32>} : memref<32x128xf32, #tpu.memory_space<vmem>>, vector<16xf32>,
      %mul3A_129 = arith.constant 32 : i32
      %mul3A_130 = arith.muli %scan3A_32, %mul3A_129 : i32
      %add3A_131 = arith.constant 6 : i32
      %add3A_132 = arith.addi %mul3A_130, %add3A_131 : i32
      %broadcast_in_dim3A_133 = vector.broadcast %add3A_132 : i32 to vector<16xi32>
      %gather3A_134 = tpu.vector_load_idx %arg18[%broadcast_in_dim3A_133] : memref<1024xf32, #tpu.memory_space<vmem>>[vector<16xi32>], vector<16xf32>,
      %swap3A_135 = arith.constant 6 : i32
      %swap3A_136 = arith.index_cast %swap3A_135 : i32 to index
      %swap3A_137 = arith.constant 0 : index
      %swap3A_138 = tpu.vector_load %arg21[%swap3A_136, %swap3A_137] {strides = array<i32>} : memref<32x128xf32, #tpu.memory_space<vmem>>, vector<16xf32>,
      tpu.vector_store %arg21[%swap3A_136, %swap3A_137], %gather3A_134 {strides = array<i32>} : memref<32x128xf32, #tpu.memory_space<vmem>>, vector<16xf32>,
      %mul3A_139 = arith.constant 32 : i32
      %mul3A_140 = arith.muli %scan3A_32, %mul3A_139 : i32
      %add3A_141 = arith.constant 7 : i32
      %add3A_142 = arith.addi %mul3A_140, %add3A_141 : i32
      %broadcast_in_dim3A_143 = vector.broadcast %add3A_142 : i32 to vector<16xi32>
      %gather3A_144 = tpu.vector_load_idx %arg18[%broadcast_in_dim3A_143] : memref<1024xf32, #tpu.memory_space<vmem>>[vector<16xi32>], vector<16xf32>,
      %swap3A_145 = arith.constant 7 : i32
      %swap3A_146 = arith.index_cast %swap3A_145 : i32 to index
      %swap3A_147 = arith.constant 0 : index
      %swap3A_148 = tpu.vector_load %arg21[%swap3A_146, %swap3A_147] {strides = array<i32>} : memref<32x128xf32, #tpu.memory_space<vmem>>, vector<16xf32>,
      tpu.vector_store %arg21[%swap3A_146, %swap3A_147], %gather3A_144 {strides = array<i32>} : memref<32x128xf32, #tpu.memory_space<vmem>>, vector<16xf32>,
      %mul3A_149 = arith.constant 32 : i32
      %mul3A_150 = arith.muli %scan3A_32, %mul3A_149 : i32
      %add3A_151 = arith.constant 8 : i32
      %add3A_152 = arith.addi %mul3A_150, %add3A_151 : i32
      %broadcast_in_dim3A_153 = vector.broadcast %add3A_152 : i32 to vector<16xi32>
      %gather3A_154 = tpu.vector_load_idx %arg18[%broadcast_in_dim3A_153] : memref<1024xf32, #tpu.memory_space<vmem>>[vector<16xi32>], vector<16xf32>,
      %swap3A_155 = arith.constant 8 : i32
      %swap3A_156 = arith.index_cast %swap3A_155 : i32 to index
      %swap3A_157 = arith.constant 0 : index
      %swap3A_158 = tpu.vector_load %arg21[%swap3A_156, %swap3A_157] {strides = array<i32>} : memref<32x128xf32, #tpu.memory_space<vmem>>, vector<16xf32>,
      tpu.vector_store %arg21[%swap3A_156, %swap3A_157], %gather3A_154 {strides = array<i32>} : memref<32x128xf32, #tpu.memory_space<vmem>>, vector<16xf32>,
      %mul3A_159 = arith.constant 32 : i32
      %mul3A_160 = arith.muli %scan3A_32, %mul3A_159 : i32
      %add3A_161 = arith.constant 9 : i32
      %add3A_162 = arith.addi %mul3A_160, %add3A_161 : i32
      %broadcast_in_dim3A_163 = vector.broadcast %add3A_162 : i32 to vector<16xi32>
      %gather3A_164 = tpu.vector_load_idx %arg18[%broadcast_in_dim3A_163] : memref<1024xf32, #tpu.memory_space<vmem>>[vector<16xi32>], vector<16xf32>,
      %swap3A_165 = arith.constant 9 : i32
      %swap3A_166 = arith.index_cast %swap3A_165 : i32 to index
      %swap3A_167 = arith.constant 0 : index
      %swap3A_168 = tpu.vector_load %arg21[%swap3A_166, %swap3A_167] {strides = array<i32>} : memref<32x128xf32, #tpu.memory_space<vmem>>, vector<16xf32>,
      tpu.vector_store %arg21[%swap3A_166, %swap3A_167], %gather3A_164 {strides = array<i32>} : memref<32x128xf32, #tpu.memory_space<vmem>>, vector<16xf32>,
      %mul3A_169 = arith.constant 32 : i32
      %mul3A_170 = arith.muli %scan3A_32, %mul3A_169 : i32
      %add3A_171 = arith.constant 10 : i32
      %add3A_172 = arith.addi %mul3A_170, %add3A_171 : i32
      %broadcast_in_dim3A_173 = vector.broadcast %add3A_172 : i32 to vector<16xi32>
      %gather3A_174 = tpu.vector_load_idx %arg18[%broadcast_in_dim3A_173] : memref<1024xf32, #tpu.memory_space<vmem>>[vector<16xi32>], vector<16xf32>,
      %swap3A_175 = arith.constant 10 : i32
      %swap3A_176 = arith.index_cast %swap3A_175 : i32 to index
      %swap3A_177 = arith.constant 0 : index
      %swap3A_178 = tpu.vector_load %arg21[%swap3A_176, %swap3A_177] {strides = array<i32>} : memref<32x128xf32, #tpu.memory_space<vmem>>, vector<16xf32>,
      tpu.vector_store %arg21[%swap3A_176, %swap3A_177], %gather3A_174 {strides = array<i32>} : memref<32x128xf32, #tpu.memory_space<vmem>>, vector<16xf32>,
      %mul3A_179 = arith.constant 32 : i32
      %mul3A_180 = arith.muli %scan3A_32, %mul3A_179 : i32
      %add3A_181 = arith.constant 11 : i32
      %add3A_182 = arith.addi %mul3A_180, %add3A_181 : i32
      %broadcast_in_dim3A_183 = vector.broadcast %add3A_182 : i32 to vector<16xi32>
      %gather3A_184 = tpu.vector_load_idx %arg18[%broadcast_in_dim3A_183] : memref<1024xf32, #tpu.memory_space<vmem>>[vector<16xi32>], vector<16xf32>,
      %swap3A_185 = arith.constant 11 : i32
      %swap3A_186 = arith.index_cast %swap3A_185 : i32 to index
      %swap3A_187 = arith.constant 0 : index
      %swap3A_188 = tpu.vector_load %arg21[%swap3A_186, %swap3A_187] {strides = array<i32>} : memref<32x128xf32, #tpu.memory_space<vmem>>, vector<16xf32>,
      tpu.vector_store %arg21[%swap3A_186, %swap3A_187], %gather3A_184 {strides = array<i32>} : memref<32x128xf32, #tpu.memory_space<vmem>>, vector<16xf32>,
      %mul3A_189 = arith.constant 32 : i32
      %mul3A_190 = arith.muli %scan3A_32, %mul3A_189 : i32
      %add3A_191 = arith.constant 12 : i32
      %add3A_192 = arith.addi %mul3A_190, %add3A_191 : i32
      %broadcast_in_dim3A_193 = vector.broadcast %add3A_192 : i32 to vector<16xi32>
      %gather3A_194 = tpu.vector_load_idx %arg18[%broadcast_in_dim3A_193] : memref<1024xf32, #tpu.memory_space<vmem>>[vector<16xi32>], vector<16xf32>,
      %swap3A_195 = arith.constant 12 : i32
      %swap3A_196 = arith.index_cast %swap3A_195 : i32 to index
      %swap3A_197 = arith.constant 0 : index
      %swap3A_198 = tpu.vector_load %arg21[%swap3A_196, %swap3A_197] {strides = array<i32>} : memref<32x128xf32, #tpu.memory_space<vmem>>, vector<16xf32>,
      tpu.vector_store %arg21[%swap3A_196, %swap3A_197], %gather3A_194 {strides = array<i32>} : memref<32x128xf32, #tpu.memory_space<vmem>>, vector<16xf32>,
      %mul3A_199 = arith.constant 32 : i32
      %mul3A_200 = arith.muli %scan3A_32, %mul3A_199 : i32
      %add3A_201 = arith.constant 13 : i32
      %add3A_202 = arith.addi %mul3A_200, %add3A_201 : i32
      %broadcast_in_dim3A_203 = vector.broadcast %add3A_202 : i32 to vector<16xi32>
      %gather3A_204 = tpu.vector_load_idx %arg18[%broadcast_in_dim3A_203] : memref<1024xf32, #tpu.memory_space<vmem>>[vector<16xi32>], vector<16xf32>,
      %swap3A_205 = arith.constant 13 : i32
      %swap3A_206 = arith.index_cast %swap3A_205 : i32 to index
      %swap3A_207 = arith.constant 0 : index
      %swap3A_208 = tpu.vector_load %arg21[%swap3A_206, %swap3A_207] {strides = array<i32>} : memref<32x128xf32, #tpu.memory_space<vmem>>, vector<16xf32>,
      tpu.vector_store %arg21[%swap3A_206, %swap3A_207], %gather3A_204 {strides = array<i32>} : memref<32x128xf32, #tpu.memory_space<vmem>>, vector<16xf32>,
      %mul3A_209 = arith.constant 32 : i32
      %mul3A_210 = arith.muli %scan3A_32, %mul3A_209 : i32
      %add3A_211 = arith.constant 14 : i32
      %add3A_212 = arith.addi %mul3A_210, %add3A_211 : i32
      %broadcast_in_dim3A_213 = vector.broadcast %add3A_212 : i32 to vector<16xi32>
      %gather3A_214 = tpu.vector_load_idx %arg18[%broadcast_in_dim3A_213] : memref<1024xf32, #tpu.memory_space<vmem>>[vector<16xi32>], vector<16xf32>,
      %swap3A_215 = arith.constant 14 : i32
      %swap3A_216 = arith.index_cast %swap3A_215 : i32 to index
      %swap3A_217 = arith.constant 0 : index
      %swap3A_218 = tpu.vector_load %arg21[%swap3A_216, %swap3A_217] {strides = array<i32>} : memref<32x128xf32, #tpu.memory_space<vmem>>, vector<16xf32>,
      tpu.vector_store %arg21[%swap3A_216, %swap3A_217], %gather3A_214 {strides = array<i32>} : memref<32x128xf32, #tpu.memory_space<vmem>>, vector<16xf32>,
      %mul3A_219 = arith.constant 32 : i32
      %mul3A_220 = arith.muli %scan3A_32, %mul3A_219 : i32
      %add3A_221 = arith.constant 15 : i32
      %add3A_222 = arith.addi %mul3A_220, %add3A_221 : i32
      %broadcast_in_dim3A_223 = vector.broadcast %add3A_222 : i32 to vector<16xi32>
      %gather3A_224 = tpu.vector_load_idx %arg18[%broadcast_in_dim3A_223] : memref<1024xf32, #tpu.memory_space<vmem>>[vector<16xi32>], vector<16xf32>,
      %swap3A_225 = arith.constant 15 : i32
      %swap3A_226 = arith.index_cast %swap3A_225 : i32 to index
      %swap3A_227 = arith.constant 0 : index
      %swap3A_228 = tpu.vector_load %arg21[%swap3A_226, %swap3A_227] {strides = array<i32>} : memref<32x128xf32, #tpu.memory_space<vmem>>, vector<16xf32>,
      tpu.vector_store %arg21[%swap3A_226, %swap3A_227], %gather3A_224 {strides = array<i32>} : memref<32x128xf32, #tpu.memory_space<vmem>>, vector<16xf32>,
      %mul3A_229 = arith.constant 32 : i32
      %mul3A_230 = arith.muli %scan3A_32, %mul3A_229 : i32
      %add3A_231 = arith.constant 16 : i32
      %add3A_232 = arith.addi %mul3A_230, %add3A_231 : i32
      %broadcast_in_dim3A_233 = vector.broadcast %add3A_232 : i32 to vector<16xi32>
      %gather3A_234 = tpu.vector_load_idx %arg18[%broadcast_in_dim3A_233] : memref<1024xf32, #tpu.memory_space<vmem>>[vector<16xi32>], vector<16xf32>,
      %swap3A_235 = arith.constant 16 : i32
      %swap3A_236 = arith.index_cast %swap3A_235 : i32 to index
      %swap3A_237 = arith.constant 0 : index
      %swap3A_238 = tpu.vector_load %arg21[%swap3A_236, %swap3A_237] {strides = array<i32>} : memref<32x128xf32, #tpu.memory_space<vmem>>, vector<16xf32>,
      tpu.vector_store %arg21[%swap3A_236, %swap3A_237], %gather3A_234 {strides = array<i32>} : memref<32x128xf32, #tpu.memory_space<vmem>>, vector<16xf32>,
      %mul3A_239 = arith.constant 32 : i32
      %mul3A_240 = arith.muli %scan3A_32, %mul3A_239 : i32
      %add3A_241 = arith.constant 17 : i32
      %add3A_242 = arith.addi %mul3A_240, %add3A_241 : i32
      %broadcast_in_dim3A_243 = vector.broadcast %add3A_242 : i32 to vector<16xi32>
      %gather3A_244 = tpu.vector_load_idx %arg18[%broadcast_in_dim3A_243] : memref<1024xf32, #tpu.memory_space<vmem>>[vector<16xi32>], vector<16xf32>,
      %swap3A_245 = arith.constant 17 : i32
      %swap3A_246 = arith.index_cast %swap3A_245 : i32 to index
      %swap3A_247 = arith.constant 0 : index
      %swap3A_248 = tpu.vector_load %arg21[%swap3A_246, %swap3A_247] {strides = array<i32>} : memref<32x128xf32, #tpu.memory_space<vmem>>, vector<16xf32>,
      tpu.vector_store %arg21[%swap3A_246, %swap3A_247], %gather3A_244 {strides = array<i32>} : memref<32x128xf32, #tpu.memory_space<vmem>>, vector<16xf32>,
      %mul3A_249 = arith.constant 32 : i32
      %mul3A_250 = arith.muli %scan3A_32, %mul3A_249 : i32
      %add3A_251 = arith.constant 18 : i32
      %add3A_252 = arith.addi %mul3A_250, %add3A_251 : i32
      %broadcast_in_dim3A_253 = vector.broadcast %add3A_252 : i32 to vector<16xi32>
      %gather3A_254 = tpu.vector_load_idx %arg18[%broadcast_in_dim3A_253] : memref<1024xf32, #tpu.memory_space<vmem>>[vector<16xi32>], vector<16xf32>,
      %swap3A_255 = arith.constant 18 : i32
      %swap3A_256 = arith.index_cast %swap3A_255 : i32 to index
      %swap3A_257 = arith.constant 0 : index
      %swap3A_258 = tpu.vector_load %arg21[%swap3A_256, %swap3A_257] {strides = array<i32>} : memref<32x128xf32, #tpu.memory_space<vmem>>, vector<16xf32>,
      tpu.vector_store %arg21[%swap3A_256, %swap3A_257], %gather3A_254 {strides = array<i32>} : memref<32x128xf32, #tpu.memory_space<vmem>>, vector<16xf32>,
      %mul3A_259 = arith.constant 32 : i32
      %mul3A_260 = arith.muli %scan3A_32, %mul3A_259 : i32
      %add3A_261 = arith.constant 19 : i32
      %add3A_262 = arith.addi %mul3A_260, %add3A_261 : i32
      %broadcast_in_dim3A_263 = vector.broadcast %add3A_262 : i32 to vector<16xi32>
      %gather3A_264 = tpu.vector_load_idx %arg18[%broadcast_in_dim3A_263] : memref<1024xf32, #tpu.memory_space<vmem>>[vector<16xi32>], vector<16xf32>,
      %swap3A_265 = arith.constant 19 : i32
      %swap3A_266 = arith.index_cast %swap3A_265 : i32 to index
      %swap3A_267 = arith.constant 0 : index
      %swap3A_268 = tpu.vector_load %arg21[%swap3A_266, %swap3A_267] {strides = array<i32>} : memref<32x128xf32, #tpu.memory_space<vmem>>, vector<16xf32>,
      tpu.vector_store %arg21[%swap3A_266, %swap3A_267], %gather3A_264 {strides = array<i32>} : memref<32x128xf32, #tpu.memory_space<vmem>>, vector<16xf32>,
      %mul3A_269 = arith.constant 32 : i32
      %mul3A_270 = arith.muli %scan3A_32, %mul3A_269 : i32
      %add3A_271 = arith.constant 20 : i32
      %add3A_272 = arith.addi %mul3A_270, %add3A_271 : i32
      %broadcast_in_dim3A_273 = vector.broadcast %add3A_272 : i32 to vector<16xi32>
      %gather3A_274 = tpu.vector_load_idx %arg18[%broadcast_in_dim3A_273] : memref<1024xf32, #tpu.memory_space<vmem>>[vector<16xi32>], vector<16xf32>,
      %swap3A_275 = arith.constant 20 : i32
      %swap3A_276 = arith.index_cast %swap3A_275 : i32 to index
      %swap3A_277 = arith.constant 0 : index
      %swap3A_278 = tpu.vector_load %arg21[%swap3A_276, %swap3A_277] {strides = array<i32>} : memref<32x128xf32, #tpu.memory_space<vmem>>, vector<16xf32>,
      tpu.vector_store %arg21[%swap3A_276, %swap3A_277], %gather3A_274 {strides = array<i32>} : memref<32x128xf32, #tpu.memory_space<vmem>>, vector<16xf32>,
      %mul3A_279 = arith.constant 32 : i32
      %mul3A_280 = arith.muli %scan3A_32, %mul3A_279 : i32
      %add3A_281 = arith.constant 21 : i32
      %add3A_282 = arith.addi %mul3A_280, %add3A_281 : i32
      %broadcast_in_dim3A_283 = vector.broadcast %add3A_282 : i32 to vector<16xi32>
      %gather3A_284 = tpu.vector_load_idx %arg18[%broadcast_in_dim3A_283] : memref<1024xf32, #tpu.memory_space<vmem>>[vector<16xi32>], vector<16xf32>,
      %swap3A_285 = arith.constant 21 : i32
      %swap3A_286 = arith.index_cast %swap3A_285 : i32 to index
      %swap3A_287 = arith.constant 0 : index
      %swap3A_288 = tpu.vector_load %arg21[%swap3A_286, %swap3A_287] {strides = array<i32>} : memref<32x128xf32, #tpu.memory_space<vmem>>, vector<16xf32>,
      tpu.vector_store %arg21[%swap3A_286, %swap3A_287], %gather3A_284 {strides = array<i32>} : memref<32x128xf32, #tpu.memory_space<vmem>>, vector<16xf32>,
      %mul3A_289 = arith.constant 32 : i32
      %mul3A_290 = arith.muli %scan3A_32, %mul3A_289 : i32
      %add3A_291 = arith.constant 22 : i32
      %add3A_292 = arith.addi %mul3A_290, %add3A_291 : i32
      %broadcast_in_dim3A_293 = vector.broadcast %add3A_292 : i32 to vector<16xi32>
      %gather3A_294 = tpu.vector_load_idx %arg18[%broadcast_in_dim3A_293] : memref<1024xf32, #tpu.memory_space<vmem>>[vector<16xi32>], vector<16xf32>,
      %swap3A_295 = arith.constant 22 : i32
      %swap3A_296 = arith.index_cast %swap3A_295 : i32 to index
      %swap3A_297 = arith.constant 0 : index
      %swap3A_298 = tpu.vector_load %arg21[%swap3A_296, %swap3A_297] {strides = array<i32>} : memref<32x128xf32, #tpu.memory_space<vmem>>, vector<16xf32>,
      tpu.vector_store %arg21[%swap3A_296, %swap3A_297], %gather3A_294 {strides = array<i32>} : memref<32x128xf32, #tpu.memory_space<vmem>>, vector<16xf32>,
      %mul3A_299 = arith.constant 32 : i32
      %mul3A_300 = arith.muli %scan3A_32, %mul3A_299 : i32
      %add3A_301 = arith.constant 23 : i32
      %add3A_302 = arith.addi %mul3A_300, %add3A_301 : i32
      %broadcast_in_dim3A_303 = vector.broadcast %add3A_302 : i32 to vector<16xi32>
      %gather3A_304 = tpu.vector_load_idx %arg18[%broadcast_in_dim3A_303] : memref<1024xf32, #tpu.memory_space<vmem>>[vector<16xi32>], vector<16xf32>,
      %swap3A_305 = arith.constant 23 : i32
      %swap3A_306 = arith.index_cast %swap3A_305 : i32 to index
      %swap3A_307 = arith.constant 0 : index
      %swap3A_308 = tpu.vector_load %arg21[%swap3A_306, %swap3A_307] {strides = array<i32>} : memref<32x128xf32, #tpu.memory_space<vmem>>, vector<16xf32>,
      tpu.vector_store %arg21[%swap3A_306, %swap3A_307], %gather3A_304 {strides = array<i32>} : memref<32x128xf32, #tpu.memory_space<vmem>>, vector<16xf32>,
      %mul3A_309 = arith.constant 32 : i32
      %mul3A_310 = arith.muli %scan3A_32, %mul3A_309 : i32
      %add3A_311 = arith.constant 24 : i32
      %add3A_312 = arith.addi %mul3A_310, %add3A_311 : i32
      %broadcast_in_dim3A_313 = vector.broadcast %add3A_312 : i32 to vector<16xi32>
      %gather3A_314 = tpu.vector_load_idx %arg18[%broadcast_in_dim3A_313] : memref<1024xf32, #tpu.memory_space<vmem>>[vector<16xi32>], vector<16xf32>,
      %swap3A_315 = arith.constant 24 : i32
      %swap3A_316 = arith.index_cast %swap3A_315 : i32 to index
      %swap3A_317 = arith.constant 0 : index
      %swap3A_318 = tpu.vector_load %arg21[%swap3A_316, %swap3A_317] {strides = array<i32>} : memref<32x128xf32, #tpu.memory_space<vmem>>, vector<16xf32>,
      tpu.vector_store %arg21[%swap3A_316, %swap3A_317], %gather3A_314 {strides = array<i32>} : memref<32x128xf32, #tpu.memory_space<vmem>>, vector<16xf32>,
      %mul3A_319 = arith.constant 32 : i32
      %mul3A_320 = arith.muli %scan3A_32, %mul3A_319 : i32
      %add3A_321 = arith.constant 25 : i32
      %add3A_322 = arith.addi %mul3A_320, %add3A_321 : i32
      %broadcast_in_dim3A_323 = vector.broadcast %add3A_322 : i32 to vector<16xi32>
      %gather3A_324 = tpu.vector_load_idx %arg18[%broadcast_in_dim3A_323] : memref<1024xf32, #tpu.memory_space<vmem>>[vector<16xi32>], vector<16xf32>,
      %swap3A_325 = arith.constant 25 : i32
      %swap3A_326 = arith.index_cast %swap3A_325 : i32 to index
      %swap3A_327 = arith.constant 0 : index
      %swap3A_328 = tpu.vector_load %arg21[%swap3A_326, %swap3A_327] {strides = array<i32>} : memref<32x128xf32, #tpu.memory_space<vmem>>, vector<16xf32>,
      tpu.vector_store %arg21[%swap3A_326, %swap3A_327], %gather3A_324 {strides = array<i32>} : memref<32x128xf32, #tpu.memory_space<vmem>>, vector<16xf32>,
      %mul3A_329 = arith.constant 32 : i32
      %mul3A_330 = arith.muli %scan3A_32, %mul3A_329 : i32
      %add3A_331 = arith.constant 26 : i32
      %add3A_332 = arith.addi %mul3A_330, %add3A_331 : i32
      %broadcast_in_dim3A_333 = vector.broadcast %add3A_332 : i32 to vector<16xi32>
      %gather3A_334 = tpu.vector_load_idx %arg18[%broadcast_in_dim3A_333] : memref<1024xf32, #tpu.memory_space<vmem>>[vector<16xi32>], vector<16xf32>,
      %swap3A_335 = arith.constant 26 : i32
      %swap3A_336 = arith.index_cast %swap3A_335 : i32 to index
      %swap3A_337 = arith.constant 0 : index
      %swap3A_338 = tpu.vector_load %arg21[%swap3A_336, %swap3A_337] {strides = array<i32>} : memref<32x128xf32, #tpu.memory_space<vmem>>, vector<16xf32>,
      tpu.vector_store %arg21[%swap3A_336, %swap3A_337], %gather3A_334 {strides = array<i32>} : memref<32x128xf32, #tpu.memory_space<vmem>>, vector<16xf32>,
      %mul3A_339 = arith.constant 32 : i32
      %mul3A_340 = arith.muli %scan3A_32, %mul3A_339 : i32
      %add3A_341 = arith.constant 27 : i32
      %add3A_342 = arith.addi %mul3A_340, %add3A_341 : i32
      %broadcast_in_dim3A_343 = vector.broadcast %add3A_342 : i32 to vector<16xi32>
      %gather3A_344 = tpu.vector_load_idx %arg18[%broadcast_in_dim3A_343] : memref<1024xf32, #tpu.memory_space<vmem>>[vector<16xi32>], vector<16xf32>,
      %swap3A_345 = arith.constant 27 : i32
      %swap3A_346 = arith.index_cast %swap3A_345 : i32 to index
      %swap3A_347 = arith.constant 0 : index
      %swap3A_348 = tpu.vector_load %arg21[%swap3A_346, %swap3A_347] {strides = array<i32>} : memref<32x128xf32, #tpu.memory_space<vmem>>, vector<16xf32>,
      tpu.vector_store %arg21[%swap3A_346, %swap3A_347], %gather3A_344 {strides = array<i32>} : memref<32x128xf32, #tpu.memory_space<vmem>>, vector<16xf32>,
      %mul3A_349 = arith.constant 32 : i32
      %mul3A_350 = arith.muli %scan3A_32, %mul3A_349 : i32
      %add3A_351 = arith.constant 28 : i32
      %add3A_352 = arith.addi %mul3A_350, %add3A_351 : i32
      %broadcast_in_dim3A_353 = vector.broadcast %add3A_352 : i32 to vector<16xi32>
      %gather3A_354 = tpu.vector_load_idx %arg18[%broadcast_in_dim3A_353] : memref<1024xf32, #tpu.memory_space<vmem>>[vector<16xi32>], vector<16xf32>,
      %swap3A_355 = arith.constant 28 : i32
      %swap3A_356 = arith.index_cast %swap3A_355 : i32 to index
      %swap3A_357 = arith.constant 0 : index
      %swap3A_358 = tpu.vector_load %arg21[%swap3A_356, %swap3A_357] {strides = array<i32>} : memref<32x128xf32, #tpu.memory_space<vmem>>, vector<16xf32>,
      tpu.vector_store %arg21[%swap3A_356, %swap3A_357], %gather3A_354 {strides = array<i32>} : memref<32x128xf32, #tpu.memory_space<vmem>>, vector<16xf32>,
      %mul3A_359 = arith.constant 32 : i32
      %mul3A_360 = arith.muli %scan3A_32, %mul3A_359 : i32
      %add3A_361 = arith.constant 29 : i32
      %add3A_362 = arith.addi %mul3A_360, %add3A_361 : i32
      %broadcast_in_dim3A_363 = vector.broadcast %add3A_362 : i32 to vector<16xi32>
      %gather3A_364 = tpu.vector_load_idx %arg18[%broadcast_in_dim3A_363] : memref<1024xf32, #tpu.memory_space<vmem>>[vector<16xi32>], vector<16xf32>,
      %swap3A_365 = arith.constant 29 : i32
      %swap3A_366 = arith.index_cast %swap3A_365 : i32 to index
      %swap3A_367 = arith.constant 0 : index
      %swap3A_368 = tpu.vector_load %arg21[%swap3A_366, %swap3A_367] {strides = array<i32>} : memref<32x128xf32, #tpu.memory_space<vmem>>, vector<16xf32>,
      tpu.vector_store %arg21[%swap3A_366, %swap3A_367], %gather3A_364 {strides = array<i32>} : memref<32x128xf32, #tpu.memory_space<vmem>>, vector<16xf32>,
      %mul3A_369 = arith.constant 32 : i32
      %mul3A_370 = arith.muli %scan3A_32, %mul3A_369 : i32
      %add3A_371 = arith.constant 30 : i32
      %add3A_372 = arith.addi %mul3A_370, %add3A_371 : i32
      %broadcast_in_dim3A_373 = vector.broadcast %add3A_372 : i32 to vector<16xi32>
      %gather3A_374 = tpu.vector_load_idx %arg18[%broadcast_in_dim3A_373] : memref<1024xf32, #tpu.memory_space<vmem>>[vector<16xi32>], vector<16xf32>,
      %swap3A_375 = arith.constant 30 : i32
      %swap3A_376 = arith.index_cast %swap3A_375 : i32 to index
      %swap3A_377 = arith.constant 0 : index
      %swap3A_378 = tpu.vector_load %arg21[%swap3A_376, %swap3A_377] {strides = array<i32>} : memref<32x128xf32, #tpu.memory_space<vmem>>, vector<16xf32>,
      tpu.vector_store %arg21[%swap3A_376, %swap3A_377], %gather3A_374 {strides = array<i32>} : memref<32x128xf32, #tpu.memory_space<vmem>>, vector<16xf32>,
      %mul3A_379 = arith.constant 32 : i32
      %mul3A_380 = arith.muli %scan3A_32, %mul3A_379 : i32
      %add3A_381 = arith.constant 31 : i32
      %add3A_382 = arith.addi %mul3A_380, %add3A_381 : i32
      %broadcast_in_dim3A_383 = vector.broadcast %add3A_382 : i32 to vector<16xi32>
      %gather3A_384 = tpu.vector_load_idx %arg18[%broadcast_in_dim3A_383] : memref<1024xf32, #tpu.memory_space<vmem>>[vector<16xi32>], vector<16xf32>,
      %swap3A_385 = arith.constant 31 : i32
      %swap3A_386 = arith.index_cast %swap3A_385 : i32 to index
      %swap3A_387 = arith.constant 0 : index
      %swap3A_388 = tpu.vector_load %arg21[%swap3A_386, %swap3A_387] {strides = array<i32>} : memref<32x128xf32, #tpu.memory_space<vmem>>, vector<16xf32>,
      tpu.vector_store %arg21[%swap3A_386, %swap3A_387], %gather3A_384 {strides = array<i32>} : memref<32x128xf32, #tpu.memory_space<vmem>>, vector<16xf32>,
      %mul3A_389 = arith.constant 32 : i32
      %mul3A_390 = arith.muli %scan3A_32, %mul3A_389 : i32
      %add3A_391 = arith.addi %mul3A_2, %mul3A_390 : i32
      %jit3A = arith.constant 2 : i32
      %eq3A = arith.constant 0 : i32
      %eq3A_392 = arith.cmpi eq, %jit3A, %eq3A : i32
      %jit3A_393 = arith.constant 1 : i32
      %select_n3A = arith.select %eq3A_392, %jit3A_393, %jit3A : i32
      %rem3A = arith.remsi %scan3A_32, %select_n3A : i32
      %ne3A = arith.constant 0 : i32
      %ne3A_394 = arith.cmpi ne, %rem3A, %ne3A : i32
      %lt3A = arith.constant 0 : i32
      %lt3A_395 = arith.cmpi slt, %rem3A, %lt3A : i32
      %lt3A_396 = arith.constant 0 : i32
      %lt3A_397 = arith.cmpi slt, %select_n3A, %lt3A_396 : i32
      %ne3A_398 = arith.xori %lt3A_395, %lt3A_397 : i1
      %and3A = arith.andi %ne3A_398, %ne3A_394 : i1
      %add3A_399 = arith.addi %rem3A, %select_n3A : i32
      %select_n3A_400 = arith.select %and3A, %add3A_399, %rem3A : i32
      %dma_wait3A_401 = arith.constant 0 : i32
      %dma_wait3A_402 = arith.constant 0 : i32
      %dma_wait3A_403 = tpu.memref_slice %arg22[%select_n3A_400, %dma_wait3A_401, %dma_wait3A_402] : memref<2x32x384xi32, #tpu.memory_space<vmem>> -> memref<1x32x384xi32, #tpu.memory_space<vmem>>
      %dma_wait3A_404 = tpu.memref_squeeze %dma_wait3A_403 : memref<1x32x384xi32, #tpu.memory_space<vmem>> -> memref<32x384xi32, #tpu.memory_space<vmem>>
      %dma_wait3A_405 = arith.constant 0 : i32
      %dma_wait3A_406 = tpu.memref_slice %arg2[%add3A_391, %dma_wait3A_405] : memref<32768x384xi32, #tpu.memory_space<hbm>> -> memref<32x384xi32, #tpu.memory_space<hbm>>
      %dma_wait3A_407 = arith.constant 0 : i32
      %dma_wait3A_408 = arith.constant 0 : i32
      %dma_wait3A_409 = tpu.memref_slice %arg22[%select_n3A_400, %dma_wait3A_407, %dma_wait3A_408] : memref<2x32x384xi32, #tpu.memory_space<vmem>> -> memref<1x32x384xi32, #tpu.memory_space<vmem>>
      %dma_wait3A_410 = tpu.memref_squeeze %dma_wait3A_409 : memref<1x32x384xi32, #tpu.memory_space<vmem>> -> memref<32x384xi32, #tpu.memory_space<vmem>>
      %dma_wait3A_411 = arith.constant 0 : i32
      %dma_wait3A_412 = tpu.memref_slice %arg2[%add3A_391, %dma_wait3A_411] : memref<32768x384xi32, #tpu.memory_space<hbm>> -> memref<32x384xi32, #tpu.memory_space<hbm>>
      tpu.wait_dma2 semaphore(%arg23 : memref<!tpu.dma_semaphore, #tpu.memory_space<semaphore_mem>>) src(%dma_wait3A_412 : memref<32x384xi32, #tpu.memory_space<hbm>>) dst(%dma_wait3A_410 : memref<32x384xi32, #tpu.memory_space<vmem>>)
      %add3A_413 = arith.constant 1 : i32
      %add3A_414 = arith.addi %scan3A_32, %add3A_413 : i32
      %jit3A_415 = arith.constant 32 : i32
      %eq3A_416 = arith.constant 0 : i32
      %eq3A_417 = arith.cmpi eq, %jit3A_415, %eq3A_416 : i32
      %jit3A_418 = arith.constant 1 : i32
      %select_n3A_419 = arith.select %eq3A_417, %jit3A_418, %jit3A_415 : i32
      %rem3A_420 = arith.remsi %add3A_414, %select_n3A_419 : i32
      %ne3A_421 = arith.constant 0 : i32
      %ne3A_422 = arith.cmpi ne, %rem3A_420, %ne3A_421 : i32
      %lt3A_423 = arith.constant 0 : i32
      %lt3A_424 = arith.cmpi slt, %rem3A_420, %lt3A_423 : i32
      %lt3A_425 = arith.constant 0 : i32
      %lt3A_426 = arith.cmpi slt, %select_n3A_419, %lt3A_425 : i32
      %ne3A_427 = arith.xori %lt3A_424, %lt3A_426 : i1
      %and3A_428 = arith.andi %ne3A_427, %ne3A_422 : i1
      %add3A_429 = arith.addi %rem3A_420, %select_n3A_419 : i32
      %select_n3A_430 = arith.select %and3A_428, %add3A_429, %rem3A_420 : i32
      %mul3A_431 = arith.constant 32 : i32
      %mul3A_432 = arith.muli %select_n3A_430, %mul3A_431 : i32
      %add3A_433 = arith.addi %mul3A_2, %mul3A_432 : i32
      %add3A_434 = arith.constant 1 : i32
      %add3A_435 = arith.addi %scan3A_32, %add3A_434 : i32
      %jit3A_436 = arith.constant 2 : i32
      %eq3A_437 = arith.constant 0 : i32
      %eq3A_438 = arith.cmpi eq, %jit3A_436, %eq3A_437 : i32
      %jit3A_439 = arith.constant 1 : i32
      %select_n3A_440 = arith.select %eq3A_438, %jit3A_439, %jit3A_436 : i32
      %rem3A_441 = arith.remsi %add3A_435, %select_n3A_440 : i32
      %ne3A_442 = arith.constant 0 : i32
      %ne3A_443 = arith.cmpi ne, %rem3A_441, %ne3A_442 : i32
      %lt3A_444 = arith.constant 0 : i32
      %lt3A_445 = arith.cmpi slt, %rem3A_441, %lt3A_444 : i32
      %lt3A_446 = arith.constant 0 : i32
      %lt3A_447 = arith.cmpi slt, %select_n3A_440, %lt3A_446 : i32
      %ne3A_448 = arith.xori %lt3A_445, %lt3A_447 : i1
      %and3A_449 = arith.andi %ne3A_448, %ne3A_443 : i1
      %add3A_450 = arith.addi %rem3A_441, %select_n3A_440 : i32
      %select_n3A_451 = arith.select %and3A_449, %add3A_450, %rem3A_441 : i32
      %dma_start3A_452 = arith.constant 0 : i32
      %dma_start3A_453 = arith.constant 0 : i32
      %dma_start3A_454 = tpu.memref_slice %arg22[%select_n3A_451, %dma_start3A_452, %dma_start3A_453] : memref<2x32x384xi32, #tpu.memory_space<vmem>> -> memref<1x32x384xi32, #tpu.memory_space<vmem>>
      %dma_start3A_455 = tpu.memref_squeeze %dma_start3A_454 : memref<1x32x384xi32, #tpu.memory_space<vmem>> -> memref<32x384xi32, #tpu.memory_space<vmem>>
      %dma_start3A_456 = arith.constant 0 : i32
      %dma_start3A_457 = tpu.memref_slice %arg2[%add3A_433, %dma_start3A_456] : memref<32768x384xi32, #tpu.memory_space<hbm>> -> memref<32x384xi32, #tpu.memory_space<hbm>>
      %dma_start3A_458 = arith.constant 0 : i32
      %dma_start3A_459 = arith.constant 0 : i32
      %dma_start3A_460 = tpu.memref_slice %arg22[%select_n3A_451, %dma_start3A_458, %dma_start3A_459] : memref<2x32x384xi32, #tpu.memory_space<vmem>> -> memref<1x32x384xi32, #tpu.memory_space<vmem>>
      %dma_start3A_461 = tpu.memref_squeeze %dma_start3A_460 : memref<1x32x384xi32, #tpu.memory_space<vmem>> -> memref<32x384xi32, #tpu.memory_space<vmem>>
      %dma_start3A_462 = arith.constant 0 : i32
      %dma_start3A_463 = tpu.memref_slice %arg2[%add3A_433, %dma_start3A_462] : memref<32768x384xi32, #tpu.memory_space<hbm>> -> memref<32x384xi32, #tpu.memory_space<hbm>>
      tpu.enqueue_dma source(%dma_start3A_463 : memref<32x384xi32, #tpu.memory_space<hbm>>) target(%dma_start3A_461 : memref<32x384xi32, #tpu.memory_space<vmem>>) target_semaphore(%arg23 : memref<!tpu.dma_semaphore, #tpu.memory_space<semaphore_mem>>)
      %jit3A_464 = arith.constant 2 : i32
      %eq3A_465 = arith.constant 0 : i32
      %eq3A_466 = arith.cmpi eq, %jit3A_464, %eq3A_465 : i32
      %jit3A_467 = arith.constant 1 : i32
      %select_n3A_468 = arith.select %eq3A_466, %jit3A_467, %jit3A_464 : i32
      %rem3A_469 = arith.remsi %scan3A_32, %select_n3A_468 : i32
      %ne3A_470 = arith.constant 0 : i32
      %ne3A_471 = arith.cmpi ne, %rem3A_469, %ne3A_470 : i32
      %lt3A_472 = arith.constant 0 : i32
      %lt3A_473 = arith.cmpi slt, %rem3A_469, %lt3A_472 : i32
      %lt3A_474 = arith.constant 0 : i32
      %lt3A_475 = arith.cmpi slt, %select_n3A_468, %lt3A_474 : i32
      %ne3A_476 = arith.xori %lt3A_473, %lt3A_475 : i1
      %and3A_477 = arith.andi %ne3A_476, %ne3A_471 : i1
      %add3A_478 = arith.addi %rem3A_469, %select_n3A_468 : i32
      %select_n3A_479 = arith.select %and3A_477, %add3A_478, %rem3A_469 : i32
      %dma_start3A_480 = arith.constant 0 : i32
      %dma_start3A_481 = arith.constant 0 : i32
      %dma_start3A_482 = tpu.memref_slice %arg22[%select_n3A_479, %dma_start3A_480, %dma_start3A_481] : memref<2x32x384xi32, #tpu.memory_space<vmem>> -> memref<1x32x384xi32, #tpu.memory_space<vmem>>
      %dma_start3A_483 = tpu.memref_squeeze %dma_start3A_482 : memref<1x32x384xi32, #tpu.memory_space<vmem>> -> memref<32x384xi32, #tpu.memory_space<vmem>>
      %dma_start3A_484 = arith.constant 0 : i32
      %dma_start3A_485 = arith.constant 0 : i32
      %dma_start3A_486 = tpu.memref_slice %arg9[%dma_start3A_484, %dma_start3A_485] : memref<73728x384xi32, #tpu.memory_space<hbm>> -> memref<73728x384xi32, #tpu.memory_space<hbm>>
      tpu.enqueue_indirect_dma source(%dma_start3A_483 : memref<32x384xi32, #tpu.memory_space<vmem>>) target(%dma_start3A_486 : memref<73728x384xi32, #tpu.memory_space<hbm>>) offsets(%arg19 : memref<32xi32, #tpu.memory_space<vmem>>) semaphore(%arg24 : memref<!tpu.dma_semaphore, #tpu.memory_space<semaphore_mem>>)
      %jit3A_487 = arith.constant 2 : i32
      %eq3A_488 = arith.constant 0 : i32
      %eq3A_489 = arith.cmpi eq, %jit3A_487, %eq3A_488 : i32
      %jit3A_490 = arith.constant 1 : i32
      %select_n3A_491 = arith.select %eq3A_489, %jit3A_490, %jit3A_487 : i32
      %rem3A_492 = arith.remsi %scan3A_32, %select_n3A_491 : i32
      %ne3A_493 = arith.constant 0 : i32
      %ne3A_494 = arith.cmpi ne, %rem3A_492, %ne3A_493 : i32
      %lt3A_495 = arith.constant 0 : i32
      %lt3A_496 = arith.cmpi slt, %rem3A_492, %lt3A_495 : i32
      %lt3A_497 = arith.constant 0 : i32
      %lt3A_498 = arith.cmpi slt, %select_n3A_491, %lt3A_497 : i32
      %ne3A_499 = arith.xori %lt3A_496, %lt3A_498 : i1
      %and3A_500 = arith.andi %ne3A_499, %ne3A_494 : i1
      %add3A_501 = arith.addi %rem3A_492, %select_n3A_491 : i32
      %select_n3A_502 = arith.select %and3A_500, %add3A_501, %rem3A_492 : i32
      %dma_start3A_503 = arith.constant 0 : i32
      %dma_start3A_504 = arith.constant 0 : i32
      %dma_start3A_505 = tpu.memref_slice %arg22[%select_n3A_502, %dma_start3A_503, %dma_start3A_504] : memref<2x32x384xi32, #tpu.memory_space<vmem>> -> memref<1x32x384xi32, #tpu.memory_space<vmem>>
      %dma_start3A_506 = tpu.memref_squeeze %dma_start3A_505 : memref<1x32x384xi32, #tpu.memory_space<vmem>> -> memref<32x384xi32, #tpu.memory_space<vmem>>
      %dma_start3A_507 = arith.constant 0 : i32
      %dma_start3A_508 = arith.constant 0 : i32
      %dma_start3A_509 = tpu.memref_slice %arg9[%dma_start3A_507, %dma_start3A_508] : memref<73728x384xi32, #tpu.memory_space<hbm>> -> memref<73728x384xi32, #tpu.memory_space<hbm>>
      tpu.enqueue_indirect_dma source(%dma_start3A_506 : memref<32x384xi32, #tpu.memory_space<vmem>>) target(%dma_start3A_509 : memref<73728x384xi32, #tpu.memory_space<hbm>>) offsets(%arg20 : memref<32xi32, #tpu.memory_space<vmem>>) semaphore(%arg25 : memref<!tpu.dma_semaphore, #tpu.memory_space<semaphore_mem>>)
      %dma_start3A_510 = arith.constant 0 : i32
      %dma_start3A_511 = arith.constant 0 : i32
      %dma_start3A_512 = tpu.memref_slice %arg10[%dma_start3A_510, %dma_start3A_511] : memref<73728x128xf32, #tpu.memory_space<hbm>> -> memref<73728x128xf32, #tpu.memory_space<hbm>>
      tpu.enqueue_indirect_dma source(%arg21 : memref<32x128xf32, #tpu.memory_space<vmem>>) target(%dma_start3A_512 : memref<73728x128xf32, #tpu.memory_space<hbm>>) offsets(%arg19 : memref<32xi32, #tpu.memory_space<vmem>>) semaphore(%arg26 : memref<!tpu.dma_semaphore, #tpu.memory_space<semaphore_mem>>)
      %dma_start3A_513 = arith.constant 0 : i32
      %dma_start3A_514 = arith.constant 0 : i32
      %dma_start3A_515 = tpu.memref_slice %arg10[%dma_start3A_513, %dma_start3A_514] : memref<73728x128xf32, #tpu.memory_space<hbm>> -> memref<73728x128xf32, #tpu.memory_space<hbm>>
      tpu.enqueue_indirect_dma source(%arg21 : memref<32x128xf32, #tpu.memory_space<vmem>>) target(%dma_start3A_515 : memref<73728x128xf32, #tpu.memory_space<hbm>>) offsets(%arg20 : memref<32xi32, #tpu.memory_space<vmem>>) semaphore(%arg27 : memref<!tpu.dma_semaphore, #tpu.memory_space<semaphore_mem>>)
      %dma_wait3A_516 = arith.constant 0 : i32
      %dma_wait3A_517 = arith.constant 0 : i32
      %dma_wait3A_518 = tpu.memref_slice %arg22[%select_n3A_479, %dma_wait3A_516, %dma_wait3A_517] : memref<2x32x384xi32, #tpu.memory_space<vmem>> -> memref<1x32x384xi32, #tpu.memory_space<vmem>>
      %dma_wait3A_519 = tpu.memref_squeeze %dma_wait3A_518 : memref<1x32x384xi32, #tpu.memory_space<vmem>> -> memref<32x384xi32, #tpu.memory_space<vmem>>
      %dma_wait3A_520 = arith.constant 0 : i32
      %dma_wait3A_521 = arith.constant 0 : i32
      %dma_wait3A_522 = tpu.memref_slice %arg9[%dma_wait3A_520, %dma_wait3A_521] : memref<73728x384xi32, #tpu.memory_space<hbm>> -> memref<73728x384xi32, #tpu.memory_space<hbm>>
      tpu.wait_indirect_dma semaphore(%arg24 : memref<!tpu.dma_semaphore, #tpu.memory_space<semaphore_mem>>) src(%dma_wait3A_519 : memref<32x384xi32, #tpu.memory_space<vmem>>) dst(%dma_wait3A_522 : memref<73728x384xi32, #tpu.memory_space<hbm>>)
      %dma_wait3A_523 = arith.constant 0 : i32
      %dma_wait3A_524 = arith.constant 0 : i32
      %dma_wait3A_525 = tpu.memref_slice %arg22[%select_n3A_502, %dma_wait3A_523, %dma_wait3A_524] : memref<2x32x384xi32, #tpu.memory_space<vmem>> -> memref<1x32x384xi32, #tpu.memory_space<vmem>>
      %dma_wait3A_526 = tpu.memref_squeeze %dma_wait3A_525 : memref<1x32x384xi32, #tpu.memory_space<vmem>> -> memref<32x384xi32, #tpu.memory_space<vmem>>
      %dma_wait3A_527 = arith.constant 0 : i32
      %dma_wait3A_528 = arith.constant 0 : i32
      %dma_wait3A_529 = tpu.memref_slice %arg9[%dma_wait3A_527, %dma_wait3A_528] : memref<73728x384xi32, #tpu.memory_space<hbm>> -> memref<73728x384xi32, #tpu.memory_space<hbm>>
      tpu.wait_indirect_dma semaphore(%arg25 : memref<!tpu.dma_semaphore, #tpu.memory_space<semaphore_mem>>) src(%dma_wait3A_526 : memref<32x384xi32, #tpu.memory_space<vmem>>) dst(%dma_wait3A_529 : memref<73728x384xi32, #tpu.memory_space<hbm>>)
      %dma_wait3A_530 = arith.constant 0 : i32
      %dma_wait3A_531 = arith.constant 0 : i32
      %dma_wait3A_532 = tpu.memref_slice %arg10[%dma_wait3A_530, %dma_wait3A_531] : memref<73728x128xf32, #tpu.memory_space<hbm>> -> memref<73728x128xf32, #tpu.memory_space<hbm>>
      tpu.wait_indirect_dma semaphore(%arg26 : memref<!tpu.dma_semaphore, #tpu.memory_space<semaphore_mem>>) src(%arg21 : memref<32x128xf32, #tpu.memory_space<vmem>>) dst(%dma_wait3A_532 : memref<73728x128xf32, #tpu.memory_space<hbm>>)
      %dma_wait3A_533 = arith.constant 0 : i32
      %dma_wait3A_534 = arith.constant 0 : i32
      %dma_wait3A_535 = tpu.memref_slice %arg10[%dma_wait3A_533, %dma_wait3A_534] : memref<73728x128xf32, #tpu.memory_space<hbm>> -> memref<73728x128xf32, #tpu.memory_space<hbm>>
      tpu.wait_indirect_dma semaphore(%arg27 : memref<!tpu.dma_semaphore, #tpu.memory_space<semaphore_mem>>) src(%arg21 : memref<32x128xf32, #tpu.memory_space<vmem>>) dst(%dma_wait3A_535 : memref<73728x128xf32, #tpu.memory_space<hbm>>)
    }
    %scan3A_19 = arith.constant 32 : i32
    %dma_wait3A = arith.constant 0 : i32
    %dma_wait3A_20 = arith.constant 0 : i32
    %dma_wait3A_21 = arith.constant 0 : i32
    %dma_wait3A_22 = tpu.memref_slice %arg22[%dma_wait3A, %dma_wait3A_20, %dma_wait3A_21] : memref<2x32x384xi32, #tpu.memory_space<vmem>> -> memref<1x32x384xi32, #tpu.memory_space<vmem>>
    %dma_wait3A_23 = tpu.memref_squeeze %dma_wait3A_22 : memref<1x32x384xi32, #tpu.memory_space<vmem>> -> memref<32x384xi32, #tpu.memory_space<vmem>>
    %dma_wait3A_24 = arith.constant 0 : i32
    %dma_wait3A_25 = tpu.memref_slice %arg2[%mul3A_2, %dma_wait3A_24] : memref<32768x384xi32, #tpu.memory_space<hbm>> -> memref<32x384xi32, #tpu.memory_space<hbm>>
    %dma_wait3A_26 = arith.constant 0 : i32
    %dma_wait3A_27 = arith.constant 0 : i32
    %dma_wait3A_28 = tpu.memref_slice %arg22[%dma_wait3A, %dma_wait3A_26, %dma_wait3A_27] : memref<2x32x384xi32, #tpu.memory_space<vmem>> -> memref<1x32x384xi32, #tpu.memory_space<vmem>>
    %dma_wait3A_29 = tpu.memref_squeeze %dma_wait3A_28 : memref<1x32x384xi32, #tpu.memory_space<vmem>> -> memref<32x384xi32, #tpu.memory_space<vmem>>
    %dma_wait3A_30 = arith.constant 0 : i32
    %dma_wait3A_31 = tpu.memref_slice %arg2[%mul3A_2, %dma_wait3A_30] : memref<32768x384xi32, #tpu.memory_space<hbm>> -> memref<32x384xi32, #tpu.memory_space<hbm>>
    tpu.wait_dma2 semaphore(%arg23 : memref<!tpu.dma_semaphore, #tpu.memory_space<semaphore_mem>>) src(%dma_wait3A_31 : memref<32x384xi32, #tpu.memory_space<hbm>>) dst(%dma_wait3A_29 : memref<32x384xi32, #tpu.memory_space<vmem>>)
    return
  }
}

module attributes {stable_mosaic.version = 14 : i64} {
  func.func @_ffn_kernel(%arg0: i32, %arg1: memref<512xi32, #tpu.memory_space<smem>>, %arg2: memref<1024x384xi32, #tpu.memory_space<vmem>>, %arg3: memref<1x768x384xf32, #tpu.memory_space<vmem>>, %arg4: memref<1x1x384xf32, #tpu.memory_space<vmem>>, %arg5: memref<1x384x768xf32, #tpu.memory_space<vmem>>, %arg6: memref<1x1x768xf32, #tpu.memory_space<vmem>>, %arg7: memref<1024x128xf32, #tpu.memory_space<vmem>>, %arg8: memref<1024x384xi32, #tpu.memory_space<vmem>>) attributes {dimension_semantics = [#tpu.dimension_semantics<arbitrary>], iteration_bounds = array<i64: 72>, scalar_prefetch = 1 : i64, scratch_operands = 0 : i64, tpu.core_type = #tpu.core_type<tc>, window_params = [{transform_indices = @transform_0, window_bounds = array<i64: 1024, 384>}, {transform_indices = @transform_1, window_bounds = array<i64: 1, 768, 384>}, {transform_indices = @transform_2, window_bounds = array<i64: 1, 1, 384>}, {transform_indices = @transform_3, window_bounds = array<i64: 1, 384, 768>}, {transform_indices = @transform_4, window_bounds = array<i64: 1, 1, 768>}, {transform_indices = @transform_5, window_bounds = array<i64: 1024, 128>}, {transform_indices = @transform_6, window_bounds = array<i64: 1024, 384>}]} {
    %get3A = arith.constant 0 : index
    %get3A_0 = arith.constant 0 : index
    %get3A_1 = vector.load %arg2[%get3A, %get3A_0] : memref<1024x384xi32, #tpu.memory_space<vmem>>, vector<1024x384xi32>
    %shift_left3A = arith.constant 16 : i32
    %shift_left3A_2 = vector.broadcast %shift_left3A : i32 to vector<1024x384xi32>
    %shift_left3A_3 = arith.shli %get3A_1, %shift_left3A_2 : vector<1024x384xi32>
    %bitcast_convert_type3A = tpu.bitcast %shift_left3A_3 : vector<1024x384xi32> -> vector<1024x384xf32>
    %convert_element_type3A = arith.truncf %bitcast_convert_type3A : vector<1024x384xf32> to vector<1024x384xbf16>
    %and3A = arith.constant -65536 : i32
    %and3A_4 = vector.broadcast %and3A : i32 to vector<1024x384xi32>
    %and3A_5 = arith.andi %get3A_1, %and3A_4 : vector<1024x384xi32>
    %bitcast_convert_type3A_6 = tpu.bitcast %and3A_5 : vector<1024x384xi32> -> vector<1024x384xf32>
    %convert_element_type3A_7 = arith.truncf %bitcast_convert_type3A_6 : vector<1024x384xf32> to vector<1024x384xbf16>
    %get3A_8 = arith.constant 0 : index
    %get3A_9 = arith.constant 0 : index
    %get3A_10 = arith.constant 0 : index
    %get3A_11 = vector.load %arg3[%get3A_8, %get3A_9, %get3A_10] : memref<1x768x384xf32, #tpu.memory_space<vmem>>, vector<1x768x384xf32>
    %get3A_12 = vector.shape_cast %get3A_11 : vector<1x768x384xf32> to vector<768x384xf32>
    %convert_element_type3A_13 = arith.truncf %get3A_12 : vector<768x384xf32> to vector<768x384xbf16>
    %slice3A = vector.extract_strided_slice %convert_element_type3A_13 {offsets = [0, 0], sizes = [384, 384], strides = [1, 1]} : vector<768x384xbf16> to vector<384x384xbf16>
    %dot_general3A = arith.constant dense<0.000000e+00> : vector<1024x384xf32>
    %dot_general3A_14 = tpu.matmul %convert_element_type3A, %slice3A, %dot_general3A {dimension_numbers = #tpu.dot_dimension_numbers<[1], [0], [0], [1], [0, 0, 1, 1], [], []>, transpose_lhs_hint = false} : vector<1024x384xbf16>, vector<384x384xbf16>, vector<1024x384xf32> -> vector<1024x384xf32>
    %slice3A_15 = vector.extract_strided_slice %convert_element_type3A_13 {offsets = [384, 0], sizes = [384, 384], strides = [1, 1]} : vector<768x384xbf16> to vector<384x384xbf16>
    %dot_general3A_16 = arith.constant dense<0.000000e+00> : vector<1024x384xf32>
    %dot_general3A_17 = tpu.matmul %convert_element_type3A_7, %slice3A_15, %dot_general3A_16 {dimension_numbers = #tpu.dot_dimension_numbers<[1], [0], [0], [1], [0, 0, 1, 1], [], []>, transpose_lhs_hint = false} : vector<1024x384xbf16>, vector<384x384xbf16>, vector<1024x384xf32> -> vector<1024x384xf32>
    %add3A = arith.addf %dot_general3A_14, %dot_general3A_17 : vector<1024x384xf32>
    %get3A_18 = arith.constant 0 : index
    %get3A_19 = arith.constant 0 : index
    %get3A_20 = arith.constant 0 : index
    %get3A_21 = vector.load %arg4[%get3A_18, %get3A_19, %get3A_20] : memref<1x1x384xf32, #tpu.memory_space<vmem>>, vector<1x1x384xf32>
    %get3A_22 = vector.shape_cast %get3A_21 : vector<1x1x384xf32> to vector<1x384xf32>
    %add3A_23 = vector.broadcast %get3A_22 : vector<1x384xf32> to vector<1024x384xf32>
    %add3A_24 = arith.addf %add3A, %add3A_23 : vector<1024x384xf32>
    %mul3A = arith.constant 5.000000e-01 : f32
    %mul3A_25 = vector.broadcast %mul3A : f32 to vector<1024x384xf32>
    %mul3A_26 = arith.mulf %mul3A_25, %add3A_24 : vector<1024x384xf32>
    %mul3A_27 = arith.constant 0.707106769 : f32
    %mul3A_28 = vector.broadcast %mul3A_27 : f32 to vector<1024x384xf32>
    %mul3A_29 = arith.mulf %add3A_24, %mul3A_28 : vector<1024x384xf32>
    %erf3A = math.erf %mul3A_29 : vector<1024x384xf32>
    %add3A_30 = arith.constant 1.000000e+00 : f32
    %add3A_31 = vector.broadcast %add3A_30 : f32 to vector<1024x384xf32>
    %add3A_32 = arith.addf %add3A_31, %erf3A : vector<1024x384xf32>
    %mul3A_33 = arith.mulf %mul3A_26, %add3A_32 : vector<1024x384xf32>
    %convert_element_type3A_34 = arith.truncf %mul3A_33 : vector<1024x384xf32> to vector<1024x384xbf16>
    %get3A_35 = arith.constant 0 : index
    %get3A_36 = arith.constant 0 : index
    %get3A_37 = arith.constant 0 : index
    %get3A_38 = vector.load %arg5[%get3A_35, %get3A_36, %get3A_37] : memref<1x384x768xf32, #tpu.memory_space<vmem>>, vector<1x384x768xf32>
    %get3A_39 = vector.shape_cast %get3A_38 : vector<1x384x768xf32> to vector<384x768xf32>
    %convert_element_type3A_40 = arith.truncf %get3A_39 : vector<384x768xf32> to vector<384x768xbf16>
    %dot_general3A_41 = arith.constant dense<0.000000e+00> : vector<1024x768xf32>
    %dot_general3A_42 = tpu.matmul %convert_element_type3A_34, %convert_element_type3A_40, %dot_general3A_41 {dimension_numbers = #tpu.dot_dimension_numbers<[1], [0], [0], [1], [0, 0, 1, 1], [], []>, transpose_lhs_hint = false} : vector<1024x384xbf16>, vector<384x768xbf16>, vector<1024x768xf32> -> vector<1024x768xf32>
    %get3A_43 = arith.constant 0 : index
    %get3A_44 = arith.constant 0 : index
    %get3A_45 = arith.constant 0 : index
    %get3A_46 = vector.load %arg6[%get3A_43, %get3A_44, %get3A_45] : memref<1x1x768xf32, #tpu.memory_space<vmem>>, vector<1x1x768xf32>
    %get3A_47 = vector.shape_cast %get3A_46 : vector<1x1x768xf32> to vector<1x768xf32>
    %add3A_48 = vector.broadcast %get3A_47 : vector<1x768xf32> to vector<1024x768xf32>
    %add3A_49 = arith.addf %dot_general3A_42, %add3A_48 : vector<1024x768xf32>
    %get3A_50 = arith.constant 0 : index
    %get3A_51 = arith.constant 0 : index
    %get3A_52 = vector.load %arg7[%get3A_50, %get3A_51] : memref<1024x128xf32, #tpu.memory_space<vmem>>, vector<1024x1xf32>
    %mul3A_53 = vector.broadcast %get3A_52 : vector<1024x1xf32> to vector<1024x768xf32>
    %mul3A_54 = arith.mulf %add3A_49, %mul3A_53 : vector<1024x768xf32>
    %slice3A_55 = vector.extract_strided_slice %mul3A_54 {offsets = [0, 0], sizes = [1024, 384], strides = [1, 1]} : vector<1024x768xf32> to vector<1024x384xf32>
    %convert_element_type3A_56 = arith.truncf %slice3A_55 : vector<1024x384xf32> to vector<1024x384xbf16>
    %convert_element_type3A_57 = arith.extf %convert_element_type3A_56 : vector<1024x384xbf16> to vector<1024x384xf32>
    %slice3A_58 = vector.extract_strided_slice %mul3A_54 {offsets = [0, 384], sizes = [1024, 384], strides = [1, 1]} : vector<1024x768xf32> to vector<1024x384xf32>
    %convert_element_type3A_59 = arith.truncf %slice3A_58 : vector<1024x384xf32> to vector<1024x384xbf16>
    %convert_element_type3A_60 = arith.extf %convert_element_type3A_59 : vector<1024x384xbf16> to vector<1024x384xf32>
    %bitcast_convert_type3A_61 = tpu.bitcast %convert_element_type3A_57 : vector<1024x384xf32> -> vector<1024x384xi32>
    %shift_right_logical3A = arith.constant 16 : i32
    %shift_right_logical3A_62 = vector.broadcast %shift_right_logical3A : i32 to vector<1024x384xi32>
    %shift_right_logical3A_63 = arith.shrui %bitcast_convert_type3A_61, %shift_right_logical3A_62 : vector<1024x384xi32>
    %bitcast_convert_type3A_64 = tpu.bitcast %convert_element_type3A_60 : vector<1024x384xf32> -> vector<1024x384xi32>
    %and3A_65 = arith.constant -65536 : i32
    %and3A_66 = vector.broadcast %and3A_65 : i32 to vector<1024x384xi32>
    %and3A_67 = arith.andi %bitcast_convert_type3A_64, %and3A_66 : vector<1024x384xi32>
    %or3A = arith.ori %shift_right_logical3A_63, %and3A_67 : vector<1024x384xi32>
    %swap3A = arith.constant 0 : index
    %swap3A_68 = arith.constant 0 : index
    %swap3A_69 = vector.load %arg8[%swap3A, %swap3A_68] : memref<1024x384xi32, #tpu.memory_space<vmem>>, vector<1024x384xi32>
    tpu.vector_store %arg8[%swap3A, %swap3A_68], %or3A {strides = array<i32>} : memref<1024x384xi32, #tpu.memory_space<vmem>>, vector<1024x384xi32>,
    return
  }
  func.func @transform_0(%arg0: i32, %arg1: memref<512xi32, #tpu.memory_space<smem>>) -> (i32, i32) {
    %c0_i32 = arith.constant 0 : i32
    %c0_i32_0 = arith.constant 0 : i32
    return %arg0, %c0_i32 : i32, i32
  }
  func.func @transform_1(%arg0: i32, %arg1: memref<512xi32, #tpu.memory_space<smem>>) -> (i32, i32, i32) {
    %get3A = arith.index_cast %arg0 : i32 to index
    %get3A_0 = memref.load %arg1[%get3A] : memref<512xi32, #tpu.memory_space<smem>>
    %c0_i32 = arith.constant 0 : i32
    %c0_i32_1 = arith.constant 0 : i32
    %c0_i32_2 = arith.constant 0 : i32
    return %get3A_0, %c0_i32, %c0_i32_1 : i32, i32, i32
  }
  func.func @transform_2(%arg0: i32, %arg1: memref<512xi32, #tpu.memory_space<smem>>) -> (i32, i32, i32) {
    %get3A = arith.index_cast %arg0 : i32 to index
    %get3A_0 = memref.load %arg1[%get3A] : memref<512xi32, #tpu.memory_space<smem>>
    %c0_i32 = arith.constant 0 : i32
    %c0_i32_1 = arith.constant 0 : i32
    %c0_i32_2 = arith.constant 0 : i32
    return %get3A_0, %c0_i32, %c0_i32_1 : i32, i32, i32
  }
  func.func @transform_3(%arg0: i32, %arg1: memref<512xi32, #tpu.memory_space<smem>>) -> (i32, i32, i32) {
    %get3A = arith.index_cast %arg0 : i32 to index
    %get3A_0 = memref.load %arg1[%get3A] : memref<512xi32, #tpu.memory_space<smem>>
    %c0_i32 = arith.constant 0 : i32
    %c0_i32_1 = arith.constant 0 : i32
    %c0_i32_2 = arith.constant 0 : i32
    return %get3A_0, %c0_i32, %c0_i32_1 : i32, i32, i32
  }
  func.func @transform_4(%arg0: i32, %arg1: memref<512xi32, #tpu.memory_space<smem>>) -> (i32, i32, i32) {
    %get3A = arith.index_cast %arg0 : i32 to index
    %get3A_0 = memref.load %arg1[%get3A] : memref<512xi32, #tpu.memory_space<smem>>
    %c0_i32 = arith.constant 0 : i32
    %c0_i32_1 = arith.constant 0 : i32
    %c0_i32_2 = arith.constant 0 : i32
    return %get3A_0, %c0_i32, %c0_i32_1 : i32, i32, i32
  }
  func.func @transform_5(%arg0: i32, %arg1: memref<512xi32, #tpu.memory_space<smem>>) -> (i32, i32) {
    %c0_i32 = arith.constant 0 : i32
    %c0_i32_0 = arith.constant 0 : i32
    return %arg0, %c0_i32 : i32, i32
  }
  func.func @transform_6(%arg0: i32, %arg1: memref<512xi32, #tpu.memory_space<smem>>) -> (i32, i32) {
    %c0_i32 = arith.constant 0 : i32
    %c0_i32_0 = arith.constant 0 : i32
    return %arg0, %c0_i32 : i32, i32
  }
}

module attributes {stable_mosaic.version = 14 : i64} {
  func.func @_gate_kernel(%arg0: i32, %arg1: memref<256x768xf32, #tpu.memory_space<vmem>>, %arg2: memref<768x8xf32, #tpu.memory_space<vmem>>, %arg3: memref<1x1x256xi32, #tpu.memory_space<vmem>>, %arg4: memref<1x1x256xi32, #tpu.memory_space<vmem>>, %arg5: memref<1x1x256xi32, #tpu.memory_space<vmem>>, %arg6: memref<1x1x256xi32, #tpu.memory_space<vmem>>, %arg7: memref<1x1x256xf32, #tpu.memory_space<vmem>>, %arg8: memref<256x384xi32, #tpu.memory_space<vmem>>, %arg9: memref<1x128xi32, #tpu.memory_space<vmem>>, %arg10: memref<1x512xi32, #tpu.memory_space<vmem>>, %arg11: memref<8x128xf32, #tpu.memory_space<vmem>>) attributes {dimension_semantics = [#tpu.dimension_semantics<arbitrary>], iteration_bounds = array<i64: 128>, scalar_prefetch = 0 : i64, scratch_operands = 1 : i64, tpu.core_type = #tpu.core_type<tc>, window_params = [{transform_indices = @transform_0, window_bounds = array<i64: 256, 768>}, {pipeline_mode = #tpu.pipeline_mode<synchronous>, transform_indices = @transform_1, window_bounds = array<i64: 768, 8>}, {transform_indices = @transform_2, window_bounds = array<i64: 1, 1, 256>}, {transform_indices = @transform_3, window_bounds = array<i64: 1, 1, 256>}, {transform_indices = @transform_4, window_bounds = array<i64: 1, 1, 256>}, {transform_indices = @transform_5, window_bounds = array<i64: 1, 1, 256>}, {transform_indices = @transform_6, window_bounds = array<i64: 1, 1, 256>}, {transform_indices = @transform_7, window_bounds = array<i64: 256, 384>}, {pipeline_mode = #tpu.pipeline_mode<synchronous>, transform_indices = @transform_8, window_bounds = array<i64: 1, 128>}, {pipeline_mode = #tpu.pipeline_mode<synchronous>, transform_indices = @transform_9, window_bounds = array<i64: 1, 512>}]} {
    %eq3A = arith.constant 0 : i32
    %eq3A_0 = arith.cmpi eq, %arg0, %eq3A : i32
    %convert_element_type3A = arith.extui %eq3A_0 : i1 to i32
    %cond3A = arith.constant 0 : i32
    %cond3A_1 = arith.cmpi ne, %convert_element_type3A, %cond3A : i32
    scf.if %cond3A_1 {
      %broadcast_in_dim3A_119 = arith.constant 0.000000e+00 : f32
      %broadcast_in_dim3A_120 = vector.broadcast %broadcast_in_dim3A_119 : f32 to vector<8x128xf32>
      %swap3A_121 = arith.constant 0 : index
      %swap3A_122 = arith.constant 0 : index
      %swap3A_123 = vector.load %arg11[%swap3A_121, %swap3A_122] : memref<8x128xf32, #tpu.memory_space<vmem>>, vector<8x128xf32>
      tpu.vector_store %arg11[%swap3A_121, %swap3A_122], %broadcast_in_dim3A_120 {strides = array<i32>} : memref<8x128xf32, #tpu.memory_space<vmem>>, vector<8x128xf32>,
    } else {
    }
    %get3A = arith.constant 0 : index
    %get3A_2 = arith.constant 0 : index
    %get3A_3 = vector.load %arg1[%get3A, %get3A_2] : memref<256x768xf32, #tpu.memory_space<vmem>>, vector<256x768xf32>
    %get3A_4 = arith.constant 0 : index
    %get3A_5 = arith.constant 0 : index
    %get3A_6 = vector.load %arg2[%get3A_4, %get3A_5] : memref<768x8xf32, #tpu.memory_space<vmem>>, vector<768x8xf32>
    %dot_general3A = arith.constant dense<0.000000e+00> : vector<256x8xf32>
    %dot_general3A_7 = tpu.matmul %get3A_3, %get3A_6, %dot_general3A {dimension_numbers = #tpu.dot_dimension_numbers<[1], [0], [0], [1], [0, 0, 1, 1], [], []>, transpose_lhs_hint = false} : vector<256x768xf32>, vector<768x8xf32>, vector<256x8xf32> -> vector<256x8xf32>
    %transpose3A = tpu.transpose %dot_general3A_7, [1, 0] : vector<256x8xf32> -> vector<8x256xf32>
    %iota3A = tpu.iota {dimensions = array<i32: 0>} : vector<8x256xi32>
    %reduce_max3A = arith.constant dense<0xFF800000> : vector<256xf32>
    %reduce_max3A_8 = vector.multi_reduction <maximumf>, %transpose3A, %reduce_max3A [0] : vector<8x256xf32> to vector<256xf32>
    %broadcast_in_dim3A = vector.shape_cast %reduce_max3A_8 : vector<256xf32> to vector<1x256xf32>
    %sub3A = vector.broadcast %broadcast_in_dim3A : vector<1x256xf32> to vector<8x256xf32>
    %sub3A_9 = arith.subf %transpose3A, %sub3A : vector<8x256xf32>
    %exp3A = math.exp %sub3A_9 : vector<8x256xf32>
    %reduce_sum3A = arith.constant dense<0.000000e+00> : vector<256xf32>
    %reduce_sum3A_10 = vector.multi_reduction <add>, %exp3A, %reduce_sum3A [0] : vector<8x256xf32> to vector<256xf32>
    %broadcast_in_dim3A_11 = vector.shape_cast %reduce_sum3A_10 : vector<256xf32> to vector<1x256xf32>
    %eq3A_12 = vector.broadcast %broadcast_in_dim3A : vector<1x256xf32> to vector<8x256xf32>
    %eq3A_13 = arith.cmpf oeq, %transpose3A, %eq3A_12 : vector<8x256xf32>
    %jit3A = arith.constant 8 : i32
    %broadcast_in_dim3A_14 = vector.broadcast %jit3A : i32 to vector<8x256xi32>
    %select_n3A = arith.select %eq3A_13, %iota3A, %broadcast_in_dim3A_14 : vector<8x256xi1>, vector<8x256xi32>
    %reduce_min3A = arith.constant dense<2147483647> : vector<256xi32>
    %reduce_min3A_15 = vector.multi_reduction <minsi>, %select_n3A, %reduce_min3A [0] : vector<8x256xi32> to vector<256xi32>
    %broadcast_in_dim3A_16 = vector.shape_cast %reduce_min3A_15 : vector<256xi32> to vector<1x256xi32>
    %eq3A_17 = vector.broadcast %broadcast_in_dim3A_16 : vector<1x256xi32> to vector<8x256xi32>
    %eq3A_18 = arith.cmpi eq, %iota3A, %eq3A_17 : vector<8x256xi32>
    %jit3A_19 = arith.constant 0xFF800000 : f32
    %broadcast_in_dim3A_20 = vector.broadcast %jit3A_19 : f32 to vector<8x256xf32>
    %select_n3A_21 = arith.select %eq3A_18, %broadcast_in_dim3A_20, %transpose3A : vector<8x256xi1>, vector<8x256xf32>
    %reduce_max3A_22 = arith.constant dense<0xFF800000> : vector<256xf32>
    %reduce_max3A_23 = vector.multi_reduction <maximumf>, %select_n3A_21, %reduce_max3A_22 [0] : vector<8x256xf32> to vector<256xf32>
    %broadcast_in_dim3A_24 = vector.shape_cast %reduce_max3A_23 : vector<256xf32> to vector<1x256xf32>
    %eq3A_25 = vector.broadcast %broadcast_in_dim3A_24 : vector<1x256xf32> to vector<8x256xf32>
    %eq3A_26 = arith.cmpf oeq, %select_n3A_21, %eq3A_25 : vector<8x256xf32>
    %jit3A_27 = arith.constant 8 : i32
    %broadcast_in_dim3A_28 = vector.broadcast %jit3A_27 : i32 to vector<8x256xi32>
    %select_n3A_29 = arith.select %eq3A_26, %iota3A, %broadcast_in_dim3A_28 : vector<8x256xi1>, vector<8x256xi32>
    %reduce_min3A_30 = arith.constant dense<2147483647> : vector<256xi32>
    %reduce_min3A_31 = vector.multi_reduction <minsi>, %select_n3A_29, %reduce_min3A_30 [0] : vector<8x256xi32> to vector<256xi32>
    %broadcast_in_dim3A_32 = vector.shape_cast %reduce_min3A_31 : vector<256xi32> to vector<1x256xi32>
    %sub3A_33 = arith.subf %broadcast_in_dim3A, %broadcast_in_dim3A : vector<1x256xf32>
    %exp3A_34 = math.exp %sub3A_33 : vector<1x256xf32>
    %sub3A_35 = arith.subf %broadcast_in_dim3A_24, %broadcast_in_dim3A : vector<1x256xf32>
    %exp3A_36 = math.exp %sub3A_35 : vector<1x256xf32>
    %add3A = arith.addf %exp3A_34, %exp3A_36 : vector<1x256xf32>
    %div3A = arith.divf %add3A, %broadcast_in_dim3A_11 : vector<1x256xf32>
    %eq3A_37 = vector.broadcast %broadcast_in_dim3A_16 : vector<1x256xi32> to vector<8x256xi32>
    %eq3A_38 = arith.cmpi eq, %iota3A, %eq3A_37 : vector<8x256xi32>
    %convert_element_type3A_39 = arith.extui %eq3A_38 : vector<8x256xi1> to vector<8x256xi32>
    %convert_element_type3A_40 = arith.sitofp %convert_element_type3A_39 : vector<8x256xi32> to vector<8x256xf32>
    %eq3A_41 = vector.broadcast %broadcast_in_dim3A_32 : vector<1x256xi32> to vector<8x256xi32>
    %eq3A_42 = arith.cmpi eq, %iota3A, %eq3A_41 : vector<8x256xi32>
    %convert_element_type3A_43 = arith.extui %eq3A_42 : vector<8x256xi1> to vector<8x256xi32>
    %convert_element_type3A_44 = arith.sitofp %convert_element_type3A_43 : vector<8x256xi32> to vector<8x256xf32>
    %add3A_45 = arith.addf %convert_element_type3A_40, %convert_element_type3A_44 : vector<8x256xf32>
    %iota3A_46 = tpu.iota {dimensions = array<i32: 0>} : vector<256x256xi32>
    %iota3A_47 = tpu.iota {dimensions = array<i32: 1>} : vector<256x256xi32>
    %lt3A = arith.cmpi slt, %iota3A_46, %iota3A_47 : vector<256x256xi32>
    %convert_element_type3A_48 = arith.extui %lt3A : vector<256x256xi1> to vector<256x256xi32>
    %convert_element_type3A_49 = arith.sitofp %convert_element_type3A_48 : vector<256x256xi32> to vector<256x256xf32>
    %dot_general3A_50 = arith.constant dense<0.000000e+00> : vector<8x256xf32>
    %dot_general3A_51 = tpu.matmul %add3A_45, %convert_element_type3A_49, %dot_general3A_50 {dimension_numbers = #tpu.dot_dimension_numbers<[1], [0], [0], [1], [0, 0, 1, 1], [], []>, transpose_lhs_hint = false} : vector<8x256xf32>, vector<256x256xf32>, vector<8x256xf32> -> vector<8x256xf32>
    %get3A_52 = arith.constant 0 : index
    %get3A_53 = arith.constant 0 : index
    %get3A_54 = vector.load %arg11[%get3A_52, %get3A_53] : memref<8x128xf32, #tpu.memory_space<vmem>>, vector<8x1xf32>
    %add3A_55 = vector.broadcast %get3A_54 : vector<8x1xf32> to vector<8x256xf32>
    %add3A_56 = arith.addf %dot_general3A_51, %add3A_55 : vector<8x256xf32>
    %mul3A = arith.mulf %convert_element_type3A_40, %add3A_56 : vector<8x256xf32>
    %reduce_sum3A_57 = arith.constant dense<0.000000e+00> : vector<256xf32>
    %reduce_sum3A_58 = vector.multi_reduction <add>, %mul3A, %reduce_sum3A_57 [0] : vector<8x256xf32> to vector<256xf32>
    %broadcast_in_dim3A_59 = vector.shape_cast %reduce_sum3A_58 : vector<256xf32> to vector<1x256xf32>
    %mul3A_60 = arith.mulf %convert_element_type3A_44, %add3A_56 : vector<8x256xf32>
    %reduce_sum3A_61 = arith.constant dense<0.000000e+00> : vector<256xf32>
    %reduce_sum3A_62 = vector.multi_reduction <add>, %mul3A_60, %reduce_sum3A_61 [0] : vector<8x256xf32> to vector<256xf32>
    %broadcast_in_dim3A_63 = vector.shape_cast %reduce_sum3A_62 : vector<256xf32> to vector<1x256xf32>
    %get3A_64 = arith.constant 0 : index
    %get3A_65 = arith.constant 0 : index
    %get3A_66 = vector.load %arg11[%get3A_64, %get3A_65] : memref<8x128xf32, #tpu.memory_space<vmem>>, vector<8x128xf32>
    %reduce_sum3A_67 = arith.constant dense<0.000000e+00> : vector<8xf32>
    %reduce_sum3A_68 = vector.multi_reduction <add>, %add3A_45, %reduce_sum3A_67 [1] : vector<8x256xf32> to vector<8xf32>
    %broadcast_in_dim3A_69 = vector.shape_cast %reduce_sum3A_68 : vector<8xf32> to vector<8x1xf32>
    %add3A_70 = vector.broadcast %broadcast_in_dim3A_69 : vector<8x1xf32> to vector<8x128xf32>
    %add3A_71 = arith.addf %get3A_66, %add3A_70 : vector<8x128xf32>
    %swap3A = arith.constant 0 : index
    %swap3A_72 = arith.constant 0 : index
    %swap3A_73 = vector.load %arg11[%swap3A, %swap3A_72] : memref<8x128xf32, #tpu.memory_space<vmem>>, vector<8x128xf32>
    tpu.vector_store %arg11[%swap3A, %swap3A_72], %add3A_71 {strides = array<i32>} : memref<8x128xf32, #tpu.memory_space<vmem>>, vector<8x128xf32>,
    %broadcast_in_dim3A_74 = vector.shape_cast %broadcast_in_dim3A_16 : vector<1x256xi32> to vector<1x1x256xi32>
    %swap3A_75 = arith.constant 0 : index
    %swap3A_76 = arith.constant 0 : index
    %swap3A_77 = arith.constant 0 : index
    %swap3A_78 = vector.load %arg3[%swap3A_75, %swap3A_76, %swap3A_77] : memref<1x1x256xi32, #tpu.memory_space<vmem>>, vector<1x1x256xi32>
    tpu.vector_store %arg3[%swap3A_75, %swap3A_76, %swap3A_77], %broadcast_in_dim3A_74 {strides = array<i32>} : memref<1x1x256xi32, #tpu.memory_space<vmem>>, vector<1x1x256xi32>,
    %broadcast_in_dim3A_79 = vector.shape_cast %broadcast_in_dim3A_32 : vector<1x256xi32> to vector<1x1x256xi32>
    %swap3A_80 = arith.constant 0 : index
    %swap3A_81 = arith.constant 0 : index
    %swap3A_82 = arith.constant 0 : index
    %swap3A_83 = vector.load %arg4[%swap3A_80, %swap3A_81, %swap3A_82] : memref<1x1x256xi32, #tpu.memory_space<vmem>>, vector<1x1x256xi32>
    tpu.vector_store %arg4[%swap3A_80, %swap3A_81, %swap3A_82], %broadcast_in_dim3A_79 {strides = array<i32>} : memref<1x1x256xi32, #tpu.memory_space<vmem>>, vector<1x1x256xi32>,
    %convert_element_type3A_84 = arith.fptosi %broadcast_in_dim3A_59 : vector<1x256xf32> to vector<1x256xi32>
    %broadcast_in_dim3A_85 = vector.shape_cast %convert_element_type3A_84 : vector<1x256xi32> to vector<1x1x256xi32>
    %swap3A_86 = arith.constant 0 : index
    %swap3A_87 = arith.constant 0 : index
    %swap3A_88 = arith.constant 0 : index
    %swap3A_89 = vector.load %arg5[%swap3A_86, %swap3A_87, %swap3A_88] : memref<1x1x256xi32, #tpu.memory_space<vmem>>, vector<1x1x256xi32>
    tpu.vector_store %arg5[%swap3A_86, %swap3A_87, %swap3A_88], %broadcast_in_dim3A_85 {strides = array<i32>} : memref<1x1x256xi32, #tpu.memory_space<vmem>>, vector<1x1x256xi32>,
    %convert_element_type3A_90 = arith.fptosi %broadcast_in_dim3A_63 : vector<1x256xf32> to vector<1x256xi32>
    %broadcast_in_dim3A_91 = vector.shape_cast %convert_element_type3A_90 : vector<1x256xi32> to vector<1x1x256xi32>
    %swap3A_92 = arith.constant 0 : index
    %swap3A_93 = arith.constant 0 : index
    %swap3A_94 = arith.constant 0 : index
    %swap3A_95 = vector.load %arg6[%swap3A_92, %swap3A_93, %swap3A_94] : memref<1x1x256xi32, #tpu.memory_space<vmem>>, vector<1x1x256xi32>
    tpu.vector_store %arg6[%swap3A_92, %swap3A_93, %swap3A_94], %broadcast_in_dim3A_91 {strides = array<i32>} : memref<1x1x256xi32, #tpu.memory_space<vmem>>, vector<1x1x256xi32>,
    %broadcast_in_dim3A_96 = vector.shape_cast %div3A : vector<1x256xf32> to vector<1x1x256xf32>
    %swap3A_97 = arith.constant 0 : index
    %swap3A_98 = arith.constant 0 : index
    %swap3A_99 = arith.constant 0 : index
    %swap3A_100 = vector.load %arg7[%swap3A_97, %swap3A_98, %swap3A_99] : memref<1x1x256xf32, #tpu.memory_space<vmem>>, vector<1x1x256xf32>
    tpu.vector_store %arg7[%swap3A_97, %swap3A_98, %swap3A_99], %broadcast_in_dim3A_96 {strides = array<i32>} : memref<1x1x256xf32, #tpu.memory_space<vmem>>, vector<1x1x256xf32>,
    %slice3A = vector.extract_strided_slice %get3A_3 {offsets = [0, 0], sizes = [256, 384], strides = [1, 1]} : vector<256x768xf32> to vector<256x384xf32>
    %convert_element_type3A_101 = arith.truncf %slice3A : vector<256x384xf32> to vector<256x384xbf16>
    %convert_element_type3A_102 = arith.extf %convert_element_type3A_101 : vector<256x384xbf16> to vector<256x384xf32>
    %slice3A_103 = vector.extract_strided_slice %get3A_3 {offsets = [0, 384], sizes = [256, 384], strides = [1, 1]} : vector<256x768xf32> to vector<256x384xf32>
    %convert_element_type3A_104 = arith.truncf %slice3A_103 : vector<256x384xf32> to vector<256x384xbf16>
    %convert_element_type3A_105 = arith.extf %convert_element_type3A_104 : vector<256x384xbf16> to vector<256x384xf32>
    %bitcast_convert_type3A = tpu.bitcast %convert_element_type3A_102 : vector<256x384xf32> -> vector<256x384xi32>
    %shift_right_logical3A = arith.constant 16 : i32
    %shift_right_logical3A_106 = vector.broadcast %shift_right_logical3A : i32 to vector<256x384xi32>
    %shift_right_logical3A_107 = arith.shrui %bitcast_convert_type3A, %shift_right_logical3A_106 : vector<256x384xi32>
    %bitcast_convert_type3A_108 = tpu.bitcast %convert_element_type3A_105 : vector<256x384xf32> -> vector<256x384xi32>
    %and3A = arith.constant -65536 : i32
    %and3A_109 = vector.broadcast %and3A : i32 to vector<256x384xi32>
    %and3A_110 = arith.andi %bitcast_convert_type3A_108, %and3A_109 : vector<256x384xi32>
    %or3A = arith.ori %shift_right_logical3A_107, %and3A_110 : vector<256x384xi32>
    %swap3A_111 = arith.constant 0 : index
    %swap3A_112 = arith.constant 0 : index
    %swap3A_113 = vector.load %arg8[%swap3A_111, %swap3A_112] : memref<256x384xi32, #tpu.memory_space<vmem>>, vector<256x384xi32>
    tpu.vector_store %arg8[%swap3A_111, %swap3A_112], %or3A {strides = array<i32>} : memref<256x384xi32, #tpu.memory_space<vmem>>, vector<256x384xi32>,
    %eq3A_114 = arith.constant 127 : i32
    %eq3A_115 = arith.cmpi eq, %arg0, %eq3A_114 : i32
    %convert_element_type3A_116 = arith.extui %eq3A_115 : i1 to i32
    %cond3A_117 = arith.constant 0 : i32
    %cond3A_118 = arith.cmpi ne, %convert_element_type3A_116, %cond3A_117 : i32
    scf.if %cond3A_118 {
      %get3A_119 = arith.constant 0 : index
      %get3A_120 = arith.constant 0 : index
      %get3A_121 = vector.load %arg11[%get3A_119, %get3A_120] : memref<8x128xf32, #tpu.memory_space<vmem>>, vector<8x128xf32>
      %slice3A_122 = vector.extract_strided_slice %get3A_121 {offsets = [0, 0], sizes = [8, 1], strides = [1, 1]} : vector<8x128xf32> to vector<8x1xf32>
      %add3A_123 = arith.constant 1.023000e+03 : f32
      %add3A_124 = vector.broadcast %add3A_123 : f32 to vector<8x1xf32>
      %add3A_125 = arith.addf %slice3A_122, %add3A_124 : vector<8x1xf32>
      %div3A_126 = arith.constant 1.024000e+03 : f32
      %div3A_127 = vector.broadcast %div3A_126 : f32 to vector<8x1xf32>
      %div3A_128 = arith.divf %add3A_125, %div3A_127 : vector<8x1xf32>
      %floor3A = math.floor %div3A_128 : vector<8x1xf32>
      %mul3A_129 = arith.constant 1.024000e+03 : f32
      %mul3A_130 = vector.broadcast %mul3A_129 : f32 to vector<8x1xf32>
      %mul3A_131 = arith.mulf %floor3A, %mul3A_130 : vector<8x1xf32>
      %iota3A_132 = tpu.iota {dimensions = array<i32: 0>} : vector<8x128xi32>
      %iota3A_133 = tpu.iota {dimensions = array<i32: 1>} : vector<8x128xi32>
      %lt3A_134 = arith.cmpi slt, %iota3A_132, %iota3A_133 : vector<8x128xi32>
      %convert_element_type3A_135 = arith.extui %lt3A_134 : vector<8x128xi1> to vector<8x128xi32>
      %convert_element_type3A_136 = arith.sitofp %convert_element_type3A_135 : vector<8x128xi32> to vector<8x128xf32>
      %dot_general3A_137 = arith.constant dense<0.000000e+00> : vector<1x128xf32>
      %dot_general3A_138 = tpu.matmul %mul3A_131, %convert_element_type3A_136, %dot_general3A_137 {dimension_numbers = #tpu.dot_dimension_numbers<[0], [0], [1], [1], [0, 1, 1, 1], [], []>, transpose_lhs_hint = false} : vector<8x1xf32>, vector<8x128xf32>, vector<1x128xf32> -> vector<1x128xf32>
      %convert_element_type3A_139 = arith.fptosi %dot_general3A_138 : vector<1x128xf32> to vector<1x128xi32>
      %swap3A_140 = arith.constant 0 : index
      %swap3A_141 = arith.constant 0 : index
      %swap3A_142 = vector.load %arg9[%swap3A_140, %swap3A_141] : memref<1x128xi32, #tpu.memory_space<vmem>>, vector<1x128xi32>
      tpu.vector_store %arg9[%swap3A_140, %swap3A_141], %convert_element_type3A_139 {strides = array<i32>} : memref<1x128xi32, #tpu.memory_space<vmem>>, vector<1x128xi32>,
      %jit3A_143 = arith.constant 1024 : i32
      %div3A_144 = vector.broadcast %jit3A_143 : i32 to vector<1x128xi32>
      %div3A_145 = arith.divsi %convert_element_type3A_139, %div3A_144 : vector<1x128xi32>
      %sign3A = arith.constant 0 : i32
      %sign3A_146 = vector.broadcast %sign3A : i32 to vector<1x128xi32>
      %sign3A_147 = arith.cmpi sgt, %convert_element_type3A_139, %sign3A_146 : vector<1x128xi32>
      %sign3A_148 = arith.extui %sign3A_147 : vector<1x128xi1> to vector<1x128xi32>
      %sign3A_149 = arith.constant 0 : i32
      %sign3A_150 = vector.broadcast %sign3A_149 : i32 to vector<1x128xi32>
      %sign3A_151 = arith.cmpi slt, %convert_element_type3A_139, %sign3A_150 : vector<1x128xi32>
      %sign3A_152 = arith.extui %sign3A_151 : vector<1x128xi1> to vector<1x128xi32>
      %sign3A_153 = arith.subi %sign3A_148, %sign3A_152 : vector<1x128xi32>
      %sign3A_154 = arith.constant 0 : i32
      %sign3A_155 = arith.cmpi sgt, %jit3A_143, %sign3A_154 : i32
      %sign3A_156 = arith.extui %sign3A_155 : i1 to i32
      %sign3A_157 = arith.constant 0 : i32
      %sign3A_158 = arith.cmpi slt, %jit3A_143, %sign3A_157 : i32
      %sign3A_159 = arith.extui %sign3A_158 : i1 to i32
      %sign3A_160 = arith.subi %sign3A_156, %sign3A_159 : i32
      %ne3A = vector.broadcast %sign3A_160 : i32 to vector<1x128xi32>
      %ne3A_161 = arith.cmpi ne, %sign3A_153, %ne3A : vector<1x128xi32>
      %rem3A = vector.broadcast %jit3A_143 : i32 to vector<1x128xi32>
      %rem3A_162 = arith.remsi %convert_element_type3A_139, %rem3A : vector<1x128xi32>
      %ne3A_163 = arith.constant 0 : i32
      %ne3A_164 = vector.broadcast %ne3A_163 : i32 to vector<1x128xi32>
      %ne3A_165 = arith.cmpi ne, %rem3A_162, %ne3A_164 : vector<1x128xi32>
      %and3A_166 = arith.andi %ne3A_161, %ne3A_165 : vector<1x128xi1>
      %sub3A_167 = arith.constant 1 : i32
      %sub3A_168 = vector.broadcast %sub3A_167 : i32 to vector<1x128xi32>
      %sub3A_169 = arith.subi %div3A_145, %sub3A_168 : vector<1x128xi32>
      %select_n3A_170 = arith.select %and3A_166, %sub3A_169, %div3A_145 : vector<1x128xi1>, vector<1x128xi32>
      %iota3A_171 = tpu.iota {dimensions = array<i32: 1>} : vector<1x128xi32>
      %iota3A_172 = tpu.iota {dimensions = array<i32: 1>} : vector<1x512xi32>
      %broadcast_in_dim3A_173 = arith.constant 0 : i32
      %broadcast_in_dim3A_174 = vector.broadcast %broadcast_in_dim3A_173 : i32 to vector<1x512xi32>
      %eq3A_175 = arith.constant 0 : i32
      %eq3A_176 = vector.broadcast %eq3A_175 : i32 to vector<1x128xi32>
      %eq3A_177 = arith.cmpi eq, %iota3A_171, %eq3A_176 : vector<1x128xi32>
      %jit3A_178 = arith.constant 0 : i32
      %broadcast_in_dim3A_179 = vector.broadcast %jit3A_178 : i32 to vector<1x128xi32>
      %select_n3A_180 = arith.select %eq3A_177, %select_n3A_170, %broadcast_in_dim3A_179 : vector<1x128xi1>, vector<1x128xi32>
      %reduce_sum3A_181 = vector.shape_cast %select_n3A_180 : vector<1x128xi32> to vector<1x1x128xi32>
      %reduce_sum3A_182 = arith.constant dense<0> : vector<1xi32>
      %reduce_sum3A_183 = vector.multi_reduction <add>, %reduce_sum3A_181, %reduce_sum3A_182 [1, 2] : vector<1x1x128xi32> to vector<1xi32>
      %reduce_sum3A_184 = vector.shape_cast %reduce_sum3A_183 : vector<1xi32> to vector<1x1x1xi32>
      %reduce_sum3A_185 = vector.extract %reduce_sum3A_184[0, 0, 0] : i32 from vector<1x1x1xi32>
      %ge3A = vector.broadcast %reduce_sum3A_185 : i32 to vector<1x512xi32>
      %ge3A_186 = arith.cmpi sge, %iota3A_172, %ge3A : vector<1x512xi32>
      %convert_element_type3A_187 = arith.extui %ge3A_186 : vector<1x512xi1> to vector<1x512xi32>
      %add3A_188 = arith.addi %broadcast_in_dim3A_174, %convert_element_type3A_187 : vector<1x512xi32>
      %eq3A_189 = arith.constant 1 : i32
      %eq3A_190 = vector.broadcast %eq3A_189 : i32 to vector<1x128xi32>
      %eq3A_191 = arith.cmpi eq, %iota3A_171, %eq3A_190 : vector<1x128xi32>
      %jit3A_192 = arith.constant 0 : i32
      %broadcast_in_dim3A_193 = vector.broadcast %jit3A_192 : i32 to vector<1x128xi32>
      %select_n3A_194 = arith.select %eq3A_191, %select_n3A_170, %broadcast_in_dim3A_193 : vector<1x128xi1>, vector<1x128xi32>
      %reduce_sum3A_195 = vector.shape_cast %select_n3A_194 : vector<1x128xi32> to vector<1x1x128xi32>
      %reduce_sum3A_196 = arith.constant dense<0> : vector<1xi32>
      %reduce_sum3A_197 = vector.multi_reduction <add>, %reduce_sum3A_195, %reduce_sum3A_196 [1, 2] : vector<1x1x128xi32> to vector<1xi32>
      %reduce_sum3A_198 = vector.shape_cast %reduce_sum3A_197 : vector<1xi32> to vector<1x1x1xi32>
      %reduce_sum3A_199 = vector.extract %reduce_sum3A_198[0, 0, 0] : i32 from vector<1x1x1xi32>
      %ge3A_200 = vector.broadcast %reduce_sum3A_199 : i32 to vector<1x512xi32>
      %ge3A_201 = arith.cmpi sge, %iota3A_172, %ge3A_200 : vector<1x512xi32>
      %convert_element_type3A_202 = arith.extui %ge3A_201 : vector<1x512xi1> to vector<1x512xi32>
      %add3A_203 = arith.addi %add3A_188, %convert_element_type3A_202 : vector<1x512xi32>
      %eq3A_204 = arith.constant 2 : i32
      %eq3A_205 = vector.broadcast %eq3A_204 : i32 to vector<1x128xi32>
      %eq3A_206 = arith.cmpi eq, %iota3A_171, %eq3A_205 : vector<1x128xi32>
      %jit3A_207 = arith.constant 0 : i32
      %broadcast_in_dim3A_208 = vector.broadcast %jit3A_207 : i32 to vector<1x128xi32>
      %select_n3A_209 = arith.select %eq3A_206, %select_n3A_170, %broadcast_in_dim3A_208 : vector<1x128xi1>, vector<1x128xi32>
      %reduce_sum3A_210 = vector.shape_cast %select_n3A_209 : vector<1x128xi32> to vector<1x1x128xi32>
      %reduce_sum3A_211 = arith.constant dense<0> : vector<1xi32>
      %reduce_sum3A_212 = vector.multi_reduction <add>, %reduce_sum3A_210, %reduce_sum3A_211 [1, 2] : vector<1x1x128xi32> to vector<1xi32>
      %reduce_sum3A_213 = vector.shape_cast %reduce_sum3A_212 : vector<1xi32> to vector<1x1x1xi32>
      %reduce_sum3A_214 = vector.extract %reduce_sum3A_213[0, 0, 0] : i32 from vector<1x1x1xi32>
      %ge3A_215 = vector.broadcast %reduce_sum3A_214 : i32 to vector<1x512xi32>
      %ge3A_216 = arith.cmpi sge, %iota3A_172, %ge3A_215 : vector<1x512xi32>
      %convert_element_type3A_217 = arith.extui %ge3A_216 : vector<1x512xi1> to vector<1x512xi32>
      %add3A_218 = arith.addi %add3A_203, %convert_element_type3A_217 : vector<1x512xi32>
      %eq3A_219 = arith.constant 3 : i32
      %eq3A_220 = vector.broadcast %eq3A_219 : i32 to vector<1x128xi32>
      %eq3A_221 = arith.cmpi eq, %iota3A_171, %eq3A_220 : vector<1x128xi32>
      %jit3A_222 = arith.constant 0 : i32
      %broadcast_in_dim3A_223 = vector.broadcast %jit3A_222 : i32 to vector<1x128xi32>
      %select_n3A_224 = arith.select %eq3A_221, %select_n3A_170, %broadcast_in_dim3A_223 : vector<1x128xi1>, vector<1x128xi32>
      %reduce_sum3A_225 = vector.shape_cast %select_n3A_224 : vector<1x128xi32> to vector<1x1x128xi32>
      %reduce_sum3A_226 = arith.constant dense<0> : vector<1xi32>
      %reduce_sum3A_227 = vector.multi_reduction <add>, %reduce_sum3A_225, %reduce_sum3A_226 [1, 2] : vector<1x1x128xi32> to vector<1xi32>
      %reduce_sum3A_228 = vector.shape_cast %reduce_sum3A_227 : vector<1xi32> to vector<1x1x1xi32>
      %reduce_sum3A_229 = vector.extract %reduce_sum3A_228[0, 0, 0] : i32 from vector<1x1x1xi32>
      %ge3A_230 = vector.broadcast %reduce_sum3A_229 : i32 to vector<1x512xi32>
      %ge3A_231 = arith.cmpi sge, %iota3A_172, %ge3A_230 : vector<1x512xi32>
      %convert_element_type3A_232 = arith.extui %ge3A_231 : vector<1x512xi1> to vector<1x512xi32>
      %add3A_233 = arith.addi %add3A_218, %convert_element_type3A_232 : vector<1x512xi32>
      %eq3A_234 = arith.constant 4 : i32
      %eq3A_235 = vector.broadcast %eq3A_234 : i32 to vector<1x128xi32>
      %eq3A_236 = arith.cmpi eq, %iota3A_171, %eq3A_235 : vector<1x128xi32>
      %jit3A_237 = arith.constant 0 : i32
      %broadcast_in_dim3A_238 = vector.broadcast %jit3A_237 : i32 to vector<1x128xi32>
      %select_n3A_239 = arith.select %eq3A_236, %select_n3A_170, %broadcast_in_dim3A_238 : vector<1x128xi1>, vector<1x128xi32>
      %reduce_sum3A_240 = vector.shape_cast %select_n3A_239 : vector<1x128xi32> to vector<1x1x128xi32>
      %reduce_sum3A_241 = arith.constant dense<0> : vector<1xi32>
      %reduce_sum3A_242 = vector.multi_reduction <add>, %reduce_sum3A_240, %reduce_sum3A_241 [1, 2] : vector<1x1x128xi32> to vector<1xi32>
      %reduce_sum3A_243 = vector.shape_cast %reduce_sum3A_242 : vector<1xi32> to vector<1x1x1xi32>
      %reduce_sum3A_244 = vector.extract %reduce_sum3A_243[0, 0, 0] : i32 from vector<1x1x1xi32>
      %ge3A_245 = vector.broadcast %reduce_sum3A_244 : i32 to vector<1x512xi32>
      %ge3A_246 = arith.cmpi sge, %iota3A_172, %ge3A_245 : vector<1x512xi32>
      %convert_element_type3A_247 = arith.extui %ge3A_246 : vector<1x512xi1> to vector<1x512xi32>
      %add3A_248 = arith.addi %add3A_233, %convert_element_type3A_247 : vector<1x512xi32>
      %eq3A_249 = arith.constant 5 : i32
      %eq3A_250 = vector.broadcast %eq3A_249 : i32 to vector<1x128xi32>
      %eq3A_251 = arith.cmpi eq, %iota3A_171, %eq3A_250 : vector<1x128xi32>
      %jit3A_252 = arith.constant 0 : i32
      %broadcast_in_dim3A_253 = vector.broadcast %jit3A_252 : i32 to vector<1x128xi32>
      %select_n3A_254 = arith.select %eq3A_251, %select_n3A_170, %broadcast_in_dim3A_253 : vector<1x128xi1>, vector<1x128xi32>
      %reduce_sum3A_255 = vector.shape_cast %select_n3A_254 : vector<1x128xi32> to vector<1x1x128xi32>
      %reduce_sum3A_256 = arith.constant dense<0> : vector<1xi32>
      %reduce_sum3A_257 = vector.multi_reduction <add>, %reduce_sum3A_255, %reduce_sum3A_256 [1, 2] : vector<1x1x128xi32> to vector<1xi32>
      %reduce_sum3A_258 = vector.shape_cast %reduce_sum3A_257 : vector<1xi32> to vector<1x1x1xi32>
      %reduce_sum3A_259 = vector.extract %reduce_sum3A_258[0, 0, 0] : i32 from vector<1x1x1xi32>
      %ge3A_260 = vector.broadcast %reduce_sum3A_259 : i32 to vector<1x512xi32>
      %ge3A_261 = arith.cmpi sge, %iota3A_172, %ge3A_260 : vector<1x512xi32>
      %convert_element_type3A_262 = arith.extui %ge3A_261 : vector<1x512xi1> to vector<1x512xi32>
      %add3A_263 = arith.addi %add3A_248, %convert_element_type3A_262 : vector<1x512xi32>
      %eq3A_264 = arith.constant 6 : i32
      %eq3A_265 = vector.broadcast %eq3A_264 : i32 to vector<1x128xi32>
      %eq3A_266 = arith.cmpi eq, %iota3A_171, %eq3A_265 : vector<1x128xi32>
      %jit3A_267 = arith.constant 0 : i32
      %broadcast_in_dim3A_268 = vector.broadcast %jit3A_267 : i32 to vector<1x128xi32>
      %select_n3A_269 = arith.select %eq3A_266, %select_n3A_170, %broadcast_in_dim3A_268 : vector<1x128xi1>, vector<1x128xi32>
      %reduce_sum3A_270 = vector.shape_cast %select_n3A_269 : vector<1x128xi32> to vector<1x1x128xi32>
      %reduce_sum3A_271 = arith.constant dense<0> : vector<1xi32>
      %reduce_sum3A_272 = vector.multi_reduction <add>, %reduce_sum3A_270, %reduce_sum3A_271 [1, 2] : vector<1x1x128xi32> to vector<1xi32>
      %reduce_sum3A_273 = vector.shape_cast %reduce_sum3A_272 : vector<1xi32> to vector<1x1x1xi32>
      %reduce_sum3A_274 = vector.extract %reduce_sum3A_273[0, 0, 0] : i32 from vector<1x1x1xi32>
      %ge3A_275 = vector.broadcast %reduce_sum3A_274 : i32 to vector<1x512xi32>
      %ge3A_276 = arith.cmpi sge, %iota3A_172, %ge3A_275 : vector<1x512xi32>
      %convert_element_type3A_277 = arith.extui %ge3A_276 : vector<1x512xi1> to vector<1x512xi32>
      %add3A_278 = arith.addi %add3A_263, %convert_element_type3A_277 : vector<1x512xi32>
      %eq3A_279 = arith.constant 7 : i32
      %eq3A_280 = vector.broadcast %eq3A_279 : i32 to vector<1x128xi32>
      %eq3A_281 = arith.cmpi eq, %iota3A_171, %eq3A_280 : vector<1x128xi32>
      %jit3A_282 = arith.constant 0 : i32
      %broadcast_in_dim3A_283 = vector.broadcast %jit3A_282 : i32 to vector<1x128xi32>
      %select_n3A_284 = arith.select %eq3A_281, %select_n3A_170, %broadcast_in_dim3A_283 : vector<1x128xi1>, vector<1x128xi32>
      %reduce_sum3A_285 = vector.shape_cast %select_n3A_284 : vector<1x128xi32> to vector<1x1x128xi32>
      %reduce_sum3A_286 = arith.constant dense<0> : vector<1xi32>
      %reduce_sum3A_287 = vector.multi_reduction <add>, %reduce_sum3A_285, %reduce_sum3A_286 [1, 2] : vector<1x1x128xi32> to vector<1xi32>
      %reduce_sum3A_288 = vector.shape_cast %reduce_sum3A_287 : vector<1xi32> to vector<1x1x1xi32>
      %reduce_sum3A_289 = vector.extract %reduce_sum3A_288[0, 0, 0] : i32 from vector<1x1x1xi32>
      %ge3A_290 = vector.broadcast %reduce_sum3A_289 : i32 to vector<1x512xi32>
      %ge3A_291 = arith.cmpi sge, %iota3A_172, %ge3A_290 : vector<1x512xi32>
      %convert_element_type3A_292 = arith.extui %ge3A_291 : vector<1x512xi1> to vector<1x512xi32>
      %add3A_293 = arith.addi %add3A_278, %convert_element_type3A_292 : vector<1x512xi32>
      %sub3A_294 = arith.constant 1 : i32
      %sub3A_295 = vector.broadcast %sub3A_294 : i32 to vector<1x512xi32>
      %sub3A_296 = arith.subi %add3A_293, %sub3A_295 : vector<1x512xi32>
      %jit3A_297 = arith.constant 0 : i32
      %jit3A_298 = arith.constant 7 : i32
      %max3A = vector.broadcast %jit3A_297 : i32 to vector<1x512xi32>
      %max3A_299 = arith.maxsi %max3A, %sub3A_296 : vector<1x512xi32>
      %min3A = vector.broadcast %jit3A_298 : i32 to vector<1x512xi32>
      %min3A_300 = arith.minsi %min3A, %max3A_299 : vector<1x512xi32>
      %swap3A_301 = arith.constant 0 : index
      %swap3A_302 = arith.constant 0 : index
      %swap3A_303 = vector.load %arg10[%swap3A_301, %swap3A_302] : memref<1x512xi32, #tpu.memory_space<vmem>>, vector<1x512xi32>
      tpu.vector_store %arg10[%swap3A_301, %swap3A_302], %min3A_300 {strides = array<i32>} : memref<1x512xi32, #tpu.memory_space<vmem>>, vector<1x512xi32>,
    } else {
    }
    return
  }
  func.func @transform_0(%arg0: i32) -> (i32, i32) {
    %c0_i32 = arith.constant 0 : i32
    %c0_i32_0 = arith.constant 0 : i32
    return %arg0, %c0_i32 : i32, i32
  }
  func.func @transform_1(%arg0: i32) -> (i32, i32) {
    %c0_i32 = arith.constant 0 : i32
    %c0_i32_0 = arith.constant 0 : i32
    %c0_i32_1 = arith.constant 0 : i32
    return %c0_i32, %c0_i32_0 : i32, i32
  }
  func.func @transform_2(%arg0: i32) -> (i32, i32, i32) {
    %c0_i32 = arith.constant 0 : i32
    %c0_i32_0 = arith.constant 0 : i32
    %c0_i32_1 = arith.constant 0 : i32
    return %arg0, %c0_i32, %c0_i32_0 : i32, i32, i32
  }
  func.func @transform_3(%arg0: i32) -> (i32, i32, i32) {
    %c0_i32 = arith.constant 0 : i32
    %c0_i32_0 = arith.constant 0 : i32
    %c0_i32_1 = arith.constant 0 : i32
    return %arg0, %c0_i32, %c0_i32_0 : i32, i32, i32
  }
  func.func @transform_4(%arg0: i32) -> (i32, i32, i32) {
    %c0_i32 = arith.constant 0 : i32
    %c0_i32_0 = arith.constant 0 : i32
    %c0_i32_1 = arith.constant 0 : i32
    return %arg0, %c0_i32, %c0_i32_0 : i32, i32, i32
  }
  func.func @transform_5(%arg0: i32) -> (i32, i32, i32) {
    %c0_i32 = arith.constant 0 : i32
    %c0_i32_0 = arith.constant 0 : i32
    %c0_i32_1 = arith.constant 0 : i32
    return %arg0, %c0_i32, %c0_i32_0 : i32, i32, i32
  }
  func.func @transform_6(%arg0: i32) -> (i32, i32, i32) {
    %c0_i32 = arith.constant 0 : i32
    %c0_i32_0 = arith.constant 0 : i32
    %c0_i32_1 = arith.constant 0 : i32
    return %arg0, %c0_i32, %c0_i32_0 : i32, i32, i32
  }
  func.func @transform_7(%arg0: i32) -> (i32, i32) {
    %c0_i32 = arith.constant 0 : i32
    %c0_i32_0 = arith.constant 0 : i32
    return %arg0, %c0_i32 : i32, i32
  }
  func.func @transform_8(%arg0: i32) -> (i32, i32) {
    %c0_i32 = arith.constant 0 : i32
    %c0_i32_0 = arith.constant 0 : i32
    %c0_i32_1 = arith.constant 0 : i32
    return %c0_i32, %c0_i32_0 : i32, i32
  }
  func.func @transform_9(%arg0: i32) -> (i32, i32) {
    %c0_i32 = arith.constant 0 : i32
    %c0_i32_0 = arith.constant 0 : i32
    %c0_i32_1 = arith.constant 0 : i32
    return %c0_i32, %c0_i32_0 : i32, i32
  }
}

</mosaic_0001>

<sc_bundles>
// kernel: kernel.6.cloned.1.call-start
scs
__scs_entry_jumppad:
0x0: {  	(pc) =	sbr.rel $0x88, $3  }
0x1: {  	(tag) =	ssettag $0x0;
	lr =	simm.s32 $0x1  }
0x2: {  	[smem:$0x3F9B] =	sst lr;
	_ =	strace $0xD0000000  }
0x3: {  	_ = 	snop  }
0x4: {  	_ = 	snop  }
0x5: {  	_ = 	snop  }
0x6: {  	_ = 	snop  }
0x7: {  	_ = 	snop  }
__scs_overlays_trampoline_lowered:
0x8: {  	[smem:$0x3FAA] =	sst s0  }
0x9: {  	[smem:$0x3FAB] =	sst s1  }
0xa: {  	[smem:$0x3FAC] =	sst s2  }
0xb: {  	[smem:$0x3FAD] =	sst s3  }
0xc: {  	[smem:$0x3FAE] =	sst s4  }
0xd: {  	[smem:$0x3FAF] =	sst s5  }
0xe: {  	[smem:$0x3FB0] =	sst s6  }
0xf: {  	[smem:$0x3FB1] =	sst s7  }
0x10: {  	[smem:$0x3FB2] =	sst s8  }
0x11: {  	[smem:$0x3FB3] =	sst s9;
	s0 =	simm.s32 @!p0 $0x0  }
0x12: {  	s1 =	sld [smem:$0x3F99];
	s0 =	simm.s32 @p0 $0x1  }
0x13: {  	[smem:$0x3FB4] =	sst s0;
	s0 =	simm.s32 @!p1 $0x0  }
0x14: {  	s2 =	sld [smem:$0x3F98];
	s0 =	simm.s32 @p1 $0x1  }
0x15: {  	[smem:$0x3FB5] =	sst s0;
	s0 =	simm.s32 @!p2 $0x0  }
0x16: {  	s3 =	sld [smem:$0x3FDB];
	s0 =	simm.s32 @p2 $0x1  }
0x17: {  	s4 =	simm.s32 $0x1BF5;
	[smem:$0x3FB7] =	sst s0  }
0x18: {  	s0 =	sld [smem:$0x3F9A];
	_ =	swait.ge [sflag:s4], $0x0  }
0x19: {  	s7 =	sld [smem:$0x3F9B]  }
0x1a: {  	s8 =	sadd.s32 $0xFFFFE003, lr  }
0x1b: {  	s9 =	sadd.s32 $0xFFFFFEF7, lr;
	s5 =	simm.s32 $0xFFFFFFFF;
	p2 =	slt.u32 s8, $0xFFFFF086  }
0x1c: {  	p1 =	slt.u32 s9, $0xF7A;
	s5 =	simm.s32 @!p2 $0x0  }
0x1d: {  	s5 =	simm.s32 @p1 $0x1;
	p0 =	seq.s32 s7, s2  }
0x1e: {  	s7 =	smul.u32 @!p0 $0xF7A, s2;
	p2 =	seq.s32 @!p0 s5, $0x0  }
0x1f: {  	s9 =	smul.u32 $0xF7A, s1;
	s8 =	simm.s32 @!p0 $0x1BF5;
	p2 =	por !p2, p0  }
0x20: {  	[sflag:s8] =	ssyncset.s32 @!p0 $0xFFFFF086;
	s6 =	sadd.s32 @!p0 s3, s7;
	s7 =	simm.s32 @!p0 $0x108  }
0x21: {  	s3 =	sadd.s32 s3, s9;
	s6 =	sadd.s32 @!p0 $0x88, s6;
	s7 =	simm.s32 @p2 $0x1082  }
0x22: {  	[simem:s7], [sflag:s8] =	dma.local @!p0 [hbm:s6], $0xF7A  }
0x23: {  	s9 =	sor.u32 $0xD0000000, s2;
	s6 =	simm.s32 $0x108;
	_ =	swait.ge @!p0 [sflag:s8], $0x0  }
0x24: {  	s3 =	sadd.s32 $0x88, s3;
	s6 =	simm.s32 @!p1 $0x1082;
	[sflag:s4] =	ssyncset.s32 $0xFFFFF086  }
0x25: {  	[simem:s6], [sflag:s4] =	dma.local [hbm:s3], $0xF7A  }
0x26: {  	[smem:$0x3F9B] =	sst s1;
	(tag) =	ssettag s2;
	_ =	strace s9  }
0x27: {  	s1 =	sld [smem:$0x3FAB]  }
0x28: {  	s2 =	sld [smem:$0x3FAC]  }
0x29: {  	s4 =	sld [smem:$0x3FAE]  }
0x2a: {  	p0 =	seq.s32 s5, $0x0;
	s5 =	sld [smem:$0x3FAF]  }
0x2b: {  	s6 =	sld [smem:$0x3FB0]  }
0x2c: {  	s7 =	sld [smem:$0x3FB1]  }
0x2d: {  	s3 =	simm.s32 $0x108;
	s8 =	sld [smem:$0x3FB2]  }
0x2e: {  	s3 =	simm.s32 @!p0 $0x1082;
	s9 =	sld [smem:$0x3FB3]  }
0x2f: {  	lr =	sadd.s32 s0, s3;
	s0 =	sld [smem:$0x3FAA]  }
0x30: {  	s3 =	sld [smem:$0x3FAD]  }
0x31: {  	[smem:$0x3FB6] =	sst s10  }
0x32: {  	s10 =	sld [smem:$0x3FB4];
	_ =	sdelay $0x3  }
0x33: {  	p0 =	seq.s32 s10, $0x1;
	s10 =	sld [smem:$0x3FB6];
	_ =	sdelay $0x3  }
0x34: {  	[smem:$0x3FB6] =	sst s10  }
0x35: {  	s10 =	sld [smem:$0x3FB5];
	_ =	sdelay $0x3  }
0x36: {  	p1 =	seq.s32 s10, $0x1;
	s10 =	sld [smem:$0x3FB6];
	_ =	sdelay $0x3  }
0x37: {  	[smem:$0x3FB6] =	sst s10  }
0x38: {  	s10 =	sld [smem:$0x3FB7]  }
0x39: {  	_ = 	snop;
	(pc) =	sbr.ind lr, $3  }
0x3a: {  	_ = 	snop  }
0x3b: {  	_ = 	snop  }
0x3c: {  	p2 =	seq.s32 s10, $0x1;
	s10 =	sld [smem:$0x3FB6]  }
0x3d: {  	_ =	shalt  }
0x3e: {  	_ =	shalt  }
0x3f: {  	_ =	shalt  }
0x40: {  	_ =	shalt  }
0x41: {  	_ =	shalt  }
0x42: {  	_ =	shalt  }
0x43: {  	_ =	shalt  }
0x44: {  	_ =	shalt  }
0x45: {  	_ =	shalt  }
0x46: {  	_ =	shalt  }
0x47: {  	_ =	shalt  }
0x48: {  	_ =	shalt  }
0x49: {  	_ =	shalt  }
0x4a: {  	_ =	shalt  }
0x4b: {  	_ =	shalt  }
0x4c: {  	_ =	shalt  }
0x4d: {  	_ =	shalt  }
0x4e: {  	_ =	shalt  }
0x4f: {  	_ =	shalt  }
0x50: {  	_ =	shalt  }
0x51: {  	_ =	shalt  }
0x52: {  	_ =	shalt  }
0x53: {  	_ =	shalt  }
0x54: {  	_ =	shalt  }
0x55: {  	_ =	shalt  }
0x56: {  	_ =	shalt  }
0x57: {  	_ =	shalt  }
0x58: {  	_ =	shalt  }
0x59: {  	_ =	shalt  }
0x5a: {  	_ =	shalt  }
0x5b: {  	_ =	shalt  }
0x5c: {  	_ =	shalt  }
0x5d: {  	_ =	shalt  }
0x5e: {  	_ =	shalt  }
0x5f: {  	_ =	shalt  }
0x60: {  	_ =	shalt  }
0x61: {  	_ =	shalt  }
0x62: {  	_ =	shalt  }
0x63: {  	_ =	shalt  }
0x64: {  	_ =	shalt  }
0x65: {  	_ =	shalt  }
0x66: {  	_ =	shalt  }
0x67: {  	_ =	shalt  }
0x68: {  	_ =	shalt  }
0x69: {  	_ =	shalt  }
0x6a: {  	_ =	shalt  }
0x6b: {  	_ =	shalt  }
0x6c: {  	_ =	shalt  }
0x6d: {  	_ =	shalt  }
0x6e: {  	_ =	shalt  }
0x6f: {  	_ =	shalt  }
0x70: {  	_ =	shalt  }
0x71: {  	_ =	shalt  }
0x72: {  	_ =	shalt  }
0x73: {  	_ =	shalt  }
0x74: {  	_ =	shalt  }
0x75: {  	_ =	shalt  }
0x76: {  	_ =	shalt  }
0x77: {  	_ =	shalt  }
0x78: {  	_ =	shalt  }
0x79: {  	_ =	shalt  }
0x7a: {  	_ =	shalt  }
0x7b: {  	_ =	shalt  }
0x7c: {  	_ =	shalt  }
0x7d: {  	_ =	shalt  }
0x7e: {  	_ =	shalt  }
0x7f: {  	_ =	shalt  }
0x80: {  	_ =	shalt  }
0x81: {  	_ =	shalt  }
0x82: {  	_ =	shalt  }
0x83: {  	_ =	shalt  }
0x84: {  	_ =	shalt  }
0x85: {  	_ =	shalt  }
0x86: {  	_ =	shalt  }
0x87: {  	_ =	shalt  }
.Lfunc_end0:
.L_simem_size_0:
called_computation_lowered:
.L_overlay_start_0:
0x88: {  	s2 =	sld [smem:$0x3FD9]  }
0x89: {  	s3 =	sld [smem:$0x3FFE];
	_ =	sdelay $0x1  }
0x8a: {  	s1 =	srdreg.scid  }
0x8b: {  	s0 =	sand.u32 $0x1, s1  }
0x8c: {  	s17 =	sshll.u32 s0, $0xA;
	s2 =	sadd.s32 s3, s2  }
0x8d: {  	s2 =	sadd.s32 s2, s17  }
0x8e: {  	[smem:$0x3FC2] =	sst s2  }
0x8f: {  	_ = 	snop  }
0x90: {  	s2 =	sld [smem:$0x3FD0];
	(tm) =	ssettm $0x1  }
0x91: {  	s18 =	sld [smem:$0x3FFB];
	_ =	sdelay $0x3  }
0x92: {  	_ =	strace s18  }
0x93: {  	s3 =	sld [smem:$0x3FFC];
	_ =	sdelay $0x3  }
0x94: {  	_ =	strace s3  }
0x95: {  	s3 =	sld [smem:$0x3FFD];
	_ =	sdelay $0x3  }
0x96: {  	_ =	strace s3  }
0x97: {  	_ =	strace $0x8FFFFFFF  }
0x98: {  	s19 =	sld [smem:$0x3FDB];
	_ =	sdelay $0x1  }
0x99: {  	s4 =	simm.s32 $_scs_section_size  }
0x9a: {  	s5 =	simm.s32 $_size__tile_overlayer_lowered;
	s6 =	simm.s32 $_tile_overlayer_lowered  }
0x9b: {  	s22 =	simm.s32 $0x1BFF;
	s21 =	sshll.u32 s6, $0x1;
	s3 =	sadd.s32 s4, s19  }
0x9c: {  	s7 =	simm.s32 $0x0;
	s20 =	sshll.u32 s5, $0x1;
	s5 =	sadd.s32 s21, s3  }
0x9d: {  	[timem:s7], [sflag:s22] =	dma.local [hbm:s5], s20  }
0x9e: {  	_ =	swait.ge [sflag:s22], s20  }
0x9f: {  	s4 =	ssub.s32 $0x0, s20;
	[sflag:s22] =	ssyncset.done $0x0  }
0xa0: {  	[sflag:s22] =	ssyncadd.s32 s4;
	_ =	sdelay $0x1  }
0xa1: {  	s23 =	simm.s32 $0x1B8B  }
0xa2: {  	_ =	swait.ge [sflag:s23], $0x1  }
0xa3: {  	[sflag:s23] =	ssyncset.done $0x0  }
0xa4: {  	s25 =	simm.s32 $0x1B8E;
	s24 =	sld [smem:$0x3FFE];
	[sflag:s23] =	ssyncadd.s32 $0xFFFFFFFF  }
0xa5: {  	s26 =	simm.s32 $execute0_lowered;
	[smem:$0x3FD2] =	sst s25  }
0xa6: {  	s5 =	sshll.u32 s26, $0x1;
	_ =	strace $0x80000046;
	[dreg:$0x1] =	wrdreg $0xFFFFFFFF  }
0xa7: {  	s28 =	simm.s32 $_size_execute0_lowered;
	s3 =	sadd.s32 s3, s5;
	[dreg:$0x0] =	wrdreg $0x0  }
0xa8: {  	s5 =	sshll.u32 s28, $0x1;
	[dreg:$0x2] =	wrdreg s3  }
0xa9: {  	[dreg:$0x3] =	wrdreg s5  }
0xaa: {  	[dreg:$0x4] =	wrdreg $0xC0  }
0xab: {  	_ =	task [dreg:s7], $0x5FFFF  }
0xac: {  	[dreg:$0x1] =	wrdreg $0xFFFFFFFF  }
0xad: {  	[dreg:$0x0] =	wrdreg $0x60  }
0xae: {  	[dreg:$0x2] =	wrdreg s2  }
0xaf: {  	[dreg:$0x3] =	wrdreg s24  }
0xb0: {  	[dreg:$0x4] =	wrdreg $0x9  }
0xb1: {  	_ =	task.clear_ibuf [dreg:s7], $0x5FFFF;
	_ =	strace $0x90000046  }
0xb2: {  	s29 =	simm.s32 $0x9;
	_ =	strace $0x80000048  }
0xb3: {  	_ =	swait.ge [sflag:s29], $0x1  }
0xb4: {  	[sflag:s29] =	ssyncadd.s32 $0xFFFFFFFF  }
0xb5: {  	_ =	strace $0x90000048  }
0xb6: {  	_ =	sfence  }
0xb7: {  	s30 =	sld [smem:$0x0];
	_ =	sdelay $0x2  }
0xb8: {  	s31 =	sshll.u32 s1, $0xD;
	s1 =	sshrl.u32 s1, $0x2  }
0xb9: {  	s3 =	sand.u32 $0x4000, s31;
	s1 =	sadd.s32 s1, s30  }
0xba: {  	s0 =	sor.u32 s3, s0;
	s1 =	sshll.u32 s1, $0x11  }
0xbb: {  	s0 =	sor.u32 s1, s0  }
0xbc: {  	s0 =	sadd.s32 $0x8F2B, s0  }
0xbd: {  	[sflag:s0] =	ssyncadd.remote.s32 $0x1  }
0xbe: {  	_ =	sfence.sel $0xFFFF  }
0xbf: {  	[dreg:$0x0] =	wrdreg $0xFFFFFFFF;
	(pc) =	sbr.abs _section_cstart, $3  }
0xc0: {  	[dreg:$0x1] =	wrdreg $0xFFFFFFFF  }
0xc1: {  	_ =	task.clear_ibuf [dreg:s7], $0x2FFFF;
	_ =	strace $0x9FFFFFFF  }
0xc2: {  	(tm) =	ssettm $0x7FFFFFFF  }
0xc3: {  	_ =	shalt  }
tec
execute0_lowered:
.L_overlay_start_1:
0x0: {  	(tag) =	ssettag $0x1  }
0x1: {  	s2 =	rddreg [dreg:$0x0]  }
0x2: {  	s0 =	srdreg.scid;
	s7 =	stileid.u32  }
0x3: {  	s1 =	rddreg [dreg:$0x1];
	s3 =	simm.s32 $0x0;
	s18 =	simm.s32 $0x6  }
0x4: {  	s26 =	simm.s32 $0x5580;
	s28 =	simm.s32 $0x1;
	s29 =	simm.s32 $0x20  }
0x5: {  	s30 =	simm.s32 $0x1580;
	s31 =	simm.s32 $0x2;
	s19 =	simm.s32 $0x5  }
0x6: {  	s0 =	sand.u32 $0x1, s0;
	s4 =	sshll.u32 s7, $0x1;
	[smem:$0x7FF] =	sst s3  }
0x7: {  	s6 =	sadd.s32 $0x8600, s1;
	s9 =	sshll.u32 s7, $0xA;
	s7 =	sadd.s32 $0x368800, s1  }
0x8: {  	s14 =	sadd.s32 $0x8900, s1;
	s5 =	sor.u32 s0, s4;
	_ =	strace $0x80000047  }
0x9: {  	s10 =	ssub.s32 $0x2, s0;
	s9 =	sadd.s32 s9, s1;
	s0 =	sshll.u32 s0, $0x9  }
0xa: {  	[dreg:$0x4] =	wrdreg s6;
	s6 =	sadd.s32 $0x8800, s1;
	s0 =	sadd.s32 s0, s9  }
0xb: {  	[dreg:$0x3] =	wrdreg s26;
	s4 =	sshll.u32 s5, $0x7;
	s25 =	sadd.s32 $0x488800, s0  }
0xc: {  	s8 =	sadd.s32 s4, s1;
	s0 =	sadd.s32 $0x48C800, s0;
	[dreg:$0xc] =	wrdreg s25  }
0xd: {  	s26 =	simm.s32 $0x1500;
	s20 =	sadd.s32 $0x3600, s8;
	[dreg:$0xd] =	wrdreg s0  }
0xe: {  	s11 =	sshrl.u32 s10, $0x1;
	s21 =	sadd.s32 $0x4600, s8;
	[dreg:$0x5] =	wrdreg s20  }
0xf: {  	s5 =	smul.u32 $0xC000, s5;
	s22 =	sadd.s32 $0x5600, s8;
	[dreg:$0x6] =	wrdreg s21  }
0x10: {  	s15 =	ssub.s32 s10, s11;
	s23 =	sadd.s32 $0x6600, s8;
	[dreg:$0x7] =	wrdreg s22  }
0x11: {  	s1 =	simm.s32 $0x3;
	s8 =	sadd.s32 $0x7600, s8;
	[dreg:$0x8] =	wrdreg s23  }
0x12: {  	v2 =	vlaneseq.u32;
	s5 =	sadd.s32 s2, s5;
	s24 =	smax.u32 s15, $0x1;
	[dreg:$0x9] =	wrdreg s8  }
0x13: {  	vm0 =	vmmov $0xffff;
	vm1 =	vmmov $0xff;
	v1 =	vshrl.u32 v2, $0x3;
	s25 =	simm.s32 $0x1480;
	s0 =	simm.s32 $0x4;
	[dreg:$0xa] =	wrdreg s5  }
0x14: {  	v0 =	vand.u32 $0x7, v2;
	v2 =	vor.u32 $0x8, v2;
	v1 =	vmul.u32 $0x8, v1;
	[dreg:$0xb] =	wrdreg s24;
	s23 =	simm.s32 $0x1080;
	s8 =	simm.s32 $0x0  }
.LBB2_1:
0x15: {  	[dreg:$0xe] =	wrdreg s8  }
0x16: {  	s5 =	rddreg [dreg:$0x4]  }
0x17: {  	[tilespmem:s3], [sflag:$0x6] =	stream.linear.gather [hbm4b:s5+s3], $0x80, $0x38;
	[tilespmem:$0x8580] =	vst v63  }
0x18: {  	_ =	swait.ge [sflag:s18], $0x80  }
0x19: {  	[sflag:s18] =	ssyncset.done $0x0  }
0x1a: {  	s11 =	simm.s32 $0x80;
	s10 =	rddreg [dreg:$0x5];
	[sflag:s18] =	ssyncadd.s32 $0xFFFFFF80  }
0x1b: {  	[tilespmem:s11], [sflag:$0x6] =	stream.linear.gather [hbm4b:s10+s3], $0x400, $0x38;
	[tilespmem:$0x8580] =	vst v63  }
0x1c: {  	_ =	swait.ge [sflag:s18], $0x400  }
0x1d: {  	[sflag:s18] =	ssyncset.done $0x0  }
0x1e: {  	s13 =	simm.s32 $0x480;
	s12 =	rddreg [dreg:$0x6];
	[sflag:s18] =	ssyncadd.s32 $0xFFFFFC00  }
0x1f: {  	[tilespmem:s13], [sflag:$0x6] =	stream.linear.gather [hbm4b:s12+s3], $0x400, $0x38;
	[tilespmem:$0x8580] =	vst v63  }
0x20: {  	_ =	swait.ge [sflag:s18], $0x400  }
0x21: {  	[sflag:s18] =	ssyncset.done $0x0  }
0x22: {  	s16 =	simm.s32 $0x880;
	s15 =	rddreg [dreg:$0x7];
	[sflag:s18] =	ssyncadd.s32 $0xFFFFFC00  }
0x23: {  	[tilespmem:s16], [sflag:$0x6] =	stream.linear.gather [hbm4b:s15+s3], $0x400, $0x38;
	[tilespmem:$0x8580] =	vst v63  }
0x24: {  	_ =	swait.ge [sflag:s18], $0x400  }
0x25: {  	[sflag:s18] =	ssyncset.done $0x0  }
0x26: {  	s20 =	simm.s32 $0xC80;
	s17 =	rddreg [dreg:$0x8];
	[sflag:s18] =	ssyncadd.s32 $0xFFFFFC00  }
0x27: {  	[tilespmem:s20], [sflag:$0x6] =	stream.linear.gather [hbm4b:s17+s3], $0x400, $0x38;
	[tilespmem:$0x8580] =	vst v63  }
0x28: {  	_ =	swait.ge [sflag:s18], $0x400  }
0x29: {  	[sflag:s18] =	ssyncset.done $0x0  }
0x2a: {  	s21 =	rddreg [dreg:$0x9];
	[sflag:s18] =	ssyncadd.s32 $0xFFFFFC00  }
0x2b: {  	[tilespmem:s23], [sflag:$0x6] =	stream.linear.gather [hbm4b:s21+s3], $0x400, $0x38;
	[tilespmem:$0x8580] =	vst v63  }
0x2c: {  	s24 =	simm.s32 $0x2580;
	_ =	swait.ge [sflag:s18], $0x400  }
0x2d: {  	s8 =	simm.s32 $0x4;
	[sflag:s18] =	ssyncset.done $0x0;
	s22 =	rddreg [dreg:$0xa]  }
0x2e: {  	s9 =	simm.s32 $0x1;
	s17 =	rddreg [dreg:$0xd];
	[sflag:s18] =	ssyncadd.s32 $0xFFFFFC00  }
0x2f: {  	[tilespmem:s24], [sflag:$0x1] =	stream.linear.gather [hbm4b:s22+s3], $0x3000, $0x38;
	[tilespmem:$0x8580] =	vst v63  }
0x30: {  	s21 =	simm.s32 $0x1F;
	s16 =	rddreg [dreg:$0xc];
	s22 =	simm.s32 $0x0  }
.LBB2_2:
0x31: {  	s10 =	sshra.s32 s22, $0x2  }
0x32: {  	v3 =	vld [tilespmem:s10+$0x80];
	_ =	sdelay $0x6  }
0x33: {  	v4 =	vld [tilespmem:s10+$0x880]  }
0x34: {  	v3 =	vld.idx.msk [tilespmem:v3+s3+$0x0], $0xffff;
	_ =	sdelay $0x4  }
0x35: {  	v3 =	vadd.s32 v3, v4  }
0x36: {  	[tilespmem:$0x1480] =	vst v3  }
0x37: {  	v3 =	vld [tilespmem:s10+$0x480];
	_ =	sdelay $0x6  }
0x38: {  	v13 =	vld [tilespmem:s10+$0xC80]  }
0x39: {  	v3 =	vld.idx.msk [tilespmem:v3+s3+$0x0], $0xffff;
	_ =	sdelay $0x4  }
0x3a: {  	v3 =	vadd.s32 v3, v13  }
0x3b: {  	[tilespmem:$0x1500] =	vst v3  }
0x3c: {  	v3 =	vld [tilespmem:s10+$0x90];
	_ =	sdelay $0x6  }
0x3d: {  	v14 =	vld [tilespmem:s10+$0x890]  }
0x3e: {  	v3 =	vld.idx.msk [tilespmem:v3+s3+$0x0], $0xffff;
	_ =	sdelay $0x4  }
0x3f: {  	v3 =	vadd.s32 v3, v14  }
0x40: {  	[tilespmem:$0x1490] =	vst v3  }
0x41: {  	v3 =	vld [tilespmem:s10+$0x490];
	_ =	sdelay $0x6  }
0x42: {  	v15 =	vld [tilespmem:s10+$0xC90]  }
0x43: {  	v3 =	vld.idx.msk [tilespmem:v3+s3+$0x0], $0xffff;
	_ =	sdelay $0x4  }
0x44: {  	v3 =	vadd.s32 v3, v15  }
0x45: {  	s13 =	sadd.s32 $0xFFFFFFE1, s21;
	[tilespmem:$0x1510] =	vst v3  }
0x46: {  	v3 =	vmov s13;
	[hbm4b:s16+s3] =	stream.linear.scatter [tilespmem:s25], [sflag:$0x6], $0x80, $0x38;
	[tilespmem:$0x8580] =	vst v63  }
0x47: {  	v3 =	vand.u32 $0xFFFFFFE0, v3;
	_ =	swait.ge [sflag:s18], $0x80  }
0x48: {  	v3 =	vbroadcast v3, $0x0;
	[sflag:s18] =	ssyncset.done $0x0  }
0x49: {  	[sflag:s18] =	ssyncadd.s32 $0xFFFFFF80  }
0x4a: {  	[hbm4b:s17+s3] =	stream.linear.scatter [tilespmem:s26], [sflag:$0x6], $0x80, $0x38;
	[tilespmem:$0x8580] =	vst v63  }
0x4b: {  	s15 =	sadd.s32 $0xFFFFFFE2, s21;
	_ =	swait.ge [sflag:s18], $0x80  }
0x4c: {  	v16 =	vmov s15;
	[sflag:s18] =	ssyncset.done $0x0  }
0x4d: {  	v4 =	vand.u32 $0xFFFFFFE1, v16;
	[sflag:s18] =	ssyncadd.s32 $0xFFFFFF80  }
0x4e: {  	v4 =	vbroadcast v4, $0x0;
	v3 =	vld.idx.msk [tilespmem:v3+s23+$0x0], $0xffff;
	_ =	sdelay $0x2  }
0x4f: {  	s20 =	sadd.s32 $0xFFFFFFE3, s21  }
0x50: {  	v5 =	vmov s20  }
0x51: {  	[tilespmem:$0x1580] =	vst v3;
	v3 =	vand.u32 $0xFFFFFFE2, v5  }
0x52: {  	v4 =	vld.idx.msk [tilespmem:v4+s23+$0x0], $0xffff;
	v3 =	vbroadcast v3, $0x0;
	_ =	sdelay $0x2  }
0x53: {  	s24 =	sadd.s32 $0xFFFFFFE4, s21  }
0x54: {  	v17 =	vmov s24  }
0x55: {  	v18 =	vand.u32 $0xFFFFFFE3, v17;
	[tilespmem:$0x1600] =	vst v4  }
0x56: {  	v4 =	vbroadcast v18, $0x0;
	v3 =	vld.idx.msk [tilespmem:v3+s23+$0x0], $0xffff;
	_ =	sdelay $0x2  }
0x57: {  	s5 =	sadd.s32 $0xFFFFFFE5, s21  }
0x58: {  	v19 =	vmov s5  }
0x59: {  	[tilespmem:$0x1680] =	vst v3;
	v3 =	vand.u32 $0xFFFFFFE4, v19  }
0x5a: {  	v4 =	vld.idx.msk [tilespmem:v4+s23+$0x0], $0xffff;
	v3 =	vbroadcast v3, $0x0;
	_ =	sdelay $0x2  }
0x5b: {  	s11 =	sadd.s32 $0xFFFFFFE6, s21  }
0x5c: {  	v20 =	vmov s11  }
0x5d: {  	v21 =	vand.u32 $0xFFFFFFE5, v20;
	[tilespmem:$0x1700] =	vst v4  }
0x5e: {  	v4 =	vbroadcast v21, $0x0;
	v3 =	vld.idx.msk [tilespmem:v3+s23+$0x0], $0xffff;
	_ =	sdelay $0x2  }
0x5f: {  	s12 =	sadd.s32 $0xFFFFFFE7, s21  }
0x60: {  	v22 =	vmov s12  }
0x61: {  	[tilespmem:$0x1780] =	vst v3;
	v3 =	vand.u32 $0xFFFFFFE6, v22  }
0x62: {  	v4 =	vld.idx.msk [tilespmem:v4+s23+$0x0], $0xffff;
	v3 =	vbroadcast v3, $0x0;
	_ =	sdelay $0x2  }
0x63: {  	s13 =	sadd.s32 $0xFFFFFFE8, s21  }
0x64: {  	v23 =	vmov s13  }
0x65: {  	v24 =	vand.u32 $0xFFFFFFE7, v23;
	[tilespmem:$0x1800] =	vst v4  }
0x66: {  	v4 =	vbroadcast v24, $0x0;
	v3 =	vld.idx.msk [tilespmem:v3+s23+$0x0], $0xffff;
	_ =	sdelay $0x2  }
0x67: {  	s15 =	sadd.s32 $0xFFFFFFE9, s21  }
0x68: {  	v25 =	vmov s15  }
0x69: {  	[tilespmem:$0x1880] =	vst v3;
	v3 =	vand.u32 $0xFFFFFFE8, v25  }
0x6a: {  	v4 =	vld.idx.msk [tilespmem:v4+s23+$0x0], $0xffff;
	v3 =	vbroadcast v3, $0x0;
	_ =	sdelay $0x2  }
0x6b: {  	s20 =	sadd.s32 $0xFFFFFFEA, s21  }
0x6c: {  	v26 =	vmov s20  }
0x6d: {  	v27 =	vand.u32 $0xFFFFFFE9, v26;
	[tilespmem:$0x1900] =	vst v4  }
0x6e: {  	v4 =	vbroadcast v27, $0x0;
	v3 =	vld.idx.msk [tilespmem:v3+s23+$0x0], $0xffff;
	_ =	sdelay $0x2  }
0x6f: {  	s24 =	sadd.s32 $0xFFFFFFEB, s21  }
0x70: {  	v28 =	vmov s24  }
0x71: {  	[tilespmem:$0x1980] =	vst v3;
	v3 =	vand.u32 $0xFFFFFFEA, v28  }
0x72: {  	v4 =	vld.idx.msk [tilespmem:v4+s23+$0x0], $0xffff;
	v3 =	vbroadcast v3, $0x0;
	_ =	sdelay $0x2  }
0x73: {  	s5 =	sadd.s32 $0xFFFFFFEC, s21  }
0x74: {  	v29 =	vmov s5  }
0x75: {  	v30 =	vand.u32 $0xFFFFFFEB, v29;
	[tilespmem:$0x1A00] =	vst v4  }
0x76: {  	v4 =	vbroadcast v30, $0x0;
	v3 =	vld.idx.msk [tilespmem:v3+s23+$0x0], $0xffff;
	_ =	sdelay $0x2  }
0x77: {  	s11 =	sadd.s32 $0xFFFFFFED, s21  }
0x78: {  	v31 =	vmov s11  }
0x79: {  	[tilespmem:$0x1A80] =	vst v3;
	v3 =	vand.u32 $0xFFFFFFEC, v31  }
0x7a: {  	v4 =	vld.idx.msk [tilespmem:v4+s23+$0x0], $0xffff;
	v3 =	vbroadcast v3, $0x0;
	_ =	sdelay $0x2  }
0x7b: {  	s12 =	sadd.s32 $0xFFFFFFEE, s21  }
0x7c: {  	v32 =	vmov s12  }
0x7d: {  	v33 =	vand.u32 $0xFFFFFFED, v32;
	[tilespmem:$0x1B00] =	vst v4  }
0x7e: {  	v4 =	vbroadcast v33, $0x0;
	v3 =	vld.idx.msk [tilespmem:v3+s23+$0x0], $0xffff;
	_ =	sdelay $0x2  }
0x7f: {  	s13 =	sadd.s32 $0xFFFFFFEF, s21  }
0x80: {  	v34 =	vmov s13  }
0x81: {  	[tilespmem:$0x1B80] =	vst v3;
	v3 =	vand.u32 $0xFFFFFFEE, v34  }
0x82: {  	v4 =	vld.idx.msk [tilespmem:v4+s23+$0x0], $0xffff;
	v3 =	vbroadcast v3, $0x0;
	_ =	sdelay $0x2  }
0x83: {  	s15 =	sadd.s32 $0xFFFFFFF0, s21  }
0x84: {  	v35 =	vmov s15  }
0x85: {  	v36 =	vand.u32 $0xFFFFFFEF, v35;
	[tilespmem:$0x1C00] =	vst v4  }
0x86: {  	v4 =	vbroadcast v36, $0x0;
	v3 =	vld.idx.msk [tilespmem:v3+s23+$0x0], $0xffff;
	_ =	sdelay $0x2  }
0x87: {  	s20 =	sadd.s32 $0xFFFFFFF1, s21  }
0x88: {  	v37 =	vmov s20  }
0x89: {  	[tilespmem:$0x1C80] =	vst v3;
	v3 =	vand.u32 $0xFFFFFFF0, v37  }
0x8a: {  	v4 =	vld.idx.msk [tilespmem:v4+s23+$0x0], $0xffff;
	v3 =	vbroadcast v3, $0x0;
	_ =	sdelay $0x2  }
0x8b: {  	s24 =	sadd.s32 $0xFFFFFFF2, s21  }
0x8c: {  	v38 =	vmov s24  }
0x8d: {  	v39 =	vand.u32 $0xFFFFFFF1, v38;
	[tilespmem:$0x1D00] =	vst v4  }
0x8e: {  	v4 =	vbroadcast v39, $0x0;
	v3 =	vld.idx.msk [tilespmem:v3+s23+$0x0], $0xffff;
	_ =	sdelay $0x2  }
0x8f: {  	s5 =	sadd.s32 $0xFFFFFFF3, s21  }
0x90: {  	v40 =	vmov s5  }
0x91: {  	[tilespmem:$0x1D80] =	vst v3;
	v3 =	vand.u32 $0xFFFFFFF2, v40  }
0x92: {  	v4 =	vld.idx.msk [tilespmem:v4+s23+$0x0], $0xffff;
	v3 =	vbroadcast v3, $0x0;
	_ =	sdelay $0x2  }
0x93: {  	s11 =	sadd.s32 $0xFFFFFFF4, s21  }
0x94: {  	v41 =	vmov s11  }
0x95: {  	v42 =	vand.u32 $0xFFFFFFF3, v41;
	[tilespmem:$0x1E00] =	vst v4  }
0x96: {  	v4 =	vbroadcast v42, $0x0;
	v3 =	vld.idx.msk [tilespmem:v3+s23+$0x0], $0xffff;
	_ =	sdelay $0x2  }
0x97: {  	s12 =	sadd.s32 $0xFFFFFFF5, s21  }
0x98: {  	v43 =	vmov s12  }
0x99: {  	[tilespmem:$0x1E80] =	vst v3;
	v3 =	vand.u32 $0xFFFFFFF4, v43  }
0x9a: {  	v4 =	vld.idx.msk [tilespmem:v4+s23+$0x0], $0xffff;
	v3 =	vbroadcast v3, $0x0;
	_ =	sdelay $0x2  }
0x9b: {  	s13 =	sadd.s32 $0xFFFFFFF6, s21  }
0x9c: {  	v44 =	vmov s13  }
0x9d: {  	v45 =	vand.u32 $0xFFFFFFF5, v44;
	[tilespmem:$0x1F00] =	vst v4  }
0x9e: {  	v4 =	vbroadcast v45, $0x0;
	v3 =	vld.idx.msk [tilespmem:v3+s23+$0x0], $0xffff;
	_ =	sdelay $0x2  }
0x9f: {  	s15 =	sadd.s32 $0xFFFFFFF7, s21  }
0xa0: {  	v46 =	vmov s15  }
0xa1: {  	[tilespmem:$0x1F80] =	vst v3;
	v3 =	vand.u32 $0xFFFFFFF6, v46  }
0xa2: {  	v4 =	vld.idx.msk [tilespmem:v4+s23+$0x0], $0xffff;
	v3 =	vbroadcast v3, $0x0;
	_ =	sdelay $0x2  }
0xa3: {  	s20 =	sadd.s32 $0xFFFFFFF8, s21  }
0xa4: {  	v47 =	vmov s20  }
0xa5: {  	v48 =	vand.u32 $0xFFFFFFF7, v47;
	[tilespmem:$0x2000] =	vst v4  }
0xa6: {  	v4 =	vbroadcast v48, $0x0;
	v3 =	vld.idx.msk [tilespmem:v3+s23+$0x0], $0xffff;
	_ =	sdelay $0x2  }
0xa7: {  	s24 =	sadd.s32 $0xFFFFFFF9, s21  }
0xa8: {  	v49 =	vmov s24  }
0xa9: {  	[tilespmem:$0x2080] =	vst v3;
	v3 =	vand.u32 $0xFFFFFFF8, v49  }
0xaa: {  	v4 =	vld.idx.msk [tilespmem:v4+s23+$0x0], $0xffff;
	v3 =	vbroadcast v3, $0x0;
	_ =	sdelay $0x2  }
0xab: {  	s5 =	sadd.s32 $0xFFFFFFFA, s21  }
0xac: {  	v50 =	vmov s5  }
0xad: {  	v51 =	vand.u32 $0xFFFFFFF9, v50;
	[tilespmem:$0x2100] =	vst v4  }
0xae: {  	v4 =	vbroadcast v51, $0x0;
	v3 =	vld.idx.msk [tilespmem:v3+s23+$0x0], $0xffff;
	_ =	sdelay $0x2  }
0xaf: {  	s11 =	sadd.s32 $0xFFFFFFFB, s21  }
0xb0: {  	v52 =	vmov s11  }
0xb1: {  	[tilespmem:$0x2180] =	vst v3;
	v3 =	vand.u32 $0xFFFFFFFA, v52  }
0xb2: {  	v4 =	vld.idx.msk [tilespmem:v4+s23+$0x0], $0xffff;
	v3 =	vbroadcast v3, $0x0;
	_ =	sdelay $0x2  }
0xb3: {  	s12 =	sadd.s32 $0xFFFFFFFC, s21  }
0xb4: {  	v53 =	vmov s12  }
0xb5: {  	v54 =	vand.u32 $0xFFFFFFFB, v53;
	[tilespmem:$0x2200] =	vst v4  }
0xb6: {  	v4 =	vbroadcast v54, $0x0;
	v3 =	vld.idx.msk [tilespmem:v3+s23+$0x0], $0xffff;
	_ =	sdelay $0x2  }
0xb7: {  	s13 =	sadd.s32 $0xFFFFFFFD, s21  }
0xb8: {  	v55 =	vmov s13  }
0xb9: {  	[tilespmem:$0x2280] =	vst v3;
	v3 =	vand.u32 $0xFFFFFFFC, v55  }
0xba: {  	v4 =	vld.idx.msk [tilespmem:v4+s23+$0x0], $0xffff;
	v3 =	vbroadcast v3, $0x0;
	_ =	sdelay $0x2  }
0xbb: {  	s15 =	sadd.s32 $0xFFFFFFFE, s21  }
0xbc: {  	v56 =	vmov s15  }
0xbd: {  	v57 =	vand.u32 $0xFFFFFFFD, v56;
	[tilespmem:$0x2300] =	vst v4  }
0xbe: {  	v4 =	vbroadcast v57, $0x0;
	v3 =	vld.idx.msk [tilespmem:v3+s23+$0x0], $0xffff;
	_ =	sdelay $0x2  }
0xbf: {  	s20 =	sadd.s32 $0xFFFFFFFF, s21  }
0xc0: {  	v58 =	vmov s20  }
0xc1: {  	[tilespmem:$0x2380] =	vst v3;
	v3 =	vand.u32 $0xFFFFFFFE, v58  }
0xc2: {  	v4 =	vld.idx.msk [tilespmem:v4+s23+$0x0], $0xffff;
	v3 =	vbroadcast v3, $0x0;
	_ =	sdelay $0x4  }
0xc3: {  	[tilespmem:$0x2400] =	vst v4  }
0xc4: {  	v3 =	vld.idx.msk [tilespmem:v3+s23+$0x0], $0xffff  }
0xc5: {  	v59 =	vmov s21;
	_ =	sdelay $0x3  }
0xc6: {  	[tilespmem:$0x2480] =	vst v3  }
0xc7: {  	v3 =	vld.idx.msk [tilespmem:v59+s23+$0x0], $0xffff;
	_ =	sdelay $0x3  }
0xc8: {  	s24 =	sand.u32 $0x7C, s8  }
0xc9: {  	s10 =	sor.u32 s4, s24;
	[tilespmem:$0x2500] =	vst v3  }
0xca: {  	s12 =	sand.u32 $0x1, s9;
	s10 =	smul.u32 $0x180, s10;
	_ =	swait.ge [sflag:s28], $0x3000  }
0xcb: {  	p0 =	seq.s32 s12, $0x1;
	s11 =	rddreg [dreg:$0x3];
	[sflag:s28] =	ssyncset.done $0x0  }
0xcc: {  	s10 =	sadd.s32 s2, s10;
	[sflag:s28] =	ssyncadd.s32 $0xFFFFD000;
	s11 =	simm.s32 @!p0 $0x2580  }
0xcd: {  	[tilespmem:s11], [sflag:$0x1] =	stream.linear.gather [hbm4b:s10+s3], $0x3000, $0x38;
	[tilespmem:$0x8580] =	vst v63  }
0xce: {  	v3 =	vld [tilespmem:$0x1480];
	_ =	sdelay $0x4  }
0xcf: {  	v60 =	vshrl.u32 v3, $0x3  }
0xd0: {  	v4 =	vmul.u32 $0x18, v60  }
0xd1: {  	v3 =	vand.u32 $0x7, v3  }
0xd2: {  	v3 =	vor.u32 v3, v4  }
0xd3: {  	v4 =	vperm.xlane v3, v0;
	_ =	sdelay $0x1  }
0xd4: {  	v4 =	vadd.s32 v1, v4;
	_ =	sdelay $0x1  }
0xd5: {  	s10 =	simm.s32 $0x0;
	v3 =	vperm.xlane v3, v2  }
0xd6: {  	s10 =	simm.s32 @!p0 $0x3000  }
0xd7: {  	s11 =	sadd.s32 $0x2580, s10;
	v3 =	vadd.s32 v1, v3  }
0xd8: {  	[hbm4b:s6+s3] =	stream.indirect_vreg.scatter [tilespmem:s11], [sflag:$0x2], $0x80, v4, vm0, $0xb8;
	[tilespmem:$0x8580] =	vst v63  }
0xd9: {  	s12 =	sadd.s32 $0x2D80, s10  }
0xda: {  	[hbm4b:s14+s3] =	stream.indirect_vreg.scatter [tilespmem:s12], [sflag:$0x2], $0x80, v4, vm1, $0xb8;
	[tilespmem:$0x8580] =	vst v63  }
0xdb: {  	s13 =	sadd.s32 $0x3180, s10  }
0xdc: {  	[hbm4b:s6+s3] =	stream.indirect_vreg.scatter [tilespmem:s13], [sflag:$0x2], $0x80, v3, vm0, $0xb8;
	[tilespmem:$0x8580] =	vst v63  }
0xdd: {  	s15 =	sadd.s32 $0x3980, s10  }
0xde: {  	[hbm4b:s14+s3] =	stream.indirect_vreg.scatter [tilespmem:s15], [sflag:$0x2], $0x80, v3, vm1, $0xb8;
	[tilespmem:$0x8580] =	vst v63  }
0xdf: {  	v3 =	vld [tilespmem:$0x1490];
	_ =	sdelay $0x4  }
0xe0: {  	v61 =	vshrl.u32 v3, $0x3  }
0xe1: {  	v4 =	vmul.u32 $0x18, v61  }
0xe2: {  	v3 =	vand.u32 $0x7, v3  }
0xe3: {  	v3 =	vor.u32 v3, v4  }
0xe4: {  	v4 =	vperm.xlane v3, v0;
	_ =	sdelay $0x1  }
0xe5: {  	v4 =	vadd.s32 v1, v4;
	_ =	sdelay $0x1  }
0xe6: {  	v3 =	vperm.xlane v3, v2;
	_ =	sdelay $0x1  }
0xe7: {  	s5 =	sadd.s32 $0x3D80, s10;
	v3 =	vadd.s32 v1, v3  }
0xe8: {  	[hbm4b:s6+s3] =	stream.indirect_vreg.scatter [tilespmem:s5], [sflag:$0x2], $0x80, v4, vm0, $0xb8;
	[tilespmem:$0x8580] =	vst v63  }
0xe9: {  	s24 =	sor.u32 $0x4580, s10  }
0xea: {  	[hbm4b:s14+s3] =	stream.indirect_vreg.scatter [tilespmem:s24], [sflag:$0x2], $0x80, v4, vm1, $0xb8;
	[tilespmem:$0x8580] =	vst v63  }
0xeb: {  	s20 =	sor.u32 $0x4980, s10  }
0xec: {  	[hbm4b:s6+s3] =	stream.indirect_vreg.scatter [tilespmem:s20], [sflag:$0x2], $0x80, v3, vm0, $0xb8;
	[tilespmem:$0x8580] =	vst v63  }
0xed: {  	s10 =	sadd.s32 $0x5180, s10  }
0xee: {  	[hbm4b:s14+s3] =	stream.indirect_vreg.scatter [tilespmem:s10], [sflag:$0x2], $0x80, v3, vm1, $0xb8;
	[tilespmem:$0x8580] =	vst v63  }
0xef: {  	v3 =	vld [tilespmem:$0x1500];
	_ =	sdelay $0x4  }
0xf0: {  	v62 =	vshrl.u32 v3, $0x3  }
0xf1: {  	v4 =	vmul.u32 $0x18, v62  }
0xf2: {  	v3 =	vand.u32 $0x7, v3  }
0xf3: {  	v3 =	vor.u32 v3, v4  }
0xf4: {  	v4 =	vperm.xlane v3, v0;
	_ =	sdelay $0x1  }
0xf5: {  	v4 =	vadd.s32 v1, v4;
	_ =	sdelay $0x1  }
0xf6: {  	v3 =	vperm.xlane v3, v2;
	_ =	sdelay $0x1  }
0xf7: {  	v3 =	vadd.s32 v1, v3  }
0xf8: {  	[hbm4b:s6+s3] =	stream.indirect_vreg.scatter [tilespmem:s11], [sflag:$0x3], $0x80, v4, vm0, $0xb8;
	[tilespmem:$0x8580] =	vst v63  }
0xf9: {  	_ = 	snop  }
0xfa: {  	[hbm4b:s14+s3] =	stream.indirect_vreg.scatter [tilespmem:s12], [sflag:$0x3], $0x80, v4, vm1, $0xb8;
	[tilespmem:$0x8580] =	vst v63  }
0xfb: {  	_ = 	snop  }
0xfc: {  	[hbm4b:s6+s3] =	stream.indirect_vreg.scatter [tilespmem:s13], [sflag:$0x3], $0x80, v3, vm0, $0xb8;
	[tilespmem:$0x8580] =	vst v63  }
0xfd: {  	_ = 	snop  }
0xfe: {  	[hbm4b:s14+s3] =	stream.indirect_vreg.scatter [tilespmem:s15], [sflag:$0x3], $0x80, v3, vm1, $0xb8;
	[tilespmem:$0x8580] =	vst v63  }
0xff: {  	v3 =	vld [tilespmem:$0x1510];
	_ =	sdelay $0x4  }
0x100: {  	v63 =	vshrl.u32 v3, $0x3  }
0x101: {  	v4 =	vmul.u32 $0x18, v63  }
0x102: {  	v3 =	vand.u32 $0x7, v3  }
0x103: {  	v3 =	vor.u32 v3, v4  }
0x104: {  	v4 =	vperm.xlane v3, v0;
	_ =	sdelay $0x1  }
0x105: {  	v4 =	vadd.s32 v1, v4;
	_ =	sdelay $0x1  }
0x106: {  	v3 =	vperm.xlane v3, v2;
	_ =	sdelay $0x1  }
0x107: {  	v3 =	vadd.s32 v1, v3  }
0x108: {  	[hbm4b:s6+s3] =	stream.indirect_vreg.scatter [tilespmem:s5], [sflag:$0x3], $0x80, v4, vm0, $0xb8;
	[tilespmem:$0x8580] =	vst v63  }
0x109: {  	_ = 	snop  }
0x10a: {  	[hbm4b:s14+s3] =	stream.indirect_vreg.scatter [tilespmem:s24], [sflag:$0x3], $0x80, v4, vm1, $0xb8;
	[tilespmem:$0x8580] =	vst v63  }
0x10b: {  	_ = 	snop  }
0x10c: {  	[hbm4b:s6+s3] =	stream.indirect_vreg.scatter [tilespmem:s20], [sflag:$0x3], $0x80, v3, vm0, $0xb8;
	[tilespmem:$0x8580] =	vst v63  }
0x10d: {  	_ = 	snop  }
0x10e: {  	[hbm4b:s14+s3] =	stream.indirect_vreg.scatter [tilespmem:s10], [sflag:$0x3], $0x80, v3, vm1, $0xb8;
	[tilespmem:$0x8580] =	vst v63  }
0x10f: {  	_ = 	snop  }
0x110: {  	[hbm4b:s7+s29] =	stream.indirect.scatter [tilespmem:s30], [sflag:$0x4], $0x80, s25, s29, $0xb8;
	[tilespmem:$0x8580] =	vst v63  }
0x111: {  	_ = 	snop  }
0x112: {  	[hbm4b:s7+s29] =	stream.indirect.scatter [tilespmem:s30], [sflag:$0x5], $0x80, s26, s29, $0xb8;
	[tilespmem:$0x8580] =	vst v63  }
0x113: {  	_ =	swait.ge [sflag:s31], $0x3000  }
0x114: {  	[sflag:s31] =	ssyncset.done $0x0  }
0x115: {  	[sflag:s31] =	ssyncadd.s32 $0xFFFFD000  }
0x116: {  	_ =	swait.ge [sflag:s1], $0x3000  }
0x117: {  	[sflag:s1] =	ssyncset.done $0x0  }
0x118: {  	[sflag:s1] =	ssyncadd.s32 $0xFFFFD000  }
0x119: {  	p0 =	sne.s32 s21, $0x3FF;
	_ =	swait.ge [sflag:s0], $0x1000  }
.Ltmp0:
0x11a: {  	[sflag:s0] =	ssyncset.done $0x0;
	(pc) =	sbr.rel @p0 .LBB2_2-.Ltmp0, $4  }
0x11b: {  	[sflag:s0] =	ssyncadd.s32 $0xFFFFF000  }
0x11c: {  	s22 =	sadd.s32 $0x80, s22;
	s9 =	sadd.s32 $0x1, s9;
	_ =	swait.ge [sflag:s19], $0x1000  }
0x11d: {  	s8 =	sadd.s32 $0x4, s8;
	s16 =	sadd.s32 $0x10, s16;
	[sflag:s19] =	ssyncset.done $0x0  }
0x11e: {  	s17 =	sadd.s32 $0x10, s17;
	s21 =	sadd.s32 $0x20, s21;
	[sflag:s19] =	ssyncadd.s32 $0xFFFFF000  }
0x11f: {  	_ =	swait.ge [sflag:s28], $0x3000  }
0x120: {  	s8 =	rddreg [dreg:$0xe]  }
0x121: {  	s5 =	rddreg [dreg:$0xb];
	s8 =	sadd.s32 $0x1, s8  }
0x122: {  	p0 =	sne.s32 s8, s5  }
.Ltmp1:
0x123: {  	_ = 	snop;
	(pc) =	sbr.rel @p0 .LBB2_1-.Ltmp1, $3  }
0x124: {  	_ =	sdelay $0x1  }
0x125: {  	[sflag:s28] =	ssyncset.done $0x0  }
0x126: {  	[sflag:s28] =	ssyncadd.s32 $0xFFFFD000  }
0x127: {  	_ =	sfence.sel $0x180000  }
0x128: {  	[bflag:$0x0] =	sbarrier.arrive $0xFFFF  }
0x129: {  	_ =	strace $0x90000047  }
0x12a: {  	s0 =	stileid.u32;
	[bflag:$0x2] =	sbarrier.arrive $0xFFFF  }
0x12b: {  	p0 =	sne.s32 s0, $0x0;
	s0 =	rddreg [dreg:$0x2]  }
0x12c: {  	s0 =	sadd.s32 @!p0 $0x100000, s0  }
0x12d: {  	[sflag:s0] =	ssyncadd.tile.s32 @!p0 $0x1;
	_ =	shalt  }
.Lfunc_end2:
_tile_overlayer_lowered:
.L_overlay_start_2:
0x12e: {  	(tag) =	ssettag $0x2  }
0x12f: {  	s0 =	rddreg [dreg:$0x0];
	s2 =	stileid.u32  }
0x130: {  	s1 =	rddreg [dreg:$0x1];
	p0 =	sne.s32 s2, $0x0  }
0x131: {  	s3 =	rddreg [dreg:$0x2];
	[bflag:$0x3] =	sbarrier.arrive $0xFFFF;
	s2 =	simm.s32 @!p0 $0x1C06  }
0x132: {  	[timem:s3], [sflag:s2] =	dma.local @!p0 [hbm:s0], s1  }
0x133: {  	s0 =	simm.s32 @!p0 $0x6  }
0x134: {  	_ =	swait.ge @!p0 [sflag:s0], s1  }
0x135: {  	s1 =	ssub.s32 @!p0 $0x0, s1;
	[sflag:s0] =	ssyncset.done @!p0 $0x0  }
0x136: {  	[sflag:s0] =	ssyncadd.s32 @!p0 s1  }
0x137: {  	[bflag:$0x3] =	sbarrier.arrive $0xFFFF  }
0x138: {  	_ =	shalt  }

// kernel: kernel.9.cloned.1.call-start
scs
__scs_entry_jumppad:
0x0: {  	(pc) =	sbr.rel $0x88, $3  }
0x1: {  	(tag) =	ssettag $0x0;
	lr =	simm.s32 $0x1  }
0x2: {  	[smem:$0x3F9B] =	sst lr;
	_ =	strace $0xD0000000  }
0x3: {  	_ = 	snop  }
0x4: {  	_ = 	snop  }
0x5: {  	_ = 	snop  }
0x6: {  	_ = 	snop  }
0x7: {  	_ = 	snop  }
__scs_overlays_trampoline_lowered:
0x8: {  	[smem:$0x3FAA] =	sst s0  }
0x9: {  	[smem:$0x3FAB] =	sst s1  }
0xa: {  	[smem:$0x3FAC] =	sst s2  }
0xb: {  	[smem:$0x3FAD] =	sst s3  }
0xc: {  	[smem:$0x3FAE] =	sst s4  }
0xd: {  	[smem:$0x3FAF] =	sst s5  }
0xe: {  	[smem:$0x3FB0] =	sst s6  }
0xf: {  	[smem:$0x3FB1] =	sst s7  }
0x10: {  	[smem:$0x3FB2] =	sst s8  }
0x11: {  	[smem:$0x3FB3] =	sst s9;
	s0 =	simm.s32 @!p0 $0x0  }
0x12: {  	s1 =	sld [smem:$0x3F99];
	s0 =	simm.s32 @p0 $0x1  }
0x13: {  	[smem:$0x3FB4] =	sst s0;
	s0 =	simm.s32 @!p1 $0x0  }
0x14: {  	s2 =	sld [smem:$0x3F98];
	s0 =	simm.s32 @p1 $0x1  }
0x15: {  	[smem:$0x3FB5] =	sst s0;
	s0 =	simm.s32 @!p2 $0x0  }
0x16: {  	s3 =	sld [smem:$0x3FDB];
	s0 =	simm.s32 @p2 $0x1  }
0x17: {  	s4 =	simm.s32 $0x1BF5;
	[smem:$0x3FB7] =	sst s0  }
0x18: {  	s0 =	sld [smem:$0x3F9A];
	_ =	swait.ge [sflag:s4], $0x0  }
0x19: {  	s7 =	sld [smem:$0x3F9B]  }
0x1a: {  	s8 =	sadd.s32 $0xFFFFE003, lr  }
0x1b: {  	s9 =	sadd.s32 $0xFFFFFEF7, lr;
	s5 =	simm.s32 $0xFFFFFFFF;
	p2 =	slt.u32 s8, $0xFFFFF086  }
0x1c: {  	p1 =	slt.u32 s9, $0xF7A;
	s5 =	simm.s32 @!p2 $0x0  }
0x1d: {  	s5 =	simm.s32 @p1 $0x1;
	p0 =	seq.s32 s7, s2  }
0x1e: {  	s7 =	smul.u32 @!p0 $0xF7A, s2;
	p2 =	seq.s32 @!p0 s5, $0x0  }
0x1f: {  	s9 =	smul.u32 $0xF7A, s1;
	s8 =	simm.s32 @!p0 $0x1BF5;
	p2 =	por !p2, p0  }
0x20: {  	[sflag:s8] =	ssyncset.s32 @!p0 $0xFFFFF086;
	s6 =	sadd.s32 @!p0 s3, s7;
	s7 =	simm.s32 @!p0 $0x108  }
0x21: {  	s3 =	sadd.s32 s3, s9;
	s6 =	sadd.s32 @!p0 $0x88, s6;
	s7 =	simm.s32 @p2 $0x1082  }
0x22: {  	[simem:s7], [sflag:s8] =	dma.local @!p0 [hbm:s6], $0xF7A  }
0x23: {  	s9 =	sor.u32 $0xD0000000, s2;
	s6 =	simm.s32 $0x108;
	_ =	swait.ge @!p0 [sflag:s8], $0x0  }
0x24: {  	s3 =	sadd.s32 $0x88, s3;
	s6 =	simm.s32 @!p1 $0x1082;
	[sflag:s4] =	ssyncset.s32 $0xFFFFF086  }
0x25: {  	[simem:s6], [sflag:s4] =	dma.local [hbm:s3], $0xF7A  }
0x26: {  	[smem:$0x3F9B] =	sst s1;
	(tag) =	ssettag s2;
	_ =	strace s9  }
0x27: {  	s1 =	sld [smem:$0x3FAB]  }
0x28: {  	s2 =	sld [smem:$0x3FAC]  }
0x29: {  	s4 =	sld [smem:$0x3FAE]  }
0x2a: {  	p0 =	seq.s32 s5, $0x0;
	s5 =	sld [smem:$0x3FAF]  }
0x2b: {  	s6 =	sld [smem:$0x3FB0]  }
0x2c: {  	s7 =	sld [smem:$0x3FB1]  }
0x2d: {  	s3 =	simm.s32 $0x108;
	s8 =	sld [smem:$0x3FB2]  }
0x2e: {  	s3 =	simm.s32 @!p0 $0x1082;
	s9 =	sld [smem:$0x3FB3]  }
0x2f: {  	lr =	sadd.s32 s0, s3;
	s0 =	sld [smem:$0x3FAA]  }
0x30: {  	s3 =	sld [smem:$0x3FAD]  }
0x31: {  	[smem:$0x3FB6] =	sst s10  }
0x32: {  	s10 =	sld [smem:$0x3FB4];
	_ =	sdelay $0x3  }
0x33: {  	p0 =	seq.s32 s10, $0x1;
	s10 =	sld [smem:$0x3FB6];
	_ =	sdelay $0x3  }
0x34: {  	[smem:$0x3FB6] =	sst s10  }
0x35: {  	s10 =	sld [smem:$0x3FB5];
	_ =	sdelay $0x3  }
0x36: {  	p1 =	seq.s32 s10, $0x1;
	s10 =	sld [smem:$0x3FB6];
	_ =	sdelay $0x3  }
0x37: {  	[smem:$0x3FB6] =	sst s10  }
0x38: {  	s10 =	sld [smem:$0x3FB7]  }
0x39: {  	_ = 	snop;
	(pc) =	sbr.ind lr, $3  }
0x3a: {  	_ = 	snop  }
0x3b: {  	_ = 	snop  }
0x3c: {  	p2 =	seq.s32 s10, $0x1;
	s10 =	sld [smem:$0x3FB6]  }
0x3d: {  	_ =	shalt  }
0x3e: {  	_ =	shalt  }
0x3f: {  	_ =	shalt  }
0x40: {  	_ =	shalt  }
0x41: {  	_ =	shalt  }
0x42: {  	_ =	shalt  }
0x43: {  	_ =	shalt  }
0x44: {  	_ =	shalt  }
0x45: {  	_ =	shalt  }
0x46: {  	_ =	shalt  }
0x47: {  	_ =	shalt  }
0x48: {  	_ =	shalt  }
0x49: {  	_ =	shalt  }
0x4a: {  	_ =	shalt  }
0x4b: {  	_ =	shalt  }
0x4c: {  	_ =	shalt  }
0x4d: {  	_ =	shalt  }
0x4e: {  	_ =	shalt  }
0x4f: {  	_ =	shalt  }
0x50: {  	_ =	shalt  }
0x51: {  	_ =	shalt  }
0x52: {  	_ =	shalt  }
0x53: {  	_ =	shalt  }
0x54: {  	_ =	shalt  }
0x55: {  	_ =	shalt  }
0x56: {  	_ =	shalt  }
0x57: {  	_ =	shalt  }
0x58: {  	_ =	shalt  }
0x59: {  	_ =	shalt  }
0x5a: {  	_ =	shalt  }
0x5b: {  	_ =	shalt  }
0x5c: {  	_ =	shalt  }
0x5d: {  	_ =	shalt  }
0x5e: {  	_ =	shalt  }
0x5f: {  	_ =	shalt  }
0x60: {  	_ =	shalt  }
0x61: {  	_ =	shalt  }
0x62: {  	_ =	shalt  }
0x63: {  	_ =	shalt  }
0x64: {  	_ =	shalt  }
0x65: {  	_ =	shalt  }
0x66: {  	_ =	shalt  }
0x67: {  	_ =	shalt  }
0x68: {  	_ =	shalt  }
0x69: {  	_ =	shalt  }
0x6a: {  	_ =	shalt  }
0x6b: {  	_ =	shalt  }
0x6c: {  	_ =	shalt  }
0x6d: {  	_ =	shalt  }
0x6e: {  	_ =	shalt  }
0x6f: {  	_ =	shalt  }
0x70: {  	_ =	shalt  }
0x71: {  	_ =	shalt  }
0x72: {  	_ =	shalt  }
0x73: {  	_ =	shalt  }
0x74: {  	_ =	shalt  }
0x75: {  	_ =	shalt  }
0x76: {  	_ =	shalt  }
0x77: {  	_ =	shalt  }
0x78: {  	_ =	shalt  }
0x79: {  	_ =	shalt  }
0x7a: {  	_ =	shalt  }
0x7b: {  	_ =	shalt  }
0x7c: {  	_ =	shalt  }
0x7d: {  	_ =	shalt  }
0x7e: {  	_ =	shalt  }
0x7f: {  	_ =	shalt  }
0x80: {  	_ =	shalt  }
0x81: {  	_ =	shalt  }
0x82: {  	_ =	shalt  }
0x83: {  	_ =	shalt  }
0x84: {  	_ =	shalt  }
0x85: {  	_ =	shalt  }
0x86: {  	_ =	shalt  }
0x87: {  	_ =	shalt  }
.Lfunc_end0:
.L_simem_size_0:
called_computation.1_lowered:
.L_overlay_start_0:
0x88: {  	s2 =	sld [smem:$0x3FD9]  }
0x89: {  	s3 =	sld [smem:$0x3FFE];
	_ =	sdelay $0x1  }
0x8a: {  	s1 =	srdreg.scid  }
0x8b: {  	s0 =	sand.u32 $0x1, s1  }
0x8c: {  	s17 =	sshll.u32 s0, $0xA;
	s2 =	sadd.s32 s3, s2  }
0x8d: {  	s2 =	sadd.s32 s2, s17  }
0x8e: {  	[smem:$0x3FC2] =	sst s2  }
0x8f: {  	_ = 	snop  }
0x90: {  	s2 =	sld [smem:$0x3FD0];
	(tm) =	ssettm $0x1  }
0x91: {  	s18 =	sld [smem:$0x3FFB];
	_ =	sdelay $0x3  }
0x92: {  	_ =	strace s18  }
0x93: {  	s3 =	sld [smem:$0x3FFC];
	_ =	sdelay $0x3  }
0x94: {  	_ =	strace s3  }
0x95: {  	s3 =	sld [smem:$0x3FFD];
	_ =	sdelay $0x3  }
0x96: {  	_ =	strace s3  }
0x97: {  	_ =	strace $0x8FFFFFFF  }
0x98: {  	s19 =	sld [smem:$0x3FDB];
	_ =	sdelay $0x1  }
0x99: {  	s4 =	simm.s32 $_scs_section_size  }
0x9a: {  	s5 =	simm.s32 $_size__tile_overlayer_lowered;
	s6 =	simm.s32 $_tile_overlayer_lowered  }
0x9b: {  	s22 =	simm.s32 $0x1BFF;
	s21 =	sshll.u32 s6, $0x1;
	s3 =	sadd.s32 s4, s19  }
0x9c: {  	s7 =	simm.s32 $0x0;
	s20 =	sshll.u32 s5, $0x1;
	s5 =	sadd.s32 s21, s3  }
0x9d: {  	[timem:s7], [sflag:s22] =	dma.local [hbm:s5], s20  }
0x9e: {  	_ =	swait.ge [sflag:s22], s20  }
0x9f: {  	s4 =	ssub.s32 $0x0, s20;
	[sflag:s22] =	ssyncset.done $0x0  }
0xa0: {  	[sflag:s22] =	ssyncadd.s32 s4;
	_ =	sdelay $0x1  }
0xa1: {  	s23 =	simm.s32 $0x1B8B  }
0xa2: {  	_ =	swait.ge [sflag:s23], $0x1  }
0xa3: {  	[sflag:s23] =	ssyncset.done $0x0  }
0xa4: {  	s25 =	simm.s32 $0x1B8E;
	s24 =	sld [smem:$0x3FFE];
	[sflag:s23] =	ssyncadd.s32 $0xFFFFFFFF  }
0xa5: {  	s26 =	simm.s32 $execute0_lowered;
	[smem:$0x3FD2] =	sst s25  }
0xa6: {  	s5 =	sshll.u32 s26, $0x1;
	_ =	strace $0x80000049;
	[dreg:$0x1] =	wrdreg $0xFFFFFFFF  }
0xa7: {  	s28 =	simm.s32 $_size_execute0_lowered;
	s3 =	sadd.s32 s3, s5;
	[dreg:$0x0] =	wrdreg $0x0  }
0xa8: {  	s5 =	sshll.u32 s28, $0x1;
	[dreg:$0x2] =	wrdreg s3  }
0xa9: {  	[dreg:$0x3] =	wrdreg s5  }
0xaa: {  	[dreg:$0x4] =	wrdreg $0xC0  }
0xab: {  	_ =	task [dreg:s7], $0x5FFFF  }
0xac: {  	[dreg:$0x1] =	wrdreg $0xFFFFFFFF  }
0xad: {  	[dreg:$0x0] =	wrdreg $0x60  }
0xae: {  	[dreg:$0x2] =	wrdreg s24  }
0xaf: {  	[dreg:$0x3] =	wrdreg s2  }
0xb0: {  	[dreg:$0x4] =	wrdreg $0x9  }
0xb1: {  	_ =	task.clear_ibuf [dreg:s7], $0x5FFFF;
	_ =	strace $0x90000049  }
0xb2: {  	s29 =	simm.s32 $0x9;
	_ =	strace $0x8000004B  }
0xb3: {  	_ =	swait.ge [sflag:s29], $0x1  }
0xb4: {  	[sflag:s29] =	ssyncadd.s32 $0xFFFFFFFF  }
0xb5: {  	_ =	strace $0x9000004B  }
0xb6: {  	_ =	sfence  }
0xb7: {  	s30 =	sld [smem:$0x0];
	_ =	sdelay $0x2  }
0xb8: {  	s31 =	sshll.u32 s1, $0xD;
	s1 =	sshrl.u32 s1, $0x2  }
0xb9: {  	s3 =	sand.u32 $0x4000, s31;
	s1 =	sadd.s32 s1, s30  }
0xba: {  	s0 =	sor.u32 s3, s0;
	s1 =	sshll.u32 s1, $0x11  }
0xbb: {  	s0 =	sor.u32 s1, s0  }
0xbc: {  	s0 =	sadd.s32 $0x8F2B, s0  }
0xbd: {  	[sflag:s0] =	ssyncadd.remote.s32 $0x1  }
0xbe: {  	_ =	sfence.sel $0xFFFF  }
0xbf: {  	[dreg:$0x0] =	wrdreg $0xFFFFFFFF;
	(pc) =	sbr.abs _section_cstart, $3  }
0xc0: {  	[dreg:$0x1] =	wrdreg $0xFFFFFFFF  }
0xc1: {  	_ =	task.clear_ibuf [dreg:s7], $0x2FFFF;
	_ =	strace $0x9FFFFFFF  }
0xc2: {  	(tm) =	ssettm $0x7FFFFFFF  }
0xc3: {  	_ =	shalt  }
tec
execute0_lowered:
.L_overlay_start_1:
0x0: {  	(tag) =	ssettag $0x1  }
0x1: {  	s0 =	rddreg [dreg:$0x0]  }
0x2: {  	s2 =	rddreg [dreg:$0x1]  }
0x3: {  	s1 =	srdreg.scid;
	s4 =	stileid.u32;
	s3 =	simm.s32 $0x0  }
0x4: {  	s10 =	simm.s32 $0x3;
	s19 =	simm.s32 $0x4C00;
	s20 =	simm.s32 $0x8000  }
0x5: {  	s21 =	simm.s32 $0x8800;
	s22 =	simm.s32 $0x8C00;
	s23 =	simm.s32 $0x9400  }
0x6: {  	s24 =	simm.s32 $0x9800;
	s25 =	simm.s32 $0xA000;
	s26 =	simm.s32 $0xA400  }
0x7: {  	s28 =	simm.s32 $0xAC00;
	s29 =	simm.s32 $0x1;
	s30 =	simm.s32 $0x2  }
0x8: {  	s1 =	sand.u32 $0x1, s1;
	s4 =	sshll.u32 s4, $0x1;
	[smem:$0x7FF] =	sst s3  }
0x9: {  	s31 =	simm.s32 $0xE000;
	s5 =	sor.u32 s1, s4;
	_ =	strace $0x8000004A  }
0xa: {  	s1 =	ssub.s32 $0x2, s1;
	s4 =	sadd.s32 $0x490800, s0;
	s6 =	sshll.u32 s5, $0x9  }
0xb: {  	v2 =	vlaneseq.u32;
	s7 =	sshrl.u32 s1, $0x1;
	s5 =	sshll.u32 s5, $0x7;
	s8 =	sadd.s32 s6, s0  }
0xc: {  	vm0 =	vmmov $0xffff;
	vm1 =	vmmov $0xff;
	v1 =	vshrl.u32 v2, $0x3;
	s1 =	ssub.s32 s1, s7;
	s6 =	sadd.s32 $0x488800, s8;
	s7 =	sadd.s32 $0x48C800, s8  }
0xd: {  	v0 =	vand.u32 $0x7, v2;
	v2 =	vor.u32 $0x8, v2;
	v1 =	vmul.u32 $0x8, v1;
	s8 =	sadd.s32 $0x490900, s0;
	s9 =	smax.u32 s1, $0x1;
	s0 =	simm.s32 $0x0  }
.LBB2_1:
0xe: {  	[tilespmem:s3], [sflag:$0x3] =	stream.linear.gather [hbm4b:s6+s3], $0x1000, $0x38;
	[tilespmem:$0x14000] =	vst v63  }
0xf: {  	_ =	swait.ge [sflag:s10], $0x1000  }
0x10: {  	[sflag:s10] =	ssyncset.done $0x0  }
0x11: {  	s1 =	simm.s32 $0x1000;
	[sflag:s10] =	ssyncadd.s32 $0xFFFFF000  }
0x12: {  	[tilespmem:s1], [sflag:$0x3] =	stream.linear.gather [hbm4b:s7+s3], $0x1000, $0x38;
	[tilespmem:$0x14000] =	vst v63  }
0x13: {  	_ =	swait.ge [sflag:s10], $0x1000  }
0x14: {  	[sflag:s10] =	ssyncset.done $0x0  }
0x15: {  	[sflag:s10] =	ssyncadd.s32 $0xFFFFF000  }
0x16: {  	v3 =	vld [tilespmem:$0x0];
	_ =	sdelay $0x4  }
0x17: {  	v4 =	vshrl.u32 v3, $0x3  }
0x18: {  	v4 =	vmul.u32 $0x18, v4  }
0x19: {  	v3 =	vand.u32 $0x7, v3  }
0x1a: {  	v3 =	vor.u32 v3, v4  }
0x1b: {  	v4 =	vperm.xlane v3, v0;
	_ =	sdelay $0x1  }
0x1c: {  	v4 =	vadd.s32 v1, v4;
	_ =	sdelay $0x1  }
0x1d: {  	v3 =	vperm.xlane v3, v2;
	_ =	sdelay $0x1  }
0x1e: {  	s12 =	simm.s32 $0x2000;
	v3 =	vadd.s32 v1, v3  }
0x1f: {  	[tilespmem:s12], [sflag:$0x1] =	stream.indirect_vreg.gather [hbm4b:s4+s3], $0x80, v4, vm0, $0xb8;
	[tilespmem:$0x14000] =	vst v63  }
0x20: {  	s13 =	simm.s32 $0x2800  }
0x21: {  	[tilespmem:s13], [sflag:$0x1] =	stream.indirect_vreg.gather [hbm4b:s8+s3], $0x80, v4, vm1, $0xb8;
	[tilespmem:$0x14000] =	vst v63  }
0x22: {  	s14 =	simm.s32 $0x2C00  }
0x23: {  	[tilespmem:s14], [sflag:$0x1] =	stream.indirect_vreg.gather [hbm4b:s4+s3], $0x80, v3, vm0, $0xb8;
	[tilespmem:$0x14000] =	vst v63  }
0x24: {  	s15 =	simm.s32 $0x3400  }
0x25: {  	[tilespmem:s15], [sflag:$0x1] =	stream.indirect_vreg.gather [hbm4b:s8+s3], $0x80, v3, vm1, $0xb8;
	[tilespmem:$0x14000] =	vst v63  }
0x26: {  	v3 =	vld [tilespmem:$0x10];
	_ =	sdelay $0x4  }
0x27: {  	v61 =	vshrl.u32 v3, $0x3  }
0x28: {  	v4 =	vmul.u32 $0x18, v61  }
0x29: {  	v3 =	vand.u32 $0x7, v3  }
0x2a: {  	v3 =	vor.u32 v3, v4  }
0x2b: {  	v4 =	vperm.xlane v3, v0;
	_ =	sdelay $0x1  }
0x2c: {  	v4 =	vadd.s32 v1, v4;
	_ =	sdelay $0x1  }
0x2d: {  	v3 =	vperm.xlane v3, v2;
	_ =	sdelay $0x1  }
0x2e: {  	s16 =	simm.s32 $0x3800;
	v3 =	vadd.s32 v1, v3  }
0x2f: {  	[tilespmem:s16], [sflag:$0x1] =	stream.indirect_vreg.gather [hbm4b:s4+s3], $0x80, v4, vm0, $0xb8;
	[tilespmem:$0x14000] =	vst v63  }
0x30: {  	s17 =	simm.s32 $0x4000  }
0x31: {  	[tilespmem:s17], [sflag:$0x1] =	stream.indirect_vreg.gather [hbm4b:s8+s3], $0x80, v4, vm1, $0xb8;
	[tilespmem:$0x14000] =	vst v63  }
0x32: {  	s18 =	simm.s32 $0x4400  }
0x33: {  	[tilespmem:s18], [sflag:$0x1] =	stream.indirect_vreg.gather [hbm4b:s4+s3], $0x80, v3, vm0, $0xb8;
	[tilespmem:$0x14000] =	vst v63  }
0x34: {  	_ = 	snop  }
0x35: {  	[tilespmem:s19], [sflag:$0x1] =	stream.indirect_vreg.gather [hbm4b:s8+s3], $0x80, v3, vm1, $0xb8;
	[tilespmem:$0x14000] =	vst v63  }
0x36: {  	v3 =	vld [tilespmem:$0x1000];
	_ =	sdelay $0x4  }
0x37: {  	v62 =	vshrl.u32 v3, $0x3  }
0x38: {  	v4 =	vmul.u32 $0x18, v62  }
0x39: {  	v3 =	vand.u32 $0x7, v3  }
0x3a: {  	v3 =	vor.u32 v3, v4  }
0x3b: {  	v4 =	vperm.xlane v3, v0;
	_ =	sdelay $0x1  }
0x3c: {  	v4 =	vadd.s32 v1, v4;
	_ =	sdelay $0x1  }
0x3d: {  	v3 =	vperm.xlane v3, v2;
	_ =	sdelay $0x1  }
0x3e: {  	v3 =	vadd.s32 v1, v3  }
0x3f: {  	[tilespmem:s20], [sflag:$0x2] =	stream.indirect_vreg.gather [hbm4b:s4+s3], $0x80, v4, vm0, $0xb8;
	[tilespmem:$0x14000] =	vst v63  }
0x40: {  	_ = 	snop  }
0x41: {  	[tilespmem:s21], [sflag:$0x2] =	stream.indirect_vreg.gather [hbm4b:s8+s3], $0x80, v4, vm1, $0xb8;
	[tilespmem:$0x14000] =	vst v63  }
0x42: {  	_ = 	snop  }
0x43: {  	[tilespmem:s22], [sflag:$0x2] =	stream.indirect_vreg.gather [hbm4b:s4+s3], $0x80, v3, vm0, $0xb8;
	[tilespmem:$0x14000] =	vst v63  }
0x44: {  	_ = 	snop  }
0x45: {  	[tilespmem:s23], [sflag:$0x2] =	stream.indirect_vreg.gather [hbm4b:s8+s3], $0x80, v3, vm1, $0xb8;
	[tilespmem:$0x14000] =	vst v63  }
0x46: {  	v3 =	vld [tilespmem:$0x1010];
	_ =	sdelay $0x4  }
0x47: {  	v63 =	vshrl.u32 v3, $0x3  }
0x48: {  	v4 =	vmul.u32 $0x18, v63  }
0x49: {  	v3 =	vand.u32 $0x7, v3  }
0x4a: {  	v3 =	vor.u32 v3, v4  }
0x4b: {  	v4 =	vperm.xlane v3, v0;
	_ =	sdelay $0x1  }
0x4c: {  	v4 =	vadd.s32 v1, v4;
	_ =	sdelay $0x1  }
0x4d: {  	v3 =	vperm.xlane v3, v2;
	_ =	sdelay $0x1  }
0x4e: {  	v3 =	vadd.s32 v1, v3  }
0x4f: {  	[tilespmem:s24], [sflag:$0x2] =	stream.indirect_vreg.gather [hbm4b:s4+s3], $0x80, v4, vm0, $0xb8;
	[tilespmem:$0x14000] =	vst v63  }
0x50: {  	_ = 	snop  }
0x51: {  	[tilespmem:s25], [sflag:$0x2] =	stream.indirect_vreg.gather [hbm4b:s8+s3], $0x80, v4, vm1, $0xb8;
	[tilespmem:$0x14000] =	vst v63  }
0x52: {  	_ = 	snop  }
0x53: {  	[tilespmem:s26], [sflag:$0x2] =	stream.indirect_vreg.gather [hbm4b:s4+s3], $0x80, v3, vm0, $0xb8;
	[tilespmem:$0x14000] =	vst v63  }
0x54: {  	s1 =	simm.s32 $0x0  }
0x55: {  	[tilespmem:s28], [sflag:$0x2] =	stream.indirect_vreg.gather [hbm4b:s8+s3], $0x80, v3, vm1, $0xb8;
	[tilespmem:$0x14000] =	vst v63  }
.LBB2_2:
0x56: {  	_ =	swait.ge [sflag:s29], $0x3000  }
0x57: {  	[sflag:s29] =	ssyncset.done $0x0  }
0x58: {  	[sflag:s29] =	ssyncadd.s32 $0xFFFFD000  }
0x59: {  	s11 =	sadd.s32 $0x1, s1;
	_ =	swait.ge [sflag:s30], $0x3000  }
0x5a: {  	s12 =	sshll.u32 s11, $0x7;
	[sflag:s30] =	ssyncset.done $0x0  }
0x5b: {  	s13 =	sand.u32 $0xF80, s12;
	[sflag:s30] =	ssyncadd.s32 $0xFFFFD000  }
0x5c: {  	v3 =	vld [tilespmem:s13+$0x0];
	_ =	sdelay $0x4  }
0x5d: {  	v4 =	vshrl.u32 v3, $0x3  }
0x5e: {  	v4 =	vmul.u32 $0x18, v4  }
0x5f: {  	v3 =	vand.u32 $0x7, v3  }
0x60: {  	v3 =	vor.u32 v3, v4  }
0x61: {  	v4 =	vperm.xlane v3, v0;
	_ =	sdelay $0x1  }
0x62: {  	v4 =	vadd.s32 v1, v4  }
0x63: {  	s17 =	sand.u32 $0x1, s11  }
0x64: {  	s14 =	simm.s32 $0x3000;
	p0 =	seq.s32 s17, $0x1;
	v3 =	vperm.xlane v3, v2  }
0x65: {  	s14 =	simm.s32 @!p0 $0x0  }
0x66: {  	s12 =	simm.s32 $0x0;
	s15 =	sadd.s32 $0x2000, s14;
	v3 =	vadd.s32 v1, v3  }
0x67: {  	[tilespmem:s15], [sflag:$0x1] =	stream.indirect_vreg.gather [hbm4b:s4+s12], $0x80, v4, vm0, $0xb8;
	[tilespmem:$0x14000] =	vst v63  }
0x68: {  	s18 =	sadd.s32 $0x2800, s14  }
0x69: {  	[tilespmem:s18], [sflag:$0x1] =	stream.indirect_vreg.gather [hbm4b:s8+s12], $0x80, v4, vm1, $0xb8;
	[tilespmem:$0x14000] =	vst v63  }
0x6a: {  	s16 =	sadd.s32 $0x2C00, s14  }
0x6b: {  	[tilespmem:s16], [sflag:$0x1] =	stream.indirect_vreg.gather [hbm4b:s4+s12], $0x80, v3, vm0, $0xb8;
	[tilespmem:$0x14000] =	vst v63  }
0x6c: {  	s17 =	sadd.s32 $0x3400, s14  }
0x6d: {  	[tilespmem:s17], [sflag:$0x1] =	stream.indirect_vreg.gather [hbm4b:s8+s12], $0x80, v3, vm1, $0xb8;
	[tilespmem:$0x14000] =	vst v63  }
0x6e: {  	v3 =	vld [tilespmem:s13+$0x10];
	_ =	sdelay $0x4  }
0x6f: {  	v4 =	vshrl.u32 v3, $0x3  }
0x70: {  	v4 =	vmul.u32 $0x18, v4  }
0x71: {  	v3 =	vand.u32 $0x7, v3  }
0x72: {  	v3 =	vor.u32 v3, v4  }
0x73: {  	v4 =	vperm.xlane v3, v0;
	_ =	sdelay $0x1  }
0x74: {  	v4 =	vadd.s32 v1, v4;
	_ =	sdelay $0x1  }
0x75: {  	v3 =	vperm.xlane v3, v2;
	_ =	sdelay $0x1  }
0x76: {  	s18 =	sadd.s32 $0x3800, s14;
	v3 =	vadd.s32 v1, v3  }
0x77: {  	[tilespmem:s18], [sflag:$0x1] =	stream.indirect_vreg.gather [hbm4b:s4+s12], $0x80, v4, vm0, $0xb8;
	[tilespmem:$0x14000] =	vst v63  }
0x78: {  	s16 =	sor.u32 $0x4000, s14  }
0x79: {  	[tilespmem:s16], [sflag:$0x1] =	stream.indirect_vreg.gather [hbm4b:s8+s12], $0x80, v4, vm1, $0xb8;
	[tilespmem:$0x14000] =	vst v63  }
0x7a: {  	s17 =	sor.u32 $0x4400, s14  }
0x7b: {  	[tilespmem:s17], [sflag:$0x1] =	stream.indirect_vreg.gather [hbm4b:s4+s12], $0x80, v3, vm0, $0xb8;
	[tilespmem:$0x14000] =	vst v63  }
0x7c: {  	s18 =	sor.u32 $0x4C00, s14  }
0x7d: {  	[tilespmem:s18], [sflag:$0x1] =	stream.indirect_vreg.gather [hbm4b:s8+s12], $0x80, v3, vm1, $0xb8;
	[tilespmem:$0x14000] =	vst v63  }
0x7e: {  	v3 =	vld [tilespmem:s13+$0x1000];
	_ =	sdelay $0x4  }
0x7f: {  	v4 =	vshrl.u32 v3, $0x3  }
0x80: {  	v4 =	vmul.u32 $0x18, v4  }
0x81: {  	v3 =	vand.u32 $0x7, v3  }
0x82: {  	v3 =	vor.u32 v3, v4  }
0x83: {  	v4 =	vperm.xlane v3, v0;
	_ =	sdelay $0x1  }
0x84: {  	v4 =	vadd.s32 v1, v4;
	_ =	sdelay $0x1  }
0x85: {  	v3 =	vperm.xlane v3, v2;
	_ =	sdelay $0x1  }
0x86: {  	s16 =	sor.u32 $0x8000, s14;
	v3 =	vadd.s32 v1, v3  }
0x87: {  	[tilespmem:s16], [sflag:$0x2] =	stream.indirect_vreg.gather [hbm4b:s4+s12], $0x80, v4, vm0, $0xb8;
	[tilespmem:$0x14000] =	vst v63  }
0x88: {  	s17 =	sor.u32 $0x8800, s14  }
0x89: {  	[tilespmem:s17], [sflag:$0x2] =	stream.indirect_vreg.gather [hbm4b:s8+s12], $0x80, v4, vm1, $0xb8;
	[tilespmem:$0x14000] =	vst v63  }
0x8a: {  	s18 =	sor.u32 $0x8C00, s14  }
0x8b: {  	[tilespmem:s18], [sflag:$0x2] =	stream.indirect_vreg.gather [hbm4b:s4+s12], $0x80, v3, vm0, $0xb8;
	[tilespmem:$0x14000] =	vst v63  }
0x8c: {  	s16 =	sadd.s32 $0x9400, s14  }
0x8d: {  	[tilespmem:s16], [sflag:$0x2] =	stream.indirect_vreg.gather [hbm4b:s8+s12], $0x80, v3, vm1, $0xb8;
	[tilespmem:$0x14000] =	vst v63  }
0x8e: {  	v3 =	vld [tilespmem:s13+$0x1010];
	_ =	sdelay $0x4  }
0x8f: {  	v4 =	vshrl.u32 v3, $0x3  }
0x90: {  	v4 =	vmul.u32 $0x18, v4  }
0x91: {  	v3 =	vand.u32 $0x7, v3  }
0x92: {  	v3 =	vor.u32 v3, v4  }
0x93: {  	v4 =	vperm.xlane v3, v0;
	_ =	sdelay $0x1  }
0x94: {  	v4 =	vadd.s32 v1, v4;
	_ =	sdelay $0x3  }
0x95: {  	s17 =	sadd.s32 $0x9800, s14;
	v3 =	vperm.xlane v3, v2  }
0x96: {  	[tilespmem:s17], [sflag:$0x2] =	stream.indirect_vreg.gather [hbm4b:s4+s12], $0x80, v4, vm0, $0xb8;
	[tilespmem:$0x14000] =	vst v63  }
0x97: {  	v3 =	vadd.s32 v1, v3;
	s17 =	sand.u32 $0x1, s1  }
0x98: {  	s18 =	sadd.s32 $0xA000, s14;
	s13 =	simm.s32 $0x3000;
	p0 =	seq.s32 s17, $0x1  }
0x99: {  	[tilespmem:s18], [sflag:$0x2] =	stream.indirect_vreg.gather [hbm4b:s8+s12], $0x80, v4, vm1, $0xb8;
	[tilespmem:$0x14000] =	vst v63  }
0x9a: {  	s13 =	simm.s32 @!p0 $0x0  }
0x9b: {  	s15 =	sadd.s32 $0xA400, s14;
	s18 =	sadd.s32 $0x2000, s13;
	s13 =	sor.u32 $0x8000, s13  }
0x9c: {  	[tilespmem:s15], [sflag:$0x2] =	stream.indirect_vreg.gather [hbm4b:s4+s12], $0x80, v3, vm0, $0xb8;
	[tilespmem:$0x14000] =	vst v63  }
0x9d: {  	s16 =	sadd.s32 $0xAC00, s14;
	v4 =	vmov s13;
	s15 =	simm.s32 $0x0  }
0x9e: {  	[tilespmem:s16], [sflag:$0x2] =	stream.indirect_vreg.gather [hbm4b:s8+s12], $0x80, v3, vm1, $0xb8;
	v3 =	vmov s18;
	[tilespmem:$0x14000] =	vst v63  }
0x9f: {  	s16 =	smul.u32 $0xC00, s15  }
0xa0: {  	s17 =	sand.u32 $0x380, s12  }
0xa1: {  	s14 =	sor.u32 s17, s16  }
0xa2: {  	v6 =	vld.idx.msk [tilespmem:v4+s14+$0x0 ss:$0x1], $0xffff  }
0xa3: {  	v5 =	vld.idx.msk [tilespmem:v3+s14+$0x0 ss:$0x1], $0xffff;
	_ =	sdelay $0x3  }
0xa4: {  	s13 =	smul.u32 $0x6000, s15  }
0xa5: {  	v8 =	vshll.u32 v6, $0x10;
	v7 =	vshll.u32 v5, $0x10  }
0xa6: {  	s13 =	sshra.s32 s13, $0x2;
	v6 =	vand.u32 $0xFFFF0000, v6;
	v5 =	vand.u32 $0xFFFF0000, v5;
	v7 =	vadd.f32 v8, v7  }
0xa7: {  	s13 =	sor.u32 s17, s13;
	v5 =	vadd.f32 v6, v5  }
0xa8: {  	[tilespmem:s13+$0xE000] =	vst v7  }
0xa9: {  	s18 =	sor.u32 $0x10, s14;
	[tilespmem:s13+$0xEC00] =	vst v5  }
0xaa: {  	v5 =	vld.idx.msk [tilespmem:v3+s18+$0x0 ss:$0x1], $0xffff  }
0xab: {  	v6 =	vld.idx.msk [tilespmem:v4+s18+$0x0 ss:$0x1], $0xffff;
	_ =	sdelay $0x4  }
0xac: {  	v7 =	vshll.u32 v5, $0x10;
	v45 =	vshll.u32 v6, $0x10  }
0xad: {  	v5 =	vand.u32 $0xFFFF0000, v5;
	v6 =	vand.u32 $0xFFFF0000, v6;
	v7 =	vadd.f32 v45, v7  }
0xae: {  	v5 =	vadd.f32 v6, v5  }
0xaf: {  	[tilespmem:s13+$0xE010] =	vst v7  }
0xb0: {  	s16 =	sor.u32 $0x20, s14;
	[tilespmem:s13+$0xEC10] =	vst v5  }
0xb1: {  	v5 =	vld.idx.msk [tilespmem:v3+s16+$0x0 ss:$0x1], $0xffff  }
0xb2: {  	v6 =	vld.idx.msk [tilespmem:v4+s16+$0x0 ss:$0x1], $0xffff;
	_ =	sdelay $0x4  }
0xb3: {  	v7 =	vshll.u32 v5, $0x10;
	v46 =	vshll.u32 v6, $0x10  }
0xb4: {  	v5 =	vand.u32 $0xFFFF0000, v5;
	v6 =	vand.u32 $0xFFFF0000, v6;
	v7 =	vadd.f32 v46, v7  }
0xb5: {  	v5 =	vadd.f32 v6, v5  }
0xb6: {  	[tilespmem:s13+$0xE020] =	vst v7  }
0xb7: {  	s17 =	sor.u32 $0x30, s14;
	[tilespmem:s13+$0xEC20] =	vst v5  }
0xb8: {  	v5 =	vld.idx.msk [tilespmem:v3+s17+$0x0 ss:$0x1], $0xffff  }
0xb9: {  	v6 =	vld.idx.msk [tilespmem:v4+s17+$0x0 ss:$0x1], $0xffff;
	_ =	sdelay $0x4  }
0xba: {  	v7 =	vshll.u32 v5, $0x10;
	v47 =	vshll.u32 v6, $0x10  }
0xbb: {  	v5 =	vand.u32 $0xFFFF0000, v5;
	v6 =	vand.u32 $0xFFFF0000, v6;
	v7 =	vadd.f32 v47, v7  }
0xbc: {  	v5 =	vadd.f32 v6, v5  }
0xbd: {  	[tilespmem:s13+$0xE030] =	vst v7  }
0xbe: {  	s18 =	sor.u32 $0x40, s14;
	[tilespmem:s13+$0xEC30] =	vst v5  }
0xbf: {  	v5 =	vld.idx.msk [tilespmem:v3+s18+$0x0 ss:$0x1], $0xffff  }
0xc0: {  	v6 =	vld.idx.msk [tilespmem:v4+s18+$0x0 ss:$0x1], $0xffff;
	_ =	sdelay $0x4  }
0xc1: {  	v7 =	vshll.u32 v5, $0x10;
	v48 =	vshll.u32 v6, $0x10  }
0xc2: {  	v5 =	vand.u32 $0xFFFF0000, v5;
	v6 =	vand.u32 $0xFFFF0000, v6;
	v7 =	vadd.f32 v48, v7  }
0xc3: {  	v5 =	vadd.f32 v6, v5  }
0xc4: {  	[tilespmem:s13+$0xE040] =	vst v7  }
0xc5: {  	s16 =	sor.u32 $0x50, s14;
	[tilespmem:s13+$0xEC40] =	vst v5  }
0xc6: {  	v5 =	vld.idx.msk [tilespmem:v3+s16+$0x0 ss:$0x1], $0xffff  }
0xc7: {  	v6 =	vld.idx.msk [tilespmem:v4+s16+$0x0 ss:$0x1], $0xffff;
	_ =	sdelay $0x4  }
0xc8: {  	v7 =	vshll.u32 v5, $0x10;
	v49 =	vshll.u32 v6, $0x10  }
0xc9: {  	v5 =	vand.u32 $0xFFFF0000, v5;
	v6 =	vand.u32 $0xFFFF0000, v6;
	v7 =	vadd.f32 v49, v7  }
0xca: {  	v5 =	vadd.f32 v6, v5  }
0xcb: {  	[tilespmem:s13+$0xE050] =	vst v7  }
0xcc: {  	s17 =	sor.u32 $0x60, s14;
	[tilespmem:s13+$0xEC50] =	vst v5  }
0xcd: {  	v5 =	vld.idx.msk [tilespmem:v3+s17+$0x0 ss:$0x1], $0xffff  }
0xce: {  	v6 =	vld.idx.msk [tilespmem:v4+s17+$0x0 ss:$0x1], $0xffff;
	_ =	sdelay $0x4  }
0xcf: {  	v7 =	vshll.u32 v5, $0x10;
	v50 =	vshll.u32 v6, $0x10  }
0xd0: {  	v5 =	vand.u32 $0xFFFF0000, v5;
	v6 =	vand.u32 $0xFFFF0000, v6;
	v7 =	vadd.f32 v50, v7  }
0xd1: {  	v5 =	vadd.f32 v6, v5  }
0xd2: {  	[tilespmem:s13+$0xE060] =	vst v7  }
0xd3: {  	s18 =	sor.u32 $0x70, s14;
	[tilespmem:s13+$0xEC60] =	vst v5  }
0xd4: {  	v5 =	vld.idx.msk [tilespmem:v3+s18+$0x0 ss:$0x1], $0xffff  }
0xd5: {  	v6 =	vld.idx.msk [tilespmem:v4+s18+$0x0 ss:$0x1], $0xffff;
	_ =	sdelay $0x4  }
0xd6: {  	v7 =	vshll.u32 v5, $0x10;
	v51 =	vshll.u32 v6, $0x10  }
0xd7: {  	v5 =	vand.u32 $0xFFFF0000, v5;
	v6 =	vand.u32 $0xFFFF0000, v6;
	v7 =	vadd.f32 v51, v7  }
0xd8: {  	v5 =	vadd.f32 v6, v5  }
0xd9: {  	[tilespmem:s13+$0xE070] =	vst v7  }
0xda: {  	s16 =	sadd.s32 $0x400, s14;
	[tilespmem:s13+$0xEC70] =	vst v5  }
0xdb: {  	v5 =	vld.idx.msk [tilespmem:v3+s16+$0x0 ss:$0x1], $0xffff  }
0xdc: {  	v6 =	vld.idx.msk [tilespmem:v4+s16+$0x0 ss:$0x1], $0xffff;
	_ =	sdelay $0x4  }
0xdd: {  	v7 =	vshll.u32 v5, $0x10;
	v52 =	vshll.u32 v6, $0x10  }
0xde: {  	v5 =	vand.u32 $0xFFFF0000, v5;
	v6 =	vand.u32 $0xFFFF0000, v6;
	v7 =	vadd.f32 v52, v7  }
0xdf: {  	v5 =	vadd.f32 v6, v5  }
0xe0: {  	[tilespmem:s13+$0xE400] =	vst v7  }
0xe1: {  	s17 =	sadd.s32 $0x410, s14;
	[tilespmem:s13+$0xF000] =	vst v5  }
0xe2: {  	v5 =	vld.idx.msk [tilespmem:v3+s17+$0x0 ss:$0x1], $0xffff  }
0xe3: {  	v6 =	vld.idx.msk [tilespmem:v4+s17+$0x0 ss:$0x1], $0xffff;
	_ =	sdelay $0x4  }
0xe4: {  	v7 =	vshll.u32 v5, $0x10;
	v53 =	vshll.u32 v6, $0x10  }
0xe5: {  	v5 =	vand.u32 $0xFFFF0000, v5;
	v6 =	vand.u32 $0xFFFF0000, v6;
	v7 =	vadd.f32 v53, v7  }
0xe6: {  	v5 =	vadd.f32 v6, v5  }
0xe7: {  	[tilespmem:s13+$0xE410] =	vst v7  }
0xe8: {  	s18 =	sadd.s32 $0x420, s14;
	[tilespmem:s13+$0xF010] =	vst v5  }
0xe9: {  	v5 =	vld.idx.msk [tilespmem:v3+s18+$0x0 ss:$0x1], $0xffff  }
0xea: {  	v6 =	vld.idx.msk [tilespmem:v4+s18+$0x0 ss:$0x1], $0xffff;
	_ =	sdelay $0x4  }
0xeb: {  	v7 =	vshll.u32 v5, $0x10;
	v54 =	vshll.u32 v6, $0x10  }
0xec: {  	v5 =	vand.u32 $0xFFFF0000, v5;
	v6 =	vand.u32 $0xFFFF0000, v6;
	v7 =	vadd.f32 v54, v7  }
0xed: {  	v5 =	vadd.f32 v6, v5  }
0xee: {  	[tilespmem:s13+$0xE420] =	vst v7  }
0xef: {  	s16 =	sadd.s32 $0x430, s14;
	[tilespmem:s13+$0xF020] =	vst v5  }
0xf0: {  	v5 =	vld.idx.msk [tilespmem:v3+s16+$0x0 ss:$0x1], $0xffff  }
0xf1: {  	v6 =	vld.idx.msk [tilespmem:v4+s16+$0x0 ss:$0x1], $0xffff;
	_ =	sdelay $0x4  }
0xf2: {  	v7 =	vshll.u32 v5, $0x10;
	v55 =	vshll.u32 v6, $0x10  }
0xf3: {  	v5 =	vand.u32 $0xFFFF0000, v5;
	v6 =	vand.u32 $0xFFFF0000, v6;
	v7 =	vadd.f32 v55, v7  }
0xf4: {  	v5 =	vadd.f32 v6, v5  }
0xf5: {  	[tilespmem:s13+$0xE430] =	vst v7  }
0xf6: {  	s17 =	sadd.s32 $0x440, s14;
	[tilespmem:s13+$0xF030] =	vst v5  }
0xf7: {  	v5 =	vld.idx.msk [tilespmem:v3+s17+$0x0 ss:$0x1], $0xffff  }
0xf8: {  	v6 =	vld.idx.msk [tilespmem:v4+s17+$0x0 ss:$0x1], $0xffff;
	_ =	sdelay $0x4  }
0xf9: {  	v7 =	vshll.u32 v5, $0x10;
	v56 =	vshll.u32 v6, $0x10  }
0xfa: {  	v5 =	vand.u32 $0xFFFF0000, v5;
	v6 =	vand.u32 $0xFFFF0000, v6;
	v7 =	vadd.f32 v56, v7  }
0xfb: {  	v5 =	vadd.f32 v6, v5  }
0xfc: {  	[tilespmem:s13+$0xE440] =	vst v7  }
0xfd: {  	s18 =	sadd.s32 $0x450, s14;
	[tilespmem:s13+$0xF040] =	vst v5  }
0xfe: {  	v5 =	vld.idx.msk [tilespmem:v3+s18+$0x0 ss:$0x1], $0xffff  }
0xff: {  	v6 =	vld.idx.msk [tilespmem:v4+s18+$0x0 ss:$0x1], $0xffff;
	_ =	sdelay $0x4  }
0x100: {  	v7 =	vshll.u32 v5, $0x10;
	v57 =	vshll.u32 v6, $0x10  }
0x101: {  	v5 =	vand.u32 $0xFFFF0000, v5;
	v6 =	vand.u32 $0xFFFF0000, v6;
	v7 =	vadd.f32 v57, v7  }
0x102: {  	v5 =	vadd.f32 v6, v5  }
0x103: {  	[tilespmem:s13+$0xE450] =	vst v7  }
0x104: {  	s16 =	sadd.s32 $0x460, s14;
	[tilespmem:s13+$0xF050] =	vst v5  }
0x105: {  	v5 =	vld.idx.msk [tilespmem:v3+s16+$0x0 ss:$0x1], $0xffff  }
0x106: {  	v6 =	vld.idx.msk [tilespmem:v4+s16+$0x0 ss:$0x1], $0xffff;
	_ =	sdelay $0x4  }
0x107: {  	v7 =	vshll.u32 v5, $0x10;
	v58 =	vshll.u32 v6, $0x10  }
0x108: {  	v5 =	vand.u32 $0xFFFF0000, v5;
	v6 =	vand.u32 $0xFFFF0000, v6;
	v7 =	vadd.f32 v58, v7  }
0x109: {  	v5 =	vadd.f32 v6, v5  }
0x10a: {  	[tilespmem:s13+$0xE460] =	vst v7  }
0x10b: {  	s17 =	sadd.s32 $0x470, s14;
	[tilespmem:s13+$0xF060] =	vst v5  }
0x10c: {  	v5 =	vld.idx.msk [tilespmem:v3+s17+$0x0 ss:$0x1], $0xffff  }
0x10d: {  	v6 =	vld.idx.msk [tilespmem:v4+s17+$0x0 ss:$0x1], $0xffff;
	_ =	sdelay $0x4  }
0x10e: {  	v7 =	vshll.u32 v5, $0x10;
	v59 =	vshll.u32 v6, $0x10  }
0x10f: {  	v5 =	vand.u32 $0xFFFF0000, v5;
	v6 =	vand.u32 $0xFFFF0000, v6;
	v7 =	vadd.f32 v59, v7  }
0x110: {  	v5 =	vadd.f32 v6, v5  }
0x111: {  	[tilespmem:s13+$0xE470] =	vst v7  }
0x112: {  	s18 =	sadd.s32 $0x800, s14;
	[tilespmem:s13+$0xF070] =	vst v5  }
0x113: {  	v5 =	vld.idx.msk [tilespmem:v3+s18+$0x0 ss:$0x1], $0xffff  }
0x114: {  	v6 =	vld.idx.msk [tilespmem:v4+s18+$0x0 ss:$0x1], $0xffff;
	_ =	sdelay $0x4  }
0x115: {  	v7 =	vshll.u32 v5, $0x10;
	v60 =	vshll.u32 v6, $0x10  }
0x116: {  	v5 =	vand.u32 $0xFFFF0000, v5;
	v6 =	vand.u32 $0xFFFF0000, v6;
	v7 =	vadd.f32 v60, v7  }
0x117: {  	v5 =	vadd.f32 v6, v5  }
0x118: {  	[tilespmem:s13+$0xE800] =	vst v7  }
0x119: {  	s16 =	sadd.s32 $0x810, s14;
	[tilespmem:s13+$0xF400] =	vst v5  }
0x11a: {  	v5 =	vld.idx.msk [tilespmem:v3+s16+$0x0 ss:$0x1], $0xffff  }
0x11b: {  	v6 =	vld.idx.msk [tilespmem:v4+s16+$0x0 ss:$0x1], $0xffff;
	_ =	sdelay $0x4  }
0x11c: {  	v7 =	vshll.u32 v5, $0x10;
	v61 =	vshll.u32 v6, $0x10  }
0x11d: {  	v5 =	vand.u32 $0xFFFF0000, v5;
	v6 =	vand.u32 $0xFFFF0000, v6;
	v7 =	vadd.f32 v61, v7  }
0x11e: {  	v5 =	vadd.f32 v6, v5  }
0x11f: {  	[tilespmem:s13+$0xE810] =	vst v7  }
0x120: {  	s17 =	sadd.s32 $0x820, s14;
	[tilespmem:s13+$0xF410] =	vst v5  }
0x121: {  	v5 =	vld.idx.msk [tilespmem:v3+s17+$0x0 ss:$0x1], $0xffff  }
0x122: {  	v6 =	vld.idx.msk [tilespmem:v4+s17+$0x0 ss:$0x1], $0xffff;
	_ =	sdelay $0x4  }
0x123: {  	v7 =	vshll.u32 v5, $0x10;
	v62 =	vshll.u32 v6, $0x10  }
0x124: {  	v5 =	vand.u32 $0xFFFF0000, v5;
	v6 =	vand.u32 $0xFFFF0000, v6;
	v7 =	vadd.f32 v62, v7  }
0x125: {  	v5 =	vadd.f32 v6, v5  }
0x126: {  	[tilespmem:s13+$0xE820] =	vst v7  }
0x127: {  	s18 =	sadd.s32 $0x830, s14;
	[tilespmem:s13+$0xF420] =	vst v5  }
0x128: {  	v5 =	vld.idx.msk [tilespmem:v3+s18+$0x0 ss:$0x1], $0xffff  }
0x129: {  	v6 =	vld.idx.msk [tilespmem:v4+s18+$0x0 ss:$0x1], $0xffff;
	_ =	sdelay $0x4  }
0x12a: {  	v7 =	vshll.u32 v5, $0x10;
	v63 =	vshll.u32 v6, $0x10  }
0x12b: {  	v7 =	vadd.f32 v63, v7  }
0x12c: {  	v5 =	vand.u32 $0xFFFF0000, v5;
	v6 =	vand.u32 $0xFFFF0000, v6  }
0x12d: {  	s15 =	simm.s32 $0x1;
	s16 =	sadd.s32 $0x840, s14;
	v5 =	vadd.f32 v6, v5;
	[tilespmem:s13+$0xE830] =	vst v7  }
.LBB2_3:
0x12e: {  	p0 =	sne.s32 s15, $0x1F  }
0x12f: {  	[tilespmem:s13+$0xF430] =	vst v5;
	s12 =	sadd.s32 $0x80, s12;
	s17 =	smov.u32 s15;
	s15 =	sadd.s32 $0x1, s15  }
0x130: {  	v5 =	vld.idx.msk [tilespmem:v3+s16+$0x0 ss:$0x1], $0xffff  }
0x131: {  	v6 =	vld.idx.msk [tilespmem:v4+s16+$0x0 ss:$0x1], $0xffff;
	_ =	sdelay $0x4  }
0x132: {  	v7 =	vshll.u32 v5, $0x10;
	v5 =	vand.u32 $0xFFFF0000, v5  }
0x133: {  	v8 =	vshll.u32 v6, $0x10;
	v6 =	vand.u32 $0xFFFF0000, v6  }
0x134: {  	v7 =	vadd.f32 v8, v7;
	v5 =	vadd.f32 v6, v5;
	_ =	sdelay $0x1  }
0x135: {  	[tilespmem:s13+$0xE840] =	vst v7  }
0x136: {  	s16 =	sadd.s32 $0x850, s14;
	[tilespmem:s13+$0xF440] =	vst v5  }
0x137: {  	v5 =	vld.idx.msk [tilespmem:v3+s16+$0x0 ss:$0x1], $0xffff  }
0x138: {  	v6 =	vld.idx.msk [tilespmem:v4+s16+$0x0 ss:$0x1], $0xffff;
	_ =	sdelay $0x4  }
0x139: {  	v7 =	vshll.u32 v5, $0x10;
	v5 =	vand.u32 $0xFFFF0000, v5  }
0x13a: {  	v8 =	vshll.u32 v6, $0x10;
	v6 =	vand.u32 $0xFFFF0000, v6  }
0x13b: {  	v7 =	vadd.f32 v8, v7;
	v5 =	vadd.f32 v6, v5;
	_ =	sdelay $0x1  }
0x13c: {  	[tilespmem:s13+$0xE850] =	vst v7  }
0x13d: {  	s16 =	sadd.s32 $0x860, s14;
	[tilespmem:s13+$0xF450] =	vst v5  }
0x13e: {  	v5 =	vld.idx.msk [tilespmem:v3+s16+$0x0 ss:$0x1], $0xffff  }
0x13f: {  	v6 =	vld.idx.msk [tilespmem:v4+s16+$0x0 ss:$0x1], $0xffff;
	_ =	sdelay $0x4  }
0x140: {  	v7 =	vshll.u32 v5, $0x10;
	v5 =	vand.u32 $0xFFFF0000, v5  }
0x141: {  	v8 =	vshll.u32 v6, $0x10;
	v6 =	vand.u32 $0xFFFF0000, v6  }
0x142: {  	v7 =	vadd.f32 v8, v7;
	v5 =	vadd.f32 v6, v5;
	_ =	sdelay $0x1  }
0x143: {  	[tilespmem:s13+$0xE860] =	vst v7  }
0x144: {  	s14 =	sadd.s32 $0x870, s14;
	[tilespmem:s13+$0xF460] =	vst v5  }
0x145: {  	v5 =	vld.idx.msk [tilespmem:v3+s14+$0x0 ss:$0x1], $0xffff  }
0x146: {  	v6 =	vld.idx.msk [tilespmem:v4+s14+$0x0 ss:$0x1], $0xffff;
	_ =	sdelay $0x4  }
0x147: {  	v7 =	vshll.u32 v5, $0x10;
	v5 =	vand.u32 $0xFFFF0000, v5  }
0x148: {  	v8 =	vshll.u32 v6, $0x10;
	v6 =	vand.u32 $0xFFFF0000, v6  }
0x149: {  	s14 =	sshrl.u32 s17, $0x3;
	v7 =	vadd.f32 v8, v7;
	v5 =	vadd.f32 v6, v5  }
0x14a: {  	s16 =	smul.u32 $0xC00, s14  }
0x14b: {  	s17 =	sand.u32 $0x380, s12;
	s18 =	smul.u32 $0x6000, s14;
	[tilespmem:s13+$0xE870] =	vst v7  }
0x14c: {  	s14 =	sor.u32 s17, s16;
	[tilespmem:s13+$0xF470] =	vst v5  }
0x14d: {  	s16 =	sadd.s32 $0x840, s14;
	s13 =	sshra.s32 s18, $0x2;
	v5 =	vld.idx.msk [tilespmem:v3+s14+$0x0 ss:$0x1], $0xffff  }
0x14e: {  	v6 =	vld.idx.msk [tilespmem:v4+s14+$0x0 ss:$0x1], $0xffff;
	_ =	sdelay $0x4  }
0x14f: {  	v7 =	vshll.u32 v5, $0x10;
	v5 =	vand.u32 $0xFFFF0000, v5  }
0x150: {  	v8 =	vshll.u32 v6, $0x10;
	v6 =	vand.u32 $0xFFFF0000, v6  }
0x151: {  	v7 =	vadd.f32 v8, v7;
	v5 =	vadd.f32 v6, v5  }
0x152: {  	s13 =	sor.u32 s17, s13  }
0x153: {  	[tilespmem:s13+$0xE000] =	vst v7  }
0x154: {  	s17 =	sor.u32 $0x10, s14;
	[tilespmem:s13+$0xEC00] =	vst v5  }
0x155: {  	v5 =	vld.idx.msk [tilespmem:v3+s17+$0x0 ss:$0x1], $0xffff  }
0x156: {  	v6 =	vld.idx.msk [tilespmem:v4+s17+$0x0 ss:$0x1], $0xffff;
	_ =	sdelay $0x4  }
0x157: {  	v7 =	vshll.u32 v5, $0x10;
	v5 =	vand.u32 $0xFFFF0000, v5  }
0x158: {  	v8 =	vshll.u32 v6, $0x10;
	v6 =	vand.u32 $0xFFFF0000, v6  }
0x159: {  	v7 =	vadd.f32 v8, v7;
	v5 =	vadd.f32 v6, v5;
	_ =	sdelay $0x1  }
0x15a: {  	[tilespmem:s13+$0xE010] =	vst v7  }
0x15b: {  	s17 =	sor.u32 $0x20, s14;
	[tilespmem:s13+$0xEC10] =	vst v5  }
0x15c: {  	v5 =	vld.idx.msk [tilespmem:v3+s17+$0x0 ss:$0x1], $0xffff  }
0x15d: {  	v6 =	vld.idx.msk [tilespmem:v4+s17+$0x0 ss:$0x1], $0xffff;
	_ =	sdelay $0x4  }
0x15e: {  	v7 =	vshll.u32 v5, $0x10;
	v5 =	vand.u32 $0xFFFF0000, v5  }
0x15f: {  	v8 =	vshll.u32 v6, $0x10;
	v6 =	vand.u32 $0xFFFF0000, v6  }
0x160: {  	v7 =	vadd.f32 v8, v7;
	v5 =	vadd.f32 v6, v5;
	_ =	sdelay $0x1  }
0x161: {  	[tilespmem:s13+$0xE020] =	vst v7  }
0x162: {  	s17 =	sor.u32 $0x30, s14;
	[tilespmem:s13+$0xEC20] =	vst v5  }
0x163: {  	v5 =	vld.idx.msk [tilespmem:v3+s17+$0x0 ss:$0x1], $0xffff  }
0x164: {  	v6 =	vld.idx.msk [tilespmem:v4+s17+$0x0 ss:$0x1], $0xffff;
	_ =	sdelay $0x4  }
0x165: {  	v7 =	vshll.u32 v5, $0x10;
	v5 =	vand.u32 $0xFFFF0000, v5  }
0x166: {  	v8 =	vshll.u32 v6, $0x10;
	v6 =	vand.u32 $0xFFFF0000, v6  }
0x167: {  	v7 =	vadd.f32 v8, v7;
	v5 =	vadd.f32 v6, v5;
	_ =	sdelay $0x1  }
0x168: {  	[tilespmem:s13+$0xE030] =	vst v7  }
0x169: {  	s17 =	sor.u32 $0x40, s14;
	[tilespmem:s13+$0xEC30] =	vst v5  }
0x16a: {  	v5 =	vld.idx.msk [tilespmem:v3+s17+$0x0 ss:$0x1], $0xffff  }
0x16b: {  	v6 =	vld.idx.msk [tilespmem:v4+s17+$0x0 ss:$0x1], $0xffff;
	_ =	sdelay $0x4  }
0x16c: {  	v7 =	vshll.u32 v5, $0x10;
	v5 =	vand.u32 $0xFFFF0000, v5  }
0x16d: {  	v8 =	vshll.u32 v6, $0x10;
	v6 =	vand.u32 $0xFFFF0000, v6  }
0x16e: {  	v7 =	vadd.f32 v8, v7;
	v5 =	vadd.f32 v6, v5;
	_ =	sdelay $0x1  }
0x16f: {  	[tilespmem:s13+$0xE040] =	vst v7  }
0x170: {  	s17 =	sor.u32 $0x50, s14;
	[tilespmem:s13+$0xEC40] =	vst v5  }
0x171: {  	v5 =	vld.idx.msk [tilespmem:v3+s17+$0x0 ss:$0x1], $0xffff  }
0x172: {  	v6 =	vld.idx.msk [tilespmem:v4+s17+$0x0 ss:$0x1], $0xffff;
	_ =	sdelay $0x4  }
0x173: {  	v7 =	vshll.u32 v5, $0x10;
	v5 =	vand.u32 $0xFFFF0000, v5  }
0x174: {  	v8 =	vshll.u32 v6, $0x10;
	v6 =	vand.u32 $0xFFFF0000, v6  }
0x175: {  	v7 =	vadd.f32 v8, v7;
	v5 =	vadd.f32 v6, v5;
	_ =	sdelay $0x1  }
0x176: {  	[tilespmem:s13+$0xE050] =	vst v7  }
0x177: {  	s17 =	sor.u32 $0x60, s14;
	[tilespmem:s13+$0xEC50] =	vst v5  }
0x178: {  	v5 =	vld.idx.msk [tilespmem:v3+s17+$0x0 ss:$0x1], $0xffff  }
0x179: {  	v6 =	vld.idx.msk [tilespmem:v4+s17+$0x0 ss:$0x1], $0xffff;
	_ =	sdelay $0x4  }
0x17a: {  	v7 =	vshll.u32 v5, $0x10;
	v5 =	vand.u32 $0xFFFF0000, v5  }
0x17b: {  	v8 =	vshll.u32 v6, $0x10;
	v6 =	vand.u32 $0xFFFF0000, v6  }
0x17c: {  	v7 =	vadd.f32 v8, v7;
	v5 =	vadd.f32 v6, v5;
	_ =	sdelay $0x1  }
0x17d: {  	[tilespmem:s13+$0xE060] =	vst v7  }
0x17e: {  	s17 =	sor.u32 $0x70, s14;
	[tilespmem:s13+$0xEC60] =	vst v5  }
0x17f: {  	v5 =	vld.idx.msk [tilespmem:v3+s17+$0x0 ss:$0x1], $0xffff  }
0x180: {  	v6 =	vld.idx.msk [tilespmem:v4+s17+$0x0 ss:$0x1], $0xffff;
	_ =	sdelay $0x4  }
0x181: {  	v7 =	vshll.u32 v5, $0x10;
	v5 =	vand.u32 $0xFFFF0000, v5  }
0x182: {  	v8 =	vshll.u32 v6, $0x10;
	v6 =	vand.u32 $0xFFFF0000, v6  }
0x183: {  	v7 =	vadd.f32 v8, v7;
	v5 =	vadd.f32 v6, v5;
	_ =	sdelay $0x1  }
0x184: {  	[tilespmem:s13+$0xE070] =	vst v7  }
0x185: {  	s17 =	sadd.s32 $0x400, s14;
	[tilespmem:s13+$0xEC70] =	vst v5  }
0x186: {  	v5 =	vld.idx.msk [tilespmem:v3+s17+$0x0 ss:$0x1], $0xffff  }
0x187: {  	v6 =	vld.idx.msk [tilespmem:v4+s17+$0x0 ss:$0x1], $0xffff;
	_ =	sdelay $0x4  }
0x188: {  	v7 =	vshll.u32 v5, $0x10;
	v5 =	vand.u32 $0xFFFF0000, v5  }
0x189: {  	v8 =	vshll.u32 v6, $0x10;
	v6 =	vand.u32 $0xFFFF0000, v6  }
0x18a: {  	v7 =	vadd.f32 v8, v7;
	v5 =	vadd.f32 v6, v5;
	_ =	sdelay $0x1  }
0x18b: {  	[tilespmem:s13+$0xE400] =	vst v7  }
0x18c: {  	s17 =	sadd.s32 $0x410, s14;
	[tilespmem:s13+$0xF000] =	vst v5  }
0x18d: {  	v5 =	vld.idx.msk [tilespmem:v3+s17+$0x0 ss:$0x1], $0xffff  }
0x18e: {  	v6 =	vld.idx.msk [tilespmem:v4+s17+$0x0 ss:$0x1], $0xffff;
	_ =	sdelay $0x4  }
0x18f: {  	v7 =	vshll.u32 v5, $0x10;
	v5 =	vand.u32 $0xFFFF0000, v5  }
0x190: {  	v8 =	vshll.u32 v6, $0x10;
	v6 =	vand.u32 $0xFFFF0000, v6  }
0x191: {  	v7 =	vadd.f32 v8, v7;
	v5 =	vadd.f32 v6, v5;
	_ =	sdelay $0x1  }
0x192: {  	[tilespmem:s13+$0xE410] =	vst v7  }
0x193: {  	s17 =	sadd.s32 $0x420, s14;
	[tilespmem:s13+$0xF010] =	vst v5  }
0x194: {  	v5 =	vld.idx.msk [tilespmem:v3+s17+$0x0 ss:$0x1], $0xffff  }
0x195: {  	v6 =	vld.idx.msk [tilespmem:v4+s17+$0x0 ss:$0x1], $0xffff;
	_ =	sdelay $0x4  }
0x196: {  	v7 =	vshll.u32 v5, $0x10;
	v5 =	vand.u32 $0xFFFF0000, v5  }
0x197: {  	v8 =	vshll.u32 v6, $0x10;
	v6 =	vand.u32 $0xFFFF0000, v6  }
0x198: {  	v7 =	vadd.f32 v8, v7;
	v5 =	vadd.f32 v6, v5;
	_ =	sdelay $0x1  }
0x199: {  	[tilespmem:s13+$0xE420] =	vst v7  }
0x19a: {  	s17 =	sadd.s32 $0x430, s14;
	[tilespmem:s13+$0xF020] =	vst v5  }
0x19b: {  	v5 =	vld.idx.msk [tilespmem:v3+s17+$0x0 ss:$0x1], $0xffff  }
0x19c: {  	v6 =	vld.idx.msk [tilespmem:v4+s17+$0x0 ss:$0x1], $0xffff;
	_ =	sdelay $0x4  }
0x19d: {  	v7 =	vshll.u32 v5, $0x10;
	v5 =	vand.u32 $0xFFFF0000, v5  }
0x19e: {  	v8 =	vshll.u32 v6, $0x10;
	v6 =	vand.u32 $0xFFFF0000, v6  }
0x19f: {  	v7 =	vadd.f32 v8, v7;
	v5 =	vadd.f32 v6, v5;
	_ =	sdelay $0x1  }
0x1a0: {  	[tilespmem:s13+$0xE430] =	vst v7  }
0x1a1: {  	s17 =	sadd.s32 $0x440, s14;
	[tilespmem:s13+$0xF030] =	vst v5  }
0x1a2: {  	v5 =	vld.idx.msk [tilespmem:v3+s17+$0x0 ss:$0x1], $0xffff  }
0x1a3: {  	v6 =	vld.idx.msk [tilespmem:v4+s17+$0x0 ss:$0x1], $0xffff;
	_ =	sdelay $0x4  }
0x1a4: {  	v7 =	vshll.u32 v5, $0x10;
	v5 =	vand.u32 $0xFFFF0000, v5  }
0x1a5: {  	v8 =	vshll.u32 v6, $0x10;
	v6 =	vand.u32 $0xFFFF0000, v6  }
0x1a6: {  	v7 =	vadd.f32 v8, v7;
	v5 =	vadd.f32 v6, v5;
	_ =	sdelay $0x1  }
0x1a7: {  	[tilespmem:s13+$0xE440] =	vst v7  }
0x1a8: {  	s17 =	sadd.s32 $0x450, s14;
	[tilespmem:s13+$0xF040] =	vst v5  }
0x1a9: {  	v5 =	vld.idx.msk [tilespmem:v3+s17+$0x0 ss:$0x1], $0xffff  }
0x1aa: {  	v6 =	vld.idx.msk [tilespmem:v4+s17+$0x0 ss:$0x1], $0xffff;
	_ =	sdelay $0x4  }
0x1ab: {  	v7 =	vshll.u32 v5, $0x10;
	v5 =	vand.u32 $0xFFFF0000, v5  }
0x1ac: {  	v8 =	vshll.u32 v6, $0x10;
	v6 =	vand.u32 $0xFFFF0000, v6  }
0x1ad: {  	v7 =	vadd.f32 v8, v7;
	v5 =	vadd.f32 v6, v5;
	_ =	sdelay $0x1  }
0x1ae: {  	[tilespmem:s13+$0xE450] =	vst v7  }
0x1af: {  	s17 =	sadd.s32 $0x460, s14;
	[tilespmem:s13+$0xF050] =	vst v5  }
0x1b0: {  	v5 =	vld.idx.msk [tilespmem:v3+s17+$0x0 ss:$0x1], $0xffff  }
0x1b1: {  	v6 =	vld.idx.msk [tilespmem:v4+s17+$0x0 ss:$0x1], $0xffff;
	_ =	sdelay $0x4  }
0x1b2: {  	v7 =	vshll.u32 v5, $0x10;
	v5 =	vand.u32 $0xFFFF0000, v5  }
0x1b3: {  	v8 =	vshll.u32 v6, $0x10;
	v6 =	vand.u32 $0xFFFF0000, v6  }
0x1b4: {  	v7 =	vadd.f32 v8, v7;
	v5 =	vadd.f32 v6, v5;
	_ =	sdelay $0x1  }
0x1b5: {  	[tilespmem:s13+$0xE460] =	vst v7  }
0x1b6: {  	s17 =	sadd.s32 $0x470, s14;
	[tilespmem:s13+$0xF060] =	vst v5  }
0x1b7: {  	v5 =	vld.idx.msk [tilespmem:v3+s17+$0x0 ss:$0x1], $0xffff  }
0x1b8: {  	v6 =	vld.idx.msk [tilespmem:v4+s17+$0x0 ss:$0x1], $0xffff;
	_ =	sdelay $0x4  }
0x1b9: {  	v7 =	vshll.u32 v5, $0x10;
	v5 =	vand.u32 $0xFFFF0000, v5  }
0x1ba: {  	v8 =	vshll.u32 v6, $0x10;
	v6 =	vand.u32 $0xFFFF0000, v6  }
0x1bb: {  	v7 =	vadd.f32 v8, v7;
	v5 =	vadd.f32 v6, v5;
	_ =	sdelay $0x1  }
0x1bc: {  	[tilespmem:s13+$0xE470] =	vst v7  }
0x1bd: {  	s17 =	sadd.s32 $0x800, s14;
	[tilespmem:s13+$0xF070] =	vst v5  }
0x1be: {  	v5 =	vld.idx.msk [tilespmem:v3+s17+$0x0 ss:$0x1], $0xffff  }
0x1bf: {  	v6 =	vld.idx.msk [tilespmem:v4+s17+$0x0 ss:$0x1], $0xffff;
	_ =	sdelay $0x4  }
0x1c0: {  	v7 =	vshll.u32 v5, $0x10;
	v5 =	vand.u32 $0xFFFF0000, v5  }
0x1c1: {  	v8 =	vshll.u32 v6, $0x10;
	v6 =	vand.u32 $0xFFFF0000, v6  }
0x1c2: {  	v7 =	vadd.f32 v8, v7;
	v5 =	vadd.f32 v6, v5;
	_ =	sdelay $0x1  }
0x1c3: {  	[tilespmem:s13+$0xE800] =	vst v7  }
0x1c4: {  	s17 =	sadd.s32 $0x810, s14;
	[tilespmem:s13+$0xF400] =	vst v5  }
0x1c5: {  	v5 =	vld.idx.msk [tilespmem:v3+s17+$0x0 ss:$0x1], $0xffff  }
0x1c6: {  	v6 =	vld.idx.msk [tilespmem:v4+s17+$0x0 ss:$0x1], $0xffff;
	_ =	sdelay $0x4  }
0x1c7: {  	v7 =	vshll.u32 v5, $0x10;
	v5 =	vand.u32 $0xFFFF0000, v5  }
0x1c8: {  	v8 =	vshll.u32 v6, $0x10;
	v6 =	vand.u32 $0xFFFF0000, v6  }
0x1c9: {  	v7 =	vadd.f32 v8, v7;
	v5 =	vadd.f32 v6, v5;
	_ =	sdelay $0x1  }
0x1ca: {  	[tilespmem:s13+$0xE810] =	vst v7  }
0x1cb: {  	s17 =	sadd.s32 $0x820, s14;
	[tilespmem:s13+$0xF410] =	vst v5  }
0x1cc: {  	v5 =	vld.idx.msk [tilespmem:v3+s17+$0x0 ss:$0x1], $0xffff  }
0x1cd: {  	v6 =	vld.idx.msk [tilespmem:v4+s17+$0x0 ss:$0x1], $0xffff;
	_ =	sdelay $0x4  }
0x1ce: {  	v7 =	vshll.u32 v5, $0x10;
	v5 =	vand.u32 $0xFFFF0000, v5  }
0x1cf: {  	v8 =	vshll.u32 v6, $0x10;
	v6 =	vand.u32 $0xFFFF0000, v6  }
0x1d0: {  	v7 =	vadd.f32 v8, v7;
	v5 =	vadd.f32 v6, v5;
	_ =	sdelay $0x1  }
0x1d1: {  	[tilespmem:s13+$0xE820] =	vst v7  }
0x1d2: {  	s17 =	sadd.s32 $0x830, s14;
	[tilespmem:s13+$0xF420] =	vst v5  }
0x1d3: {  	v5 =	vld.idx.msk [tilespmem:v3+s17+$0x0 ss:$0x1], $0xffff  }
0x1d4: {  	v6 =	vld.idx.msk [tilespmem:v4+s17+$0x0 ss:$0x1], $0xffff;
	_ =	sdelay $0x4  }
.Ltmp0:
0x1d5: {  	v7 =	vshll.u32 v5, $0x10;
	v5 =	vand.u32 $0xFFFF0000, v5;
	(pc) =	sbr.rel @p0 .LBB2_3-.Ltmp0, $3  }
0x1d6: {  	v8 =	vshll.u32 v6, $0x10;
	v6 =	vand.u32 $0xFFFF0000, v6  }
0x1d7: {  	v7 =	vadd.f32 v8, v7;
	v5 =	vadd.f32 v6, v5;
	_ =	sdelay $0x1  }
0x1d8: {  	[tilespmem:s13+$0xE830] =	vst v7  }
0x1d9: {  	_ =	sdelay $0x2  }
0x1da: {  	[tilespmem:s13+$0xF430] =	vst v5  }
0x1db: {  	v5 =	vld.idx.msk [tilespmem:v3+s16+$0x0 ss:$0x1], $0xffff  }
0x1dc: {  	v6 =	vld.idx.msk [tilespmem:v4+s16+$0x0 ss:$0x1], $0xffff;
	_ =	sdelay $0x4  }
0x1dd: {  	v7 =	vshll.u32 v5, $0x10;
	v8 =	vshll.u32 v6, $0x10  }
0x1de: {  	v5 =	vand.u32 $0xFFFF0000, v5;
	v6 =	vand.u32 $0xFFFF0000, v6;
	v7 =	vadd.f32 v8, v7  }
0x1df: {  	v5 =	vadd.f32 v6, v5  }
0x1e0: {  	[tilespmem:s13+$0xE840] =	vst v7  }
0x1e1: {  	s12 =	sadd.s32 $0x850, s14;
	[tilespmem:s13+$0xF440] =	vst v5  }
0x1e2: {  	v5 =	vld.idx.msk [tilespmem:v3+s12+$0x0 ss:$0x1], $0xffff  }
0x1e3: {  	v55 =	vld.idx.msk [tilespmem:v4+s12+$0x0 ss:$0x1], $0xffff;
	_ =	sdelay $0x4  }
0x1e4: {  	v56 =	vshll.u32 v5, $0x10;
	v57 =	vshll.u32 v55, $0x10  }
0x1e5: {  	v5 =	vand.u32 $0xFFFF0000, v5;
	v6 =	vand.u32 $0xFFFF0000, v55;
	v7 =	vadd.f32 v57, v56  }
0x1e6: {  	v5 =	vadd.f32 v6, v5  }
0x1e7: {  	[tilespmem:s13+$0xE850] =	vst v7  }
0x1e8: {  	s17 =	sadd.s32 $0x860, s14;
	[tilespmem:s13+$0xF450] =	vst v5  }
0x1e9: {  	v5 =	vld.idx.msk [tilespmem:v3+s17+$0x0 ss:$0x1], $0xffff  }
0x1ea: {  	v58 =	vld.idx.msk [tilespmem:v4+s17+$0x0 ss:$0x1], $0xffff;
	_ =	sdelay $0x4  }
0x1eb: {  	v59 =	vshll.u32 v5, $0x10;
	v60 =	vshll.u32 v58, $0x10  }
0x1ec: {  	v5 =	vand.u32 $0xFFFF0000, v5;
	v6 =	vand.u32 $0xFFFF0000, v58;
	v7 =	vadd.f32 v60, v59  }
0x1ed: {  	v5 =	vadd.f32 v6, v5  }
0x1ee: {  	[tilespmem:s13+$0xE860] =	vst v7  }
0x1ef: {  	s18 =	sadd.s32 $0x870, s14;
	[tilespmem:s13+$0xF460] =	vst v5  }
0x1f0: {  	v3 =	vld.idx.msk [tilespmem:v3+s18+$0x0 ss:$0x1], $0xffff  }
0x1f1: {  	v61 =	vld.idx.msk [tilespmem:v4+s18+$0x0 ss:$0x1], $0xffff;
	_ =	sdelay $0x4  }
0x1f2: {  	s1 =	sshll.u32 s1, $0x2;
	v62 =	vshll.u32 v3, $0x10;
	v63 =	vshll.u32 v61, $0x10  }
0x1f3: {  	s1 =	sadd.s32 s5, s1;
	v3 =	vand.u32 $0xFFFF0000, v3;
	v4 =	vand.u32 $0xFFFF0000, v61;
	v5 =	vadd.f32 v63, v62  }
0x1f4: {  	s1 =	smul.u32 $0x300, s1;
	v3 =	vadd.f32 v4, v3  }
0x1f5: {  	p0 =	sne.s32 s11, $0x20;
	[tilespmem:s13+$0xE870] =	vst v5  }
.Ltmp1:
0x1f6: {  	s1 =	sadd.s32 s2, s1;
	[tilespmem:s13+$0xF470] =	vst v3;
	(pc) =	sbr.rel @p0 .LBB2_2-.Ltmp1, $4  }
0x1f7: {  	[hbm4b:s1+s3] =	stream.linear.scatter [tilespmem:s31], [sflag:$0x3], $0x6000, $0x38;
	[tilespmem:$0x14000] =	vst v63  }
0x1f8: {  	_ =	swait.ge [sflag:s10], $0x6000  }
0x1f9: {  	[sflag:s10] =	ssyncset.done $0x0  }
0x1fa: {  	s1 =	smov.u32 s11;
	[sflag:s10] =	ssyncadd.s32 $0xFFFFA000  }
0x1fb: {  	s0 =	sadd.s32 $0x1, s0  }
0x1fc: {  	_ =	swait.ge [sflag:s29], $0x3000;
	p0 =	sne.s32 s0, s9  }
.Ltmp2:
0x1fd: {  	[sflag:s29] =	ssyncset.done $0x0;
	(pc) =	sbr.rel @p0 .LBB2_1-.Ltmp2, $4  }
0x1fe: {  	[sflag:s29] =	ssyncadd.s32 $0xFFFFD000  }
0x1ff: {  	_ =	swait.ge [sflag:s30], $0x3000  }
0x200: {  	[sflag:s30] =	ssyncset.done $0x0  }
0x201: {  	[sflag:s30] =	ssyncadd.s32 $0xFFFFD000  }
0x202: {  	_ =	sfence.sel $0x180000  }
0x203: {  	[bflag:$0x0] =	sbarrier.arrive $0xFFFF  }
0x204: {  	_ =	strace $0x9000004A  }
0x205: {  	s0 =	stileid.u32;
	[bflag:$0x2] =	sbarrier.arrive $0xFFFF  }
0x206: {  	p0 =	sne.s32 s0, $0x0;
	s0 =	rddreg [dreg:$0x2]  }
0x207: {  	s0 =	sadd.s32 @!p0 $0x100000, s0  }
0x208: {  	[sflag:s0] =	ssyncadd.tile.s32 @!p0 $0x1;
	_ =	shalt  }
.Lfunc_end2:
_tile_overlayer_lowered:
.L_overlay_start_2:
0x209: {  	(tag) =	ssettag $0x2  }
0x20a: {  	s0 =	rddreg [dreg:$0x0];
	s2 =	stileid.u32  }
0x20b: {  	s1 =	rddreg [dreg:$0x1];
	p0 =	sne.s32 s2, $0x0  }
0x20c: {  	s3 =	rddreg [dreg:$0x2];
	[bflag:$0x3] =	sbarrier.arrive $0xFFFF;
	s2 =	simm.s32 @!p0 $0x1C03  }
0x20d: {  	[timem:s3], [sflag:s2] =	dma.local @!p0 [hbm:s0], s1  }
0x20e: {  	s0 =	simm.s32 @!p0 $0x3  }
0x20f: {  	_ =	swait.ge @!p0 [sflag:s0], s1  }
0x210: {  	s1 =	ssub.s32 @!p0 $0x0, s1;
	[sflag:s0] =	ssyncset.done @!p0 $0x0  }
0x211: {  	[sflag:s0] =	ssyncadd.s32 @!p0 s1  }
0x212: {  	[bflag:$0x3] =	sbarrier.arrive $0xFFFF  }
0x213: {  	_ =	shalt  }

</sc_bundles>
